<compile_context>
chip_gen: v7x
topology: tpu7x:2x2x1
jax: 0.10.2.dev20260603
libtpu: 0.0.44.dev20260713+nightly
codegen_flags: <defaults>
</compile_context>

<pallas_src>
import functools

import jax
import jax.numpy as jnp
from jax import lax
from jax.experimental import pallas as pl
from jax.experimental.pallas import tpu as pltpu
from jax.experimental.pallas import tpu_sc as plsc

_LANES = 16
_CHUNK = 128
_ROW = 128


def _log2(x):
    assert x & (x - 1) == 0 and x > 0
    return x.bit_length() - 1


@functools.lru_cache(maxsize=None)
def _build(B, HW, C, NPAD):
    n_workers = 32
    per_w = (B * NPAD) // n_workers
    n_chunks = per_w // _CHUNK
    workers_per_batch = n_workers // B
    rows_per_big = _ROW // C
    rows_per_vec = _LANES // C
    n_vecs = per_w // rows_per_vec
    vecs_per_chunk = n_vecs // n_chunks
    rpb_sh, c_sh, chunk_sh = (jnp.int32(_log2(rows_per_big)),
                              jnp.int32(_log2(C)), jnp.int32(_log2(_CHUNK)))

    mesh = plsc.VectorSubcoreMesh(core_axis_name="c", subcore_axis_name="s")

    @functools.partial(
        pl.kernel,
        mesh=mesh,
        compiler_params=pltpu.CompilerParams(needs_layout_passes=False),
        out_type=jax.ShapeDtypeStruct((B * NPAD * C // _LANES, _LANES),
                                      jnp.float32),
        scratch_types=[
            pltpu.VMEM((n_chunks, _CHUNK), jnp.int32),
            pltpu.VMEM((n_chunks, _CHUNK), jnp.int32),
            pltpu.VMEM((n_chunks, _CHUNK, _ROW), jnp.float32),
            pltpu.VMEM((n_vecs, _LANES), jnp.float32),
            pltpu.SemaphoreType.DMA,
        ],
    )
    def gather(table_hbm, idx_hbm, out_hbm, idx_v, gid_v, rows_v, out_v, sem):
        wid = lax.axis_index("s") * 2 + lax.axis_index("c")
        pltpu.sync_copy(idx_hbm.at[pl.ds(wid * n_chunks, n_chunks)], idx_v)
        big_off = (wid // workers_per_batch) * (HW * C // _ROW)
        for j in range(n_chunks):
            for k in range(_CHUNK // _LANES):
                sl = pl.ds(k * _LANES, _LANES)
                gid_v[j, sl] = lax.shift_right_logical(
                    idx_v[j, sl], rpb_sh) + big_off
        copies = [
            pltpu.async_copy(table_hbm.at[gid_v.at[j]], rows_v.at[j], sem)
            for j in range(n_chunks)
        ]
        lane = lax.iota(jnp.int32, _LANES)
        lane_row = lax.shift_right_logical(lane, c_sh)
        lane_elem = lane & (C - 1)
        for j, cp in enumerate(copies):
            cp.wait()
            for t in range(j * vecs_per_chunk, (j + 1) * vecs_per_chunk):
                rid = t * rows_per_vec + lane_row
                raw = plsc.load_gather(
                    idx_v, [lax.shift_right_logical(rid, chunk_sh),
                            rid & (_CHUNK - 1)])
                sub = lax.shift_left((raw & (rows_per_big - 1)), c_sh)
                val = plsc.load_gather(
                    rows_v, [lax.shift_right_logical(rid, chunk_sh),
                             rid & (_CHUNK - 1), sub + lane_elem])
                out_v[t] = val
        pltpu.sync_copy(out_v, out_hbm.at[pl.ds(wid * n_vecs, n_vecs)])

    return gather


def kernel(feat, index):
    B, H, W, C = feat.shape
    N = index.shape[1]
    HW = H * W
    group = (32 // B) * _CHUNK if B <= 32 else _CHUNK
    NPAD = ((N + group - 1) // group) * group
    idx = jnp.pad(index, ((0, 0), (0, NPAD - N)))
    idx = idx.reshape((B * NPAD) // _CHUNK, _CHUNK)
    table = feat.reshape(B * HW * C // _ROW, _ROW)
    out = _build(B, HW, C, NPAD)(table, idx)
    return out.reshape(B, NPAD, C)[:, :N, :]

# --- scband reference (transcript-rebuilt; emitter-appended) ---
"""Pipeline reference for scband-center-head-template-31490700214819 (READ-ONLY COPY).

The authoritative reference and input builder live on the scoring server;
editing this copy changes nothing except your own understanding.
"""

import jax, jax.numpy as jnp
import numpy as np


def setup_inputs(seed: int = 0) -> dict:
    key = jax.random.key(seed)
    k1, k2 = jax.random.split(key)
    B, H, W, C = 16, 512, 512, 8
    MAX_NUM = 500
    feat = jax.random.normal(k1, (B, H, W, C), dtype=jnp.float32)
    index = jax.random.randint(k2, (B, MAX_NUM), 0, H * W, dtype=jnp.int32)
    return {"feat": feat, "index": index}


def reference(feat, index):
    # Faithful port of CenterHeadTemplate.transpose_and_gather_feat + _gather_feat.
    # feat: [B, H, W, C] -> view as [B, H*W, C], then gather rows along dim 1
    # using index expanded to [B, N, C] (torch.gather(feat, 1, index)).
    B, H, W, C = feat.shape
    N = index.shape[1]
    flat = feat.reshape(B, H * W, C)
    idx = jnp.broadcast_to(index[:, :, None], (B, N, C))
    out = jnp.take_along_axis(flat, idx, axis=1)
    return out

if __name__ == "__main__":
    import jax
    _d = setup_inputs()
    print(jax.jit(kernel)(*tuple(_d.values())))

</pallas_src>

<mosaic_0001>
#map = affine_map<(d0, d1) -> (0, 0)>
#map1 = affine_map<(d0, d1) -> (0)>
module attributes {stable_mosaic.version = 14 : i64} {
  func.func @_rewritten_body(%arg0: i32, %arg1: i32, %arg2: memref<262144x128xf32, #tpu.memory_space<hbm>>, %arg3: memref<64x128xi32, #tpu.memory_space<hbm>>, %arg4: memref<1xi32, #tpu.memory_space<hbm>>, %arg5: memref<1xi32, #tpu.memory_space<hbm>>, %arg6: memref<1xi32, #tpu.memory_space<hbm>>, %arg7: memref<4096x16xf32, #tpu.memory_space<hbm>>, %arg8: memref<2x128xi32, #tpu.memory_space<vmem>>, %arg9: memref<2x128xi32, #tpu.memory_space<vmem>>, %arg10: memref<2x128x128xf32, #tpu.memory_space<vmem>>, %arg11: memref<128x16xf32, #tpu.memory_space<vmem>>, %arg12: memref<!tpu.dma_semaphore, #tpu.memory_space<semaphore_mem>>) attributes {dimension_semantics = [#tpu.dimension_semantics<core_parallel>, #tpu.dimension_semantics<subcore_parallel>], iteration_bounds = array<i64: 2, 16>, scalar_prefetch = 0 : i64, scratch_operands = 5 : i64, tpu.core_type = #tpu.core_type<sc_vector_subcore>, window_params = [{transform_indices = #map}, {transform_indices = #map}, {transform_indices = #map1}, {transform_indices = #map1}, {transform_indices = #map1}, {transform_indices = #map}]} {
    %empty_ref3A = memref.alloca() : memref<16xi32, #tpu.memory_space<vmem>>
    %empty_ref3A_0 = memref.alloca() : memref<16xi32, #tpu.memory_space<vmem>>
    %empty_ref3A_1 = memref.alloca() : memref<16xi32, #tpu.memory_space<vmem>>
    "tpu.region"() ({
      %run_scoped3A = tpu.sem_alloc : memref<!tpu.dma_semaphore, #tpu.memory_space<semaphore_mem>>
      %dma_start3A_3473 = arith.constant 0 : i32
      %dma_start3A_3474 = tpu.memref_slice %empty_ref3A[%dma_start3A_3473] : memref<16xi32, #tpu.memory_space<vmem>> -> memref<1xi32, #tpu.memory_space<vmem>>
      %dma_start3A_3475 = arith.constant 0 : i32
      %dma_start3A_3476 = tpu.memref_slice %empty_ref3A[%dma_start3A_3475] : memref<16xi32, #tpu.memory_space<vmem>> -> memref<1xi32, #tpu.memory_space<vmem>>
      tpu.enqueue_dma source(%arg4 : memref<1xi32, #tpu.memory_space<hbm>>) target(%dma_start3A_3476 : memref<1xi32, #tpu.memory_space<vmem>>) target_semaphore(%run_scoped3A : memref<!tpu.dma_semaphore, #tpu.memory_space<semaphore_mem>>)
      %dma_start3A_3477 = arith.constant 0 : i32
      %dma_start3A_3478 = tpu.memref_slice %empty_ref3A_0[%dma_start3A_3477] : memref<16xi32, #tpu.memory_space<vmem>> -> memref<1xi32, #tpu.memory_space<vmem>>
      %dma_start3A_3479 = arith.constant 0 : i32
      %dma_start3A_3480 = tpu.memref_slice %empty_ref3A_0[%dma_start3A_3479] : memref<16xi32, #tpu.memory_space<vmem>> -> memref<1xi32, #tpu.memory_space<vmem>>
      tpu.enqueue_dma source(%arg5 : memref<1xi32, #tpu.memory_space<hbm>>) target(%dma_start3A_3480 : memref<1xi32, #tpu.memory_space<vmem>>) target_semaphore(%run_scoped3A : memref<!tpu.dma_semaphore, #tpu.memory_space<semaphore_mem>>)
      %dma_start3A_3481 = arith.constant 0 : i32
      %dma_start3A_3482 = tpu.memref_slice %empty_ref3A_1[%dma_start3A_3481] : memref<16xi32, #tpu.memory_space<vmem>> -> memref<1xi32, #tpu.memory_space<vmem>>
      %dma_start3A_3483 = arith.constant 0 : i32
      %dma_start3A_3484 = tpu.memref_slice %empty_ref3A_1[%dma_start3A_3483] : memref<16xi32, #tpu.memory_space<vmem>> -> memref<1xi32, #tpu.memory_space<vmem>>
      tpu.enqueue_dma source(%arg6 : memref<1xi32, #tpu.memory_space<hbm>>) target(%dma_start3A_3484 : memref<1xi32, #tpu.memory_space<vmem>>) target_semaphore(%run_scoped3A : memref<!tpu.dma_semaphore, #tpu.memory_space<semaphore_mem>>)
      %dma_wait3A_3485 = arith.constant 0 : i32
      %dma_wait3A_3486 = tpu.memref_slice %empty_ref3A[%dma_wait3A_3485] : memref<16xi32, #tpu.memory_space<vmem>> -> memref<1xi32, #tpu.memory_space<vmem>>
      %dma_wait3A_3487 = arith.constant 0 : i32
      %dma_wait3A_3488 = tpu.memref_slice %empty_ref3A[%dma_wait3A_3487] : memref<16xi32, #tpu.memory_space<vmem>> -> memref<1xi32, #tpu.memory_space<vmem>>
      tpu.wait_dma2 semaphore(%run_scoped3A : memref<!tpu.dma_semaphore, #tpu.memory_space<semaphore_mem>>) src(%arg4 : memref<1xi32, #tpu.memory_space<hbm>>) dst(%dma_wait3A_3488 : memref<1xi32, #tpu.memory_space<vmem>>)
      %dma_wait3A_3489 = arith.constant 0 : i32
      %dma_wait3A_3490 = tpu.memref_slice %empty_ref3A_0[%dma_wait3A_3489] : memref<16xi32, #tpu.memory_space<vmem>> -> memref<1xi32, #tpu.memory_space<vmem>>
      %dma_wait3A_3491 = arith.constant 0 : i32
      %dma_wait3A_3492 = tpu.memref_slice %empty_ref3A_0[%dma_wait3A_3491] : memref<16xi32, #tpu.memory_space<vmem>> -> memref<1xi32, #tpu.memory_space<vmem>>
      tpu.wait_dma2 semaphore(%run_scoped3A : memref<!tpu.dma_semaphore, #tpu.memory_space<semaphore_mem>>) src(%arg5 : memref<1xi32, #tpu.memory_space<hbm>>) dst(%dma_wait3A_3492 : memref<1xi32, #tpu.memory_space<vmem>>)
      %dma_wait3A_3493 = arith.constant 0 : i32
      %dma_wait3A_3494 = tpu.memref_slice %empty_ref3A_1[%dma_wait3A_3493] : memref<16xi32, #tpu.memory_space<vmem>> -> memref<1xi32, #tpu.memory_space<vmem>>
      %dma_wait3A_3495 = arith.constant 0 : i32
      %dma_wait3A_3496 = tpu.memref_slice %empty_ref3A_1[%dma_wait3A_3495] : memref<16xi32, #tpu.memory_space<vmem>> -> memref<1xi32, #tpu.memory_space<vmem>>
      tpu.wait_dma2 semaphore(%run_scoped3A : memref<!tpu.dma_semaphore, #tpu.memory_space<semaphore_mem>>) src(%arg6 : memref<1xi32, #tpu.memory_space<hbm>>) dst(%dma_wait3A_3496 : memref<1xi32, #tpu.memory_space<vmem>>)
      tpu.yield
    }) : () -> ()
    %get3A = arith.constant 0 : index
    %get3A_2 = tpu.vector_load %empty_ref3A[%get3A] {strides = array<i32>} : memref<16xi32, #tpu.memory_space<vmem>>, vector<16xi32>,
    %slice3A = vector.extract_strided_slice %get3A_2 {offsets = [0], sizes = [1], strides = [1]} : vector<16xi32> to vector<1xi32>
    %squeeze3A = vector.extract %slice3A[0] : i32 from vector<1xi32>
    %get3A_3 = arith.constant 0 : index
    %get3A_4 = tpu.vector_load %empty_ref3A_0[%get3A_3] {strides = array<i32>} : memref<16xi32, #tpu.memory_space<vmem>>, vector<16xi32>,
    %slice3A_5 = vector.extract_strided_slice %get3A_4 {offsets = [0], sizes = [1], strides = [1]} : vector<16xi32> to vector<1xi32>
    %squeeze3A_6 = vector.extract %slice3A_5[0] : i32 from vector<1xi32>
    %get3A_7 = arith.constant 0 : index
    %get3A_8 = tpu.vector_load %empty_ref3A_1[%get3A_7] {strides = array<i32>} : memref<16xi32, #tpu.memory_space<vmem>>, vector<16xi32>,
    %slice3A_9 = vector.extract_strided_slice %get3A_8 {offsets = [0], sizes = [1], strides = [1]} : vector<16xi32> to vector<1xi32>
    %squeeze3A_10 = vector.extract %slice3A_9[0] : i32 from vector<1xi32>
    %mul3A = arith.constant 2 : i32
    %mul3A_11 = arith.muli %arg1, %mul3A : i32
    %add3A = arith.addi %mul3A_11, %arg0 : i32
    %mul3A_12 = arith.constant 2 : i32
    %mul3A_13 = arith.muli %add3A, %mul3A_12 : i32
    "tpu.region"() ({
      %run_scoped3A = tpu.sem_alloc : memref<!tpu.dma_semaphore, #tpu.memory_space<semaphore_mem>>
      %dma_start3A_3473 = arith.constant 0 : i32
      %dma_start3A_3474 = tpu.memref_slice %arg3[%mul3A_13, %dma_start3A_3473] : memref<64x128xi32, #tpu.memory_space<hbm>> -> memref<2x128xi32, #tpu.memory_space<hbm>>
      %dma_start3A_3475 = arith.constant 0 : i32
      %dma_start3A_3476 = tpu.memref_slice %arg3[%mul3A_13, %dma_start3A_3475] : memref<64x128xi32, #tpu.memory_space<hbm>> -> memref<2x128xi32, #tpu.memory_space<hbm>>
      tpu.enqueue_dma source(%dma_start3A_3476 : memref<2x128xi32, #tpu.memory_space<hbm>>) target(%arg8 : memref<2x128xi32, #tpu.memory_space<vmem>>) target_semaphore(%run_scoped3A : memref<!tpu.dma_semaphore, #tpu.memory_space<semaphore_mem>>)
      %dma_wait3A_3477 = arith.constant 0 : i32
      %dma_wait3A_3478 = tpu.memref_slice %arg3[%mul3A_13, %dma_wait3A_3477] : memref<64x128xi32, #tpu.memory_space<hbm>> -> memref<2x128xi32, #tpu.memory_space<hbm>>
      %dma_wait3A_3479 = arith.constant 0 : i32
      %dma_wait3A_3480 = tpu.memref_slice %arg3[%mul3A_13, %dma_wait3A_3479] : memref<64x128xi32, #tpu.memory_space<hbm>> -> memref<2x128xi32, #tpu.memory_space<hbm>>
      tpu.wait_dma2 semaphore(%run_scoped3A : memref<!tpu.dma_semaphore, #tpu.memory_space<semaphore_mem>>) src(%dma_wait3A_3480 : memref<2x128xi32, #tpu.memory_space<hbm>>) dst(%arg8 : memref<2x128xi32, #tpu.memory_space<vmem>>)
      tpu.yield
    }) : () -> ()
    %jit3A = arith.constant 2 : i32
    %div3A = arith.divsi %add3A, %jit3A : i32
    %sign3A = arith.constant 0 : i32
    %sign3A_14 = arith.cmpi sgt, %add3A, %sign3A : i32
    %sign3A_15 = arith.extui %sign3A_14 : i1 to i32
    %sign3A_16 = arith.constant 0 : i32
    %sign3A_17 = arith.cmpi slt, %add3A, %sign3A_16 : i32
    %sign3A_18 = arith.extui %sign3A_17 : i1 to i32
    %sign3A_19 = arith.subi %sign3A_15, %sign3A_18 : i32
    %sign3A_20 = arith.constant 0 : i32
    %sign3A_21 = arith.cmpi sgt, %jit3A, %sign3A_20 : i32
    %sign3A_22 = arith.extui %sign3A_21 : i1 to i32
    %sign3A_23 = arith.constant 0 : i32
    %sign3A_24 = arith.cmpi slt, %jit3A, %sign3A_23 : i32
    %sign3A_25 = arith.extui %sign3A_24 : i1 to i32
    %sign3A_26 = arith.subi %sign3A_22, %sign3A_25 : i32
    %ne3A = arith.cmpi ne, %sign3A_19, %sign3A_26 : i32
    %rem3A = arith.remsi %add3A, %jit3A : i32
    %ne3A_27 = arith.constant 0 : i32
    %ne3A_28 = arith.cmpi ne, %rem3A, %ne3A_27 : i32
    %and3A = arith.andi %ne3A, %ne3A_28 : i1
    %sub3A = arith.constant 1 : i32
    %sub3A_29 = arith.subi %div3A, %sub3A : i32
    %select_n3A = arith.select %and3A, %sub3A_29, %div3A : i32
    %mul3A_30 = arith.constant 16384 : i32
    %mul3A_31 = arith.muli %select_n3A, %mul3A_30 : i32
    %get3A_32 = arith.constant 0 : i32
    %get3A_33 = arith.index_cast %get3A_32 : i32 to index
    %get3A_34 = arith.constant 0 : index
    %get3A_35 = tpu.vector_load %arg8[%get3A_33, %get3A_34] {strides = array<i32>} : memref<2x128xi32, #tpu.memory_space<vmem>>, vector<16xi32>,
    %shift_right_logical3A = vector.broadcast %squeeze3A : i32 to vector<16xi32>
    %shift_right_logical3A_36 = arith.shrui %get3A_35, %shift_right_logical3A : vector<16xi32>
    %add3A_37 = vector.broadcast %mul3A_31 : i32 to vector<16xi32>
    %add3A_38 = arith.addi %shift_right_logical3A_36, %add3A_37 : vector<16xi32>
    %swap3A = arith.constant 0 : i32
    %swap3A_39 = arith.index_cast %swap3A : i32 to index
    %swap3A_40 = arith.constant 0 : index
    %swap3A_41 = tpu.vector_load %arg9[%swap3A_39, %swap3A_40] {strides = array<i32>} : memref<2x128xi32, #tpu.memory_space<vmem>>, vector<16xi32>,
    tpu.vector_store %arg9[%swap3A_39, %swap3A_40], %add3A_38 {strides = array<i32>} : memref<2x128xi32, #tpu.memory_space<vmem>>, vector<16xi32>,
    %get3A_42 = arith.constant 0 : i32
    %get3A_43 = arith.index_cast %get3A_42 : i32 to index
    %get3A_44 = arith.constant 16 : index
    %get3A_45 = tpu.vector_load %arg8[%get3A_43, %get3A_44] {strides = array<i32>} : memref<2x128xi32, #tpu.memory_space<vmem>>, vector<16xi32>,
    %shift_right_logical3A_46 = vector.broadcast %squeeze3A : i32 to vector<16xi32>
    %shift_right_logical3A_47 = arith.shrui %get3A_45, %shift_right_logical3A_46 : vector<16xi32>
    %add3A_48 = vector.broadcast %mul3A_31 : i32 to vector<16xi32>
    %add3A_49 = arith.addi %shift_right_logical3A_47, %add3A_48 : vector<16xi32>
    %swap3A_50 = arith.constant 0 : i32
    %swap3A_51 = arith.index_cast %swap3A_50 : i32 to index
    %swap3A_52 = arith.constant 16 : index
    %swap3A_53 = tpu.vector_load %arg9[%swap3A_51, %swap3A_52] {strides = array<i32>} : memref<2x128xi32, #tpu.memory_space<vmem>>, vector<16xi32>,
    tpu.vector_store %arg9[%swap3A_51, %swap3A_52], %add3A_49 {strides = array<i32>} : memref<2x128xi32, #tpu.memory_space<vmem>>, vector<16xi32>,
    %get3A_54 = arith.constant 0 : i32
    %get3A_55 = arith.index_cast %get3A_54 : i32 to index
    %get3A_56 = arith.constant 32 : index
    %get3A_57 = tpu.vector_load %arg8[%get3A_55, %get3A_56] {strides = array<i32>} : memref<2x128xi32, #tpu.memory_space<vmem>>, vector<16xi32>,
    %shift_right_logical3A_58 = vector.broadcast %squeeze3A : i32 to vector<16xi32>
    %shift_right_logical3A_59 = arith.shrui %get3A_57, %shift_right_logical3A_58 : vector<16xi32>
    %add3A_60 = vector.broadcast %mul3A_31 : i32 to vector<16xi32>
    %add3A_61 = arith.addi %shift_right_logical3A_59, %add3A_60 : vector<16xi32>
    %swap3A_62 = arith.constant 0 : i32
    %swap3A_63 = arith.index_cast %swap3A_62 : i32 to index
    %swap3A_64 = arith.constant 32 : index
    %swap3A_65 = tpu.vector_load %arg9[%swap3A_63, %swap3A_64] {strides = array<i32>} : memref<2x128xi32, #tpu.memory_space<vmem>>, vector<16xi32>,
    tpu.vector_store %arg9[%swap3A_63, %swap3A_64], %add3A_61 {strides = array<i32>} : memref<2x128xi32, #tpu.memory_space<vmem>>, vector<16xi32>,
    %get3A_66 = arith.constant 0 : i32
    %get3A_67 = arith.index_cast %get3A_66 : i32 to index
    %get3A_68 = arith.constant 48 : index
    %get3A_69 = tpu.vector_load %arg8[%get3A_67, %get3A_68] {strides = array<i32>} : memref<2x128xi32, #tpu.memory_space<vmem>>, vector<16xi32>,
    %shift_right_logical3A_70 = vector.broadcast %squeeze3A : i32 to vector<16xi32>
    %shift_right_logical3A_71 = arith.shrui %get3A_69, %shift_right_logical3A_70 : vector<16xi32>
    %add3A_72 = vector.broadcast %mul3A_31 : i32 to vector<16xi32>
    %add3A_73 = arith.addi %shift_right_logical3A_71, %add3A_72 : vector<16xi32>
    %swap3A_74 = arith.constant 0 : i32
    %swap3A_75 = arith.index_cast %swap3A_74 : i32 to index
    %swap3A_76 = arith.constant 48 : index
    %swap3A_77 = tpu.vector_load %arg9[%swap3A_75, %swap3A_76] {strides = array<i32>} : memref<2x128xi32, #tpu.memory_space<vmem>>, vector<16xi32>,
    tpu.vector_store %arg9[%swap3A_75, %swap3A_76], %add3A_73 {strides = array<i32>} : memref<2x128xi32, #tpu.memory_space<vmem>>, vector<16xi32>,
    %get3A_78 = arith.constant 0 : i32
    %get3A_79 = arith.index_cast %get3A_78 : i32 to index
    %get3A_80 = arith.constant 64 : index
    %get3A_81 = tpu.vector_load %arg8[%get3A_79, %get3A_80] {strides = array<i32>} : memref<2x128xi32, #tpu.memory_space<vmem>>, vector<16xi32>,
    %shift_right_logical3A_82 = vector.broadcast %squeeze3A : i32 to vector<16xi32>
    %shift_right_logical3A_83 = arith.shrui %get3A_81, %shift_right_logical3A_82 : vector<16xi32>
    %add3A_84 = vector.broadcast %mul3A_31 : i32 to vector<16xi32>
    %add3A_85 = arith.addi %shift_right_logical3A_83, %add3A_84 : vector<16xi32>
    %swap3A_86 = arith.constant 0 : i32
    %swap3A_87 = arith.index_cast %swap3A_86 : i32 to index
    %swap3A_88 = arith.constant 64 : index
    %swap3A_89 = tpu.vector_load %arg9[%swap3A_87, %swap3A_88] {strides = array<i32>} : memref<2x128xi32, #tpu.memory_space<vmem>>, vector<16xi32>,
    tpu.vector_store %arg9[%swap3A_87, %swap3A_88], %add3A_85 {strides = array<i32>} : memref<2x128xi32, #tpu.memory_space<vmem>>, vector<16xi32>,
    %get3A_90 = arith.constant 0 : i32
    %get3A_91 = arith.index_cast %get3A_90 : i32 to index
    %get3A_92 = arith.constant 80 : index
    %get3A_93 = tpu.vector_load %arg8[%get3A_91, %get3A_92] {strides = array<i32>} : memref<2x128xi32, #tpu.memory_space<vmem>>, vector<16xi32>,
    %shift_right_logical3A_94 = vector.broadcast %squeeze3A : i32 to vector<16xi32>
    %shift_right_logical3A_95 = arith.shrui %get3A_93, %shift_right_logical3A_94 : vector<16xi32>
    %add3A_96 = vector.broadcast %mul3A_31 : i32 to vector<16xi32>
    %add3A_97 = arith.addi %shift_right_logical3A_95, %add3A_96 : vector<16xi32>
    %swap3A_98 = arith.constant 0 : i32
    %swap3A_99 = arith.index_cast %swap3A_98 : i32 to index
    %swap3A_100 = arith.constant 80 : index
    %swap3A_101 = tpu.vector_load %arg9[%swap3A_99, %swap3A_100] {strides = array<i32>} : memref<2x128xi32, #tpu.memory_space<vmem>>, vector<16xi32>,
    tpu.vector_store %arg9[%swap3A_99, %swap3A_100], %add3A_97 {strides = array<i32>} : memref<2x128xi32, #tpu.memory_space<vmem>>, vector<16xi32>,
    %get3A_102 = arith.constant 0 : i32
    %get3A_103 = arith.index_cast %get3A_102 : i32 to index
    %get3A_104 = arith.constant 96 : index
    %get3A_105 = tpu.vector_load %arg8[%get3A_103, %get3A_104] {strides = array<i32>} : memref<2x128xi32, #tpu.memory_space<vmem>>, vector<16xi32>,
    %shift_right_logical3A_106 = vector.broadcast %squeeze3A : i32 to vector<16xi32>
    %shift_right_logical3A_107 = arith.shrui %get3A_105, %shift_right_logical3A_106 : vector<16xi32>
    %add3A_108 = vector.broadcast %mul3A_31 : i32 to vector<16xi32>
    %add3A_109 = arith.addi %shift_right_logical3A_107, %add3A_108 : vector<16xi32>
    %swap3A_110 = arith.constant 0 : i32
    %swap3A_111 = arith.index_cast %swap3A_110 : i32 to index
    %swap3A_112 = arith.constant 96 : index
    %swap3A_113 = tpu.vector_load %arg9[%swap3A_111, %swap3A_112] {strides = array<i32>} : memref<2x128xi32, #tpu.memory_space<vmem>>, vector<16xi32>,
    tpu.vector_store %arg9[%swap3A_111, %swap3A_112], %add3A_109 {strides = array<i32>} : memref<2x128xi32, #tpu.memory_space<vmem>>, vector<16xi32>,
    %get3A_114 = arith.constant 0 : i32
    %get3A_115 = arith.index_cast %get3A_114 : i32 to index
    %get3A_116 = arith.constant 112 : index
    %get3A_117 = tpu.vector_load %arg8[%get3A_115, %get3A_116] {strides = array<i32>} : memref<2x128xi32, #tpu.memory_space<vmem>>, vector<16xi32>,
    %shift_right_logical3A_118 = vector.broadcast %squeeze3A : i32 to vector<16xi32>
    %shift_right_logical3A_119 = arith.shrui %get3A_117, %shift_right_logical3A_118 : vector<16xi32>
    %add3A_120 = vector.broadcast %mul3A_31 : i32 to vector<16xi32>
    %add3A_121 = arith.addi %shift_right_logical3A_119, %add3A_120 : vector<16xi32>
    %swap3A_122 = arith.constant 0 : i32
    %swap3A_123 = arith.index_cast %swap3A_122 : i32 to index
    %swap3A_124 = arith.constant 112 : index
    %swap3A_125 = tpu.vector_load %arg9[%swap3A_123, %swap3A_124] {strides = array<i32>} : memref<2x128xi32, #tpu.memory_space<vmem>>, vector<16xi32>,
    tpu.vector_store %arg9[%swap3A_123, %swap3A_124], %add3A_121 {strides = array<i32>} : memref<2x128xi32, #tpu.memory_space<vmem>>, vector<16xi32>,
    %get3A_126 = arith.constant 1 : i32
    %get3A_127 = arith.index_cast %get3A_126 : i32 to index
    %get3A_128 = arith.constant 0 : index
    %get3A_129 = tpu.vector_load %arg8[%get3A_127, %get3A_128] {strides = array<i32>} : memref<2x128xi32, #tpu.memory_space<vmem>>, vector<16xi32>,
    %shift_right_logical3A_130 = vector.broadcast %squeeze3A : i32 to vector<16xi32>
    %shift_right_logical3A_131 = arith.shrui %get3A_129, %shift_right_logical3A_130 : vector<16xi32>
    %add3A_132 = vector.broadcast %mul3A_31 : i32 to vector<16xi32>
    %add3A_133 = arith.addi %shift_right_logical3A_131, %add3A_132 : vector<16xi32>
    %swap3A_134 = arith.constant 1 : i32
    %swap3A_135 = arith.index_cast %swap3A_134 : i32 to index
    %swap3A_136 = arith.constant 0 : index
    %swap3A_137 = tpu.vector_load %arg9[%swap3A_135, %swap3A_136] {strides = array<i32>} : memref<2x128xi32, #tpu.memory_space<vmem>>, vector<16xi32>,
    tpu.vector_store %arg9[%swap3A_135, %swap3A_136], %add3A_133 {strides = array<i32>} : memref<2x128xi32, #tpu.memory_space<vmem>>, vector<16xi32>,
    %get3A_138 = arith.constant 1 : i32
    %get3A_139 = arith.index_cast %get3A_138 : i32 to index
    %get3A_140 = arith.constant 16 : index
    %get3A_141 = tpu.vector_load %arg8[%get3A_139, %get3A_140] {strides = array<i32>} : memref<2x128xi32, #tpu.memory_space<vmem>>, vector<16xi32>,
    %shift_right_logical3A_142 = vector.broadcast %squeeze3A : i32 to vector<16xi32>
    %shift_right_logical3A_143 = arith.shrui %get3A_141, %shift_right_logical3A_142 : vector<16xi32>
    %add3A_144 = vector.broadcast %mul3A_31 : i32 to vector<16xi32>
    %add3A_145 = arith.addi %shift_right_logical3A_143, %add3A_144 : vector<16xi32>
    %swap3A_146 = arith.constant 1 : i32
    %swap3A_147 = arith.index_cast %swap3A_146 : i32 to index
    %swap3A_148 = arith.constant 16 : index
    %swap3A_149 = tpu.vector_load %arg9[%swap3A_147, %swap3A_148] {strides = array<i32>} : memref<2x128xi32, #tpu.memory_space<vmem>>, vector<16xi32>,
    tpu.vector_store %arg9[%swap3A_147, %swap3A_148], %add3A_145 {strides = array<i32>} : memref<2x128xi32, #tpu.memory_space<vmem>>, vector<16xi32>,
    %get3A_150 = arith.constant 1 : i32
    %get3A_151 = arith.index_cast %get3A_150 : i32 to index
    %get3A_152 = arith.constant 32 : index
    %get3A_153 = tpu.vector_load %arg8[%get3A_151, %get3A_152] {strides = array<i32>} : memref<2x128xi32, #tpu.memory_space<vmem>>, vector<16xi32>,
    %shift_right_logical3A_154 = vector.broadcast %squeeze3A : i32 to vector<16xi32>
    %shift_right_logical3A_155 = arith.shrui %get3A_153, %shift_right_logical3A_154 : vector<16xi32>
    %add3A_156 = vector.broadcast %mul3A_31 : i32 to vector<16xi32>
    %add3A_157 = arith.addi %shift_right_logical3A_155, %add3A_156 : vector<16xi32>
    %swap3A_158 = arith.constant 1 : i32
    %swap3A_159 = arith.index_cast %swap3A_158 : i32 to index
    %swap3A_160 = arith.constant 32 : index
    %swap3A_161 = tpu.vector_load %arg9[%swap3A_159, %swap3A_160] {strides = array<i32>} : memref<2x128xi32, #tpu.memory_space<vmem>>, vector<16xi32>,
    tpu.vector_store %arg9[%swap3A_159, %swap3A_160], %add3A_157 {strides = array<i32>} : memref<2x128xi32, #tpu.memory_space<vmem>>, vector<16xi32>,
    %get3A_162 = arith.constant 1 : i32
    %get3A_163 = arith.index_cast %get3A_162 : i32 to index
    %get3A_164 = arith.constant 48 : index
    %get3A_165 = tpu.vector_load %arg8[%get3A_163, %get3A_164] {strides = array<i32>} : memref<2x128xi32, #tpu.memory_space<vmem>>, vector<16xi32>,
    %shift_right_logical3A_166 = vector.broadcast %squeeze3A : i32 to vector<16xi32>
    %shift_right_logical3A_167 = arith.shrui %get3A_165, %shift_right_logical3A_166 : vector<16xi32>
    %add3A_168 = vector.broadcast %mul3A_31 : i32 to vector<16xi32>
    %add3A_169 = arith.addi %shift_right_logical3A_167, %add3A_168 : vector<16xi32>
    %swap3A_170 = arith.constant 1 : i32
    %swap3A_171 = arith.index_cast %swap3A_170 : i32 to index
    %swap3A_172 = arith.constant 48 : index
    %swap3A_173 = tpu.vector_load %arg9[%swap3A_171, %swap3A_172] {strides = array<i32>} : memref<2x128xi32, #tpu.memory_space<vmem>>, vector<16xi32>,
    tpu.vector_store %arg9[%swap3A_171, %swap3A_172], %add3A_169 {strides = array<i32>} : memref<2x128xi32, #tpu.memory_space<vmem>>, vector<16xi32>,
    %get3A_174 = arith.constant 1 : i32
    %get3A_175 = arith.index_cast %get3A_174 : i32 to index
    %get3A_176 = arith.constant 64 : index
    %get3A_177 = tpu.vector_load %arg8[%get3A_175, %get3A_176] {strides = array<i32>} : memref<2x128xi32, #tpu.memory_space<vmem>>, vector<16xi32>,
    %shift_right_logical3A_178 = vector.broadcast %squeeze3A : i32 to vector<16xi32>
    %shift_right_logical3A_179 = arith.shrui %get3A_177, %shift_right_logical3A_178 : vector<16xi32>
    %add3A_180 = vector.broadcast %mul3A_31 : i32 to vector<16xi32>
    %add3A_181 = arith.addi %shift_right_logical3A_179, %add3A_180 : vector<16xi32>
    %swap3A_182 = arith.constant 1 : i32
    %swap3A_183 = arith.index_cast %swap3A_182 : i32 to index
    %swap3A_184 = arith.constant 64 : index
    %swap3A_185 = tpu.vector_load %arg9[%swap3A_183, %swap3A_184] {strides = array<i32>} : memref<2x128xi32, #tpu.memory_space<vmem>>, vector<16xi32>,
    tpu.vector_store %arg9[%swap3A_183, %swap3A_184], %add3A_181 {strides = array<i32>} : memref<2x128xi32, #tpu.memory_space<vmem>>, vector<16xi32>,
    %get3A_186 = arith.constant 1 : i32
    %get3A_187 = arith.index_cast %get3A_186 : i32 to index
    %get3A_188 = arith.constant 80 : index
    %get3A_189 = tpu.vector_load %arg8[%get3A_187, %get3A_188] {strides = array<i32>} : memref<2x128xi32, #tpu.memory_space<vmem>>, vector<16xi32>,
    %shift_right_logical3A_190 = vector.broadcast %squeeze3A : i32 to vector<16xi32>
    %shift_right_logical3A_191 = arith.shrui %get3A_189, %shift_right_logical3A_190 : vector<16xi32>
    %add3A_192 = vector.broadcast %mul3A_31 : i32 to vector<16xi32>
    %add3A_193 = arith.addi %shift_right_logical3A_191, %add3A_192 : vector<16xi32>
    %swap3A_194 = arith.constant 1 : i32
    %swap3A_195 = arith.index_cast %swap3A_194 : i32 to index
    %swap3A_196 = arith.constant 80 : index
    %swap3A_197 = tpu.vector_load %arg9[%swap3A_195, %swap3A_196] {strides = array<i32>} : memref<2x128xi32, #tpu.memory_space<vmem>>, vector<16xi32>,
    tpu.vector_store %arg9[%swap3A_195, %swap3A_196], %add3A_193 {strides = array<i32>} : memref<2x128xi32, #tpu.memory_space<vmem>>, vector<16xi32>,
    %get3A_198 = arith.constant 1 : i32
    %get3A_199 = arith.index_cast %get3A_198 : i32 to index
    %get3A_200 = arith.constant 96 : index
    %get3A_201 = tpu.vector_load %arg8[%get3A_199, %get3A_200] {strides = array<i32>} : memref<2x128xi32, #tpu.memory_space<vmem>>, vector<16xi32>,
    %shift_right_logical3A_202 = vector.broadcast %squeeze3A : i32 to vector<16xi32>
    %shift_right_logical3A_203 = arith.shrui %get3A_201, %shift_right_logical3A_202 : vector<16xi32>
    %add3A_204 = vector.broadcast %mul3A_31 : i32 to vector<16xi32>
    %add3A_205 = arith.addi %shift_right_logical3A_203, %add3A_204 : vector<16xi32>
    %swap3A_206 = arith.constant 1 : i32
    %swap3A_207 = arith.index_cast %swap3A_206 : i32 to index
    %swap3A_208 = arith.constant 96 : index
    %swap3A_209 = tpu.vector_load %arg9[%swap3A_207, %swap3A_208] {strides = array<i32>} : memref<2x128xi32, #tpu.memory_space<vmem>>, vector<16xi32>,
    tpu.vector_store %arg9[%swap3A_207, %swap3A_208], %add3A_205 {strides = array<i32>} : memref<2x128xi32, #tpu.memory_space<vmem>>, vector<16xi32>,
    %get3A_210 = arith.constant 1 : i32
    %get3A_211 = arith.index_cast %get3A_210 : i32 to index
    %get3A_212 = arith.constant 112 : index
    %get3A_213 = tpu.vector_load %arg8[%get3A_211, %get3A_212] {strides = array<i32>} : memref<2x128xi32, #tpu.memory_space<vmem>>, vector<16xi32>,
    %shift_right_logical3A_214 = vector.broadcast %squeeze3A : i32 to vector<16xi32>
    %shift_right_logical3A_215 = arith.shrui %get3A_213, %shift_right_logical3A_214 : vector<16xi32>
    %add3A_216 = vector.broadcast %mul3A_31 : i32 to vector<16xi32>
    %add3A_217 = arith.addi %shift_right_logical3A_215, %add3A_216 : vector<16xi32>
    %swap3A_218 = arith.constant 1 : i32
    %swap3A_219 = arith.index_cast %swap3A_218 : i32 to index
    %swap3A_220 = arith.constant 112 : index
    %swap3A_221 = tpu.vector_load %arg9[%swap3A_219, %swap3A_220] {strides = array<i32>} : memref<2x128xi32, #tpu.memory_space<vmem>>, vector<16xi32>,
    tpu.vector_store %arg9[%swap3A_219, %swap3A_220], %add3A_217 {strides = array<i32>} : memref<2x128xi32, #tpu.memory_space<vmem>>, vector<16xi32>,
    %dma_start3A = arith.constant 0 : i32
    %dma_start3A_222 = arith.constant 0 : i32
    %dma_start3A_223 = arith.constant 0 : i32
    %dma_start3A_224 = arith.constant 0 : i32
    %dma_start3A_225 = tpu.memref_slice %arg10[%dma_start3A_222, %dma_start3A_223, %dma_start3A_224] : memref<2x128x128xf32, #tpu.memory_space<vmem>> -> memref<1x128x128xf32, #tpu.memory_space<vmem>>
    %dma_start3A_226 = tpu.memref_squeeze %dma_start3A_225 : memref<1x128x128xf32, #tpu.memory_space<vmem>> -> memref<128x128xf32, #tpu.memory_space<vmem>>
    %dma_start3A_227 = arith.constant 0 : i32
    %dma_start3A_228 = tpu.memref_slice %arg9[%dma_start3A, %dma_start3A_227] : memref<2x128xi32, #tpu.memory_space<vmem>> -> memref<1x128xi32, #tpu.memory_space<vmem>>
    %dma_start3A_229 = tpu.memref_squeeze %dma_start3A_228 : memref<1x128xi32, #tpu.memory_space<vmem>> -> memref<128xi32, #tpu.memory_space<vmem>>
    %dma_start3A_230 = arith.constant 0 : i32
    %dma_start3A_231 = arith.constant 0 : i32
    %dma_start3A_232 = tpu.memref_slice %arg2[%dma_start3A_230, %dma_start3A_231] : memref<262144x128xf32, #tpu.memory_space<hbm>> -> memref<262144x128xf32, #tpu.memory_space<hbm>>
    tpu.enqueue_indirect_dma source(%dma_start3A_232 : memref<262144x128xf32, #tpu.memory_space<hbm>>) target(%dma_start3A_226 : memref<128x128xf32, #tpu.memory_space<vmem>>) offsets(%dma_start3A_229 : memref<128xi32, #tpu.memory_space<vmem>>) semaphore(%arg12 : memref<!tpu.dma_semaphore, #tpu.memory_space<semaphore_mem>>)
    %dma_start3A_233 = arith.constant 1 : i32
    %dma_start3A_234 = arith.constant 1 : i32
    %dma_start3A_235 = arith.constant 0 : i32
    %dma_start3A_236 = arith.constant 0 : i32
    %dma_start3A_237 = tpu.memref_slice %arg10[%dma_start3A_234, %dma_start3A_235, %dma_start3A_236] : memref<2x128x128xf32, #tpu.memory_space<vmem>> -> memref<1x128x128xf32, #tpu.memory_space<vmem>>
    %dma_start3A_238 = tpu.memref_squeeze %dma_start3A_237 : memref<1x128x128xf32, #tpu.memory_space<vmem>> -> memref<128x128xf32, #tpu.memory_space<vmem>>
    %dma_start3A_239 = arith.constant 0 : i32
    %dma_start3A_240 = tpu.memref_slice %arg9[%dma_start3A_233, %dma_start3A_239] : memref<2x128xi32, #tpu.memory_space<vmem>> -> memref<1x128xi32, #tpu.memory_space<vmem>>
    %dma_start3A_241 = tpu.memref_squeeze %dma_start3A_240 : memref<1x128xi32, #tpu.memory_space<vmem>> -> memref<128xi32, #tpu.memory_space<vmem>>
    %dma_start3A_242 = arith.constant 0 : i32
    %dma_start3A_243 = arith.constant 0 : i32
    %dma_start3A_244 = tpu.memref_slice %arg2[%dma_start3A_242, %dma_start3A_243] : memref<262144x128xf32, #tpu.memory_space<hbm>> -> memref<262144x128xf32, #tpu.memory_space<hbm>>
    tpu.enqueue_indirect_dma source(%dma_start3A_244 : memref<262144x128xf32, #tpu.memory_space<hbm>>) target(%dma_start3A_238 : memref<128x128xf32, #tpu.memory_space<vmem>>) offsets(%dma_start3A_241 : memref<128xi32, #tpu.memory_space<vmem>>) semaphore(%arg12 : memref<!tpu.dma_semaphore, #tpu.memory_space<semaphore_mem>>)
    %iota3A = tpu.iota {dimensions = array<i32: 0>} : vector<16xi32>
    %shift_right_logical3A_245 = vector.broadcast %squeeze3A_6 : i32 to vector<16xi32>
    %shift_right_logical3A_246 = arith.shrui %iota3A, %shift_right_logical3A_245 : vector<16xi32>
    %and3A_247 = arith.constant 7 : i32
    %and3A_248 = vector.broadcast %and3A_247 : i32 to vector<16xi32>
    %and3A_249 = arith.andi %iota3A, %and3A_248 : vector<16xi32>
    %dma_wait3A = arith.constant 0 : i32
    %dma_wait3A_250 = arith.constant 0 : i32
    %dma_wait3A_251 = arith.constant 0 : i32
    %dma_wait3A_252 = arith.constant 0 : i32
    %dma_wait3A_253 = tpu.memref_slice %arg10[%dma_wait3A_250, %dma_wait3A_251, %dma_wait3A_252] : memref<2x128x128xf32, #tpu.memory_space<vmem>> -> memref<1x128x128xf32, #tpu.memory_space<vmem>>
    %dma_wait3A_254 = tpu.memref_squeeze %dma_wait3A_253 : memref<1x128x128xf32, #tpu.memory_space<vmem>> -> memref<128x128xf32, #tpu.memory_space<vmem>>
    %dma_wait3A_255 = arith.constant 0 : i32
    %dma_wait3A_256 = tpu.memref_slice %arg9[%dma_wait3A, %dma_wait3A_255] : memref<2x128xi32, #tpu.memory_space<vmem>> -> memref<1x128xi32, #tpu.memory_space<vmem>>
    %dma_wait3A_257 = tpu.memref_squeeze %dma_wait3A_256 : memref<1x128xi32, #tpu.memory_space<vmem>> -> memref<128xi32, #tpu.memory_space<vmem>>
    %dma_wait3A_258 = arith.constant 0 : i32
    %dma_wait3A_259 = arith.constant 0 : i32
    %dma_wait3A_260 = tpu.memref_slice %arg2[%dma_wait3A_258, %dma_wait3A_259] : memref<262144x128xf32, #tpu.memory_space<hbm>> -> memref<262144x128xf32, #tpu.memory_space<hbm>>
    tpu.wait_indirect_dma semaphore(%arg12 : memref<!tpu.dma_semaphore, #tpu.memory_space<semaphore_mem>>) src(%dma_wait3A_260 : memref<262144x128xf32, #tpu.memory_space<hbm>>) dst(%dma_wait3A_254 : memref<128x128xf32, #tpu.memory_space<vmem>>)
    %add3A_261 = arith.constant 0 : i32
    %add3A_262 = vector.broadcast %add3A_261 : i32 to vector<16xi32>
    %add3A_263 = arith.addi %add3A_262, %shift_right_logical3A_246 : vector<16xi32>
    %shift_right_logical3A_264 = vector.broadcast %squeeze3A_10 : i32 to vector<16xi32>
    %shift_right_logical3A_265 = arith.shrui %add3A_263, %shift_right_logical3A_264 : vector<16xi32>
    %and3A_266 = arith.constant 127 : i32
    %and3A_267 = vector.broadcast %and3A_266 : i32 to vector<16xi32>
    %and3A_268 = arith.andi %add3A_263, %and3A_267 : vector<16xi32>
    %gather3A = tpu.vector_load_idx %arg8[%shift_right_logical3A_265, %and3A_268] : memref<2x128xi32, #tpu.memory_space<vmem>>[vector<16xi32>, vector<16xi32>], vector<16xi32>,
    %and3A_269 = arith.constant 15 : i32
    %and3A_270 = vector.broadcast %and3A_269 : i32 to vector<16xi32>
    %and3A_271 = arith.andi %gather3A, %and3A_270 : vector<16xi32>
    %shift_left3A = vector.broadcast %squeeze3A_6 : i32 to vector<16xi32>
    %shift_left3A_272 = arith.shli %and3A_271, %shift_left3A : vector<16xi32>
    %shift_right_logical3A_273 = vector.broadcast %squeeze3A_10 : i32 to vector<16xi32>
    %shift_right_logical3A_274 = arith.shrui %add3A_263, %shift_right_logical3A_273 : vector<16xi32>
    %and3A_275 = arith.constant 127 : i32
    %and3A_276 = vector.broadcast %and3A_275 : i32 to vector<16xi32>
    %and3A_277 = arith.andi %add3A_263, %and3A_276 : vector<16xi32>
    %add3A_278 = arith.addi %shift_left3A_272, %and3A_249 : vector<16xi32>
    %gather3A_279 = tpu.vector_load_idx %arg10[%shift_right_logical3A_274, %and3A_277, %add3A_278] : memref<2x128x128xf32, #tpu.memory_space<vmem>>[vector<16xi32>, vector<16xi32>, vector<16xi32>], vector<16xf32>,
    %swap3A_280 = arith.constant 0 : i32
    %swap3A_281 = arith.index_cast %swap3A_280 : i32 to index
    %swap3A_282 = arith.constant 0 : index
    %swap3A_283 = tpu.vector_load %arg11[%swap3A_281, %swap3A_282] {strides = array<i32>} : memref<128x16xf32, #tpu.memory_space<vmem>>, vector<16xf32>,
    tpu.vector_store %arg11[%swap3A_281, %swap3A_282], %gather3A_279 {strides = array<i32>} : memref<128x16xf32, #tpu.memory_space<vmem>>, vector<16xf32>,
    %add3A_284 = arith.constant 2 : i32
    %add3A_285 = vector.broadcast %add3A_284 : i32 to vector<16xi32>
    %add3A_286 = arith.addi %add3A_285, %shift_right_logical3A_246 : vector<16xi32>
    %shift_right_logical3A_287 = vector.broadcast %squeeze3A_10 : i32 to vector<16xi32>
    %shift_right_logical3A_288 = arith.shrui %add3A_286, %shift_right_logical3A_287 : vector<16xi32>
    %and3A_289 = arith.constant 127 : i32
    %and3A_290 = vector.broadcast %and3A_289 : i32 to vector<16xi32>
    %and3A_291 = arith.andi %add3A_286, %and3A_290 : vector<16xi32>
    %gather3A_292 = tpu.vector_load_idx %arg8[%shift_right_logical3A_288, %and3A_291] : memref<2x128xi32, #tpu.memory_space<vmem>>[vector<16xi32>, vector<16xi32>], vector<16xi32>,
    %and3A_293 = arith.constant 15 : i32
    %and3A_294 = vector.broadcast %and3A_293 : i32 to vector<16xi32>
    %and3A_295 = arith.andi %gather3A_292, %and3A_294 : vector<16xi32>
    %shift_left3A_296 = vector.broadcast %squeeze3A_6 : i32 to vector<16xi32>
    %shift_left3A_297 = arith.shli %and3A_295, %shift_left3A_296 : vector<16xi32>
    %shift_right_logical3A_298 = vector.broadcast %squeeze3A_10 : i32 to vector<16xi32>
    %shift_right_logical3A_299 = arith.shrui %add3A_286, %shift_right_logical3A_298 : vector<16xi32>
    %and3A_300 = arith.constant 127 : i32
    %and3A_301 = vector.broadcast %and3A_300 : i32 to vector<16xi32>
    %and3A_302 = arith.andi %add3A_286, %and3A_301 : vector<16xi32>
    %add3A_303 = arith.addi %shift_left3A_297, %and3A_249 : vector<16xi32>
    %gather3A_304 = tpu.vector_load_idx %arg10[%shift_right_logical3A_299, %and3A_302, %add3A_303] : memref<2x128x128xf32, #tpu.memory_space<vmem>>[vector<16xi32>, vector<16xi32>, vector<16xi32>], vector<16xf32>,
    %swap3A_305 = arith.constant 1 : i32
    %swap3A_306 = arith.index_cast %swap3A_305 : i32 to index
    %swap3A_307 = arith.constant 0 : index
    %swap3A_308 = tpu.vector_load %arg11[%swap3A_306, %swap3A_307] {strides = array<i32>} : memref<128x16xf32, #tpu.memory_space<vmem>>, vector<16xf32>,
    tpu.vector_store %arg11[%swap3A_306, %swap3A_307], %gather3A_304 {strides = array<i32>} : memref<128x16xf32, #tpu.memory_space<vmem>>, vector<16xf32>,
    %add3A_309 = arith.constant 4 : i32
    %add3A_310 = vector.broadcast %add3A_309 : i32 to vector<16xi32>
    %add3A_311 = arith.addi %add3A_310, %shift_right_logical3A_246 : vector<16xi32>
    %shift_right_logical3A_312 = vector.broadcast %squeeze3A_10 : i32 to vector<16xi32>
    %shift_right_logical3A_313 = arith.shrui %add3A_311, %shift_right_logical3A_312 : vector<16xi32>
    %and3A_314 = arith.constant 127 : i32
    %and3A_315 = vector.broadcast %and3A_314 : i32 to vector<16xi32>
    %and3A_316 = arith.andi %add3A_311, %and3A_315 : vector<16xi32>
    %gather3A_317 = tpu.vector_load_idx %arg8[%shift_right_logical3A_313, %and3A_316] : memref<2x128xi32, #tpu.memory_space<vmem>>[vector<16xi32>, vector<16xi32>], vector<16xi32>,
    %and3A_318 = arith.constant 15 : i32
    %and3A_319 = vector.broadcast %and3A_318 : i32 to vector<16xi32>
    %and3A_320 = arith.andi %gather3A_317, %and3A_319 : vector<16xi32>
    %shift_left3A_321 = vector.broadcast %squeeze3A_6 : i32 to vector<16xi32>
    %shift_left3A_322 = arith.shli %and3A_320, %shift_left3A_321 : vector<16xi32>
    %shift_right_logical3A_323 = vector.broadcast %squeeze3A_10 : i32 to vector<16xi32>
    %shift_right_logical3A_324 = arith.shrui %add3A_311, %shift_right_logical3A_323 : vector<16xi32>
    %and3A_325 = arith.constant 127 : i32
    %and3A_326 = vector.broadcast %and3A_325 : i32 to vector<16xi32>
    %and3A_327 = arith.andi %add3A_311, %and3A_326 : vector<16xi32>
    %add3A_328 = arith.addi %shift_left3A_322, %and3A_249 : vector<16xi32>
    %gather3A_329 = tpu.vector_load_idx %arg10[%shift_right_logical3A_324, %and3A_327, %add3A_328] : memref<2x128x128xf32, #tpu.memory_space<vmem>>[vector<16xi32>, vector<16xi32>, vector<16xi32>], vector<16xf32>,
    %swap3A_330 = arith.constant 2 : i32
    %swap3A_331 = arith.index_cast %swap3A_330 : i32 to index
    %swap3A_332 = arith.constant 0 : index
    %swap3A_333 = tpu.vector_load %arg11[%swap3A_331, %swap3A_332] {strides = array<i32>} : memref<128x16xf32, #tpu.memory_space<vmem>>, vector<16xf32>,
    tpu.vector_store %arg11[%swap3A_331, %swap3A_332], %gather3A_329 {strides = array<i32>} : memref<128x16xf32, #tpu.memory_space<vmem>>, vector<16xf32>,
    %add3A_334 = arith.constant 6 : i32
    %add3A_335 = vector.broadcast %add3A_334 : i32 to vector<16xi32>
    %add3A_336 = arith.addi %add3A_335, %shift_right_logical3A_246 : vector<16xi32>
    %shift_right_logical3A_337 = vector.broadcast %squeeze3A_10 : i32 to vector<16xi32>
    %shift_right_logical3A_338 = arith.shrui %add3A_336, %shift_right_logical3A_337 : vector<16xi32>
    %and3A_339 = arith.constant 127 : i32
    %and3A_340 = vector.broadcast %and3A_339 : i32 to vector<16xi32>
    %and3A_341 = arith.andi %add3A_336, %and3A_340 : vector<16xi32>
    %gather3A_342 = tpu.vector_load_idx %arg8[%shift_right_logical3A_338, %and3A_341] : memref<2x128xi32, #tpu.memory_space<vmem>>[vector<16xi32>, vector<16xi32>], vector<16xi32>,
    %and3A_343 = arith.constant 15 : i32
    %and3A_344 = vector.broadcast %and3A_343 : i32 to vector<16xi32>
    %and3A_345 = arith.andi %gather3A_342, %and3A_344 : vector<16xi32>
    %shift_left3A_346 = vector.broadcast %squeeze3A_6 : i32 to vector<16xi32>
    %shift_left3A_347 = arith.shli %and3A_345, %shift_left3A_346 : vector<16xi32>
    %shift_right_logical3A_348 = vector.broadcast %squeeze3A_10 : i32 to vector<16xi32>
    %shift_right_logical3A_349 = arith.shrui %add3A_336, %shift_right_logical3A_348 : vector<16xi32>
    %and3A_350 = arith.constant 127 : i32
    %and3A_351 = vector.broadcast %and3A_350 : i32 to vector<16xi32>
    %and3A_352 = arith.andi %add3A_336, %and3A_351 : vector<16xi32>
    %add3A_353 = arith.addi %shift_left3A_347, %and3A_249 : vector<16xi32>
    %gather3A_354 = tpu.vector_load_idx %arg10[%shift_right_logical3A_349, %and3A_352, %add3A_353] : memref<2x128x128xf32, #tpu.memory_space<vmem>>[vector<16xi32>, vector<16xi32>, vector<16xi32>], vector<16xf32>,
    %swap3A_355 = arith.constant 3 : i32
    %swap3A_356 = arith.index_cast %swap3A_355 : i32 to index
    %swap3A_357 = arith.constant 0 : index
    %swap3A_358 = tpu.vector_load %arg11[%swap3A_356, %swap3A_357] {strides = array<i32>} : memref<128x16xf32, #tpu.memory_space<vmem>>, vector<16xf32>,
    tpu.vector_store %arg11[%swap3A_356, %swap3A_357], %gather3A_354 {strides = array<i32>} : memref<128x16xf32, #tpu.memory_space<vmem>>, vector<16xf32>,
    %add3A_359 = arith.constant 8 : i32
    %add3A_360 = vector.broadcast %add3A_359 : i32 to vector<16xi32>
    %add3A_361 = arith.addi %add3A_360, %shift_right_logical3A_246 : vector<16xi32>
    %shift_right_logical3A_362 = vector.broadcast %squeeze3A_10 : i32 to vector<16xi32>
    %shift_right_logical3A_363 = arith.shrui %add3A_361, %shift_right_logical3A_362 : vector<16xi32>
    %and3A_364 = arith.constant 127 : i32
    %and3A_365 = vector.broadcast %and3A_364 : i32 to vector<16xi32>
    %and3A_366 = arith.andi %add3A_361, %and3A_365 : vector<16xi32>
    %gather3A_367 = tpu.vector_load_idx %arg8[%shift_right_logical3A_363, %and3A_366] : memref<2x128xi32, #tpu.memory_space<vmem>>[vector<16xi32>, vector<16xi32>], vector<16xi32>,
    %and3A_368 = arith.constant 15 : i32
    %and3A_369 = vector.broadcast %and3A_368 : i32 to vector<16xi32>
    %and3A_370 = arith.andi %gather3A_367, %and3A_369 : vector<16xi32>
    %shift_left3A_371 = vector.broadcast %squeeze3A_6 : i32 to vector<16xi32>
    %shift_left3A_372 = arith.shli %and3A_370, %shift_left3A_371 : vector<16xi32>
    %shift_right_logical3A_373 = vector.broadcast %squeeze3A_10 : i32 to vector<16xi32>
    %shift_right_logical3A_374 = arith.shrui %add3A_361, %shift_right_logical3A_373 : vector<16xi32>
    %and3A_375 = arith.constant 127 : i32
    %and3A_376 = vector.broadcast %and3A_375 : i32 to vector<16xi32>
    %and3A_377 = arith.andi %add3A_361, %and3A_376 : vector<16xi32>
    %add3A_378 = arith.addi %shift_left3A_372, %and3A_249 : vector<16xi32>
    %gather3A_379 = tpu.vector_load_idx %arg10[%shift_right_logical3A_374, %and3A_377, %add3A_378] : memref<2x128x128xf32, #tpu.memory_space<vmem>>[vector<16xi32>, vector<16xi32>, vector<16xi32>], vector<16xf32>,
    %swap3A_380 = arith.constant 4 : i32
    %swap3A_381 = arith.index_cast %swap3A_380 : i32 to index
    %swap3A_382 = arith.constant 0 : index
    %swap3A_383 = tpu.vector_load %arg11[%swap3A_381, %swap3A_382] {strides = array<i32>} : memref<128x16xf32, #tpu.memory_space<vmem>>, vector<16xf32>,
    tpu.vector_store %arg11[%swap3A_381, %swap3A_382], %gather3A_379 {strides = array<i32>} : memref<128x16xf32, #tpu.memory_space<vmem>>, vector<16xf32>,
    %add3A_384 = arith.constant 10 : i32
    %add3A_385 = vector.broadcast %add3A_384 : i32 to vector<16xi32>
    %add3A_386 = arith.addi %add3A_385, %shift_right_logical3A_246 : vector<16xi32>
    %shift_right_logical3A_387 = vector.broadcast %squeeze3A_10 : i32 to vector<16xi32>
    %shift_right_logical3A_388 = arith.shrui %add3A_386, %shift_right_logical3A_387 : vector<16xi32>
    %and3A_389 = arith.constant 127 : i32
    %and3A_390 = vector.broadcast %and3A_389 : i32 to vector<16xi32>
    %and3A_391 = arith.andi %add3A_386, %and3A_390 : vector<16xi32>
    %gather3A_392 = tpu.vector_load_idx %arg8[%shift_right_logical3A_388, %and3A_391] : memref<2x128xi32, #tpu.memory_space<vmem>>[vector<16xi32>, vector<16xi32>], vector<16xi32>,
    %and3A_393 = arith.constant 15 : i32
    %and3A_394 = vector.broadcast %and3A_393 : i32 to vector<16xi32>
    %and3A_395 = arith.andi %gather3A_392, %and3A_394 : vector<16xi32>
    %shift_left3A_396 = vector.broadcast %squeeze3A_6 : i32 to vector<16xi32>
    %shift_left3A_397 = arith.shli %and3A_395, %shift_left3A_396 : vector<16xi32>
    %shift_right_logical3A_398 = vector.broadcast %squeeze3A_10 : i32 to vector<16xi32>
    %shift_right_logical3A_399 = arith.shrui %add3A_386, %shift_right_logical3A_398 : vector<16xi32>
    %and3A_400 = arith.constant 127 : i32
    %and3A_401 = vector.broadcast %and3A_400 : i32 to vector<16xi32>
    %and3A_402 = arith.andi %add3A_386, %and3A_401 : vector<16xi32>
    %add3A_403 = arith.addi %shift_left3A_397, %and3A_249 : vector<16xi32>
    %gather3A_404 = tpu.vector_load_idx %arg10[%shift_right_logical3A_399, %and3A_402, %add3A_403] : memref<2x128x128xf32, #tpu.memory_space<vmem>>[vector<16xi32>, vector<16xi32>, vector<16xi32>], vector<16xf32>,
    %swap3A_405 = arith.constant 5 : i32
    %swap3A_406 = arith.index_cast %swap3A_405 : i32 to index
    %swap3A_407 = arith.constant 0 : index
    %swap3A_408 = tpu.vector_load %arg11[%swap3A_406, %swap3A_407] {strides = array<i32>} : memref<128x16xf32, #tpu.memory_space<vmem>>, vector<16xf32>,
    tpu.vector_store %arg11[%swap3A_406, %swap3A_407], %gather3A_404 {strides = array<i32>} : memref<128x16xf32, #tpu.memory_space<vmem>>, vector<16xf32>,
    %add3A_409 = arith.constant 12 : i32
    %add3A_410 = vector.broadcast %add3A_409 : i32 to vector<16xi32>
    %add3A_411 = arith.addi %add3A_410, %shift_right_logical3A_246 : vector<16xi32>
    %shift_right_logical3A_412 = vector.broadcast %squeeze3A_10 : i32 to vector<16xi32>
    %shift_right_logical3A_413 = arith.shrui %add3A_411, %shift_right_logical3A_412 : vector<16xi32>
    %and3A_414 = arith.constant 127 : i32
    %and3A_415 = vector.broadcast %and3A_414 : i32 to vector<16xi32>
    %and3A_416 = arith.andi %add3A_411, %and3A_415 : vector<16xi32>
    %gather3A_417 = tpu.vector_load_idx %arg8[%shift_right_logical3A_413, %and3A_416] : memref<2x128xi32, #tpu.memory_space<vmem>>[vector<16xi32>, vector<16xi32>], vector<16xi32>,
    %and3A_418 = arith.constant 15 : i32
    %and3A_419 = vector.broadcast %and3A_418 : i32 to vector<16xi32>
    %and3A_420 = arith.andi %gather3A_417, %and3A_419 : vector<16xi32>
    %shift_left3A_421 = vector.broadcast %squeeze3A_6 : i32 to vector<16xi32>
    %shift_left3A_422 = arith.shli %and3A_420, %shift_left3A_421 : vector<16xi32>
    %shift_right_logical3A_423 = vector.broadcast %squeeze3A_10 : i32 to vector<16xi32>
    %shift_right_logical3A_424 = arith.shrui %add3A_411, %shift_right_logical3A_423 : vector<16xi32>
    %and3A_425 = arith.constant 127 : i32
    %and3A_426 = vector.broadcast %and3A_425 : i32 to vector<16xi32>
    %and3A_427 = arith.andi %add3A_411, %and3A_426 : vector<16xi32>
    %add3A_428 = arith.addi %shift_left3A_422, %and3A_249 : vector<16xi32>
    %gather3A_429 = tpu.vector_load_idx %arg10[%shift_right_logical3A_424, %and3A_427, %add3A_428] : memref<2x128x128xf32, #tpu.memory_space<vmem>>[vector<16xi32>, vector<16xi32>, vector<16xi32>], vector<16xf32>,
    %swap3A_430 = arith.constant 6 : i32
    %swap3A_431 = arith.index_cast %swap3A_430 : i32 to index
    %swap3A_432 = arith.constant 0 : index
    %swap3A_433 = tpu.vector_load %arg11[%swap3A_431, %swap3A_432] {strides = array<i32>} : memref<128x16xf32, #tpu.memory_space<vmem>>, vector<16xf32>,
    tpu.vector_store %arg11[%swap3A_431, %swap3A_432], %gather3A_429 {strides = array<i32>} : memref<128x16xf32, #tpu.memory_space<vmem>>, vector<16xf32>,
    %add3A_434 = arith.constant 14 : i32
    %add3A_435 = vector.broadcast %add3A_434 : i32 to vector<16xi32>
    %add3A_436 = arith.addi %add3A_435, %shift_right_logical3A_246 : vector<16xi32>
    %shift_right_logical3A_437 = vector.broadcast %squeeze3A_10 : i32 to vector<16xi32>
    %shift_right_logical3A_438 = arith.shrui %add3A_436, %shift_right_logical3A_437 : vector<16xi32>
    %and3A_439 = arith.constant 127 : i32
    %and3A_440 = vector.broadcast %and3A_439 : i32 to vector<16xi32>
    %and3A_441 = arith.andi %add3A_436, %and3A_440 : vector<16xi32>
    %gather3A_442 = tpu.vector_load_idx %arg8[%shift_right_logical3A_438, %and3A_441] : memref<2x128xi32, #tpu.memory_space<vmem>>[vector<16xi32>, vector<16xi32>], vector<16xi32>,
    %and3A_443 = arith.constant 15 : i32
    %and3A_444 = vector.broadcast %and3A_443 : i32 to vector<16xi32>
    %and3A_445 = arith.andi %gather3A_442, %and3A_444 : vector<16xi32>
    %shift_left3A_446 = vector.broadcast %squeeze3A_6 : i32 to vector<16xi32>
    %shift_left3A_447 = arith.shli %and3A_445, %shift_left3A_446 : vector<16xi32>
    %shift_right_logical3A_448 = vector.broadcast %squeeze3A_10 : i32 to vector<16xi32>
    %shift_right_logical3A_449 = arith.shrui %add3A_436, %shift_right_logical3A_448 : vector<16xi32>
    %and3A_450 = arith.constant 127 : i32
    %and3A_451 = vector.broadcast %and3A_450 : i32 to vector<16xi32>
    %and3A_452 = arith.andi %add3A_436, %and3A_451 : vector<16xi32>
    %add3A_453 = arith.addi %shift_left3A_447, %and3A_249 : vector<16xi32>
    %gather3A_454 = tpu.vector_load_idx %arg10[%shift_right_logical3A_449, %and3A_452, %add3A_453] : memref<2x128x128xf32, #tpu.memory_space<vmem>>[vector<16xi32>, vector<16xi32>, vector<16xi32>], vector<16xf32>,
    %swap3A_455 = arith.constant 7 : i32
    %swap3A_456 = arith.index_cast %swap3A_455 : i32 to index
    %swap3A_457 = arith.constant 0 : index
    %swap3A_458 = tpu.vector_load %arg11[%swap3A_456, %swap3A_457] {strides = array<i32>} : memref<128x16xf32, #tpu.memory_space<vmem>>, vector<16xf32>,
    tpu.vector_store %arg11[%swap3A_456, %swap3A_457], %gather3A_454 {strides = array<i32>} : memref<128x16xf32, #tpu.memory_space<vmem>>, vector<16xf32>,
    %add3A_459 = arith.constant 16 : i32
    %add3A_460 = vector.broadcast %add3A_459 : i32 to vector<16xi32>
    %add3A_461 = arith.addi %add3A_460, %shift_right_logical3A_246 : vector<16xi32>
    %shift_right_logical3A_462 = vector.broadcast %squeeze3A_10 : i32 to vector<16xi32>
    %shift_right_logical3A_463 = arith.shrui %add3A_461, %shift_right_logical3A_462 : vector<16xi32>
    %and3A_464 = arith.constant 127 : i32
    %and3A_465 = vector.broadcast %and3A_464 : i32 to vector<16xi32>
    %and3A_466 = arith.andi %add3A_461, %and3A_465 : vector<16xi32>
    %gather3A_467 = tpu.vector_load_idx %arg8[%shift_right_logical3A_463, %and3A_466] : memref<2x128xi32, #tpu.memory_space<vmem>>[vector<16xi32>, vector<16xi32>], vector<16xi32>,
    %and3A_468 = arith.constant 15 : i32
    %and3A_469 = vector.broadcast %and3A_468 : i32 to vector<16xi32>
    %and3A_470 = arith.andi %gather3A_467, %and3A_469 : vector<16xi32>
    %shift_left3A_471 = vector.broadcast %squeeze3A_6 : i32 to vector<16xi32>
    %shift_left3A_472 = arith.shli %and3A_470, %shift_left3A_471 : vector<16xi32>
    %shift_right_logical3A_473 = vector.broadcast %squeeze3A_10 : i32 to vector<16xi32>
    %shift_right_logical3A_474 = arith.shrui %add3A_461, %shift_right_logical3A_473 : vector<16xi32>
    %and3A_475 = arith.constant 127 : i32
    %and3A_476 = vector.broadcast %and3A_475 : i32 to vector<16xi32>
    %and3A_477 = arith.andi %add3A_461, %and3A_476 : vector<16xi32>
    %add3A_478 = arith.addi %shift_left3A_472, %and3A_249 : vector<16xi32>
    %gather3A_479 = tpu.vector_load_idx %arg10[%shift_right_logical3A_474, %and3A_477, %add3A_478] : memref<2x128x128xf32, #tpu.memory_space<vmem>>[vector<16xi32>, vector<16xi32>, vector<16xi32>], vector<16xf32>,
    %swap3A_480 = arith.constant 8 : i32
    %swap3A_481 = arith.index_cast %swap3A_480 : i32 to index
    %swap3A_482 = arith.constant 0 : index
    %swap3A_483 = tpu.vector_load %arg11[%swap3A_481, %swap3A_482] {strides = array<i32>} : memref<128x16xf32, #tpu.memory_space<vmem>>, vector<16xf32>,
    tpu.vector_store %arg11[%swap3A_481, %swap3A_482], %gather3A_479 {strides = array<i32>} : memref<128x16xf32, #tpu.memory_space<vmem>>, vector<16xf32>,
    %add3A_484 = arith.constant 18 : i32
    %add3A_485 = vector.broadcast %add3A_484 : i32 to vector<16xi32>
    %add3A_486 = arith.addi %add3A_485, %shift_right_logical3A_246 : vector<16xi32>
    %shift_right_logical3A_487 = vector.broadcast %squeeze3A_10 : i32 to vector<16xi32>
    %shift_right_logical3A_488 = arith.shrui %add3A_486, %shift_right_logical3A_487 : vector<16xi32>
    %and3A_489 = arith.constant 127 : i32
    %and3A_490 = vector.broadcast %and3A_489 : i32 to vector<16xi32>
    %and3A_491 = arith.andi %add3A_486, %and3A_490 : vector<16xi32>
    %gather3A_492 = tpu.vector_load_idx %arg8[%shift_right_logical3A_488, %and3A_491] : memref<2x128xi32, #tpu.memory_space<vmem>>[vector<16xi32>, vector<16xi32>], vector<16xi32>,
    %and3A_493 = arith.constant 15 : i32
    %and3A_494 = vector.broadcast %and3A_493 : i32 to vector<16xi32>
    %and3A_495 = arith.andi %gather3A_492, %and3A_494 : vector<16xi32>
    %shift_left3A_496 = vector.broadcast %squeeze3A_6 : i32 to vector<16xi32>
    %shift_left3A_497 = arith.shli %and3A_495, %shift_left3A_496 : vector<16xi32>
    %shift_right_logical3A_498 = vector.broadcast %squeeze3A_10 : i32 to vector<16xi32>
    %shift_right_logical3A_499 = arith.shrui %add3A_486, %shift_right_logical3A_498 : vector<16xi32>
    %and3A_500 = arith.constant 127 : i32
    %and3A_501 = vector.broadcast %and3A_500 : i32 to vector<16xi32>
    %and3A_502 = arith.andi %add3A_486, %and3A_501 : vector<16xi32>
    %add3A_503 = arith.addi %shift_left3A_497, %and3A_249 : vector<16xi32>
    %gather3A_504 = tpu.vector_load_idx %arg10[%shift_right_logical3A_499, %and3A_502, %add3A_503] : memref<2x128x128xf32, #tpu.memory_space<vmem>>[vector<16xi32>, vector<16xi32>, vector<16xi32>], vector<16xf32>,
    %swap3A_505 = arith.constant 9 : i32
    %swap3A_506 = arith.index_cast %swap3A_505 : i32 to index
    %swap3A_507 = arith.constant 0 : index
    %swap3A_508 = tpu.vector_load %arg11[%swap3A_506, %swap3A_507] {strides = array<i32>} : memref<128x16xf32, #tpu.memory_space<vmem>>, vector<16xf32>,
    tpu.vector_store %arg11[%swap3A_506, %swap3A_507], %gather3A_504 {strides = array<i32>} : memref<128x16xf32, #tpu.memory_space<vmem>>, vector<16xf32>,
    %add3A_509 = arith.constant 20 : i32
    %add3A_510 = vector.broadcast %add3A_509 : i32 to vector<16xi32>
    %add3A_511 = arith.addi %add3A_510, %shift_right_logical3A_246 : vector<16xi32>
    %shift_right_logical3A_512 = vector.broadcast %squeeze3A_10 : i32 to vector<16xi32>
    %shift_right_logical3A_513 = arith.shrui %add3A_511, %shift_right_logical3A_512 : vector<16xi32>
    %and3A_514 = arith.constant 127 : i32
    %and3A_515 = vector.broadcast %and3A_514 : i32 to vector<16xi32>
    %and3A_516 = arith.andi %add3A_511, %and3A_515 : vector<16xi32>
    %gather3A_517 = tpu.vector_load_idx %arg8[%shift_right_logical3A_513, %and3A_516] : memref<2x128xi32, #tpu.memory_space<vmem>>[vector<16xi32>, vector<16xi32>], vector<16xi32>,
    %and3A_518 = arith.constant 15 : i32
    %and3A_519 = vector.broadcast %and3A_518 : i32 to vector<16xi32>
    %and3A_520 = arith.andi %gather3A_517, %and3A_519 : vector<16xi32>
    %shift_left3A_521 = vector.broadcast %squeeze3A_6 : i32 to vector<16xi32>
    %shift_left3A_522 = arith.shli %and3A_520, %shift_left3A_521 : vector<16xi32>
    %shift_right_logical3A_523 = vector.broadcast %squeeze3A_10 : i32 to vector<16xi32>
    %shift_right_logical3A_524 = arith.shrui %add3A_511, %shift_right_logical3A_523 : vector<16xi32>
    %and3A_525 = arith.constant 127 : i32
    %and3A_526 = vector.broadcast %and3A_525 : i32 to vector<16xi32>
    %and3A_527 = arith.andi %add3A_511, %and3A_526 : vector<16xi32>
    %add3A_528 = arith.addi %shift_left3A_522, %and3A_249 : vector<16xi32>
    %gather3A_529 = tpu.vector_load_idx %arg10[%shift_right_logical3A_524, %and3A_527, %add3A_528] : memref<2x128x128xf32, #tpu.memory_space<vmem>>[vector<16xi32>, vector<16xi32>, vector<16xi32>], vector<16xf32>,
    %swap3A_530 = arith.constant 10 : i32
    %swap3A_531 = arith.index_cast %swap3A_530 : i32 to index
    %swap3A_532 = arith.constant 0 : index
    %swap3A_533 = tpu.vector_load %arg11[%swap3A_531, %swap3A_532] {strides = array<i32>} : memref<128x16xf32, #tpu.memory_space<vmem>>, vector<16xf32>,
    tpu.vector_store %arg11[%swap3A_531, %swap3A_532], %gather3A_529 {strides = array<i32>} : memref<128x16xf32, #tpu.memory_space<vmem>>, vector<16xf32>,
    %add3A_534 = arith.constant 22 : i32
    %add3A_535 = vector.broadcast %add3A_534 : i32 to vector<16xi32>
    %add3A_536 = arith.addi %add3A_535, %shift_right_logical3A_246 : vector<16xi32>
    %shift_right_logical3A_537 = vector.broadcast %squeeze3A_10 : i32 to vector<16xi32>
    %shift_right_logical3A_538 = arith.shrui %add3A_536, %shift_right_logical3A_537 : vector<16xi32>
    %and3A_539 = arith.constant 127 : i32
    %and3A_540 = vector.broadcast %and3A_539 : i32 to vector<16xi32>
    %and3A_541 = arith.andi %add3A_536, %and3A_540 : vector<16xi32>
    %gather3A_542 = tpu.vector_load_idx %arg8[%shift_right_logical3A_538, %and3A_541] : memref<2x128xi32, #tpu.memory_space<vmem>>[vector<16xi32>, vector<16xi32>], vector<16xi32>,
    %and3A_543 = arith.constant 15 : i32
    %and3A_544 = vector.broadcast %and3A_543 : i32 to vector<16xi32>
    %and3A_545 = arith.andi %gather3A_542, %and3A_544 : vector<16xi32>
    %shift_left3A_546 = vector.broadcast %squeeze3A_6 : i32 to vector<16xi32>
    %shift_left3A_547 = arith.shli %and3A_545, %shift_left3A_546 : vector<16xi32>
    %shift_right_logical3A_548 = vector.broadcast %squeeze3A_10 : i32 to vector<16xi32>
    %shift_right_logical3A_549 = arith.shrui %add3A_536, %shift_right_logical3A_548 : vector<16xi32>
    %and3A_550 = arith.constant 127 : i32
    %and3A_551 = vector.broadcast %and3A_550 : i32 to vector<16xi32>
    %and3A_552 = arith.andi %add3A_536, %and3A_551 : vector<16xi32>
    %add3A_553 = arith.addi %shift_left3A_547, %and3A_249 : vector<16xi32>
    %gather3A_554 = tpu.vector_load_idx %arg10[%shift_right_logical3A_549, %and3A_552, %add3A_553] : memref<2x128x128xf32, #tpu.memory_space<vmem>>[vector<16xi32>, vector<16xi32>, vector<16xi32>], vector<16xf32>,
    %swap3A_555 = arith.constant 11 : i32
    %swap3A_556 = arith.index_cast %swap3A_555 : i32 to index
    %swap3A_557 = arith.constant 0 : index
    %swap3A_558 = tpu.vector_load %arg11[%swap3A_556, %swap3A_557] {strides = array<i32>} : memref<128x16xf32, #tpu.memory_space<vmem>>, vector<16xf32>,
    tpu.vector_store %arg11[%swap3A_556, %swap3A_557], %gather3A_554 {strides = array<i32>} : memref<128x16xf32, #tpu.memory_space<vmem>>, vector<16xf32>,
    %add3A_559 = arith.constant 24 : i32
    %add3A_560 = vector.broadcast %add3A_559 : i32 to vector<16xi32>
    %add3A_561 = arith.addi %add3A_560, %shift_right_logical3A_246 : vector<16xi32>
    %shift_right_logical3A_562 = vector.broadcast %squeeze3A_10 : i32 to vector<16xi32>
    %shift_right_logical3A_563 = arith.shrui %add3A_561, %shift_right_logical3A_562 : vector<16xi32>
    %and3A_564 = arith.constant 127 : i32
    %and3A_565 = vector.broadcast %and3A_564 : i32 to vector<16xi32>
    %and3A_566 = arith.andi %add3A_561, %and3A_565 : vector<16xi32>
    %gather3A_567 = tpu.vector_load_idx %arg8[%shift_right_logical3A_563, %and3A_566] : memref<2x128xi32, #tpu.memory_space<vmem>>[vector<16xi32>, vector<16xi32>], vector<16xi32>,
    %and3A_568 = arith.constant 15 : i32
    %and3A_569 = vector.broadcast %and3A_568 : i32 to vector<16xi32>
    %and3A_570 = arith.andi %gather3A_567, %and3A_569 : vector<16xi32>
    %shift_left3A_571 = vector.broadcast %squeeze3A_6 : i32 to vector<16xi32>
    %shift_left3A_572 = arith.shli %and3A_570, %shift_left3A_571 : vector<16xi32>
    %shift_right_logical3A_573 = vector.broadcast %squeeze3A_10 : i32 to vector<16xi32>
    %shift_right_logical3A_574 = arith.shrui %add3A_561, %shift_right_logical3A_573 : vector<16xi32>
    %and3A_575 = arith.constant 127 : i32
    %and3A_576 = vector.broadcast %and3A_575 : i32 to vector<16xi32>
    %and3A_577 = arith.andi %add3A_561, %and3A_576 : vector<16xi32>
    %add3A_578 = arith.addi %shift_left3A_572, %and3A_249 : vector<16xi32>
    %gather3A_579 = tpu.vector_load_idx %arg10[%shift_right_logical3A_574, %and3A_577, %add3A_578] : memref<2x128x128xf32, #tpu.memory_space<vmem>>[vector<16xi32>, vector<16xi32>, vector<16xi32>], vector<16xf32>,
    %swap3A_580 = arith.constant 12 : i32
    %swap3A_581 = arith.index_cast %swap3A_580 : i32 to index
    %swap3A_582 = arith.constant 0 : index
    %swap3A_583 = tpu.vector_load %arg11[%swap3A_581, %swap3A_582] {strides = array<i32>} : memref<128x16xf32, #tpu.memory_space<vmem>>, vector<16xf32>,
    tpu.vector_store %arg11[%swap3A_581, %swap3A_582], %gather3A_579 {strides = array<i32>} : memref<128x16xf32, #tpu.memory_space<vmem>>, vector<16xf32>,
    %add3A_584 = arith.constant 26 : i32
    %add3A_585 = vector.broadcast %add3A_584 : i32 to vector<16xi32>
    %add3A_586 = arith.addi %add3A_585, %shift_right_logical3A_246 : vector<16xi32>
    %shift_right_logical3A_587 = vector.broadcast %squeeze3A_10 : i32 to vector<16xi32>
    %shift_right_logical3A_588 = arith.shrui %add3A_586, %shift_right_logical3A_587 : vector<16xi32>
    %and3A_589 = arith.constant 127 : i32
    %and3A_590 = vector.broadcast %and3A_589 : i32 to vector<16xi32>
    %and3A_591 = arith.andi %add3A_586, %and3A_590 : vector<16xi32>
    %gather3A_592 = tpu.vector_load_idx %arg8[%shift_right_logical3A_588, %and3A_591] : memref<2x128xi32, #tpu.memory_space<vmem>>[vector<16xi32>, vector<16xi32>], vector<16xi32>,
    %and3A_593 = arith.constant 15 : i32
    %and3A_594 = vector.broadcast %and3A_593 : i32 to vector<16xi32>
    %and3A_595 = arith.andi %gather3A_592, %and3A_594 : vector<16xi32>
    %shift_left3A_596 = vector.broadcast %squeeze3A_6 : i32 to vector<16xi32>
    %shift_left3A_597 = arith.shli %and3A_595, %shift_left3A_596 : vector<16xi32>
    %shift_right_logical3A_598 = vector.broadcast %squeeze3A_10 : i32 to vector<16xi32>
    %shift_right_logical3A_599 = arith.shrui %add3A_586, %shift_right_logical3A_598 : vector<16xi32>
    %and3A_600 = arith.constant 127 : i32
    %and3A_601 = vector.broadcast %and3A_600 : i32 to vector<16xi32>
    %and3A_602 = arith.andi %add3A_586, %and3A_601 : vector<16xi32>
    %add3A_603 = arith.addi %shift_left3A_597, %and3A_249 : vector<16xi32>
    %gather3A_604 = tpu.vector_load_idx %arg10[%shift_right_logical3A_599, %and3A_602, %add3A_603] : memref<2x128x128xf32, #tpu.memory_space<vmem>>[vector<16xi32>, vector<16xi32>, vector<16xi32>], vector<16xf32>,
    %swap3A_605 = arith.constant 13 : i32
    %swap3A_606 = arith.index_cast %swap3A_605 : i32 to index
    %swap3A_607 = arith.constant 0 : index
    %swap3A_608 = tpu.vector_load %arg11[%swap3A_606, %swap3A_607] {strides = array<i32>} : memref<128x16xf32, #tpu.memory_space<vmem>>, vector<16xf32>,
    tpu.vector_store %arg11[%swap3A_606, %swap3A_607], %gather3A_604 {strides = array<i32>} : memref<128x16xf32, #tpu.memory_space<vmem>>, vector<16xf32>,
    %add3A_609 = arith.constant 28 : i32
    %add3A_610 = vector.broadcast %add3A_609 : i32 to vector<16xi32>
    %add3A_611 = arith.addi %add3A_610, %shift_right_logical3A_246 : vector<16xi32>
    %shift_right_logical3A_612 = vector.broadcast %squeeze3A_10 : i32 to vector<16xi32>
    %shift_right_logical3A_613 = arith.shrui %add3A_611, %shift_right_logical3A_612 : vector<16xi32>
    %and3A_614 = arith.constant 127 : i32
    %and3A_615 = vector.broadcast %and3A_614 : i32 to vector<16xi32>
    %and3A_616 = arith.andi %add3A_611, %and3A_615 : vector<16xi32>
    %gather3A_617 = tpu.vector_load_idx %arg8[%shift_right_logical3A_613, %and3A_616] : memref<2x128xi32, #tpu.memory_space<vmem>>[vector<16xi32>, vector<16xi32>], vector<16xi32>,
    %and3A_618 = arith.constant 15 : i32
    %and3A_619 = vector.broadcast %and3A_618 : i32 to vector<16xi32>
    %and3A_620 = arith.andi %gather3A_617, %and3A_619 : vector<16xi32>
    %shift_left3A_621 = vector.broadcast %squeeze3A_6 : i32 to vector<16xi32>
    %shift_left3A_622 = arith.shli %and3A_620, %shift_left3A_621 : vector<16xi32>
    %shift_right_logical3A_623 = vector.broadcast %squeeze3A_10 : i32 to vector<16xi32>
    %shift_right_logical3A_624 = arith.shrui %add3A_611, %shift_right_logical3A_623 : vector<16xi32>
    %and3A_625 = arith.constant 127 : i32
    %and3A_626 = vector.broadcast %and3A_625 : i32 to vector<16xi32>
    %and3A_627 = arith.andi %add3A_611, %and3A_626 : vector<16xi32>
    %add3A_628 = arith.addi %shift_left3A_622, %and3A_249 : vector<16xi32>
    %gather3A_629 = tpu.vector_load_idx %arg10[%shift_right_logical3A_624, %and3A_627, %add3A_628] : memref<2x128x128xf32, #tpu.memory_space<vmem>>[vector<16xi32>, vector<16xi32>, vector<16xi32>], vector<16xf32>,
    %swap3A_630 = arith.constant 14 : i32
    %swap3A_631 = arith.index_cast %swap3A_630 : i32 to index
    %swap3A_632 = arith.constant 0 : index
    %swap3A_633 = tpu.vector_load %arg11[%swap3A_631, %swap3A_632] {strides = array<i32>} : memref<128x16xf32, #tpu.memory_space<vmem>>, vector<16xf32>,
    tpu.vector_store %arg11[%swap3A_631, %swap3A_632], %gather3A_629 {strides = array<i32>} : memref<128x16xf32, #tpu.memory_space<vmem>>, vector<16xf32>,
    %add3A_634 = arith.constant 30 : i32
    %add3A_635 = vector.broadcast %add3A_634 : i32 to vector<16xi32>
    %add3A_636 = arith.addi %add3A_635, %shift_right_logical3A_246 : vector<16xi32>
    %shift_right_logical3A_637 = vector.broadcast %squeeze3A_10 : i32 to vector<16xi32>
    %shift_right_logical3A_638 = arith.shrui %add3A_636, %shift_right_logical3A_637 : vector<16xi32>
    %and3A_639 = arith.constant 127 : i32
    %and3A_640 = vector.broadcast %and3A_639 : i32 to vector<16xi32>
    %and3A_641 = arith.andi %add3A_636, %and3A_640 : vector<16xi32>
    %gather3A_642 = tpu.vector_load_idx %arg8[%shift_right_logical3A_638, %and3A_641] : memref<2x128xi32, #tpu.memory_space<vmem>>[vector<16xi32>, vector<16xi32>], vector<16xi32>,
    %and3A_643 = arith.constant 15 : i32
    %and3A_644 = vector.broadcast %and3A_643 : i32 to vector<16xi32>
    %and3A_645 = arith.andi %gather3A_642, %and3A_644 : vector<16xi32>
    %shift_left3A_646 = vector.broadcast %squeeze3A_6 : i32 to vector<16xi32>
    %shift_left3A_647 = arith.shli %and3A_645, %shift_left3A_646 : vector<16xi32>
    %shift_right_logical3A_648 = vector.broadcast %squeeze3A_10 : i32 to vector<16xi32>
    %shift_right_logical3A_649 = arith.shrui %add3A_636, %shift_right_logical3A_648 : vector<16xi32>
    %and3A_650 = arith.constant 127 : i32
    %and3A_651 = vector.broadcast %and3A_650 : i32 to vector<16xi32>
    %and3A_652 = arith.andi %add3A_636, %and3A_651 : vector<16xi32>
    %add3A_653 = arith.addi %shift_left3A_647, %and3A_249 : vector<16xi32>
    %gather3A_654 = tpu.vector_load_idx %arg10[%shift_right_logical3A_649, %and3A_652, %add3A_653] : memref<2x128x128xf32, #tpu.memory_space<vmem>>[vector<16xi32>, vector<16xi32>, vector<16xi32>], vector<16xf32>,
    %swap3A_655 = arith.constant 15 : i32
    %swap3A_656 = arith.index_cast %swap3A_655 : i32 to index
    %swap3A_657 = arith.constant 0 : index
    %swap3A_658 = tpu.vector_load %arg11[%swap3A_656, %swap3A_657] {strides = array<i32>} : memref<128x16xf32, #tpu.memory_space<vmem>>, vector<16xf32>,
    tpu.vector_store %arg11[%swap3A_656, %swap3A_657], %gather3A_654 {strides = array<i32>} : memref<128x16xf32, #tpu.memory_space<vmem>>, vector<16xf32>,
    %add3A_659 = arith.constant 32 : i32
    %add3A_660 = vector.broadcast %add3A_659 : i32 to vector<16xi32>
    %add3A_661 = arith.addi %add3A_660, %shift_right_logical3A_246 : vector<16xi32>
    %shift_right_logical3A_662 = vector.broadcast %squeeze3A_10 : i32 to vector<16xi32>
    %shift_right_logical3A_663 = arith.shrui %add3A_661, %shift_right_logical3A_662 : vector<16xi32>
    %and3A_664 = arith.constant 127 : i32
    %and3A_665 = vector.broadcast %and3A_664 : i32 to vector<16xi32>
    %and3A_666 = arith.andi %add3A_661, %and3A_665 : vector<16xi32>
    %gather3A_667 = tpu.vector_load_idx %arg8[%shift_right_logical3A_663, %and3A_666] : memref<2x128xi32, #tpu.memory_space<vmem>>[vector<16xi32>, vector<16xi32>], vector<16xi32>,
    %and3A_668 = arith.constant 15 : i32
    %and3A_669 = vector.broadcast %and3A_668 : i32 to vector<16xi32>
    %and3A_670 = arith.andi %gather3A_667, %and3A_669 : vector<16xi32>
    %shift_left3A_671 = vector.broadcast %squeeze3A_6 : i32 to vector<16xi32>
    %shift_left3A_672 = arith.shli %and3A_670, %shift_left3A_671 : vector<16xi32>
    %shift_right_logical3A_673 = vector.broadcast %squeeze3A_10 : i32 to vector<16xi32>
    %shift_right_logical3A_674 = arith.shrui %add3A_661, %shift_right_logical3A_673 : vector<16xi32>
    %and3A_675 = arith.constant 127 : i32
    %and3A_676 = vector.broadcast %and3A_675 : i32 to vector<16xi32>
    %and3A_677 = arith.andi %add3A_661, %and3A_676 : vector<16xi32>
    %add3A_678 = arith.addi %shift_left3A_672, %and3A_249 : vector<16xi32>
    %gather3A_679 = tpu.vector_load_idx %arg10[%shift_right_logical3A_674, %and3A_677, %add3A_678] : memref<2x128x128xf32, #tpu.memory_space<vmem>>[vector<16xi32>, vector<16xi32>, vector<16xi32>], vector<16xf32>,
    %swap3A_680 = arith.constant 16 : i32
    %swap3A_681 = arith.index_cast %swap3A_680 : i32 to index
    %swap3A_682 = arith.constant 0 : index
    %swap3A_683 = tpu.vector_load %arg11[%swap3A_681, %swap3A_682] {strides = array<i32>} : memref<128x16xf32, #tpu.memory_space<vmem>>, vector<16xf32>,
    tpu.vector_store %arg11[%swap3A_681, %swap3A_682], %gather3A_679 {strides = array<i32>} : memref<128x16xf32, #tpu.memory_space<vmem>>, vector<16xf32>,
    %add3A_684 = arith.constant 34 : i32
    %add3A_685 = vector.broadcast %add3A_684 : i32 to vector<16xi32>
    %add3A_686 = arith.addi %add3A_685, %shift_right_logical3A_246 : vector<16xi32>
    %shift_right_logical3A_687 = vector.broadcast %squeeze3A_10 : i32 to vector<16xi32>
    %shift_right_logical3A_688 = arith.shrui %add3A_686, %shift_right_logical3A_687 : vector<16xi32>
    %and3A_689 = arith.constant 127 : i32
    %and3A_690 = vector.broadcast %and3A_689 : i32 to vector<16xi32>
    %and3A_691 = arith.andi %add3A_686, %and3A_690 : vector<16xi32>
    %gather3A_692 = tpu.vector_load_idx %arg8[%shift_right_logical3A_688, %and3A_691] : memref<2x128xi32, #tpu.memory_space<vmem>>[vector<16xi32>, vector<16xi32>], vector<16xi32>,
    %and3A_693 = arith.constant 15 : i32
    %and3A_694 = vector.broadcast %and3A_693 : i32 to vector<16xi32>
    %and3A_695 = arith.andi %gather3A_692, %and3A_694 : vector<16xi32>
    %shift_left3A_696 = vector.broadcast %squeeze3A_6 : i32 to vector<16xi32>
    %shift_left3A_697 = arith.shli %and3A_695, %shift_left3A_696 : vector<16xi32>
    %shift_right_logical3A_698 = vector.broadcast %squeeze3A_10 : i32 to vector<16xi32>
    %shift_right_logical3A_699 = arith.shrui %add3A_686, %shift_right_logical3A_698 : vector<16xi32>
    %and3A_700 = arith.constant 127 : i32
    %and3A_701 = vector.broadcast %and3A_700 : i32 to vector<16xi32>
    %and3A_702 = arith.andi %add3A_686, %and3A_701 : vector<16xi32>
    %add3A_703 = arith.addi %shift_left3A_697, %and3A_249 : vector<16xi32>
    %gather3A_704 = tpu.vector_load_idx %arg10[%shift_right_logical3A_699, %and3A_702, %add3A_703] : memref<2x128x128xf32, #tpu.memory_space<vmem>>[vector<16xi32>, vector<16xi32>, vector<16xi32>], vector<16xf32>,
    %swap3A_705 = arith.constant 17 : i32
    %swap3A_706 = arith.index_cast %swap3A_705 : i32 to index
    %swap3A_707 = arith.constant 0 : index
    %swap3A_708 = tpu.vector_load %arg11[%swap3A_706, %swap3A_707] {strides = array<i32>} : memref<128x16xf32, #tpu.memory_space<vmem>>, vector<16xf32>,
    tpu.vector_store %arg11[%swap3A_706, %swap3A_707], %gather3A_704 {strides = array<i32>} : memref<128x16xf32, #tpu.memory_space<vmem>>, vector<16xf32>,
    %add3A_709 = arith.constant 36 : i32
    %add3A_710 = vector.broadcast %add3A_709 : i32 to vector<16xi32>
    %add3A_711 = arith.addi %add3A_710, %shift_right_logical3A_246 : vector<16xi32>
    %shift_right_logical3A_712 = vector.broadcast %squeeze3A_10 : i32 to vector<16xi32>
    %shift_right_logical3A_713 = arith.shrui %add3A_711, %shift_right_logical3A_712 : vector<16xi32>
    %and3A_714 = arith.constant 127 : i32
    %and3A_715 = vector.broadcast %and3A_714 : i32 to vector<16xi32>
    %and3A_716 = arith.andi %add3A_711, %and3A_715 : vector<16xi32>
    %gather3A_717 = tpu.vector_load_idx %arg8[%shift_right_logical3A_713, %and3A_716] : memref<2x128xi32, #tpu.memory_space<vmem>>[vector<16xi32>, vector<16xi32>], vector<16xi32>,
    %and3A_718 = arith.constant 15 : i32
    %and3A_719 = vector.broadcast %and3A_718 : i32 to vector<16xi32>
    %and3A_720 = arith.andi %gather3A_717, %and3A_719 : vector<16xi32>
    %shift_left3A_721 = vector.broadcast %squeeze3A_6 : i32 to vector<16xi32>
    %shift_left3A_722 = arith.shli %and3A_720, %shift_left3A_721 : vector<16xi32>
    %shift_right_logical3A_723 = vector.broadcast %squeeze3A_10 : i32 to vector<16xi32>
    %shift_right_logical3A_724 = arith.shrui %add3A_711, %shift_right_logical3A_723 : vector<16xi32>
    %and3A_725 = arith.constant 127 : i32
    %and3A_726 = vector.broadcast %and3A_725 : i32 to vector<16xi32>
    %and3A_727 = arith.andi %add3A_711, %and3A_726 : vector<16xi32>
    %add3A_728 = arith.addi %shift_left3A_722, %and3A_249 : vector<16xi32>
    %gather3A_729 = tpu.vector_load_idx %arg10[%shift_right_logical3A_724, %and3A_727, %add3A_728] : memref<2x128x128xf32, #tpu.memory_space<vmem>>[vector<16xi32>, vector<16xi32>, vector<16xi32>], vector<16xf32>,
    %swap3A_730 = arith.constant 18 : i32
    %swap3A_731 = arith.index_cast %swap3A_730 : i32 to index
    %swap3A_732 = arith.constant 0 : index
    %swap3A_733 = tpu.vector_load %arg11[%swap3A_731, %swap3A_732] {strides = array<i32>} : memref<128x16xf32, #tpu.memory_space<vmem>>, vector<16xf32>,
    tpu.vector_store %arg11[%swap3A_731, %swap3A_732], %gather3A_729 {strides = array<i32>} : memref<128x16xf32, #tpu.memory_space<vmem>>, vector<16xf32>,
    %add3A_734 = arith.constant 38 : i32
    %add3A_735 = vector.broadcast %add3A_734 : i32 to vector<16xi32>
    %add3A_736 = arith.addi %add3A_735, %shift_right_logical3A_246 : vector<16xi32>
    %shift_right_logical3A_737 = vector.broadcast %squeeze3A_10 : i32 to vector<16xi32>
    %shift_right_logical3A_738 = arith.shrui %add3A_736, %shift_right_logical3A_737 : vector<16xi32>
    %and3A_739 = arith.constant 127 : i32
    %and3A_740 = vector.broadcast %and3A_739 : i32 to vector<16xi32>
    %and3A_741 = arith.andi %add3A_736, %and3A_740 : vector<16xi32>
    %gather3A_742 = tpu.vector_load_idx %arg8[%shift_right_logical3A_738, %and3A_741] : memref<2x128xi32, #tpu.memory_space<vmem>>[vector<16xi32>, vector<16xi32>], vector<16xi32>,
    %and3A_743 = arith.constant 15 : i32
    %and3A_744 = vector.broadcast %and3A_743 : i32 to vector<16xi32>
    %and3A_745 = arith.andi %gather3A_742, %and3A_744 : vector<16xi32>
    %shift_left3A_746 = vector.broadcast %squeeze3A_6 : i32 to vector<16xi32>
    %shift_left3A_747 = arith.shli %and3A_745, %shift_left3A_746 : vector<16xi32>
    %shift_right_logical3A_748 = vector.broadcast %squeeze3A_10 : i32 to vector<16xi32>
    %shift_right_logical3A_749 = arith.shrui %add3A_736, %shift_right_logical3A_748 : vector<16xi32>
    %and3A_750 = arith.constant 127 : i32
    %and3A_751 = vector.broadcast %and3A_750 : i32 to vector<16xi32>
    %and3A_752 = arith.andi %add3A_736, %and3A_751 : vector<16xi32>
    %add3A_753 = arith.addi %shift_left3A_747, %and3A_249 : vector<16xi32>
    %gather3A_754 = tpu.vector_load_idx %arg10[%shift_right_logical3A_749, %and3A_752, %add3A_753] : memref<2x128x128xf32, #tpu.memory_space<vmem>>[vector<16xi32>, vector<16xi32>, vector<16xi32>], vector<16xf32>,
    %swap3A_755 = arith.constant 19 : i32
    %swap3A_756 = arith.index_cast %swap3A_755 : i32 to index
    %swap3A_757 = arith.constant 0 : index
    %swap3A_758 = tpu.vector_load %arg11[%swap3A_756, %swap3A_757] {strides = array<i32>} : memref<128x16xf32, #tpu.memory_space<vmem>>, vector<16xf32>,
    tpu.vector_store %arg11[%swap3A_756, %swap3A_757], %gather3A_754 {strides = array<i32>} : memref<128x16xf32, #tpu.memory_space<vmem>>, vector<16xf32>,
    %add3A_759 = arith.constant 40 : i32
    %add3A_760 = vector.broadcast %add3A_759 : i32 to vector<16xi32>
    %add3A_761 = arith.addi %add3A_760, %shift_right_logical3A_246 : vector<16xi32>
    %shift_right_logical3A_762 = vector.broadcast %squeeze3A_10 : i32 to vector<16xi32>
    %shift_right_logical3A_763 = arith.shrui %add3A_761, %shift_right_logical3A_762 : vector<16xi32>
    %and3A_764 = arith.constant 127 : i32
    %and3A_765 = vector.broadcast %and3A_764 : i32 to vector<16xi32>
    %and3A_766 = arith.andi %add3A_761, %and3A_765 : vector<16xi32>
    %gather3A_767 = tpu.vector_load_idx %arg8[%shift_right_logical3A_763, %and3A_766] : memref<2x128xi32, #tpu.memory_space<vmem>>[vector<16xi32>, vector<16xi32>], vector<16xi32>,
    %and3A_768 = arith.constant 15 : i32
    %and3A_769 = vector.broadcast %and3A_768 : i32 to vector<16xi32>
    %and3A_770 = arith.andi %gather3A_767, %and3A_769 : vector<16xi32>
    %shift_left3A_771 = vector.broadcast %squeeze3A_6 : i32 to vector<16xi32>
    %shift_left3A_772 = arith.shli %and3A_770, %shift_left3A_771 : vector<16xi32>
    %shift_right_logical3A_773 = vector.broadcast %squeeze3A_10 : i32 to vector<16xi32>
    %shift_right_logical3A_774 = arith.shrui %add3A_761, %shift_right_logical3A_773 : vector<16xi32>
    %and3A_775 = arith.constant 127 : i32
    %and3A_776 = vector.broadcast %and3A_775 : i32 to vector<16xi32>
    %and3A_777 = arith.andi %add3A_761, %and3A_776 : vector<16xi32>
    %add3A_778 = arith.addi %shift_left3A_772, %and3A_249 : vector<16xi32>
    %gather3A_779 = tpu.vector_load_idx %arg10[%shift_right_logical3A_774, %and3A_777, %add3A_778] : memref<2x128x128xf32, #tpu.memory_space<vmem>>[vector<16xi32>, vector<16xi32>, vector<16xi32>], vector<16xf32>,
    %swap3A_780 = arith.constant 20 : i32
    %swap3A_781 = arith.index_cast %swap3A_780 : i32 to index
    %swap3A_782 = arith.constant 0 : index
    %swap3A_783 = tpu.vector_load %arg11[%swap3A_781, %swap3A_782] {strides = array<i32>} : memref<128x16xf32, #tpu.memory_space<vmem>>, vector<16xf32>,
    tpu.vector_store %arg11[%swap3A_781, %swap3A_782], %gather3A_779 {strides = array<i32>} : memref<128x16xf32, #tpu.memory_space<vmem>>, vector<16xf32>,
    %add3A_784 = arith.constant 42 : i32
    %add3A_785 = vector.broadcast %add3A_784 : i32 to vector<16xi32>
    %add3A_786 = arith.addi %add3A_785, %shift_right_logical3A_246 : vector<16xi32>
    %shift_right_logical3A_787 = vector.broadcast %squeeze3A_10 : i32 to vector<16xi32>
    %shift_right_logical3A_788 = arith.shrui %add3A_786, %shift_right_logical3A_787 : vector<16xi32>
    %and3A_789 = arith.constant 127 : i32
    %and3A_790 = vector.broadcast %and3A_789 : i32 to vector<16xi32>
    %and3A_791 = arith.andi %add3A_786, %and3A_790 : vector<16xi32>
    %gather3A_792 = tpu.vector_load_idx %arg8[%shift_right_logical3A_788, %and3A_791] : memref<2x128xi32, #tpu.memory_space<vmem>>[vector<16xi32>, vector<16xi32>], vector<16xi32>,
    %and3A_793 = arith.constant 15 : i32
    %and3A_794 = vector.broadcast %and3A_793 : i32 to vector<16xi32>
    %and3A_795 = arith.andi %gather3A_792, %and3A_794 : vector<16xi32>
    %shift_left3A_796 = vector.broadcast %squeeze3A_6 : i32 to vector<16xi32>
    %shift_left3A_797 = arith.shli %and3A_795, %shift_left3A_796 : vector<16xi32>
    %shift_right_logical3A_798 = vector.broadcast %squeeze3A_10 : i32 to vector<16xi32>
    %shift_right_logical3A_799 = arith.shrui %add3A_786, %shift_right_logical3A_798 : vector<16xi32>
    %and3A_800 = arith.constant 127 : i32
    %and3A_801 = vector.broadcast %and3A_800 : i32 to vector<16xi32>
    %and3A_802 = arith.andi %add3A_786, %and3A_801 : vector<16xi32>
    %add3A_803 = arith.addi %shift_left3A_797, %and3A_249 : vector<16xi32>
    %gather3A_804 = tpu.vector_load_idx %arg10[%shift_right_logical3A_799, %and3A_802, %add3A_803] : memref<2x128x128xf32, #tpu.memory_space<vmem>>[vector<16xi32>, vector<16xi32>, vector<16xi32>], vector<16xf32>,
    %swap3A_805 = arith.constant 21 : i32
    %swap3A_806 = arith.index_cast %swap3A_805 : i32 to index
    %swap3A_807 = arith.constant 0 : index
    %swap3A_808 = tpu.vector_load %arg11[%swap3A_806, %swap3A_807] {strides = array<i32>} : memref<128x16xf32, #tpu.memory_space<vmem>>, vector<16xf32>,
    tpu.vector_store %arg11[%swap3A_806, %swap3A_807], %gather3A_804 {strides = array<i32>} : memref<128x16xf32, #tpu.memory_space<vmem>>, vector<16xf32>,
    %add3A_809 = arith.constant 44 : i32
    %add3A_810 = vector.broadcast %add3A_809 : i32 to vector<16xi32>
    %add3A_811 = arith.addi %add3A_810, %shift_right_logical3A_246 : vector<16xi32>
    %shift_right_logical3A_812 = vector.broadcast %squeeze3A_10 : i32 to vector<16xi32>
    %shift_right_logical3A_813 = arith.shrui %add3A_811, %shift_right_logical3A_812 : vector<16xi32>
    %and3A_814 = arith.constant 127 : i32
    %and3A_815 = vector.broadcast %and3A_814 : i32 to vector<16xi32>
    %and3A_816 = arith.andi %add3A_811, %and3A_815 : vector<16xi32>
    %gather3A_817 = tpu.vector_load_idx %arg8[%shift_right_logical3A_813, %and3A_816] : memref<2x128xi32, #tpu.memory_space<vmem>>[vector<16xi32>, vector<16xi32>], vector<16xi32>,
    %and3A_818 = arith.constant 15 : i32
    %and3A_819 = vector.broadcast %and3A_818 : i32 to vector<16xi32>
    %and3A_820 = arith.andi %gather3A_817, %and3A_819 : vector<16xi32>
    %shift_left3A_821 = vector.broadcast %squeeze3A_6 : i32 to vector<16xi32>
    %shift_left3A_822 = arith.shli %and3A_820, %shift_left3A_821 : vector<16xi32>
    %shift_right_logical3A_823 = vector.broadcast %squeeze3A_10 : i32 to vector<16xi32>
    %shift_right_logical3A_824 = arith.shrui %add3A_811, %shift_right_logical3A_823 : vector<16xi32>
    %and3A_825 = arith.constant 127 : i32
    %and3A_826 = vector.broadcast %and3A_825 : i32 to vector<16xi32>
    %and3A_827 = arith.andi %add3A_811, %and3A_826 : vector<16xi32>
    %add3A_828 = arith.addi %shift_left3A_822, %and3A_249 : vector<16xi32>
    %gather3A_829 = tpu.vector_load_idx %arg10[%shift_right_logical3A_824, %and3A_827, %add3A_828] : memref<2x128x128xf32, #tpu.memory_space<vmem>>[vector<16xi32>, vector<16xi32>, vector<16xi32>], vector<16xf32>,
    %swap3A_830 = arith.constant 22 : i32
    %swap3A_831 = arith.index_cast %swap3A_830 : i32 to index
    %swap3A_832 = arith.constant 0 : index
    %swap3A_833 = tpu.vector_load %arg11[%swap3A_831, %swap3A_832] {strides = array<i32>} : memref<128x16xf32, #tpu.memory_space<vmem>>, vector<16xf32>,
    tpu.vector_store %arg11[%swap3A_831, %swap3A_832], %gather3A_829 {strides = array<i32>} : memref<128x16xf32, #tpu.memory_space<vmem>>, vector<16xf32>,
    %add3A_834 = arith.constant 46 : i32
    %add3A_835 = vector.broadcast %add3A_834 : i32 to vector<16xi32>
    %add3A_836 = arith.addi %add3A_835, %shift_right_logical3A_246 : vector<16xi32>
    %shift_right_logical3A_837 = vector.broadcast %squeeze3A_10 : i32 to vector<16xi32>
    %shift_right_logical3A_838 = arith.shrui %add3A_836, %shift_right_logical3A_837 : vector<16xi32>
    %and3A_839 = arith.constant 127 : i32
    %and3A_840 = vector.broadcast %and3A_839 : i32 to vector<16xi32>
    %and3A_841 = arith.andi %add3A_836, %and3A_840 : vector<16xi32>
    %gather3A_842 = tpu.vector_load_idx %arg8[%shift_right_logical3A_838, %and3A_841] : memref<2x128xi32, #tpu.memory_space<vmem>>[vector<16xi32>, vector<16xi32>], vector<16xi32>,
    %and3A_843 = arith.constant 15 : i32
    %and3A_844 = vector.broadcast %and3A_843 : i32 to vector<16xi32>
    %and3A_845 = arith.andi %gather3A_842, %and3A_844 : vector<16xi32>
    %shift_left3A_846 = vector.broadcast %squeeze3A_6 : i32 to vector<16xi32>
    %shift_left3A_847 = arith.shli %and3A_845, %shift_left3A_846 : vector<16xi32>
    %shift_right_logical3A_848 = vector.broadcast %squeeze3A_10 : i32 to vector<16xi32>
    %shift_right_logical3A_849 = arith.shrui %add3A_836, %shift_right_logical3A_848 : vector<16xi32>
    %and3A_850 = arith.constant 127 : i32
    %and3A_851 = vector.broadcast %and3A_850 : i32 to vector<16xi32>
    %and3A_852 = arith.andi %add3A_836, %and3A_851 : vector<16xi32>
    %add3A_853 = arith.addi %shift_left3A_847, %and3A_249 : vector<16xi32>
    %gather3A_854 = tpu.vector_load_idx %arg10[%shift_right_logical3A_849, %and3A_852, %add3A_853] : memref<2x128x128xf32, #tpu.memory_space<vmem>>[vector<16xi32>, vector<16xi32>, vector<16xi32>], vector<16xf32>,
    %swap3A_855 = arith.constant 23 : i32
    %swap3A_856 = arith.index_cast %swap3A_855 : i32 to index
    %swap3A_857 = arith.constant 0 : index
    %swap3A_858 = tpu.vector_load %arg11[%swap3A_856, %swap3A_857] {strides = array<i32>} : memref<128x16xf32, #tpu.memory_space<vmem>>, vector<16xf32>,
    tpu.vector_store %arg11[%swap3A_856, %swap3A_857], %gather3A_854 {strides = array<i32>} : memref<128x16xf32, #tpu.memory_space<vmem>>, vector<16xf32>,
    %add3A_859 = arith.constant 48 : i32
    %add3A_860 = vector.broadcast %add3A_859 : i32 to vector<16xi32>
    %add3A_861 = arith.addi %add3A_860, %shift_right_logical3A_246 : vector<16xi32>
    %shift_right_logical3A_862 = vector.broadcast %squeeze3A_10 : i32 to vector<16xi32>
    %shift_right_logical3A_863 = arith.shrui %add3A_861, %shift_right_logical3A_862 : vector<16xi32>
    %and3A_864 = arith.constant 127 : i32
    %and3A_865 = vector.broadcast %and3A_864 : i32 to vector<16xi32>
    %and3A_866 = arith.andi %add3A_861, %and3A_865 : vector<16xi32>
    %gather3A_867 = tpu.vector_load_idx %arg8[%shift_right_logical3A_863, %and3A_866] : memref<2x128xi32, #tpu.memory_space<vmem>>[vector<16xi32>, vector<16xi32>], vector<16xi32>,
    %and3A_868 = arith.constant 15 : i32
    %and3A_869 = vector.broadcast %and3A_868 : i32 to vector<16xi32>
    %and3A_870 = arith.andi %gather3A_867, %and3A_869 : vector<16xi32>
    %shift_left3A_871 = vector.broadcast %squeeze3A_6 : i32 to vector<16xi32>
    %shift_left3A_872 = arith.shli %and3A_870, %shift_left3A_871 : vector<16xi32>
    %shift_right_logical3A_873 = vector.broadcast %squeeze3A_10 : i32 to vector<16xi32>
    %shift_right_logical3A_874 = arith.shrui %add3A_861, %shift_right_logical3A_873 : vector<16xi32>
    %and3A_875 = arith.constant 127 : i32
    %and3A_876 = vector.broadcast %and3A_875 : i32 to vector<16xi32>
    %and3A_877 = arith.andi %add3A_861, %and3A_876 : vector<16xi32>
    %add3A_878 = arith.addi %shift_left3A_872, %and3A_249 : vector<16xi32>
    %gather3A_879 = tpu.vector_load_idx %arg10[%shift_right_logical3A_874, %and3A_877, %add3A_878] : memref<2x128x128xf32, #tpu.memory_space<vmem>>[vector<16xi32>, vector<16xi32>, vector<16xi32>], vector<16xf32>,
    %swap3A_880 = arith.constant 24 : i32
    %swap3A_881 = arith.index_cast %swap3A_880 : i32 to index
    %swap3A_882 = arith.constant 0 : index
    %swap3A_883 = tpu.vector_load %arg11[%swap3A_881, %swap3A_882] {strides = array<i32>} : memref<128x16xf32, #tpu.memory_space<vmem>>, vector<16xf32>,
    tpu.vector_store %arg11[%swap3A_881, %swap3A_882], %gather3A_879 {strides = array<i32>} : memref<128x16xf32, #tpu.memory_space<vmem>>, vector<16xf32>,
    %add3A_884 = arith.constant 50 : i32
    %add3A_885 = vector.broadcast %add3A_884 : i32 to vector<16xi32>
    %add3A_886 = arith.addi %add3A_885, %shift_right_logical3A_246 : vector<16xi32>
    %shift_right_logical3A_887 = vector.broadcast %squeeze3A_10 : i32 to vector<16xi32>
    %shift_right_logical3A_888 = arith.shrui %add3A_886, %shift_right_logical3A_887 : vector<16xi32>
    %and3A_889 = arith.constant 127 : i32
    %and3A_890 = vector.broadcast %and3A_889 : i32 to vector<16xi32>
    %and3A_891 = arith.andi %add3A_886, %and3A_890 : vector<16xi32>
    %gather3A_892 = tpu.vector_load_idx %arg8[%shift_right_logical3A_888, %and3A_891] : memref<2x128xi32, #tpu.memory_space<vmem>>[vector<16xi32>, vector<16xi32>], vector<16xi32>,
    %and3A_893 = arith.constant 15 : i32
    %and3A_894 = vector.broadcast %and3A_893 : i32 to vector<16xi32>
    %and3A_895 = arith.andi %gather3A_892, %and3A_894 : vector<16xi32>
    %shift_left3A_896 = vector.broadcast %squeeze3A_6 : i32 to vector<16xi32>
    %shift_left3A_897 = arith.shli %and3A_895, %shift_left3A_896 : vector<16xi32>
    %shift_right_logical3A_898 = vector.broadcast %squeeze3A_10 : i32 to vector<16xi32>
    %shift_right_logical3A_899 = arith.shrui %add3A_886, %shift_right_logical3A_898 : vector<16xi32>
    %and3A_900 = arith.constant 127 : i32
    %and3A_901 = vector.broadcast %and3A_900 : i32 to vector<16xi32>
    %and3A_902 = arith.andi %add3A_886, %and3A_901 : vector<16xi32>
    %add3A_903 = arith.addi %shift_left3A_897, %and3A_249 : vector<16xi32>
    %gather3A_904 = tpu.vector_load_idx %arg10[%shift_right_logical3A_899, %and3A_902, %add3A_903] : memref<2x128x128xf32, #tpu.memory_space<vmem>>[vector<16xi32>, vector<16xi32>, vector<16xi32>], vector<16xf32>,
    %swap3A_905 = arith.constant 25 : i32
    %swap3A_906 = arith.index_cast %swap3A_905 : i32 to index
    %swap3A_907 = arith.constant 0 : index
    %swap3A_908 = tpu.vector_load %arg11[%swap3A_906, %swap3A_907] {strides = array<i32>} : memref<128x16xf32, #tpu.memory_space<vmem>>, vector<16xf32>,
    tpu.vector_store %arg11[%swap3A_906, %swap3A_907], %gather3A_904 {strides = array<i32>} : memref<128x16xf32, #tpu.memory_space<vmem>>, vector<16xf32>,
    %add3A_909 = arith.constant 52 : i32
    %add3A_910 = vector.broadcast %add3A_909 : i32 to vector<16xi32>
    %add3A_911 = arith.addi %add3A_910, %shift_right_logical3A_246 : vector<16xi32>
    %shift_right_logical3A_912 = vector.broadcast %squeeze3A_10 : i32 to vector<16xi32>
    %shift_right_logical3A_913 = arith.shrui %add3A_911, %shift_right_logical3A_912 : vector<16xi32>
    %and3A_914 = arith.constant 127 : i32
    %and3A_915 = vector.broadcast %and3A_914 : i32 to vector<16xi32>
    %and3A_916 = arith.andi %add3A_911, %and3A_915 : vector<16xi32>
    %gather3A_917 = tpu.vector_load_idx %arg8[%shift_right_logical3A_913, %and3A_916] : memref<2x128xi32, #tpu.memory_space<vmem>>[vector<16xi32>, vector<16xi32>], vector<16xi32>,
    %and3A_918 = arith.constant 15 : i32
    %and3A_919 = vector.broadcast %and3A_918 : i32 to vector<16xi32>
    %and3A_920 = arith.andi %gather3A_917, %and3A_919 : vector<16xi32>
    %shift_left3A_921 = vector.broadcast %squeeze3A_6 : i32 to vector<16xi32>
    %shift_left3A_922 = arith.shli %and3A_920, %shift_left3A_921 : vector<16xi32>
    %shift_right_logical3A_923 = vector.broadcast %squeeze3A_10 : i32 to vector<16xi32>
    %shift_right_logical3A_924 = arith.shrui %add3A_911, %shift_right_logical3A_923 : vector<16xi32>
    %and3A_925 = arith.constant 127 : i32
    %and3A_926 = vector.broadcast %and3A_925 : i32 to vector<16xi32>
    %and3A_927 = arith.andi %add3A_911, %and3A_926 : vector<16xi32>
    %add3A_928 = arith.addi %shift_left3A_922, %and3A_249 : vector<16xi32>
    %gather3A_929 = tpu.vector_load_idx %arg10[%shift_right_logical3A_924, %and3A_927, %add3A_928] : memref<2x128x128xf32, #tpu.memory_space<vmem>>[vector<16xi32>, vector<16xi32>, vector<16xi32>], vector<16xf32>,
    %swap3A_930 = arith.constant 26 : i32
    %swap3A_931 = arith.index_cast %swap3A_930 : i32 to index
    %swap3A_932 = arith.constant 0 : index
    %swap3A_933 = tpu.vector_load %arg11[%swap3A_931, %swap3A_932] {strides = array<i32>} : memref<128x16xf32, #tpu.memory_space<vmem>>, vector<16xf32>,
    tpu.vector_store %arg11[%swap3A_931, %swap3A_932], %gather3A_929 {strides = array<i32>} : memref<128x16xf32, #tpu.memory_space<vmem>>, vector<16xf32>,
    %add3A_934 = arith.constant 54 : i32
    %add3A_935 = vector.broadcast %add3A_934 : i32 to vector<16xi32>
    %add3A_936 = arith.addi %add3A_935, %shift_right_logical3A_246 : vector<16xi32>
    %shift_right_logical3A_937 = vector.broadcast %squeeze3A_10 : i32 to vector<16xi32>
    %shift_right_logical3A_938 = arith.shrui %add3A_936, %shift_right_logical3A_937 : vector<16xi32>
    %and3A_939 = arith.constant 127 : i32
    %and3A_940 = vector.broadcast %and3A_939 : i32 to vector<16xi32>
    %and3A_941 = arith.andi %add3A_936, %and3A_940 : vector<16xi32>
    %gather3A_942 = tpu.vector_load_idx %arg8[%shift_right_logical3A_938, %and3A_941] : memref<2x128xi32, #tpu.memory_space<vmem>>[vector<16xi32>, vector<16xi32>], vector<16xi32>,
    %and3A_943 = arith.constant 15 : i32
    %and3A_944 = vector.broadcast %and3A_943 : i32 to vector<16xi32>
    %and3A_945 = arith.andi %gather3A_942, %and3A_944 : vector<16xi32>
    %shift_left3A_946 = vector.broadcast %squeeze3A_6 : i32 to vector<16xi32>
    %shift_left3A_947 = arith.shli %and3A_945, %shift_left3A_946 : vector<16xi32>
    %shift_right_logical3A_948 = vector.broadcast %squeeze3A_10 : i32 to vector<16xi32>
    %shift_right_logical3A_949 = arith.shrui %add3A_936, %shift_right_logical3A_948 : vector<16xi32>
    %and3A_950 = arith.constant 127 : i32
    %and3A_951 = vector.broadcast %and3A_950 : i32 to vector<16xi32>
    %and3A_952 = arith.andi %add3A_936, %and3A_951 : vector<16xi32>
    %add3A_953 = arith.addi %shift_left3A_947, %and3A_249 : vector<16xi32>
    %gather3A_954 = tpu.vector_load_idx %arg10[%shift_right_logical3A_949, %and3A_952, %add3A_953] : memref<2x128x128xf32, #tpu.memory_space<vmem>>[vector<16xi32>, vector<16xi32>, vector<16xi32>], vector<16xf32>,
    %swap3A_955 = arith.constant 27 : i32
    %swap3A_956 = arith.index_cast %swap3A_955 : i32 to index
    %swap3A_957 = arith.constant 0 : index
    %swap3A_958 = tpu.vector_load %arg11[%swap3A_956, %swap3A_957] {strides = array<i32>} : memref<128x16xf32, #tpu.memory_space<vmem>>, vector<16xf32>,
    tpu.vector_store %arg11[%swap3A_956, %swap3A_957], %gather3A_954 {strides = array<i32>} : memref<128x16xf32, #tpu.memory_space<vmem>>, vector<16xf32>,
    %add3A_959 = arith.constant 56 : i32
    %add3A_960 = vector.broadcast %add3A_959 : i32 to vector<16xi32>
    %add3A_961 = arith.addi %add3A_960, %shift_right_logical3A_246 : vector<16xi32>
    %shift_right_logical3A_962 = vector.broadcast %squeeze3A_10 : i32 to vector<16xi32>
    %shift_right_logical3A_963 = arith.shrui %add3A_961, %shift_right_logical3A_962 : vector<16xi32>
    %and3A_964 = arith.constant 127 : i32
    %and3A_965 = vector.broadcast %and3A_964 : i32 to vector<16xi32>
    %and3A_966 = arith.andi %add3A_961, %and3A_965 : vector<16xi32>
    %gather3A_967 = tpu.vector_load_idx %arg8[%shift_right_logical3A_963, %and3A_966] : memref<2x128xi32, #tpu.memory_space<vmem>>[vector<16xi32>, vector<16xi32>], vector<16xi32>,
    %and3A_968 = arith.constant 15 : i32
    %and3A_969 = vector.broadcast %and3A_968 : i32 to vector<16xi32>
    %and3A_970 = arith.andi %gather3A_967, %and3A_969 : vector<16xi32>
    %shift_left3A_971 = vector.broadcast %squeeze3A_6 : i32 to vector<16xi32>
    %shift_left3A_972 = arith.shli %and3A_970, %shift_left3A_971 : vector<16xi32>
    %shift_right_logical3A_973 = vector.broadcast %squeeze3A_10 : i32 to vector<16xi32>
    %shift_right_logical3A_974 = arith.shrui %add3A_961, %shift_right_logical3A_973 : vector<16xi32>
    %and3A_975 = arith.constant 127 : i32
    %and3A_976 = vector.broadcast %and3A_975 : i32 to vector<16xi32>
    %and3A_977 = arith.andi %add3A_961, %and3A_976 : vector<16xi32>
    %add3A_978 = arith.addi %shift_left3A_972, %and3A_249 : vector<16xi32>
    %gather3A_979 = tpu.vector_load_idx %arg10[%shift_right_logical3A_974, %and3A_977, %add3A_978] : memref<2x128x128xf32, #tpu.memory_space<vmem>>[vector<16xi32>, vector<16xi32>, vector<16xi32>], vector<16xf32>,
    %swap3A_980 = arith.constant 28 : i32
    %swap3A_981 = arith.index_cast %swap3A_980 : i32 to index
    %swap3A_982 = arith.constant 0 : index
    %swap3A_983 = tpu.vector_load %arg11[%swap3A_981, %swap3A_982] {strides = array<i32>} : memref<128x16xf32, #tpu.memory_space<vmem>>, vector<16xf32>,
    tpu.vector_store %arg11[%swap3A_981, %swap3A_982], %gather3A_979 {strides = array<i32>} : memref<128x16xf32, #tpu.memory_space<vmem>>, vector<16xf32>,
    %add3A_984 = arith.constant 58 : i32
    %add3A_985 = vector.broadcast %add3A_984 : i32 to vector<16xi32>
    %add3A_986 = arith.addi %add3A_985, %shift_right_logical3A_246 : vector<16xi32>
    %shift_right_logical3A_987 = vector.broadcast %squeeze3A_10 : i32 to vector<16xi32>
    %shift_right_logical3A_988 = arith.shrui %add3A_986, %shift_right_logical3A_987 : vector<16xi32>
    %and3A_989 = arith.constant 127 : i32
    %and3A_990 = vector.broadcast %and3A_989 : i32 to vector<16xi32>
    %and3A_991 = arith.andi %add3A_986, %and3A_990 : vector<16xi32>
    %gather3A_992 = tpu.vector_load_idx %arg8[%shift_right_logical3A_988, %and3A_991] : memref<2x128xi32, #tpu.memory_space<vmem>>[vector<16xi32>, vector<16xi32>], vector<16xi32>,
    %and3A_993 = arith.constant 15 : i32
    %and3A_994 = vector.broadcast %and3A_993 : i32 to vector<16xi32>
    %and3A_995 = arith.andi %gather3A_992, %and3A_994 : vector<16xi32>
    %shift_left3A_996 = vector.broadcast %squeeze3A_6 : i32 to vector<16xi32>
    %shift_left3A_997 = arith.shli %and3A_995, %shift_left3A_996 : vector<16xi32>
    %shift_right_logical3A_998 = vector.broadcast %squeeze3A_10 : i32 to vector<16xi32>
    %shift_right_logical3A_999 = arith.shrui %add3A_986, %shift_right_logical3A_998 : vector<16xi32>
    %and3A_1000 = arith.constant 127 : i32
    %and3A_1001 = vector.broadcast %and3A_1000 : i32 to vector<16xi32>
    %and3A_1002 = arith.andi %add3A_986, %and3A_1001 : vector<16xi32>
    %add3A_1003 = arith.addi %shift_left3A_997, %and3A_249 : vector<16xi32>
    %gather3A_1004 = tpu.vector_load_idx %arg10[%shift_right_logical3A_999, %and3A_1002, %add3A_1003] : memref<2x128x128xf32, #tpu.memory_space<vmem>>[vector<16xi32>, vector<16xi32>, vector<16xi32>], vector<16xf32>,
    %swap3A_1005 = arith.constant 29 : i32
    %swap3A_1006 = arith.index_cast %swap3A_1005 : i32 to index
    %swap3A_1007 = arith.constant 0 : index
    %swap3A_1008 = tpu.vector_load %arg11[%swap3A_1006, %swap3A_1007] {strides = array<i32>} : memref<128x16xf32, #tpu.memory_space<vmem>>, vector<16xf32>,
    tpu.vector_store %arg11[%swap3A_1006, %swap3A_1007], %gather3A_1004 {strides = array<i32>} : memref<128x16xf32, #tpu.memory_space<vmem>>, vector<16xf32>,
    %add3A_1009 = arith.constant 60 : i32
    %add3A_1010 = vector.broadcast %add3A_1009 : i32 to vector<16xi32>
    %add3A_1011 = arith.addi %add3A_1010, %shift_right_logical3A_246 : vector<16xi32>
    %shift_right_logical3A_1012 = vector.broadcast %squeeze3A_10 : i32 to vector<16xi32>
    %shift_right_logical3A_1013 = arith.shrui %add3A_1011, %shift_right_logical3A_1012 : vector<16xi32>
    %and3A_1014 = arith.constant 127 : i32
    %and3A_1015 = vector.broadcast %and3A_1014 : i32 to vector<16xi32>
    %and3A_1016 = arith.andi %add3A_1011, %and3A_1015 : vector<16xi32>
    %gather3A_1017 = tpu.vector_load_idx %arg8[%shift_right_logical3A_1013, %and3A_1016] : memref<2x128xi32, #tpu.memory_space<vmem>>[vector<16xi32>, vector<16xi32>], vector<16xi32>,
    %and3A_1018 = arith.constant 15 : i32
    %and3A_1019 = vector.broadcast %and3A_1018 : i32 to vector<16xi32>
    %and3A_1020 = arith.andi %gather3A_1017, %and3A_1019 : vector<16xi32>
    %shift_left3A_1021 = vector.broadcast %squeeze3A_6 : i32 to vector<16xi32>
    %shift_left3A_1022 = arith.shli %and3A_1020, %shift_left3A_1021 : vector<16xi32>
    %shift_right_logical3A_1023 = vector.broadcast %squeeze3A_10 : i32 to vector<16xi32>
    %shift_right_logical3A_1024 = arith.shrui %add3A_1011, %shift_right_logical3A_1023 : vector<16xi32>
    %and3A_1025 = arith.constant 127 : i32
    %and3A_1026 = vector.broadcast %and3A_1025 : i32 to vector<16xi32>
    %and3A_1027 = arith.andi %add3A_1011, %and3A_1026 : vector<16xi32>
    %add3A_1028 = arith.addi %shift_left3A_1022, %and3A_249 : vector<16xi32>
    %gather3A_1029 = tpu.vector_load_idx %arg10[%shift_right_logical3A_1024, %and3A_1027, %add3A_1028] : memref<2x128x128xf32, #tpu.memory_space<vmem>>[vector<16xi32>, vector<16xi32>, vector<16xi32>], vector<16xf32>,
    %swap3A_1030 = arith.constant 30 : i32
    %swap3A_1031 = arith.index_cast %swap3A_1030 : i32 to index
    %swap3A_1032 = arith.constant 0 : index
    %swap3A_1033 = tpu.vector_load %arg11[%swap3A_1031, %swap3A_1032] {strides = array<i32>} : memref<128x16xf32, #tpu.memory_space<vmem>>, vector<16xf32>,
    tpu.vector_store %arg11[%swap3A_1031, %swap3A_1032], %gather3A_1029 {strides = array<i32>} : memref<128x16xf32, #tpu.memory_space<vmem>>, vector<16xf32>,
    %add3A_1034 = arith.constant 62 : i32
    %add3A_1035 = vector.broadcast %add3A_1034 : i32 to vector<16xi32>
    %add3A_1036 = arith.addi %add3A_1035, %shift_right_logical3A_246 : vector<16xi32>
    %shift_right_logical3A_1037 = vector.broadcast %squeeze3A_10 : i32 to vector<16xi32>
    %shift_right_logical3A_1038 = arith.shrui %add3A_1036, %shift_right_logical3A_1037 : vector<16xi32>
    %and3A_1039 = arith.constant 127 : i32
    %and3A_1040 = vector.broadcast %and3A_1039 : i32 to vector<16xi32>
    %and3A_1041 = arith.andi %add3A_1036, %and3A_1040 : vector<16xi32>
    %gather3A_1042 = tpu.vector_load_idx %arg8[%shift_right_logical3A_1038, %and3A_1041] : memref<2x128xi32, #tpu.memory_space<vmem>>[vector<16xi32>, vector<16xi32>], vector<16xi32>,
    %and3A_1043 = arith.constant 15 : i32
    %and3A_1044 = vector.broadcast %and3A_1043 : i32 to vector<16xi32>
    %and3A_1045 = arith.andi %gather3A_1042, %and3A_1044 : vector<16xi32>
    %shift_left3A_1046 = vector.broadcast %squeeze3A_6 : i32 to vector<16xi32>
    %shift_left3A_1047 = arith.shli %and3A_1045, %shift_left3A_1046 : vector<16xi32>
    %shift_right_logical3A_1048 = vector.broadcast %squeeze3A_10 : i32 to vector<16xi32>
    %shift_right_logical3A_1049 = arith.shrui %add3A_1036, %shift_right_logical3A_1048 : vector<16xi32>
    %and3A_1050 = arith.constant 127 : i32
    %and3A_1051 = vector.broadcast %and3A_1050 : i32 to vector<16xi32>
    %and3A_1052 = arith.andi %add3A_1036, %and3A_1051 : vector<16xi32>
    %add3A_1053 = arith.addi %shift_left3A_1047, %and3A_249 : vector<16xi32>
    %gather3A_1054 = tpu.vector_load_idx %arg10[%shift_right_logical3A_1049, %and3A_1052, %add3A_1053] : memref<2x128x128xf32, #tpu.memory_space<vmem>>[vector<16xi32>, vector<16xi32>, vector<16xi32>], vector<16xf32>,
    %swap3A_1055 = arith.constant 31 : i32
    %swap3A_1056 = arith.index_cast %swap3A_1055 : i32 to index
    %swap3A_1057 = arith.constant 0 : index
    %swap3A_1058 = tpu.vector_load %arg11[%swap3A_1056, %swap3A_1057] {strides = array<i32>} : memref<128x16xf32, #tpu.memory_space<vmem>>, vector<16xf32>,
    tpu.vector_store %arg11[%swap3A_1056, %swap3A_1057], %gather3A_1054 {strides = array<i32>} : memref<128x16xf32, #tpu.memory_space<vmem>>, vector<16xf32>,
    %add3A_1059 = arith.constant 64 : i32
    %add3A_1060 = vector.broadcast %add3A_1059 : i32 to vector<16xi32>
    %add3A_1061 = arith.addi %add3A_1060, %shift_right_logical3A_246 : vector<16xi32>
    %shift_right_logical3A_1062 = vector.broadcast %squeeze3A_10 : i32 to vector<16xi32>
    %shift_right_logical3A_1063 = arith.shrui %add3A_1061, %shift_right_logical3A_1062 : vector<16xi32>
    %and3A_1064 = arith.constant 127 : i32
    %and3A_1065 = vector.broadcast %and3A_1064 : i32 to vector<16xi32>
    %and3A_1066 = arith.andi %add3A_1061, %and3A_1065 : vector<16xi32>
    %gather3A_1067 = tpu.vector_load_idx %arg8[%shift_right_logical3A_1063, %and3A_1066] : memref<2x128xi32, #tpu.memory_space<vmem>>[vector<16xi32>, vector<16xi32>], vector<16xi32>,
    %and3A_1068 = arith.constant 15 : i32
    %and3A_1069 = vector.broadcast %and3A_1068 : i32 to vector<16xi32>
    %and3A_1070 = arith.andi %gather3A_1067, %and3A_1069 : vector<16xi32>
    %shift_left3A_1071 = vector.broadcast %squeeze3A_6 : i32 to vector<16xi32>
    %shift_left3A_1072 = arith.shli %and3A_1070, %shift_left3A_1071 : vector<16xi32>
    %shift_right_logical3A_1073 = vector.broadcast %squeeze3A_10 : i32 to vector<16xi32>
    %shift_right_logical3A_1074 = arith.shrui %add3A_1061, %shift_right_logical3A_1073 : vector<16xi32>
    %and3A_1075 = arith.constant 127 : i32
    %and3A_1076 = vector.broadcast %and3A_1075 : i32 to vector<16xi32>
    %and3A_1077 = arith.andi %add3A_1061, %and3A_1076 : vector<16xi32>
    %add3A_1078 = arith.addi %shift_left3A_1072, %and3A_249 : vector<16xi32>
    %gather3A_1079 = tpu.vector_load_idx %arg10[%shift_right_logical3A_1074, %and3A_1077, %add3A_1078] : memref<2x128x128xf32, #tpu.memory_space<vmem>>[vector<16xi32>, vector<16xi32>, vector<16xi32>], vector<16xf32>,
    %swap3A_1080 = arith.constant 32 : i32
    %swap3A_1081 = arith.index_cast %swap3A_1080 : i32 to index
    %swap3A_1082 = arith.constant 0 : index
    %swap3A_1083 = tpu.vector_load %arg11[%swap3A_1081, %swap3A_1082] {strides = array<i32>} : memref<128x16xf32, #tpu.memory_space<vmem>>, vector<16xf32>,
    tpu.vector_store %arg11[%swap3A_1081, %swap3A_1082], %gather3A_1079 {strides = array<i32>} : memref<128x16xf32, #tpu.memory_space<vmem>>, vector<16xf32>,
    %add3A_1084 = arith.constant 66 : i32
    %add3A_1085 = vector.broadcast %add3A_1084 : i32 to vector<16xi32>
    %add3A_1086 = arith.addi %add3A_1085, %shift_right_logical3A_246 : vector<16xi32>
    %shift_right_logical3A_1087 = vector.broadcast %squeeze3A_10 : i32 to vector<16xi32>
    %shift_right_logical3A_1088 = arith.shrui %add3A_1086, %shift_right_logical3A_1087 : vector<16xi32>
    %and3A_1089 = arith.constant 127 : i32
    %and3A_1090 = vector.broadcast %and3A_1089 : i32 to vector<16xi32>
    %and3A_1091 = arith.andi %add3A_1086, %and3A_1090 : vector<16xi32>
    %gather3A_1092 = tpu.vector_load_idx %arg8[%shift_right_logical3A_1088, %and3A_1091] : memref<2x128xi32, #tpu.memory_space<vmem>>[vector<16xi32>, vector<16xi32>], vector<16xi32>,
    %and3A_1093 = arith.constant 15 : i32
    %and3A_1094 = vector.broadcast %and3A_1093 : i32 to vector<16xi32>
    %and3A_1095 = arith.andi %gather3A_1092, %and3A_1094 : vector<16xi32>
    %shift_left3A_1096 = vector.broadcast %squeeze3A_6 : i32 to vector<16xi32>
    %shift_left3A_1097 = arith.shli %and3A_1095, %shift_left3A_1096 : vector<16xi32>
    %shift_right_logical3A_1098 = vector.broadcast %squeeze3A_10 : i32 to vector<16xi32>
    %shift_right_logical3A_1099 = arith.shrui %add3A_1086, %shift_right_logical3A_1098 : vector<16xi32>
    %and3A_1100 = arith.constant 127 : i32
    %and3A_1101 = vector.broadcast %and3A_1100 : i32 to vector<16xi32>
    %and3A_1102 = arith.andi %add3A_1086, %and3A_1101 : vector<16xi32>
    %add3A_1103 = arith.addi %shift_left3A_1097, %and3A_249 : vector<16xi32>
    %gather3A_1104 = tpu.vector_load_idx %arg10[%shift_right_logical3A_1099, %and3A_1102, %add3A_1103] : memref<2x128x128xf32, #tpu.memory_space<vmem>>[vector<16xi32>, vector<16xi32>, vector<16xi32>], vector<16xf32>,
    %swap3A_1105 = arith.constant 33 : i32
    %swap3A_1106 = arith.index_cast %swap3A_1105 : i32 to index
    %swap3A_1107 = arith.constant 0 : index
    %swap3A_1108 = tpu.vector_load %arg11[%swap3A_1106, %swap3A_1107] {strides = array<i32>} : memref<128x16xf32, #tpu.memory_space<vmem>>, vector<16xf32>,
    tpu.vector_store %arg11[%swap3A_1106, %swap3A_1107], %gather3A_1104 {strides = array<i32>} : memref<128x16xf32, #tpu.memory_space<vmem>>, vector<16xf32>,
    %add3A_1109 = arith.constant 68 : i32
    %add3A_1110 = vector.broadcast %add3A_1109 : i32 to vector<16xi32>
    %add3A_1111 = arith.addi %add3A_1110, %shift_right_logical3A_246 : vector<16xi32>
    %shift_right_logical3A_1112 = vector.broadcast %squeeze3A_10 : i32 to vector<16xi32>
    %shift_right_logical3A_1113 = arith.shrui %add3A_1111, %shift_right_logical3A_1112 : vector<16xi32>
    %and3A_1114 = arith.constant 127 : i32
    %and3A_1115 = vector.broadcast %and3A_1114 : i32 to vector<16xi32>
    %and3A_1116 = arith.andi %add3A_1111, %and3A_1115 : vector<16xi32>
    %gather3A_1117 = tpu.vector_load_idx %arg8[%shift_right_logical3A_1113, %and3A_1116] : memref<2x128xi32, #tpu.memory_space<vmem>>[vector<16xi32>, vector<16xi32>], vector<16xi32>,
    %and3A_1118 = arith.constant 15 : i32
    %and3A_1119 = vector.broadcast %and3A_1118 : i32 to vector<16xi32>
    %and3A_1120 = arith.andi %gather3A_1117, %and3A_1119 : vector<16xi32>
    %shift_left3A_1121 = vector.broadcast %squeeze3A_6 : i32 to vector<16xi32>
    %shift_left3A_1122 = arith.shli %and3A_1120, %shift_left3A_1121 : vector<16xi32>
    %shift_right_logical3A_1123 = vector.broadcast %squeeze3A_10 : i32 to vector<16xi32>
    %shift_right_logical3A_1124 = arith.shrui %add3A_1111, %shift_right_logical3A_1123 : vector<16xi32>
    %and3A_1125 = arith.constant 127 : i32
    %and3A_1126 = vector.broadcast %and3A_1125 : i32 to vector<16xi32>
    %and3A_1127 = arith.andi %add3A_1111, %and3A_1126 : vector<16xi32>
    %add3A_1128 = arith.addi %shift_left3A_1122, %and3A_249 : vector<16xi32>
    %gather3A_1129 = tpu.vector_load_idx %arg10[%shift_right_logical3A_1124, %and3A_1127, %add3A_1128] : memref<2x128x128xf32, #tpu.memory_space<vmem>>[vector<16xi32>, vector<16xi32>, vector<16xi32>], vector<16xf32>,
    %swap3A_1130 = arith.constant 34 : i32
    %swap3A_1131 = arith.index_cast %swap3A_1130 : i32 to index
    %swap3A_1132 = arith.constant 0 : index
    %swap3A_1133 = tpu.vector_load %arg11[%swap3A_1131, %swap3A_1132] {strides = array<i32>} : memref<128x16xf32, #tpu.memory_space<vmem>>, vector<16xf32>,
    tpu.vector_store %arg11[%swap3A_1131, %swap3A_1132], %gather3A_1129 {strides = array<i32>} : memref<128x16xf32, #tpu.memory_space<vmem>>, vector<16xf32>,
    %add3A_1134 = arith.constant 70 : i32
    %add3A_1135 = vector.broadcast %add3A_1134 : i32 to vector<16xi32>
    %add3A_1136 = arith.addi %add3A_1135, %shift_right_logical3A_246 : vector<16xi32>
    %shift_right_logical3A_1137 = vector.broadcast %squeeze3A_10 : i32 to vector<16xi32>
    %shift_right_logical3A_1138 = arith.shrui %add3A_1136, %shift_right_logical3A_1137 : vector<16xi32>
    %and3A_1139 = arith.constant 127 : i32
    %and3A_1140 = vector.broadcast %and3A_1139 : i32 to vector<16xi32>
    %and3A_1141 = arith.andi %add3A_1136, %and3A_1140 : vector<16xi32>
    %gather3A_1142 = tpu.vector_load_idx %arg8[%shift_right_logical3A_1138, %and3A_1141] : memref<2x128xi32, #tpu.memory_space<vmem>>[vector<16xi32>, vector<16xi32>], vector<16xi32>,
    %and3A_1143 = arith.constant 15 : i32
    %and3A_1144 = vector.broadcast %and3A_1143 : i32 to vector<16xi32>
    %and3A_1145 = arith.andi %gather3A_1142, %and3A_1144 : vector<16xi32>
    %shift_left3A_1146 = vector.broadcast %squeeze3A_6 : i32 to vector<16xi32>
    %shift_left3A_1147 = arith.shli %and3A_1145, %shift_left3A_1146 : vector<16xi32>
    %shift_right_logical3A_1148 = vector.broadcast %squeeze3A_10 : i32 to vector<16xi32>
    %shift_right_logical3A_1149 = arith.shrui %add3A_1136, %shift_right_logical3A_1148 : vector<16xi32>
    %and3A_1150 = arith.constant 127 : i32
    %and3A_1151 = vector.broadcast %and3A_1150 : i32 to vector<16xi32>
    %and3A_1152 = arith.andi %add3A_1136, %and3A_1151 : vector<16xi32>
    %add3A_1153 = arith.addi %shift_left3A_1147, %and3A_249 : vector<16xi32>
    %gather3A_1154 = tpu.vector_load_idx %arg10[%shift_right_logical3A_1149, %and3A_1152, %add3A_1153] : memref<2x128x128xf32, #tpu.memory_space<vmem>>[vector<16xi32>, vector<16xi32>, vector<16xi32>], vector<16xf32>,
    %swap3A_1155 = arith.constant 35 : i32
    %swap3A_1156 = arith.index_cast %swap3A_1155 : i32 to index
    %swap3A_1157 = arith.constant 0 : index
    %swap3A_1158 = tpu.vector_load %arg11[%swap3A_1156, %swap3A_1157] {strides = array<i32>} : memref<128x16xf32, #tpu.memory_space<vmem>>, vector<16xf32>,
    tpu.vector_store %arg11[%swap3A_1156, %swap3A_1157], %gather3A_1154 {strides = array<i32>} : memref<128x16xf32, #tpu.memory_space<vmem>>, vector<16xf32>,
    %add3A_1159 = arith.constant 72 : i32
    %add3A_1160 = vector.broadcast %add3A_1159 : i32 to vector<16xi32>
    %add3A_1161 = arith.addi %add3A_1160, %shift_right_logical3A_246 : vector<16xi32>
    %shift_right_logical3A_1162 = vector.broadcast %squeeze3A_10 : i32 to vector<16xi32>
    %shift_right_logical3A_1163 = arith.shrui %add3A_1161, %shift_right_logical3A_1162 : vector<16xi32>
    %and3A_1164 = arith.constant 127 : i32
    %and3A_1165 = vector.broadcast %and3A_1164 : i32 to vector<16xi32>
    %and3A_1166 = arith.andi %add3A_1161, %and3A_1165 : vector<16xi32>
    %gather3A_1167 = tpu.vector_load_idx %arg8[%shift_right_logical3A_1163, %and3A_1166] : memref<2x128xi32, #tpu.memory_space<vmem>>[vector<16xi32>, vector<16xi32>], vector<16xi32>,
    %and3A_1168 = arith.constant 15 : i32
    %and3A_1169 = vector.broadcast %and3A_1168 : i32 to vector<16xi32>
    %and3A_1170 = arith.andi %gather3A_1167, %and3A_1169 : vector<16xi32>
    %shift_left3A_1171 = vector.broadcast %squeeze3A_6 : i32 to vector<16xi32>
    %shift_left3A_1172 = arith.shli %and3A_1170, %shift_left3A_1171 : vector<16xi32>
    %shift_right_logical3A_1173 = vector.broadcast %squeeze3A_10 : i32 to vector<16xi32>
    %shift_right_logical3A_1174 = arith.shrui %add3A_1161, %shift_right_logical3A_1173 : vector<16xi32>
    %and3A_1175 = arith.constant 127 : i32
    %and3A_1176 = vector.broadcast %and3A_1175 : i32 to vector<16xi32>
    %and3A_1177 = arith.andi %add3A_1161, %and3A_1176 : vector<16xi32>
    %add3A_1178 = arith.addi %shift_left3A_1172, %and3A_249 : vector<16xi32>
    %gather3A_1179 = tpu.vector_load_idx %arg10[%shift_right_logical3A_1174, %and3A_1177, %add3A_1178] : memref<2x128x128xf32, #tpu.memory_space<vmem>>[vector<16xi32>, vector<16xi32>, vector<16xi32>], vector<16xf32>,
    %swap3A_1180 = arith.constant 36 : i32
    %swap3A_1181 = arith.index_cast %swap3A_1180 : i32 to index
    %swap3A_1182 = arith.constant 0 : index
    %swap3A_1183 = tpu.vector_load %arg11[%swap3A_1181, %swap3A_1182] {strides = array<i32>} : memref<128x16xf32, #tpu.memory_space<vmem>>, vector<16xf32>,
    tpu.vector_store %arg11[%swap3A_1181, %swap3A_1182], %gather3A_1179 {strides = array<i32>} : memref<128x16xf32, #tpu.memory_space<vmem>>, vector<16xf32>,
    %add3A_1184 = arith.constant 74 : i32
    %add3A_1185 = vector.broadcast %add3A_1184 : i32 to vector<16xi32>
    %add3A_1186 = arith.addi %add3A_1185, %shift_right_logical3A_246 : vector<16xi32>
    %shift_right_logical3A_1187 = vector.broadcast %squeeze3A_10 : i32 to vector<16xi32>
    %shift_right_logical3A_1188 = arith.shrui %add3A_1186, %shift_right_logical3A_1187 : vector<16xi32>
    %and3A_1189 = arith.constant 127 : i32
    %and3A_1190 = vector.broadcast %and3A_1189 : i32 to vector<16xi32>
    %and3A_1191 = arith.andi %add3A_1186, %and3A_1190 : vector<16xi32>
    %gather3A_1192 = tpu.vector_load_idx %arg8[%shift_right_logical3A_1188, %and3A_1191] : memref<2x128xi32, #tpu.memory_space<vmem>>[vector<16xi32>, vector<16xi32>], vector<16xi32>,
    %and3A_1193 = arith.constant 15 : i32
    %and3A_1194 = vector.broadcast %and3A_1193 : i32 to vector<16xi32>
    %and3A_1195 = arith.andi %gather3A_1192, %and3A_1194 : vector<16xi32>
    %shift_left3A_1196 = vector.broadcast %squeeze3A_6 : i32 to vector<16xi32>
    %shift_left3A_1197 = arith.shli %and3A_1195, %shift_left3A_1196 : vector<16xi32>
    %shift_right_logical3A_1198 = vector.broadcast %squeeze3A_10 : i32 to vector<16xi32>
    %shift_right_logical3A_1199 = arith.shrui %add3A_1186, %shift_right_logical3A_1198 : vector<16xi32>
    %and3A_1200 = arith.constant 127 : i32
    %and3A_1201 = vector.broadcast %and3A_1200 : i32 to vector<16xi32>
    %and3A_1202 = arith.andi %add3A_1186, %and3A_1201 : vector<16xi32>
    %add3A_1203 = arith.addi %shift_left3A_1197, %and3A_249 : vector<16xi32>
    %gather3A_1204 = tpu.vector_load_idx %arg10[%shift_right_logical3A_1199, %and3A_1202, %add3A_1203] : memref<2x128x128xf32, #tpu.memory_space<vmem>>[vector<16xi32>, vector<16xi32>, vector<16xi32>], vector<16xf32>,
    %swap3A_1205 = arith.constant 37 : i32
    %swap3A_1206 = arith.index_cast %swap3A_1205 : i32 to index
    %swap3A_1207 = arith.constant 0 : index
    %swap3A_1208 = tpu.vector_load %arg11[%swap3A_1206, %swap3A_1207] {strides = array<i32>} : memref<128x16xf32, #tpu.memory_space<vmem>>, vector<16xf32>,
    tpu.vector_store %arg11[%swap3A_1206, %swap3A_1207], %gather3A_1204 {strides = array<i32>} : memref<128x16xf32, #tpu.memory_space<vmem>>, vector<16xf32>,
    %add3A_1209 = arith.constant 76 : i32
    %add3A_1210 = vector.broadcast %add3A_1209 : i32 to vector<16xi32>
    %add3A_1211 = arith.addi %add3A_1210, %shift_right_logical3A_246 : vector<16xi32>
    %shift_right_logical3A_1212 = vector.broadcast %squeeze3A_10 : i32 to vector<16xi32>
    %shift_right_logical3A_1213 = arith.shrui %add3A_1211, %shift_right_logical3A_1212 : vector<16xi32>
    %and3A_1214 = arith.constant 127 : i32
    %and3A_1215 = vector.broadcast %and3A_1214 : i32 to vector<16xi32>
    %and3A_1216 = arith.andi %add3A_1211, %and3A_1215 : vector<16xi32>
    %gather3A_1217 = tpu.vector_load_idx %arg8[%shift_right_logical3A_1213, %and3A_1216] : memref<2x128xi32, #tpu.memory_space<vmem>>[vector<16xi32>, vector<16xi32>], vector<16xi32>,
    %and3A_1218 = arith.constant 15 : i32
    %and3A_1219 = vector.broadcast %and3A_1218 : i32 to vector<16xi32>
    %and3A_1220 = arith.andi %gather3A_1217, %and3A_1219 : vector<16xi32>
    %shift_left3A_1221 = vector.broadcast %squeeze3A_6 : i32 to vector<16xi32>
    %shift_left3A_1222 = arith.shli %and3A_1220, %shift_left3A_1221 : vector<16xi32>
    %shift_right_logical3A_1223 = vector.broadcast %squeeze3A_10 : i32 to vector<16xi32>
    %shift_right_logical3A_1224 = arith.shrui %add3A_1211, %shift_right_logical3A_1223 : vector<16xi32>
    %and3A_1225 = arith.constant 127 : i32
    %and3A_1226 = vector.broadcast %and3A_1225 : i32 to vector<16xi32>
    %and3A_1227 = arith.andi %add3A_1211, %and3A_1226 : vector<16xi32>
    %add3A_1228 = arith.addi %shift_left3A_1222, %and3A_249 : vector<16xi32>
    %gather3A_1229 = tpu.vector_load_idx %arg10[%shift_right_logical3A_1224, %and3A_1227, %add3A_1228] : memref<2x128x128xf32, #tpu.memory_space<vmem>>[vector<16xi32>, vector<16xi32>, vector<16xi32>], vector<16xf32>,
    %swap3A_1230 = arith.constant 38 : i32
    %swap3A_1231 = arith.index_cast %swap3A_1230 : i32 to index
    %swap3A_1232 = arith.constant 0 : index
    %swap3A_1233 = tpu.vector_load %arg11[%swap3A_1231, %swap3A_1232] {strides = array<i32>} : memref<128x16xf32, #tpu.memory_space<vmem>>, vector<16xf32>,
    tpu.vector_store %arg11[%swap3A_1231, %swap3A_1232], %gather3A_1229 {strides = array<i32>} : memref<128x16xf32, #tpu.memory_space<vmem>>, vector<16xf32>,
    %add3A_1234 = arith.constant 78 : i32
    %add3A_1235 = vector.broadcast %add3A_1234 : i32 to vector<16xi32>
    %add3A_1236 = arith.addi %add3A_1235, %shift_right_logical3A_246 : vector<16xi32>
    %shift_right_logical3A_1237 = vector.broadcast %squeeze3A_10 : i32 to vector<16xi32>
    %shift_right_logical3A_1238 = arith.shrui %add3A_1236, %shift_right_logical3A_1237 : vector<16xi32>
    %and3A_1239 = arith.constant 127 : i32
    %and3A_1240 = vector.broadcast %and3A_1239 : i32 to vector<16xi32>
    %and3A_1241 = arith.andi %add3A_1236, %and3A_1240 : vector<16xi32>
    %gather3A_1242 = tpu.vector_load_idx %arg8[%shift_right_logical3A_1238, %and3A_1241] : memref<2x128xi32, #tpu.memory_space<vmem>>[vector<16xi32>, vector<16xi32>], vector<16xi32>,
    %and3A_1243 = arith.constant 15 : i32
    %and3A_1244 = vector.broadcast %and3A_1243 : i32 to vector<16xi32>
    %and3A_1245 = arith.andi %gather3A_1242, %and3A_1244 : vector<16xi32>
    %shift_left3A_1246 = vector.broadcast %squeeze3A_6 : i32 to vector<16xi32>
    %shift_left3A_1247 = arith.shli %and3A_1245, %shift_left3A_1246 : vector<16xi32>
    %shift_right_logical3A_1248 = vector.broadcast %squeeze3A_10 : i32 to vector<16xi32>
    %shift_right_logical3A_1249 = arith.shrui %add3A_1236, %shift_right_logical3A_1248 : vector<16xi32>
    %and3A_1250 = arith.constant 127 : i32
    %and3A_1251 = vector.broadcast %and3A_1250 : i32 to vector<16xi32>
    %and3A_1252 = arith.andi %add3A_1236, %and3A_1251 : vector<16xi32>
    %add3A_1253 = arith.addi %shift_left3A_1247, %and3A_249 : vector<16xi32>
    %gather3A_1254 = tpu.vector_load_idx %arg10[%shift_right_logical3A_1249, %and3A_1252, %add3A_1253] : memref<2x128x128xf32, #tpu.memory_space<vmem>>[vector<16xi32>, vector<16xi32>, vector<16xi32>], vector<16xf32>,
    %swap3A_1255 = arith.constant 39 : i32
    %swap3A_1256 = arith.index_cast %swap3A_1255 : i32 to index
    %swap3A_1257 = arith.constant 0 : index
    %swap3A_1258 = tpu.vector_load %arg11[%swap3A_1256, %swap3A_1257] {strides = array<i32>} : memref<128x16xf32, #tpu.memory_space<vmem>>, vector<16xf32>,
    tpu.vector_store %arg11[%swap3A_1256, %swap3A_1257], %gather3A_1254 {strides = array<i32>} : memref<128x16xf32, #tpu.memory_space<vmem>>, vector<16xf32>,
    %add3A_1259 = arith.constant 80 : i32
    %add3A_1260 = vector.broadcast %add3A_1259 : i32 to vector<16xi32>
    %add3A_1261 = arith.addi %add3A_1260, %shift_right_logical3A_246 : vector<16xi32>
    %shift_right_logical3A_1262 = vector.broadcast %squeeze3A_10 : i32 to vector<16xi32>
    %shift_right_logical3A_1263 = arith.shrui %add3A_1261, %shift_right_logical3A_1262 : vector<16xi32>
    %and3A_1264 = arith.constant 127 : i32
    %and3A_1265 = vector.broadcast %and3A_1264 : i32 to vector<16xi32>
    %and3A_1266 = arith.andi %add3A_1261, %and3A_1265 : vector<16xi32>
    %gather3A_1267 = tpu.vector_load_idx %arg8[%shift_right_logical3A_1263, %and3A_1266] : memref<2x128xi32, #tpu.memory_space<vmem>>[vector<16xi32>, vector<16xi32>], vector<16xi32>,
    %and3A_1268 = arith.constant 15 : i32
    %and3A_1269 = vector.broadcast %and3A_1268 : i32 to vector<16xi32>
    %and3A_1270 = arith.andi %gather3A_1267, %and3A_1269 : vector<16xi32>
    %shift_left3A_1271 = vector.broadcast %squeeze3A_6 : i32 to vector<16xi32>
    %shift_left3A_1272 = arith.shli %and3A_1270, %shift_left3A_1271 : vector<16xi32>
    %shift_right_logical3A_1273 = vector.broadcast %squeeze3A_10 : i32 to vector<16xi32>
    %shift_right_logical3A_1274 = arith.shrui %add3A_1261, %shift_right_logical3A_1273 : vector<16xi32>
    %and3A_1275 = arith.constant 127 : i32
    %and3A_1276 = vector.broadcast %and3A_1275 : i32 to vector<16xi32>
    %and3A_1277 = arith.andi %add3A_1261, %and3A_1276 : vector<16xi32>
    %add3A_1278 = arith.addi %shift_left3A_1272, %and3A_249 : vector<16xi32>
    %gather3A_1279 = tpu.vector_load_idx %arg10[%shift_right_logical3A_1274, %and3A_1277, %add3A_1278] : memref<2x128x128xf32, #tpu.memory_space<vmem>>[vector<16xi32>, vector<16xi32>, vector<16xi32>], vector<16xf32>,
    %swap3A_1280 = arith.constant 40 : i32
    %swap3A_1281 = arith.index_cast %swap3A_1280 : i32 to index
    %swap3A_1282 = arith.constant 0 : index
    %swap3A_1283 = tpu.vector_load %arg11[%swap3A_1281, %swap3A_1282] {strides = array<i32>} : memref<128x16xf32, #tpu.memory_space<vmem>>, vector<16xf32>,
    tpu.vector_store %arg11[%swap3A_1281, %swap3A_1282], %gather3A_1279 {strides = array<i32>} : memref<128x16xf32, #tpu.memory_space<vmem>>, vector<16xf32>,
    %add3A_1284 = arith.constant 82 : i32
    %add3A_1285 = vector.broadcast %add3A_1284 : i32 to vector<16xi32>
    %add3A_1286 = arith.addi %add3A_1285, %shift_right_logical3A_246 : vector<16xi32>
    %shift_right_logical3A_1287 = vector.broadcast %squeeze3A_10 : i32 to vector<16xi32>
    %shift_right_logical3A_1288 = arith.shrui %add3A_1286, %shift_right_logical3A_1287 : vector<16xi32>
    %and3A_1289 = arith.constant 127 : i32
    %and3A_1290 = vector.broadcast %and3A_1289 : i32 to vector<16xi32>
    %and3A_1291 = arith.andi %add3A_1286, %and3A_1290 : vector<16xi32>
    %gather3A_1292 = tpu.vector_load_idx %arg8[%shift_right_logical3A_1288, %and3A_1291] : memref<2x128xi32, #tpu.memory_space<vmem>>[vector<16xi32>, vector<16xi32>], vector<16xi32>,
    %and3A_1293 = arith.constant 15 : i32
    %and3A_1294 = vector.broadcast %and3A_1293 : i32 to vector<16xi32>
    %and3A_1295 = arith.andi %gather3A_1292, %and3A_1294 : vector<16xi32>
    %shift_left3A_1296 = vector.broadcast %squeeze3A_6 : i32 to vector<16xi32>
    %shift_left3A_1297 = arith.shli %and3A_1295, %shift_left3A_1296 : vector<16xi32>
    %shift_right_logical3A_1298 = vector.broadcast %squeeze3A_10 : i32 to vector<16xi32>
    %shift_right_logical3A_1299 = arith.shrui %add3A_1286, %shift_right_logical3A_1298 : vector<16xi32>
    %and3A_1300 = arith.constant 127 : i32
    %and3A_1301 = vector.broadcast %and3A_1300 : i32 to vector<16xi32>
    %and3A_1302 = arith.andi %add3A_1286, %and3A_1301 : vector<16xi32>
    %add3A_1303 = arith.addi %shift_left3A_1297, %and3A_249 : vector<16xi32>
    %gather3A_1304 = tpu.vector_load_idx %arg10[%shift_right_logical3A_1299, %and3A_1302, %add3A_1303] : memref<2x128x128xf32, #tpu.memory_space<vmem>>[vector<16xi32>, vector<16xi32>, vector<16xi32>], vector<16xf32>,
    %swap3A_1305 = arith.constant 41 : i32
    %swap3A_1306 = arith.index_cast %swap3A_1305 : i32 to index
    %swap3A_1307 = arith.constant 0 : index
    %swap3A_1308 = tpu.vector_load %arg11[%swap3A_1306, %swap3A_1307] {strides = array<i32>} : memref<128x16xf32, #tpu.memory_space<vmem>>, vector<16xf32>,
    tpu.vector_store %arg11[%swap3A_1306, %swap3A_1307], %gather3A_1304 {strides = array<i32>} : memref<128x16xf32, #tpu.memory_space<vmem>>, vector<16xf32>,
    %add3A_1309 = arith.constant 84 : i32
    %add3A_1310 = vector.broadcast %add3A_1309 : i32 to vector<16xi32>
    %add3A_1311 = arith.addi %add3A_1310, %shift_right_logical3A_246 : vector<16xi32>
    %shift_right_logical3A_1312 = vector.broadcast %squeeze3A_10 : i32 to vector<16xi32>
    %shift_right_logical3A_1313 = arith.shrui %add3A_1311, %shift_right_logical3A_1312 : vector<16xi32>
    %and3A_1314 = arith.constant 127 : i32
    %and3A_1315 = vector.broadcast %and3A_1314 : i32 to vector<16xi32>
    %and3A_1316 = arith.andi %add3A_1311, %and3A_1315 : vector<16xi32>
    %gather3A_1317 = tpu.vector_load_idx %arg8[%shift_right_logical3A_1313, %and3A_1316] : memref<2x128xi32, #tpu.memory_space<vmem>>[vector<16xi32>, vector<16xi32>], vector<16xi32>,
    %and3A_1318 = arith.constant 15 : i32
    %and3A_1319 = vector.broadcast %and3A_1318 : i32 to vector<16xi32>
    %and3A_1320 = arith.andi %gather3A_1317, %and3A_1319 : vector<16xi32>
    %shift_left3A_1321 = vector.broadcast %squeeze3A_6 : i32 to vector<16xi32>
    %shift_left3A_1322 = arith.shli %and3A_1320, %shift_left3A_1321 : vector<16xi32>
    %shift_right_logical3A_1323 = vector.broadcast %squeeze3A_10 : i32 to vector<16xi32>
    %shift_right_logical3A_1324 = arith.shrui %add3A_1311, %shift_right_logical3A_1323 : vector<16xi32>
    %and3A_1325 = arith.constant 127 : i32
    %and3A_1326 = vector.broadcast %and3A_1325 : i32 to vector<16xi32>
    %and3A_1327 = arith.andi %add3A_1311, %and3A_1326 : vector<16xi32>
    %add3A_1328 = arith.addi %shift_left3A_1322, %and3A_249 : vector<16xi32>
    %gather3A_1329 = tpu.vector_load_idx %arg10[%shift_right_logical3A_1324, %and3A_1327, %add3A_1328] : memref<2x128x128xf32, #tpu.memory_space<vmem>>[vector<16xi32>, vector<16xi32>, vector<16xi32>], vector<16xf32>,
    %swap3A_1330 = arith.constant 42 : i32
    %swap3A_1331 = arith.index_cast %swap3A_1330 : i32 to index
    %swap3A_1332 = arith.constant 0 : index
    %swap3A_1333 = tpu.vector_load %arg11[%swap3A_1331, %swap3A_1332] {strides = array<i32>} : memref<128x16xf32, #tpu.memory_space<vmem>>, vector<16xf32>,
    tpu.vector_store %arg11[%swap3A_1331, %swap3A_1332], %gather3A_1329 {strides = array<i32>} : memref<128x16xf32, #tpu.memory_space<vmem>>, vector<16xf32>,
    %add3A_1334 = arith.constant 86 : i32
    %add3A_1335 = vector.broadcast %add3A_1334 : i32 to vector<16xi32>
    %add3A_1336 = arith.addi %add3A_1335, %shift_right_logical3A_246 : vector<16xi32>
    %shift_right_logical3A_1337 = vector.broadcast %squeeze3A_10 : i32 to vector<16xi32>
    %shift_right_logical3A_1338 = arith.shrui %add3A_1336, %shift_right_logical3A_1337 : vector<16xi32>
    %and3A_1339 = arith.constant 127 : i32
    %and3A_1340 = vector.broadcast %and3A_1339 : i32 to vector<16xi32>
    %and3A_1341 = arith.andi %add3A_1336, %and3A_1340 : vector<16xi32>
    %gather3A_1342 = tpu.vector_load_idx %arg8[%shift_right_logical3A_1338, %and3A_1341] : memref<2x128xi32, #tpu.memory_space<vmem>>[vector<16xi32>, vector<16xi32>], vector<16xi32>,
    %and3A_1343 = arith.constant 15 : i32
    %and3A_1344 = vector.broadcast %and3A_1343 : i32 to vector<16xi32>
    %and3A_1345 = arith.andi %gather3A_1342, %and3A_1344 : vector<16xi32>
    %shift_left3A_1346 = vector.broadcast %squeeze3A_6 : i32 to vector<16xi32>
    %shift_left3A_1347 = arith.shli %and3A_1345, %shift_left3A_1346 : vector<16xi32>
    %shift_right_logical3A_1348 = vector.broadcast %squeeze3A_10 : i32 to vector<16xi32>
    %shift_right_logical3A_1349 = arith.shrui %add3A_1336, %shift_right_logical3A_1348 : vector<16xi32>
    %and3A_1350 = arith.constant 127 : i32
    %and3A_1351 = vector.broadcast %and3A_1350 : i32 to vector<16xi32>
    %and3A_1352 = arith.andi %add3A_1336, %and3A_1351 : vector<16xi32>
    %add3A_1353 = arith.addi %shift_left3A_1347, %and3A_249 : vector<16xi32>
    %gather3A_1354 = tpu.vector_load_idx %arg10[%shift_right_logical3A_1349, %and3A_1352, %add3A_1353] : memref<2x128x128xf32, #tpu.memory_space<vmem>>[vector<16xi32>, vector<16xi32>, vector<16xi32>], vector<16xf32>,
    %swap3A_1355 = arith.constant 43 : i32
    %swap3A_1356 = arith.index_cast %swap3A_1355 : i32 to index
    %swap3A_1357 = arith.constant 0 : index
    %swap3A_1358 = tpu.vector_load %arg11[%swap3A_1356, %swap3A_1357] {strides = array<i32>} : memref<128x16xf32, #tpu.memory_space<vmem>>, vector<16xf32>,
    tpu.vector_store %arg11[%swap3A_1356, %swap3A_1357], %gather3A_1354 {strides = array<i32>} : memref<128x16xf32, #tpu.memory_space<vmem>>, vector<16xf32>,
    %add3A_1359 = arith.constant 88 : i32
    %add3A_1360 = vector.broadcast %add3A_1359 : i32 to vector<16xi32>
    %add3A_1361 = arith.addi %add3A_1360, %shift_right_logical3A_246 : vector<16xi32>
    %shift_right_logical3A_1362 = vector.broadcast %squeeze3A_10 : i32 to vector<16xi32>
    %shift_right_logical3A_1363 = arith.shrui %add3A_1361, %shift_right_logical3A_1362 : vector<16xi32>
    %and3A_1364 = arith.constant 127 : i32
    %and3A_1365 = vector.broadcast %and3A_1364 : i32 to vector<16xi32>
    %and3A_1366 = arith.andi %add3A_1361, %and3A_1365 : vector<16xi32>
    %gather3A_1367 = tpu.vector_load_idx %arg8[%shift_right_logical3A_1363, %and3A_1366] : memref<2x128xi32, #tpu.memory_space<vmem>>[vector<16xi32>, vector<16xi32>], vector<16xi32>,
    %and3A_1368 = arith.constant 15 : i32
    %and3A_1369 = vector.broadcast %and3A_1368 : i32 to vector<16xi32>
    %and3A_1370 = arith.andi %gather3A_1367, %and3A_1369 : vector<16xi32>
    %shift_left3A_1371 = vector.broadcast %squeeze3A_6 : i32 to vector<16xi32>
    %shift_left3A_1372 = arith.shli %and3A_1370, %shift_left3A_1371 : vector<16xi32>
    %shift_right_logical3A_1373 = vector.broadcast %squeeze3A_10 : i32 to vector<16xi32>
    %shift_right_logical3A_1374 = arith.shrui %add3A_1361, %shift_right_logical3A_1373 : vector<16xi32>
    %and3A_1375 = arith.constant 127 : i32
    %and3A_1376 = vector.broadcast %and3A_1375 : i32 to vector<16xi32>
    %and3A_1377 = arith.andi %add3A_1361, %and3A_1376 : vector<16xi32>
    %add3A_1378 = arith.addi %shift_left3A_1372, %and3A_249 : vector<16xi32>
    %gather3A_1379 = tpu.vector_load_idx %arg10[%shift_right_logical3A_1374, %and3A_1377, %add3A_1378] : memref<2x128x128xf32, #tpu.memory_space<vmem>>[vector<16xi32>, vector<16xi32>, vector<16xi32>], vector<16xf32>,
    %swap3A_1380 = arith.constant 44 : i32
    %swap3A_1381 = arith.index_cast %swap3A_1380 : i32 to index
    %swap3A_1382 = arith.constant 0 : index
    %swap3A_1383 = tpu.vector_load %arg11[%swap3A_1381, %swap3A_1382] {strides = array<i32>} : memref<128x16xf32, #tpu.memory_space<vmem>>, vector<16xf32>,
    tpu.vector_store %arg11[%swap3A_1381, %swap3A_1382], %gather3A_1379 {strides = array<i32>} : memref<128x16xf32, #tpu.memory_space<vmem>>, vector<16xf32>,
    %add3A_1384 = arith.constant 90 : i32
    %add3A_1385 = vector.broadcast %add3A_1384 : i32 to vector<16xi32>
    %add3A_1386 = arith.addi %add3A_1385, %shift_right_logical3A_246 : vector<16xi32>
    %shift_right_logical3A_1387 = vector.broadcast %squeeze3A_10 : i32 to vector<16xi32>
    %shift_right_logical3A_1388 = arith.shrui %add3A_1386, %shift_right_logical3A_1387 : vector<16xi32>
    %and3A_1389 = arith.constant 127 : i32
    %and3A_1390 = vector.broadcast %and3A_1389 : i32 to vector<16xi32>
    %and3A_1391 = arith.andi %add3A_1386, %and3A_1390 : vector<16xi32>
    %gather3A_1392 = tpu.vector_load_idx %arg8[%shift_right_logical3A_1388, %and3A_1391] : memref<2x128xi32, #tpu.memory_space<vmem>>[vector<16xi32>, vector<16xi32>], vector<16xi32>,
    %and3A_1393 = arith.constant 15 : i32
    %and3A_1394 = vector.broadcast %and3A_1393 : i32 to vector<16xi32>
    %and3A_1395 = arith.andi %gather3A_1392, %and3A_1394 : vector<16xi32>
    %shift_left3A_1396 = vector.broadcast %squeeze3A_6 : i32 to vector<16xi32>
    %shift_left3A_1397 = arith.shli %and3A_1395, %shift_left3A_1396 : vector<16xi32>
    %shift_right_logical3A_1398 = vector.broadcast %squeeze3A_10 : i32 to vector<16xi32>
    %shift_right_logical3A_1399 = arith.shrui %add3A_1386, %shift_right_logical3A_1398 : vector<16xi32>
    %and3A_1400 = arith.constant 127 : i32
    %and3A_1401 = vector.broadcast %and3A_1400 : i32 to vector<16xi32>
    %and3A_1402 = arith.andi %add3A_1386, %and3A_1401 : vector<16xi32>
    %add3A_1403 = arith.addi %shift_left3A_1397, %and3A_249 : vector<16xi32>
    %gather3A_1404 = tpu.vector_load_idx %arg10[%shift_right_logical3A_1399, %and3A_1402, %add3A_1403] : memref<2x128x128xf32, #tpu.memory_space<vmem>>[vector<16xi32>, vector<16xi32>, vector<16xi32>], vector<16xf32>,
    %swap3A_1405 = arith.constant 45 : i32
    %swap3A_1406 = arith.index_cast %swap3A_1405 : i32 to index
    %swap3A_1407 = arith.constant 0 : index
    %swap3A_1408 = tpu.vector_load %arg11[%swap3A_1406, %swap3A_1407] {strides = array<i32>} : memref<128x16xf32, #tpu.memory_space<vmem>>, vector<16xf32>,
    tpu.vector_store %arg11[%swap3A_1406, %swap3A_1407], %gather3A_1404 {strides = array<i32>} : memref<128x16xf32, #tpu.memory_space<vmem>>, vector<16xf32>,
    %add3A_1409 = arith.constant 92 : i32
    %add3A_1410 = vector.broadcast %add3A_1409 : i32 to vector<16xi32>
    %add3A_1411 = arith.addi %add3A_1410, %shift_right_logical3A_246 : vector<16xi32>
    %shift_right_logical3A_1412 = vector.broadcast %squeeze3A_10 : i32 to vector<16xi32>
    %shift_right_logical3A_1413 = arith.shrui %add3A_1411, %shift_right_logical3A_1412 : vector<16xi32>
    %and3A_1414 = arith.constant 127 : i32
    %and3A_1415 = vector.broadcast %and3A_1414 : i32 to vector<16xi32>
    %and3A_1416 = arith.andi %add3A_1411, %and3A_1415 : vector<16xi32>
    %gather3A_1417 = tpu.vector_load_idx %arg8[%shift_right_logical3A_1413, %and3A_1416] : memref<2x128xi32, #tpu.memory_space<vmem>>[vector<16xi32>, vector<16xi32>], vector<16xi32>,
    %and3A_1418 = arith.constant 15 : i32
    %and3A_1419 = vector.broadcast %and3A_1418 : i32 to vector<16xi32>
    %and3A_1420 = arith.andi %gather3A_1417, %and3A_1419 : vector<16xi32>
    %shift_left3A_1421 = vector.broadcast %squeeze3A_6 : i32 to vector<16xi32>
    %shift_left3A_1422 = arith.shli %and3A_1420, %shift_left3A_1421 : vector<16xi32>
    %shift_right_logical3A_1423 = vector.broadcast %squeeze3A_10 : i32 to vector<16xi32>
    %shift_right_logical3A_1424 = arith.shrui %add3A_1411, %shift_right_logical3A_1423 : vector<16xi32>
    %and3A_1425 = arith.constant 127 : i32
    %and3A_1426 = vector.broadcast %and3A_1425 : i32 to vector<16xi32>
    %and3A_1427 = arith.andi %add3A_1411, %and3A_1426 : vector<16xi32>
    %add3A_1428 = arith.addi %shift_left3A_1422, %and3A_249 : vector<16xi32>
    %gather3A_1429 = tpu.vector_load_idx %arg10[%shift_right_logical3A_1424, %and3A_1427, %add3A_1428] : memref<2x128x128xf32, #tpu.memory_space<vmem>>[vector<16xi32>, vector<16xi32>, vector<16xi32>], vector<16xf32>,
    %swap3A_1430 = arith.constant 46 : i32
    %swap3A_1431 = arith.index_cast %swap3A_1430 : i32 to index
    %swap3A_1432 = arith.constant 0 : index
    %swap3A_1433 = tpu.vector_load %arg11[%swap3A_1431, %swap3A_1432] {strides = array<i32>} : memref<128x16xf32, #tpu.memory_space<vmem>>, vector<16xf32>,
    tpu.vector_store %arg11[%swap3A_1431, %swap3A_1432], %gather3A_1429 {strides = array<i32>} : memref<128x16xf32, #tpu.memory_space<vmem>>, vector<16xf32>,
    %add3A_1434 = arith.constant 94 : i32
    %add3A_1435 = vector.broadcast %add3A_1434 : i32 to vector<16xi32>
    %add3A_1436 = arith.addi %add3A_1435, %shift_right_logical3A_246 : vector<16xi32>
    %shift_right_logical3A_1437 = vector.broadcast %squeeze3A_10 : i32 to vector<16xi32>
    %shift_right_logical3A_1438 = arith.shrui %add3A_1436, %shift_right_logical3A_1437 : vector<16xi32>
    %and3A_1439 = arith.constant 127 : i32
    %and3A_1440 = vector.broadcast %and3A_1439 : i32 to vector<16xi32>
    %and3A_1441 = arith.andi %add3A_1436, %and3A_1440 : vector<16xi32>
    %gather3A_1442 = tpu.vector_load_idx %arg8[%shift_right_logical3A_1438, %and3A_1441] : memref<2x128xi32, #tpu.memory_space<vmem>>[vector<16xi32>, vector<16xi32>], vector<16xi32>,
    %and3A_1443 = arith.constant 15 : i32
    %and3A_1444 = vector.broadcast %and3A_1443 : i32 to vector<16xi32>
    %and3A_1445 = arith.andi %gather3A_1442, %and3A_1444 : vector<16xi32>
    %shift_left3A_1446 = vector.broadcast %squeeze3A_6 : i32 to vector<16xi32>
    %shift_left3A_1447 = arith.shli %and3A_1445, %shift_left3A_1446 : vector<16xi32>
    %shift_right_logical3A_1448 = vector.broadcast %squeeze3A_10 : i32 to vector<16xi32>
    %shift_right_logical3A_1449 = arith.shrui %add3A_1436, %shift_right_logical3A_1448 : vector<16xi32>
    %and3A_1450 = arith.constant 127 : i32
    %and3A_1451 = vector.broadcast %and3A_1450 : i32 to vector<16xi32>
    %and3A_1452 = arith.andi %add3A_1436, %and3A_1451 : vector<16xi32>
    %add3A_1453 = arith.addi %shift_left3A_1447, %and3A_249 : vector<16xi32>
    %gather3A_1454 = tpu.vector_load_idx %arg10[%shift_right_logical3A_1449, %and3A_1452, %add3A_1453] : memref<2x128x128xf32, #tpu.memory_space<vmem>>[vector<16xi32>, vector<16xi32>, vector<16xi32>], vector<16xf32>,
    %swap3A_1455 = arith.constant 47 : i32
    %swap3A_1456 = arith.index_cast %swap3A_1455 : i32 to index
    %swap3A_1457 = arith.constant 0 : index
    %swap3A_1458 = tpu.vector_load %arg11[%swap3A_1456, %swap3A_1457] {strides = array<i32>} : memref<128x16xf32, #tpu.memory_space<vmem>>, vector<16xf32>,
    tpu.vector_store %arg11[%swap3A_1456, %swap3A_1457], %gather3A_1454 {strides = array<i32>} : memref<128x16xf32, #tpu.memory_space<vmem>>, vector<16xf32>,
    %add3A_1459 = arith.constant 96 : i32
    %add3A_1460 = vector.broadcast %add3A_1459 : i32 to vector<16xi32>
    %add3A_1461 = arith.addi %add3A_1460, %shift_right_logical3A_246 : vector<16xi32>
    %shift_right_logical3A_1462 = vector.broadcast %squeeze3A_10 : i32 to vector<16xi32>
    %shift_right_logical3A_1463 = arith.shrui %add3A_1461, %shift_right_logical3A_1462 : vector<16xi32>
    %and3A_1464 = arith.constant 127 : i32
    %and3A_1465 = vector.broadcast %and3A_1464 : i32 to vector<16xi32>
    %and3A_1466 = arith.andi %add3A_1461, %and3A_1465 : vector<16xi32>
    %gather3A_1467 = tpu.vector_load_idx %arg8[%shift_right_logical3A_1463, %and3A_1466] : memref<2x128xi32, #tpu.memory_space<vmem>>[vector<16xi32>, vector<16xi32>], vector<16xi32>,
    %and3A_1468 = arith.constant 15 : i32
    %and3A_1469 = vector.broadcast %and3A_1468 : i32 to vector<16xi32>
    %and3A_1470 = arith.andi %gather3A_1467, %and3A_1469 : vector<16xi32>
    %shift_left3A_1471 = vector.broadcast %squeeze3A_6 : i32 to vector<16xi32>
    %shift_left3A_1472 = arith.shli %and3A_1470, %shift_left3A_1471 : vector<16xi32>
    %shift_right_logical3A_1473 = vector.broadcast %squeeze3A_10 : i32 to vector<16xi32>
    %shift_right_logical3A_1474 = arith.shrui %add3A_1461, %shift_right_logical3A_1473 : vector<16xi32>
    %and3A_1475 = arith.constant 127 : i32
    %and3A_1476 = vector.broadcast %and3A_1475 : i32 to vector<16xi32>
    %and3A_1477 = arith.andi %add3A_1461, %and3A_1476 : vector<16xi32>
    %add3A_1478 = arith.addi %shift_left3A_1472, %and3A_249 : vector<16xi32>
    %gather3A_1479 = tpu.vector_load_idx %arg10[%shift_right_logical3A_1474, %and3A_1477, %add3A_1478] : memref<2x128x128xf32, #tpu.memory_space<vmem>>[vector<16xi32>, vector<16xi32>, vector<16xi32>], vector<16xf32>,
    %swap3A_1480 = arith.constant 48 : i32
    %swap3A_1481 = arith.index_cast %swap3A_1480 : i32 to index
    %swap3A_1482 = arith.constant 0 : index
    %swap3A_1483 = tpu.vector_load %arg11[%swap3A_1481, %swap3A_1482] {strides = array<i32>} : memref<128x16xf32, #tpu.memory_space<vmem>>, vector<16xf32>,
    tpu.vector_store %arg11[%swap3A_1481, %swap3A_1482], %gather3A_1479 {strides = array<i32>} : memref<128x16xf32, #tpu.memory_space<vmem>>, vector<16xf32>,
    %add3A_1484 = arith.constant 98 : i32
    %add3A_1485 = vector.broadcast %add3A_1484 : i32 to vector<16xi32>
    %add3A_1486 = arith.addi %add3A_1485, %shift_right_logical3A_246 : vector<16xi32>
    %shift_right_logical3A_1487 = vector.broadcast %squeeze3A_10 : i32 to vector<16xi32>
    %shift_right_logical3A_1488 = arith.shrui %add3A_1486, %shift_right_logical3A_1487 : vector<16xi32>
    %and3A_1489 = arith.constant 127 : i32
    %and3A_1490 = vector.broadcast %and3A_1489 : i32 to vector<16xi32>
    %and3A_1491 = arith.andi %add3A_1486, %and3A_1490 : vector<16xi32>
    %gather3A_1492 = tpu.vector_load_idx %arg8[%shift_right_logical3A_1488, %and3A_1491] : memref<2x128xi32, #tpu.memory_space<vmem>>[vector<16xi32>, vector<16xi32>], vector<16xi32>,
    %and3A_1493 = arith.constant 15 : i32
    %and3A_1494 = vector.broadcast %and3A_1493 : i32 to vector<16xi32>
    %and3A_1495 = arith.andi %gather3A_1492, %and3A_1494 : vector<16xi32>
    %shift_left3A_1496 = vector.broadcast %squeeze3A_6 : i32 to vector<16xi32>
    %shift_left3A_1497 = arith.shli %and3A_1495, %shift_left3A_1496 : vector<16xi32>
    %shift_right_logical3A_1498 = vector.broadcast %squeeze3A_10 : i32 to vector<16xi32>
    %shift_right_logical3A_1499 = arith.shrui %add3A_1486, %shift_right_logical3A_1498 : vector<16xi32>
    %and3A_1500 = arith.constant 127 : i32
    %and3A_1501 = vector.broadcast %and3A_1500 : i32 to vector<16xi32>
    %and3A_1502 = arith.andi %add3A_1486, %and3A_1501 : vector<16xi32>
    %add3A_1503 = arith.addi %shift_left3A_1497, %and3A_249 : vector<16xi32>
    %gather3A_1504 = tpu.vector_load_idx %arg10[%shift_right_logical3A_1499, %and3A_1502, %add3A_1503] : memref<2x128x128xf32, #tpu.memory_space<vmem>>[vector<16xi32>, vector<16xi32>, vector<16xi32>], vector<16xf32>,
    %swap3A_1505 = arith.constant 49 : i32
    %swap3A_1506 = arith.index_cast %swap3A_1505 : i32 to index
    %swap3A_1507 = arith.constant 0 : index
    %swap3A_1508 = tpu.vector_load %arg11[%swap3A_1506, %swap3A_1507] {strides = array<i32>} : memref<128x16xf32, #tpu.memory_space<vmem>>, vector<16xf32>,
    tpu.vector_store %arg11[%swap3A_1506, %swap3A_1507], %gather3A_1504 {strides = array<i32>} : memref<128x16xf32, #tpu.memory_space<vmem>>, vector<16xf32>,
    %add3A_1509 = arith.constant 100 : i32
    %add3A_1510 = vector.broadcast %add3A_1509 : i32 to vector<16xi32>
    %add3A_1511 = arith.addi %add3A_1510, %shift_right_logical3A_246 : vector<16xi32>
    %shift_right_logical3A_1512 = vector.broadcast %squeeze3A_10 : i32 to vector<16xi32>
    %shift_right_logical3A_1513 = arith.shrui %add3A_1511, %shift_right_logical3A_1512 : vector<16xi32>
    %and3A_1514 = arith.constant 127 : i32
    %and3A_1515 = vector.broadcast %and3A_1514 : i32 to vector<16xi32>
    %and3A_1516 = arith.andi %add3A_1511, %and3A_1515 : vector<16xi32>
    %gather3A_1517 = tpu.vector_load_idx %arg8[%shift_right_logical3A_1513, %and3A_1516] : memref<2x128xi32, #tpu.memory_space<vmem>>[vector<16xi32>, vector<16xi32>], vector<16xi32>,
    %and3A_1518 = arith.constant 15 : i32
    %and3A_1519 = vector.broadcast %and3A_1518 : i32 to vector<16xi32>
    %and3A_1520 = arith.andi %gather3A_1517, %and3A_1519 : vector<16xi32>
    %shift_left3A_1521 = vector.broadcast %squeeze3A_6 : i32 to vector<16xi32>
    %shift_left3A_1522 = arith.shli %and3A_1520, %shift_left3A_1521 : vector<16xi32>
    %shift_right_logical3A_1523 = vector.broadcast %squeeze3A_10 : i32 to vector<16xi32>
    %shift_right_logical3A_1524 = arith.shrui %add3A_1511, %shift_right_logical3A_1523 : vector<16xi32>
    %and3A_1525 = arith.constant 127 : i32
    %and3A_1526 = vector.broadcast %and3A_1525 : i32 to vector<16xi32>
    %and3A_1527 = arith.andi %add3A_1511, %and3A_1526 : vector<16xi32>
    %add3A_1528 = arith.addi %shift_left3A_1522, %and3A_249 : vector<16xi32>
    %gather3A_1529 = tpu.vector_load_idx %arg10[%shift_right_logical3A_1524, %and3A_1527, %add3A_1528] : memref<2x128x128xf32, #tpu.memory_space<vmem>>[vector<16xi32>, vector<16xi32>, vector<16xi32>], vector<16xf32>,
    %swap3A_1530 = arith.constant 50 : i32
    %swap3A_1531 = arith.index_cast %swap3A_1530 : i32 to index
    %swap3A_1532 = arith.constant 0 : index
    %swap3A_1533 = tpu.vector_load %arg11[%swap3A_1531, %swap3A_1532] {strides = array<i32>} : memref<128x16xf32, #tpu.memory_space<vmem>>, vector<16xf32>,
    tpu.vector_store %arg11[%swap3A_1531, %swap3A_1532], %gather3A_1529 {strides = array<i32>} : memref<128x16xf32, #tpu.memory_space<vmem>>, vector<16xf32>,
    %add3A_1534 = arith.constant 102 : i32
    %add3A_1535 = vector.broadcast %add3A_1534 : i32 to vector<16xi32>
    %add3A_1536 = arith.addi %add3A_1535, %shift_right_logical3A_246 : vector<16xi32>
    %shift_right_logical3A_1537 = vector.broadcast %squeeze3A_10 : i32 to vector<16xi32>
    %shift_right_logical3A_1538 = arith.shrui %add3A_1536, %shift_right_logical3A_1537 : vector<16xi32>
    %and3A_1539 = arith.constant 127 : i32
    %and3A_1540 = vector.broadcast %and3A_1539 : i32 to vector<16xi32>
    %and3A_1541 = arith.andi %add3A_1536, %and3A_1540 : vector<16xi32>
    %gather3A_1542 = tpu.vector_load_idx %arg8[%shift_right_logical3A_1538, %and3A_1541] : memref<2x128xi32, #tpu.memory_space<vmem>>[vector<16xi32>, vector<16xi32>], vector<16xi32>,
    %and3A_1543 = arith.constant 15 : i32
    %and3A_1544 = vector.broadcast %and3A_1543 : i32 to vector<16xi32>
    %and3A_1545 = arith.andi %gather3A_1542, %and3A_1544 : vector<16xi32>
    %shift_left3A_1546 = vector.broadcast %squeeze3A_6 : i32 to vector<16xi32>
    %shift_left3A_1547 = arith.shli %and3A_1545, %shift_left3A_1546 : vector<16xi32>
    %shift_right_logical3A_1548 = vector.broadcast %squeeze3A_10 : i32 to vector<16xi32>
    %shift_right_logical3A_1549 = arith.shrui %add3A_1536, %shift_right_logical3A_1548 : vector<16xi32>
    %and3A_1550 = arith.constant 127 : i32
    %and3A_1551 = vector.broadcast %and3A_1550 : i32 to vector<16xi32>
    %and3A_1552 = arith.andi %add3A_1536, %and3A_1551 : vector<16xi32>
    %add3A_1553 = arith.addi %shift_left3A_1547, %and3A_249 : vector<16xi32>
    %gather3A_1554 = tpu.vector_load_idx %arg10[%shift_right_logical3A_1549, %and3A_1552, %add3A_1553] : memref<2x128x128xf32, #tpu.memory_space<vmem>>[vector<16xi32>, vector<16xi32>, vector<16xi32>], vector<16xf32>,
    %swap3A_1555 = arith.constant 51 : i32
    %swap3A_1556 = arith.index_cast %swap3A_1555 : i32 to index
    %swap3A_1557 = arith.constant 0 : index
    %swap3A_1558 = tpu.vector_load %arg11[%swap3A_1556, %swap3A_1557] {strides = array<i32>} : memref<128x16xf32, #tpu.memory_space<vmem>>, vector<16xf32>,
    tpu.vector_store %arg11[%swap3A_1556, %swap3A_1557], %gather3A_1554 {strides = array<i32>} : memref<128x16xf32, #tpu.memory_space<vmem>>, vector<16xf32>,
    %add3A_1559 = arith.constant 104 : i32
    %add3A_1560 = vector.broadcast %add3A_1559 : i32 to vector<16xi32>
    %add3A_1561 = arith.addi %add3A_1560, %shift_right_logical3A_246 : vector<16xi32>
    %shift_right_logical3A_1562 = vector.broadcast %squeeze3A_10 : i32 to vector<16xi32>
    %shift_right_logical3A_1563 = arith.shrui %add3A_1561, %shift_right_logical3A_1562 : vector<16xi32>
    %and3A_1564 = arith.constant 127 : i32
    %and3A_1565 = vector.broadcast %and3A_1564 : i32 to vector<16xi32>
    %and3A_1566 = arith.andi %add3A_1561, %and3A_1565 : vector<16xi32>
    %gather3A_1567 = tpu.vector_load_idx %arg8[%shift_right_logical3A_1563, %and3A_1566] : memref<2x128xi32, #tpu.memory_space<vmem>>[vector<16xi32>, vector<16xi32>], vector<16xi32>,
    %and3A_1568 = arith.constant 15 : i32
    %and3A_1569 = vector.broadcast %and3A_1568 : i32 to vector<16xi32>
    %and3A_1570 = arith.andi %gather3A_1567, %and3A_1569 : vector<16xi32>
    %shift_left3A_1571 = vector.broadcast %squeeze3A_6 : i32 to vector<16xi32>
    %shift_left3A_1572 = arith.shli %and3A_1570, %shift_left3A_1571 : vector<16xi32>
    %shift_right_logical3A_1573 = vector.broadcast %squeeze3A_10 : i32 to vector<16xi32>
    %shift_right_logical3A_1574 = arith.shrui %add3A_1561, %shift_right_logical3A_1573 : vector<16xi32>
    %and3A_1575 = arith.constant 127 : i32
    %and3A_1576 = vector.broadcast %and3A_1575 : i32 to vector<16xi32>
    %and3A_1577 = arith.andi %add3A_1561, %and3A_1576 : vector<16xi32>
    %add3A_1578 = arith.addi %shift_left3A_1572, %and3A_249 : vector<16xi32>
    %gather3A_1579 = tpu.vector_load_idx %arg10[%shift_right_logical3A_1574, %and3A_1577, %add3A_1578] : memref<2x128x128xf32, #tpu.memory_space<vmem>>[vector<16xi32>, vector<16xi32>, vector<16xi32>], vector<16xf32>,
    %swap3A_1580 = arith.constant 52 : i32
    %swap3A_1581 = arith.index_cast %swap3A_1580 : i32 to index
    %swap3A_1582 = arith.constant 0 : index
    %swap3A_1583 = tpu.vector_load %arg11[%swap3A_1581, %swap3A_1582] {strides = array<i32>} : memref<128x16xf32, #tpu.memory_space<vmem>>, vector<16xf32>,
    tpu.vector_store %arg11[%swap3A_1581, %swap3A_1582], %gather3A_1579 {strides = array<i32>} : memref<128x16xf32, #tpu.memory_space<vmem>>, vector<16xf32>,
    %add3A_1584 = arith.constant 106 : i32
    %add3A_1585 = vector.broadcast %add3A_1584 : i32 to vector<16xi32>
    %add3A_1586 = arith.addi %add3A_1585, %shift_right_logical3A_246 : vector<16xi32>
    %shift_right_logical3A_1587 = vector.broadcast %squeeze3A_10 : i32 to vector<16xi32>
    %shift_right_logical3A_1588 = arith.shrui %add3A_1586, %shift_right_logical3A_1587 : vector<16xi32>
    %and3A_1589 = arith.constant 127 : i32
    %and3A_1590 = vector.broadcast %and3A_1589 : i32 to vector<16xi32>
    %and3A_1591 = arith.andi %add3A_1586, %and3A_1590 : vector<16xi32>
    %gather3A_1592 = tpu.vector_load_idx %arg8[%shift_right_logical3A_1588, %and3A_1591] : memref<2x128xi32, #tpu.memory_space<vmem>>[vector<16xi32>, vector<16xi32>], vector<16xi32>,
    %and3A_1593 = arith.constant 15 : i32
    %and3A_1594 = vector.broadcast %and3A_1593 : i32 to vector<16xi32>
    %and3A_1595 = arith.andi %gather3A_1592, %and3A_1594 : vector<16xi32>
    %shift_left3A_1596 = vector.broadcast %squeeze3A_6 : i32 to vector<16xi32>
    %shift_left3A_1597 = arith.shli %and3A_1595, %shift_left3A_1596 : vector<16xi32>
    %shift_right_logical3A_1598 = vector.broadcast %squeeze3A_10 : i32 to vector<16xi32>
    %shift_right_logical3A_1599 = arith.shrui %add3A_1586, %shift_right_logical3A_1598 : vector<16xi32>
    %and3A_1600 = arith.constant 127 : i32
    %and3A_1601 = vector.broadcast %and3A_1600 : i32 to vector<16xi32>
    %and3A_1602 = arith.andi %add3A_1586, %and3A_1601 : vector<16xi32>
    %add3A_1603 = arith.addi %shift_left3A_1597, %and3A_249 : vector<16xi32>
    %gather3A_1604 = tpu.vector_load_idx %arg10[%shift_right_logical3A_1599, %and3A_1602, %add3A_1603] : memref<2x128x128xf32, #tpu.memory_space<vmem>>[vector<16xi32>, vector<16xi32>, vector<16xi32>], vector<16xf32>,
    %swap3A_1605 = arith.constant 53 : i32
    %swap3A_1606 = arith.index_cast %swap3A_1605 : i32 to index
    %swap3A_1607 = arith.constant 0 : index
    %swap3A_1608 = tpu.vector_load %arg11[%swap3A_1606, %swap3A_1607] {strides = array<i32>} : memref<128x16xf32, #tpu.memory_space<vmem>>, vector<16xf32>,
    tpu.vector_store %arg11[%swap3A_1606, %swap3A_1607], %gather3A_1604 {strides = array<i32>} : memref<128x16xf32, #tpu.memory_space<vmem>>, vector<16xf32>,
    %add3A_1609 = arith.constant 108 : i32
    %add3A_1610 = vector.broadcast %add3A_1609 : i32 to vector<16xi32>
    %add3A_1611 = arith.addi %add3A_1610, %shift_right_logical3A_246 : vector<16xi32>
    %shift_right_logical3A_1612 = vector.broadcast %squeeze3A_10 : i32 to vector<16xi32>
    %shift_right_logical3A_1613 = arith.shrui %add3A_1611, %shift_right_logical3A_1612 : vector<16xi32>
    %and3A_1614 = arith.constant 127 : i32
    %and3A_1615 = vector.broadcast %and3A_1614 : i32 to vector<16xi32>
    %and3A_1616 = arith.andi %add3A_1611, %and3A_1615 : vector<16xi32>
    %gather3A_1617 = tpu.vector_load_idx %arg8[%shift_right_logical3A_1613, %and3A_1616] : memref<2x128xi32, #tpu.memory_space<vmem>>[vector<16xi32>, vector<16xi32>], vector<16xi32>,
    %and3A_1618 = arith.constant 15 : i32
    %and3A_1619 = vector.broadcast %and3A_1618 : i32 to vector<16xi32>
    %and3A_1620 = arith.andi %gather3A_1617, %and3A_1619 : vector<16xi32>
    %shift_left3A_1621 = vector.broadcast %squeeze3A_6 : i32 to vector<16xi32>
    %shift_left3A_1622 = arith.shli %and3A_1620, %shift_left3A_1621 : vector<16xi32>
    %shift_right_logical3A_1623 = vector.broadcast %squeeze3A_10 : i32 to vector<16xi32>
    %shift_right_logical3A_1624 = arith.shrui %add3A_1611, %shift_right_logical3A_1623 : vector<16xi32>
    %and3A_1625 = arith.constant 127 : i32
    %and3A_1626 = vector.broadcast %and3A_1625 : i32 to vector<16xi32>
    %and3A_1627 = arith.andi %add3A_1611, %and3A_1626 : vector<16xi32>
    %add3A_1628 = arith.addi %shift_left3A_1622, %and3A_249 : vector<16xi32>
    %gather3A_1629 = tpu.vector_load_idx %arg10[%shift_right_logical3A_1624, %and3A_1627, %add3A_1628] : memref<2x128x128xf32, #tpu.memory_space<vmem>>[vector<16xi32>, vector<16xi32>, vector<16xi32>], vector<16xf32>,
    %swap3A_1630 = arith.constant 54 : i32
    %swap3A_1631 = arith.index_cast %swap3A_1630 : i32 to index
    %swap3A_1632 = arith.constant 0 : index
    %swap3A_1633 = tpu.vector_load %arg11[%swap3A_1631, %swap3A_1632] {strides = array<i32>} : memref<128x16xf32, #tpu.memory_space<vmem>>, vector<16xf32>,
    tpu.vector_store %arg11[%swap3A_1631, %swap3A_1632], %gather3A_1629 {strides = array<i32>} : memref<128x16xf32, #tpu.memory_space<vmem>>, vector<16xf32>,
    %add3A_1634 = arith.constant 110 : i32
    %add3A_1635 = vector.broadcast %add3A_1634 : i32 to vector<16xi32>
    %add3A_1636 = arith.addi %add3A_1635, %shift_right_logical3A_246 : vector<16xi32>
    %shift_right_logical3A_1637 = vector.broadcast %squeeze3A_10 : i32 to vector<16xi32>
    %shift_right_logical3A_1638 = arith.shrui %add3A_1636, %shift_right_logical3A_1637 : vector<16xi32>
    %and3A_1639 = arith.constant 127 : i32
    %and3A_1640 = vector.broadcast %and3A_1639 : i32 to vector<16xi32>
    %and3A_1641 = arith.andi %add3A_1636, %and3A_1640 : vector<16xi32>
    %gather3A_1642 = tpu.vector_load_idx %arg8[%shift_right_logical3A_1638, %and3A_1641] : memref<2x128xi32, #tpu.memory_space<vmem>>[vector<16xi32>, vector<16xi32>], vector<16xi32>,
    %and3A_1643 = arith.constant 15 : i32
    %and3A_1644 = vector.broadcast %and3A_1643 : i32 to vector<16xi32>
    %and3A_1645 = arith.andi %gather3A_1642, %and3A_1644 : vector<16xi32>
    %shift_left3A_1646 = vector.broadcast %squeeze3A_6 : i32 to vector<16xi32>
    %shift_left3A_1647 = arith.shli %and3A_1645, %shift_left3A_1646 : vector<16xi32>
    %shift_right_logical3A_1648 = vector.broadcast %squeeze3A_10 : i32 to vector<16xi32>
    %shift_right_logical3A_1649 = arith.shrui %add3A_1636, %shift_right_logical3A_1648 : vector<16xi32>
    %and3A_1650 = arith.constant 127 : i32
    %and3A_1651 = vector.broadcast %and3A_1650 : i32 to vector<16xi32>
    %and3A_1652 = arith.andi %add3A_1636, %and3A_1651 : vector<16xi32>
    %add3A_1653 = arith.addi %shift_left3A_1647, %and3A_249 : vector<16xi32>
    %gather3A_1654 = tpu.vector_load_idx %arg10[%shift_right_logical3A_1649, %and3A_1652, %add3A_1653] : memref<2x128x128xf32, #tpu.memory_space<vmem>>[vector<16xi32>, vector<16xi32>, vector<16xi32>], vector<16xf32>,
    %swap3A_1655 = arith.constant 55 : i32
    %swap3A_1656 = arith.index_cast %swap3A_1655 : i32 to index
    %swap3A_1657 = arith.constant 0 : index
    %swap3A_1658 = tpu.vector_load %arg11[%swap3A_1656, %swap3A_1657] {strides = array<i32>} : memref<128x16xf32, #tpu.memory_space<vmem>>, vector<16xf32>,
    tpu.vector_store %arg11[%swap3A_1656, %swap3A_1657], %gather3A_1654 {strides = array<i32>} : memref<128x16xf32, #tpu.memory_space<vmem>>, vector<16xf32>,
    %add3A_1659 = arith.constant 112 : i32
    %add3A_1660 = vector.broadcast %add3A_1659 : i32 to vector<16xi32>
    %add3A_1661 = arith.addi %add3A_1660, %shift_right_logical3A_246 : vector<16xi32>
    %shift_right_logical3A_1662 = vector.broadcast %squeeze3A_10 : i32 to vector<16xi32>
    %shift_right_logical3A_1663 = arith.shrui %add3A_1661, %shift_right_logical3A_1662 : vector<16xi32>
    %and3A_1664 = arith.constant 127 : i32
    %and3A_1665 = vector.broadcast %and3A_1664 : i32 to vector<16xi32>
    %and3A_1666 = arith.andi %add3A_1661, %and3A_1665 : vector<16xi32>
    %gather3A_1667 = tpu.vector_load_idx %arg8[%shift_right_logical3A_1663, %and3A_1666] : memref<2x128xi32, #tpu.memory_space<vmem>>[vector<16xi32>, vector<16xi32>], vector<16xi32>,
    %and3A_1668 = arith.constant 15 : i32
    %and3A_1669 = vector.broadcast %and3A_1668 : i32 to vector<16xi32>
    %and3A_1670 = arith.andi %gather3A_1667, %and3A_1669 : vector<16xi32>
    %shift_left3A_1671 = vector.broadcast %squeeze3A_6 : i32 to vector<16xi32>
    %shift_left3A_1672 = arith.shli %and3A_1670, %shift_left3A_1671 : vector<16xi32>
    %shift_right_logical3A_1673 = vector.broadcast %squeeze3A_10 : i32 to vector<16xi32>
    %shift_right_logical3A_1674 = arith.shrui %add3A_1661, %shift_right_logical3A_1673 : vector<16xi32>
    %and3A_1675 = arith.constant 127 : i32
    %and3A_1676 = vector.broadcast %and3A_1675 : i32 to vector<16xi32>
    %and3A_1677 = arith.andi %add3A_1661, %and3A_1676 : vector<16xi32>
    %add3A_1678 = arith.addi %shift_left3A_1672, %and3A_249 : vector<16xi32>
    %gather3A_1679 = tpu.vector_load_idx %arg10[%shift_right_logical3A_1674, %and3A_1677, %add3A_1678] : memref<2x128x128xf32, #tpu.memory_space<vmem>>[vector<16xi32>, vector<16xi32>, vector<16xi32>], vector<16xf32>,
    %swap3A_1680 = arith.constant 56 : i32
    %swap3A_1681 = arith.index_cast %swap3A_1680 : i32 to index
    %swap3A_1682 = arith.constant 0 : index
    %swap3A_1683 = tpu.vector_load %arg11[%swap3A_1681, %swap3A_1682] {strides = array<i32>} : memref<128x16xf32, #tpu.memory_space<vmem>>, vector<16xf32>,
    tpu.vector_store %arg11[%swap3A_1681, %swap3A_1682], %gather3A_1679 {strides = array<i32>} : memref<128x16xf32, #tpu.memory_space<vmem>>, vector<16xf32>,
    %add3A_1684 = arith.constant 114 : i32
    %add3A_1685 = vector.broadcast %add3A_1684 : i32 to vector<16xi32>
    %add3A_1686 = arith.addi %add3A_1685, %shift_right_logical3A_246 : vector<16xi32>
    %shift_right_logical3A_1687 = vector.broadcast %squeeze3A_10 : i32 to vector<16xi32>
    %shift_right_logical3A_1688 = arith.shrui %add3A_1686, %shift_right_logical3A_1687 : vector<16xi32>
    %and3A_1689 = arith.constant 127 : i32
    %and3A_1690 = vector.broadcast %and3A_1689 : i32 to vector<16xi32>
    %and3A_1691 = arith.andi %add3A_1686, %and3A_1690 : vector<16xi32>
    %gather3A_1692 = tpu.vector_load_idx %arg8[%shift_right_logical3A_1688, %and3A_1691] : memref<2x128xi32, #tpu.memory_space<vmem>>[vector<16xi32>, vector<16xi32>], vector<16xi32>,
    %and3A_1693 = arith.constant 15 : i32
    %and3A_1694 = vector.broadcast %and3A_1693 : i32 to vector<16xi32>
    %and3A_1695 = arith.andi %gather3A_1692, %and3A_1694 : vector<16xi32>
    %shift_left3A_1696 = vector.broadcast %squeeze3A_6 : i32 to vector<16xi32>
    %shift_left3A_1697 = arith.shli %and3A_1695, %shift_left3A_1696 : vector<16xi32>
    %shift_right_logical3A_1698 = vector.broadcast %squeeze3A_10 : i32 to vector<16xi32>
    %shift_right_logical3A_1699 = arith.shrui %add3A_1686, %shift_right_logical3A_1698 : vector<16xi32>
    %and3A_1700 = arith.constant 127 : i32
    %and3A_1701 = vector.broadcast %and3A_1700 : i32 to vector<16xi32>
    %and3A_1702 = arith.andi %add3A_1686, %and3A_1701 : vector<16xi32>
    %add3A_1703 = arith.addi %shift_left3A_1697, %and3A_249 : vector<16xi32>
    %gather3A_1704 = tpu.vector_load_idx %arg10[%shift_right_logical3A_1699, %and3A_1702, %add3A_1703] : memref<2x128x128xf32, #tpu.memory_space<vmem>>[vector<16xi32>, vector<16xi32>, vector<16xi32>], vector<16xf32>,
    %swap3A_1705 = arith.constant 57 : i32
    %swap3A_1706 = arith.index_cast %swap3A_1705 : i32 to index
    %swap3A_1707 = arith.constant 0 : index
    %swap3A_1708 = tpu.vector_load %arg11[%swap3A_1706, %swap3A_1707] {strides = array<i32>} : memref<128x16xf32, #tpu.memory_space<vmem>>, vector<16xf32>,
    tpu.vector_store %arg11[%swap3A_1706, %swap3A_1707], %gather3A_1704 {strides = array<i32>} : memref<128x16xf32, #tpu.memory_space<vmem>>, vector<16xf32>,
    %add3A_1709 = arith.constant 116 : i32
    %add3A_1710 = vector.broadcast %add3A_1709 : i32 to vector<16xi32>
    %add3A_1711 = arith.addi %add3A_1710, %shift_right_logical3A_246 : vector<16xi32>
    %shift_right_logical3A_1712 = vector.broadcast %squeeze3A_10 : i32 to vector<16xi32>
    %shift_right_logical3A_1713 = arith.shrui %add3A_1711, %shift_right_logical3A_1712 : vector<16xi32>
    %and3A_1714 = arith.constant 127 : i32
    %and3A_1715 = vector.broadcast %and3A_1714 : i32 to vector<16xi32>
    %and3A_1716 = arith.andi %add3A_1711, %and3A_1715 : vector<16xi32>
    %gather3A_1717 = tpu.vector_load_idx %arg8[%shift_right_logical3A_1713, %and3A_1716] : memref<2x128xi32, #tpu.memory_space<vmem>>[vector<16xi32>, vector<16xi32>], vector<16xi32>,
    %and3A_1718 = arith.constant 15 : i32
    %and3A_1719 = vector.broadcast %and3A_1718 : i32 to vector<16xi32>
    %and3A_1720 = arith.andi %gather3A_1717, %and3A_1719 : vector<16xi32>
    %shift_left3A_1721 = vector.broadcast %squeeze3A_6 : i32 to vector<16xi32>
    %shift_left3A_1722 = arith.shli %and3A_1720, %shift_left3A_1721 : vector<16xi32>
    %shift_right_logical3A_1723 = vector.broadcast %squeeze3A_10 : i32 to vector<16xi32>
    %shift_right_logical3A_1724 = arith.shrui %add3A_1711, %shift_right_logical3A_1723 : vector<16xi32>
    %and3A_1725 = arith.constant 127 : i32
    %and3A_1726 = vector.broadcast %and3A_1725 : i32 to vector<16xi32>
    %and3A_1727 = arith.andi %add3A_1711, %and3A_1726 : vector<16xi32>
    %add3A_1728 = arith.addi %shift_left3A_1722, %and3A_249 : vector<16xi32>
    %gather3A_1729 = tpu.vector_load_idx %arg10[%shift_right_logical3A_1724, %and3A_1727, %add3A_1728] : memref<2x128x128xf32, #tpu.memory_space<vmem>>[vector<16xi32>, vector<16xi32>, vector<16xi32>], vector<16xf32>,
    %swap3A_1730 = arith.constant 58 : i32
    %swap3A_1731 = arith.index_cast %swap3A_1730 : i32 to index
    %swap3A_1732 = arith.constant 0 : index
    %swap3A_1733 = tpu.vector_load %arg11[%swap3A_1731, %swap3A_1732] {strides = array<i32>} : memref<128x16xf32, #tpu.memory_space<vmem>>, vector<16xf32>,
    tpu.vector_store %arg11[%swap3A_1731, %swap3A_1732], %gather3A_1729 {strides = array<i32>} : memref<128x16xf32, #tpu.memory_space<vmem>>, vector<16xf32>,
    %add3A_1734 = arith.constant 118 : i32
    %add3A_1735 = vector.broadcast %add3A_1734 : i32 to vector<16xi32>
    %add3A_1736 = arith.addi %add3A_1735, %shift_right_logical3A_246 : vector<16xi32>
    %shift_right_logical3A_1737 = vector.broadcast %squeeze3A_10 : i32 to vector<16xi32>
    %shift_right_logical3A_1738 = arith.shrui %add3A_1736, %shift_right_logical3A_1737 : vector<16xi32>
    %and3A_1739 = arith.constant 127 : i32
    %and3A_1740 = vector.broadcast %and3A_1739 : i32 to vector<16xi32>
    %and3A_1741 = arith.andi %add3A_1736, %and3A_1740 : vector<16xi32>
    %gather3A_1742 = tpu.vector_load_idx %arg8[%shift_right_logical3A_1738, %and3A_1741] : memref<2x128xi32, #tpu.memory_space<vmem>>[vector<16xi32>, vector<16xi32>], vector<16xi32>,
    %and3A_1743 = arith.constant 15 : i32
    %and3A_1744 = vector.broadcast %and3A_1743 : i32 to vector<16xi32>
    %and3A_1745 = arith.andi %gather3A_1742, %and3A_1744 : vector<16xi32>
    %shift_left3A_1746 = vector.broadcast %squeeze3A_6 : i32 to vector<16xi32>
    %shift_left3A_1747 = arith.shli %and3A_1745, %shift_left3A_1746 : vector<16xi32>
    %shift_right_logical3A_1748 = vector.broadcast %squeeze3A_10 : i32 to vector<16xi32>
    %shift_right_logical3A_1749 = arith.shrui %add3A_1736, %shift_right_logical3A_1748 : vector<16xi32>
    %and3A_1750 = arith.constant 127 : i32
    %and3A_1751 = vector.broadcast %and3A_1750 : i32 to vector<16xi32>
    %and3A_1752 = arith.andi %add3A_1736, %and3A_1751 : vector<16xi32>
    %add3A_1753 = arith.addi %shift_left3A_1747, %and3A_249 : vector<16xi32>
    %gather3A_1754 = tpu.vector_load_idx %arg10[%shift_right_logical3A_1749, %and3A_1752, %add3A_1753] : memref<2x128x128xf32, #tpu.memory_space<vmem>>[vector<16xi32>, vector<16xi32>, vector<16xi32>], vector<16xf32>,
    %swap3A_1755 = arith.constant 59 : i32
    %swap3A_1756 = arith.index_cast %swap3A_1755 : i32 to index
    %swap3A_1757 = arith.constant 0 : index
    %swap3A_1758 = tpu.vector_load %arg11[%swap3A_1756, %swap3A_1757] {strides = array<i32>} : memref<128x16xf32, #tpu.memory_space<vmem>>, vector<16xf32>,
    tpu.vector_store %arg11[%swap3A_1756, %swap3A_1757], %gather3A_1754 {strides = array<i32>} : memref<128x16xf32, #tpu.memory_space<vmem>>, vector<16xf32>,
    %add3A_1759 = arith.constant 120 : i32
    %add3A_1760 = vector.broadcast %add3A_1759 : i32 to vector<16xi32>
    %add3A_1761 = arith.addi %add3A_1760, %shift_right_logical3A_246 : vector<16xi32>
    %shift_right_logical3A_1762 = vector.broadcast %squeeze3A_10 : i32 to vector<16xi32>
    %shift_right_logical3A_1763 = arith.shrui %add3A_1761, %shift_right_logical3A_1762 : vector<16xi32>
    %and3A_1764 = arith.constant 127 : i32
    %and3A_1765 = vector.broadcast %and3A_1764 : i32 to vector<16xi32>
    %and3A_1766 = arith.andi %add3A_1761, %and3A_1765 : vector<16xi32>
    %gather3A_1767 = tpu.vector_load_idx %arg8[%shift_right_logical3A_1763, %and3A_1766] : memref<2x128xi32, #tpu.memory_space<vmem>>[vector<16xi32>, vector<16xi32>], vector<16xi32>,
    %and3A_1768 = arith.constant 15 : i32
    %and3A_1769 = vector.broadcast %and3A_1768 : i32 to vector<16xi32>
    %and3A_1770 = arith.andi %gather3A_1767, %and3A_1769 : vector<16xi32>
    %shift_left3A_1771 = vector.broadcast %squeeze3A_6 : i32 to vector<16xi32>
    %shift_left3A_1772 = arith.shli %and3A_1770, %shift_left3A_1771 : vector<16xi32>
    %shift_right_logical3A_1773 = vector.broadcast %squeeze3A_10 : i32 to vector<16xi32>
    %shift_right_logical3A_1774 = arith.shrui %add3A_1761, %shift_right_logical3A_1773 : vector<16xi32>
    %and3A_1775 = arith.constant 127 : i32
    %and3A_1776 = vector.broadcast %and3A_1775 : i32 to vector<16xi32>
    %and3A_1777 = arith.andi %add3A_1761, %and3A_1776 : vector<16xi32>
    %add3A_1778 = arith.addi %shift_left3A_1772, %and3A_249 : vector<16xi32>
    %gather3A_1779 = tpu.vector_load_idx %arg10[%shift_right_logical3A_1774, %and3A_1777, %add3A_1778] : memref<2x128x128xf32, #tpu.memory_space<vmem>>[vector<16xi32>, vector<16xi32>, vector<16xi32>], vector<16xf32>,
    %swap3A_1780 = arith.constant 60 : i32
    %swap3A_1781 = arith.index_cast %swap3A_1780 : i32 to index
    %swap3A_1782 = arith.constant 0 : index
    %swap3A_1783 = tpu.vector_load %arg11[%swap3A_1781, %swap3A_1782] {strides = array<i32>} : memref<128x16xf32, #tpu.memory_space<vmem>>, vector<16xf32>,
    tpu.vector_store %arg11[%swap3A_1781, %swap3A_1782], %gather3A_1779 {strides = array<i32>} : memref<128x16xf32, #tpu.memory_space<vmem>>, vector<16xf32>,
    %add3A_1784 = arith.constant 122 : i32
    %add3A_1785 = vector.broadcast %add3A_1784 : i32 to vector<16xi32>
    %add3A_1786 = arith.addi %add3A_1785, %shift_right_logical3A_246 : vector<16xi32>
    %shift_right_logical3A_1787 = vector.broadcast %squeeze3A_10 : i32 to vector<16xi32>
    %shift_right_logical3A_1788 = arith.shrui %add3A_1786, %shift_right_logical3A_1787 : vector<16xi32>
    %and3A_1789 = arith.constant 127 : i32
    %and3A_1790 = vector.broadcast %and3A_1789 : i32 to vector<16xi32>
    %and3A_1791 = arith.andi %add3A_1786, %and3A_1790 : vector<16xi32>
    %gather3A_1792 = tpu.vector_load_idx %arg8[%shift_right_logical3A_1788, %and3A_1791] : memref<2x128xi32, #tpu.memory_space<vmem>>[vector<16xi32>, vector<16xi32>], vector<16xi32>,
    %and3A_1793 = arith.constant 15 : i32
    %and3A_1794 = vector.broadcast %and3A_1793 : i32 to vector<16xi32>
    %and3A_1795 = arith.andi %gather3A_1792, %and3A_1794 : vector<16xi32>
    %shift_left3A_1796 = vector.broadcast %squeeze3A_6 : i32 to vector<16xi32>
    %shift_left3A_1797 = arith.shli %and3A_1795, %shift_left3A_1796 : vector<16xi32>
    %shift_right_logical3A_1798 = vector.broadcast %squeeze3A_10 : i32 to vector<16xi32>
    %shift_right_logical3A_1799 = arith.shrui %add3A_1786, %shift_right_logical3A_1798 : vector<16xi32>
    %and3A_1800 = arith.constant 127 : i32
    %and3A_1801 = vector.broadcast %and3A_1800 : i32 to vector<16xi32>
    %and3A_1802 = arith.andi %add3A_1786, %and3A_1801 : vector<16xi32>
    %add3A_1803 = arith.addi %shift_left3A_1797, %and3A_249 : vector<16xi32>
    %gather3A_1804 = tpu.vector_load_idx %arg10[%shift_right_logical3A_1799, %and3A_1802, %add3A_1803] : memref<2x128x128xf32, #tpu.memory_space<vmem>>[vector<16xi32>, vector<16xi32>, vector<16xi32>], vector<16xf32>,
    %swap3A_1805 = arith.constant 61 : i32
    %swap3A_1806 = arith.index_cast %swap3A_1805 : i32 to index
    %swap3A_1807 = arith.constant 0 : index
    %swap3A_1808 = tpu.vector_load %arg11[%swap3A_1806, %swap3A_1807] {strides = array<i32>} : memref<128x16xf32, #tpu.memory_space<vmem>>, vector<16xf32>,
    tpu.vector_store %arg11[%swap3A_1806, %swap3A_1807], %gather3A_1804 {strides = array<i32>} : memref<128x16xf32, #tpu.memory_space<vmem>>, vector<16xf32>,
    %add3A_1809 = arith.constant 124 : i32
    %add3A_1810 = vector.broadcast %add3A_1809 : i32 to vector<16xi32>
    %add3A_1811 = arith.addi %add3A_1810, %shift_right_logical3A_246 : vector<16xi32>
    %shift_right_logical3A_1812 = vector.broadcast %squeeze3A_10 : i32 to vector<16xi32>
    %shift_right_logical3A_1813 = arith.shrui %add3A_1811, %shift_right_logical3A_1812 : vector<16xi32>
    %and3A_1814 = arith.constant 127 : i32
    %and3A_1815 = vector.broadcast %and3A_1814 : i32 to vector<16xi32>
    %and3A_1816 = arith.andi %add3A_1811, %and3A_1815 : vector<16xi32>
    %gather3A_1817 = tpu.vector_load_idx %arg8[%shift_right_logical3A_1813, %and3A_1816] : memref<2x128xi32, #tpu.memory_space<vmem>>[vector<16xi32>, vector<16xi32>], vector<16xi32>,
    %and3A_1818 = arith.constant 15 : i32
    %and3A_1819 = vector.broadcast %and3A_1818 : i32 to vector<16xi32>
    %and3A_1820 = arith.andi %gather3A_1817, %and3A_1819 : vector<16xi32>
    %shift_left3A_1821 = vector.broadcast %squeeze3A_6 : i32 to vector<16xi32>
    %shift_left3A_1822 = arith.shli %and3A_1820, %shift_left3A_1821 : vector<16xi32>
    %shift_right_logical3A_1823 = vector.broadcast %squeeze3A_10 : i32 to vector<16xi32>
    %shift_right_logical3A_1824 = arith.shrui %add3A_1811, %shift_right_logical3A_1823 : vector<16xi32>
    %and3A_1825 = arith.constant 127 : i32
    %and3A_1826 = vector.broadcast %and3A_1825 : i32 to vector<16xi32>
    %and3A_1827 = arith.andi %add3A_1811, %and3A_1826 : vector<16xi32>
    %add3A_1828 = arith.addi %shift_left3A_1822, %and3A_249 : vector<16xi32>
    %gather3A_1829 = tpu.vector_load_idx %arg10[%shift_right_logical3A_1824, %and3A_1827, %add3A_1828] : memref<2x128x128xf32, #tpu.memory_space<vmem>>[vector<16xi32>, vector<16xi32>, vector<16xi32>], vector<16xf32>,
    %swap3A_1830 = arith.constant 62 : i32
    %swap3A_1831 = arith.index_cast %swap3A_1830 : i32 to index
    %swap3A_1832 = arith.constant 0 : index
    %swap3A_1833 = tpu.vector_load %arg11[%swap3A_1831, %swap3A_1832] {strides = array<i32>} : memref<128x16xf32, #tpu.memory_space<vmem>>, vector<16xf32>,
    tpu.vector_store %arg11[%swap3A_1831, %swap3A_1832], %gather3A_1829 {strides = array<i32>} : memref<128x16xf32, #tpu.memory_space<vmem>>, vector<16xf32>,
    %add3A_1834 = arith.constant 126 : i32
    %add3A_1835 = vector.broadcast %add3A_1834 : i32 to vector<16xi32>
    %add3A_1836 = arith.addi %add3A_1835, %shift_right_logical3A_246 : vector<16xi32>
    %shift_right_logical3A_1837 = vector.broadcast %squeeze3A_10 : i32 to vector<16xi32>
    %shift_right_logical3A_1838 = arith.shrui %add3A_1836, %shift_right_logical3A_1837 : vector<16xi32>
    %and3A_1839 = arith.constant 127 : i32
    %and3A_1840 = vector.broadcast %and3A_1839 : i32 to vector<16xi32>
    %and3A_1841 = arith.andi %add3A_1836, %and3A_1840 : vector<16xi32>
    %gather3A_1842 = tpu.vector_load_idx %arg8[%shift_right_logical3A_1838, %and3A_1841] : memref<2x128xi32, #tpu.memory_space<vmem>>[vector<16xi32>, vector<16xi32>], vector<16xi32>,
    %and3A_1843 = arith.constant 15 : i32
    %and3A_1844 = vector.broadcast %and3A_1843 : i32 to vector<16xi32>
    %and3A_1845 = arith.andi %gather3A_1842, %and3A_1844 : vector<16xi32>
    %shift_left3A_1846 = vector.broadcast %squeeze3A_6 : i32 to vector<16xi32>
    %shift_left3A_1847 = arith.shli %and3A_1845, %shift_left3A_1846 : vector<16xi32>
    %shift_right_logical3A_1848 = vector.broadcast %squeeze3A_10 : i32 to vector<16xi32>
    %shift_right_logical3A_1849 = arith.shrui %add3A_1836, %shift_right_logical3A_1848 : vector<16xi32>
    %and3A_1850 = arith.constant 127 : i32
    %and3A_1851 = vector.broadcast %and3A_1850 : i32 to vector<16xi32>
    %and3A_1852 = arith.andi %add3A_1836, %and3A_1851 : vector<16xi32>
    %add3A_1853 = arith.addi %shift_left3A_1847, %and3A_249 : vector<16xi32>
    %gather3A_1854 = tpu.vector_load_idx %arg10[%shift_right_logical3A_1849, %and3A_1852, %add3A_1853] : memref<2x128x128xf32, #tpu.memory_space<vmem>>[vector<16xi32>, vector<16xi32>, vector<16xi32>], vector<16xf32>,
    %swap3A_1855 = arith.constant 63 : i32
    %swap3A_1856 = arith.index_cast %swap3A_1855 : i32 to index
    %swap3A_1857 = arith.constant 0 : index
    %swap3A_1858 = tpu.vector_load %arg11[%swap3A_1856, %swap3A_1857] {strides = array<i32>} : memref<128x16xf32, #tpu.memory_space<vmem>>, vector<16xf32>,
    tpu.vector_store %arg11[%swap3A_1856, %swap3A_1857], %gather3A_1854 {strides = array<i32>} : memref<128x16xf32, #tpu.memory_space<vmem>>, vector<16xf32>,
    %dma_wait3A_1859 = arith.constant 1 : i32
    %dma_wait3A_1860 = arith.constant 1 : i32
    %dma_wait3A_1861 = arith.constant 0 : i32
    %dma_wait3A_1862 = arith.constant 0 : i32
    %dma_wait3A_1863 = tpu.memref_slice %arg10[%dma_wait3A_1860, %dma_wait3A_1861, %dma_wait3A_1862] : memref<2x128x128xf32, #tpu.memory_space<vmem>> -> memref<1x128x128xf32, #tpu.memory_space<vmem>>
    %dma_wait3A_1864 = tpu.memref_squeeze %dma_wait3A_1863 : memref<1x128x128xf32, #tpu.memory_space<vmem>> -> memref<128x128xf32, #tpu.memory_space<vmem>>
    %dma_wait3A_1865 = arith.constant 0 : i32
    %dma_wait3A_1866 = tpu.memref_slice %arg9[%dma_wait3A_1859, %dma_wait3A_1865] : memref<2x128xi32, #tpu.memory_space<vmem>> -> memref<1x128xi32, #tpu.memory_space<vmem>>
    %dma_wait3A_1867 = tpu.memref_squeeze %dma_wait3A_1866 : memref<1x128xi32, #tpu.memory_space<vmem>> -> memref<128xi32, #tpu.memory_space<vmem>>
    %dma_wait3A_1868 = arith.constant 0 : i32
    %dma_wait3A_1869 = arith.constant 0 : i32
    %dma_wait3A_1870 = tpu.memref_slice %arg2[%dma_wait3A_1868, %dma_wait3A_1869] : memref<262144x128xf32, #tpu.memory_space<hbm>> -> memref<262144x128xf32, #tpu.memory_space<hbm>>
    tpu.wait_indirect_dma semaphore(%arg12 : memref<!tpu.dma_semaphore, #tpu.memory_space<semaphore_mem>>) src(%dma_wait3A_1870 : memref<262144x128xf32, #tpu.memory_space<hbm>>) dst(%dma_wait3A_1864 : memref<128x128xf32, #tpu.memory_space<vmem>>)
    %add3A_1871 = arith.constant 128 : i32
    %add3A_1872 = vector.broadcast %add3A_1871 : i32 to vector<16xi32>
    %add3A_1873 = arith.addi %add3A_1872, %shift_right_logical3A_246 : vector<16xi32>
    %shift_right_logical3A_1874 = vector.broadcast %squeeze3A_10 : i32 to vector<16xi32>
    %shift_right_logical3A_1875 = arith.shrui %add3A_1873, %shift_right_logical3A_1874 : vector<16xi32>
    %and3A_1876 = arith.constant 127 : i32
    %and3A_1877 = vector.broadcast %and3A_1876 : i32 to vector<16xi32>
    %and3A_1878 = arith.andi %add3A_1873, %and3A_1877 : vector<16xi32>
    %gather3A_1879 = tpu.vector_load_idx %arg8[%shift_right_logical3A_1875, %and3A_1878] : memref<2x128xi32, #tpu.memory_space<vmem>>[vector<16xi32>, vector<16xi32>], vector<16xi32>,
    %and3A_1880 = arith.constant 15 : i32
    %and3A_1881 = vector.broadcast %and3A_1880 : i32 to vector<16xi32>
    %and3A_1882 = arith.andi %gather3A_1879, %and3A_1881 : vector<16xi32>
    %shift_left3A_1883 = vector.broadcast %squeeze3A_6 : i32 to vector<16xi32>
    %shift_left3A_1884 = arith.shli %and3A_1882, %shift_left3A_1883 : vector<16xi32>
    %shift_right_logical3A_1885 = vector.broadcast %squeeze3A_10 : i32 to vector<16xi32>
    %shift_right_logical3A_1886 = arith.shrui %add3A_1873, %shift_right_logical3A_1885 : vector<16xi32>
    %and3A_1887 = arith.constant 127 : i32
    %and3A_1888 = vector.broadcast %and3A_1887 : i32 to vector<16xi32>
    %and3A_1889 = arith.andi %add3A_1873, %and3A_1888 : vector<16xi32>
    %add3A_1890 = arith.addi %shift_left3A_1884, %and3A_249 : vector<16xi32>
    %gather3A_1891 = tpu.vector_load_idx %arg10[%shift_right_logical3A_1886, %and3A_1889, %add3A_1890] : memref<2x128x128xf32, #tpu.memory_space<vmem>>[vector<16xi32>, vector<16xi32>, vector<16xi32>], vector<16xf32>,
    %swap3A_1892 = arith.constant 64 : i32
    %swap3A_1893 = arith.index_cast %swap3A_1892 : i32 to index
    %swap3A_1894 = arith.constant 0 : index
    %swap3A_1895 = tpu.vector_load %arg11[%swap3A_1893, %swap3A_1894] {strides = array<i32>} : memref<128x16xf32, #tpu.memory_space<vmem>>, vector<16xf32>,
    tpu.vector_store %arg11[%swap3A_1893, %swap3A_1894], %gather3A_1891 {strides = array<i32>} : memref<128x16xf32, #tpu.memory_space<vmem>>, vector<16xf32>,
    %add3A_1896 = arith.constant 130 : i32
    %add3A_1897 = vector.broadcast %add3A_1896 : i32 to vector<16xi32>
    %add3A_1898 = arith.addi %add3A_1897, %shift_right_logical3A_246 : vector<16xi32>
    %shift_right_logical3A_1899 = vector.broadcast %squeeze3A_10 : i32 to vector<16xi32>
    %shift_right_logical3A_1900 = arith.shrui %add3A_1898, %shift_right_logical3A_1899 : vector<16xi32>
    %and3A_1901 = arith.constant 127 : i32
    %and3A_1902 = vector.broadcast %and3A_1901 : i32 to vector<16xi32>
    %and3A_1903 = arith.andi %add3A_1898, %and3A_1902 : vector<16xi32>
    %gather3A_1904 = tpu.vector_load_idx %arg8[%shift_right_logical3A_1900, %and3A_1903] : memref<2x128xi32, #tpu.memory_space<vmem>>[vector<16xi32>, vector<16xi32>], vector<16xi32>,
    %and3A_1905 = arith.constant 15 : i32
    %and3A_1906 = vector.broadcast %and3A_1905 : i32 to vector<16xi32>
    %and3A_1907 = arith.andi %gather3A_1904, %and3A_1906 : vector<16xi32>
    %shift_left3A_1908 = vector.broadcast %squeeze3A_6 : i32 to vector<16xi32>
    %shift_left3A_1909 = arith.shli %and3A_1907, %shift_left3A_1908 : vector<16xi32>
    %shift_right_logical3A_1910 = vector.broadcast %squeeze3A_10 : i32 to vector<16xi32>
    %shift_right_logical3A_1911 = arith.shrui %add3A_1898, %shift_right_logical3A_1910 : vector<16xi32>
    %and3A_1912 = arith.constant 127 : i32
    %and3A_1913 = vector.broadcast %and3A_1912 : i32 to vector<16xi32>
    %and3A_1914 = arith.andi %add3A_1898, %and3A_1913 : vector<16xi32>
    %add3A_1915 = arith.addi %shift_left3A_1909, %and3A_249 : vector<16xi32>
    %gather3A_1916 = tpu.vector_load_idx %arg10[%shift_right_logical3A_1911, %and3A_1914, %add3A_1915] : memref<2x128x128xf32, #tpu.memory_space<vmem>>[vector<16xi32>, vector<16xi32>, vector<16xi32>], vector<16xf32>,
    %swap3A_1917 = arith.constant 65 : i32
    %swap3A_1918 = arith.index_cast %swap3A_1917 : i32 to index
    %swap3A_1919 = arith.constant 0 : index
    %swap3A_1920 = tpu.vector_load %arg11[%swap3A_1918, %swap3A_1919] {strides = array<i32>} : memref<128x16xf32, #tpu.memory_space<vmem>>, vector<16xf32>,
    tpu.vector_store %arg11[%swap3A_1918, %swap3A_1919], %gather3A_1916 {strides = array<i32>} : memref<128x16xf32, #tpu.memory_space<vmem>>, vector<16xf32>,
    %add3A_1921 = arith.constant 132 : i32
    %add3A_1922 = vector.broadcast %add3A_1921 : i32 to vector<16xi32>
    %add3A_1923 = arith.addi %add3A_1922, %shift_right_logical3A_246 : vector<16xi32>
    %shift_right_logical3A_1924 = vector.broadcast %squeeze3A_10 : i32 to vector<16xi32>
    %shift_right_logical3A_1925 = arith.shrui %add3A_1923, %shift_right_logical3A_1924 : vector<16xi32>
    %and3A_1926 = arith.constant 127 : i32
    %and3A_1927 = vector.broadcast %and3A_1926 : i32 to vector<16xi32>
    %and3A_1928 = arith.andi %add3A_1923, %and3A_1927 : vector<16xi32>
    %gather3A_1929 = tpu.vector_load_idx %arg8[%shift_right_logical3A_1925, %and3A_1928] : memref<2x128xi32, #tpu.memory_space<vmem>>[vector<16xi32>, vector<16xi32>], vector<16xi32>,
    %and3A_1930 = arith.constant 15 : i32
    %and3A_1931 = vector.broadcast %and3A_1930 : i32 to vector<16xi32>
    %and3A_1932 = arith.andi %gather3A_1929, %and3A_1931 : vector<16xi32>
    %shift_left3A_1933 = vector.broadcast %squeeze3A_6 : i32 to vector<16xi32>
    %shift_left3A_1934 = arith.shli %and3A_1932, %shift_left3A_1933 : vector<16xi32>
    %shift_right_logical3A_1935 = vector.broadcast %squeeze3A_10 : i32 to vector<16xi32>
    %shift_right_logical3A_1936 = arith.shrui %add3A_1923, %shift_right_logical3A_1935 : vector<16xi32>
    %and3A_1937 = arith.constant 127 : i32
    %and3A_1938 = vector.broadcast %and3A_1937 : i32 to vector<16xi32>
    %and3A_1939 = arith.andi %add3A_1923, %and3A_1938 : vector<16xi32>
    %add3A_1940 = arith.addi %shift_left3A_1934, %and3A_249 : vector<16xi32>
    %gather3A_1941 = tpu.vector_load_idx %arg10[%shift_right_logical3A_1936, %and3A_1939, %add3A_1940] : memref<2x128x128xf32, #tpu.memory_space<vmem>>[vector<16xi32>, vector<16xi32>, vector<16xi32>], vector<16xf32>,
    %swap3A_1942 = arith.constant 66 : i32
    %swap3A_1943 = arith.index_cast %swap3A_1942 : i32 to index
    %swap3A_1944 = arith.constant 0 : index
    %swap3A_1945 = tpu.vector_load %arg11[%swap3A_1943, %swap3A_1944] {strides = array<i32>} : memref<128x16xf32, #tpu.memory_space<vmem>>, vector<16xf32>,
    tpu.vector_store %arg11[%swap3A_1943, %swap3A_1944], %gather3A_1941 {strides = array<i32>} : memref<128x16xf32, #tpu.memory_space<vmem>>, vector<16xf32>,
    %add3A_1946 = arith.constant 134 : i32
    %add3A_1947 = vector.broadcast %add3A_1946 : i32 to vector<16xi32>
    %add3A_1948 = arith.addi %add3A_1947, %shift_right_logical3A_246 : vector<16xi32>
    %shift_right_logical3A_1949 = vector.broadcast %squeeze3A_10 : i32 to vector<16xi32>
    %shift_right_logical3A_1950 = arith.shrui %add3A_1948, %shift_right_logical3A_1949 : vector<16xi32>
    %and3A_1951 = arith.constant 127 : i32
    %and3A_1952 = vector.broadcast %and3A_1951 : i32 to vector<16xi32>
    %and3A_1953 = arith.andi %add3A_1948, %and3A_1952 : vector<16xi32>
    %gather3A_1954 = tpu.vector_load_idx %arg8[%shift_right_logical3A_1950, %and3A_1953] : memref<2x128xi32, #tpu.memory_space<vmem>>[vector<16xi32>, vector<16xi32>], vector<16xi32>,
    %and3A_1955 = arith.constant 15 : i32
    %and3A_1956 = vector.broadcast %and3A_1955 : i32 to vector<16xi32>
    %and3A_1957 = arith.andi %gather3A_1954, %and3A_1956 : vector<16xi32>
    %shift_left3A_1958 = vector.broadcast %squeeze3A_6 : i32 to vector<16xi32>
    %shift_left3A_1959 = arith.shli %and3A_1957, %shift_left3A_1958 : vector<16xi32>
    %shift_right_logical3A_1960 = vector.broadcast %squeeze3A_10 : i32 to vector<16xi32>
    %shift_right_logical3A_1961 = arith.shrui %add3A_1948, %shift_right_logical3A_1960 : vector<16xi32>
    %and3A_1962 = arith.constant 127 : i32
    %and3A_1963 = vector.broadcast %and3A_1962 : i32 to vector<16xi32>
    %and3A_1964 = arith.andi %add3A_1948, %and3A_1963 : vector<16xi32>
    %add3A_1965 = arith.addi %shift_left3A_1959, %and3A_249 : vector<16xi32>
    %gather3A_1966 = tpu.vector_load_idx %arg10[%shift_right_logical3A_1961, %and3A_1964, %add3A_1965] : memref<2x128x128xf32, #tpu.memory_space<vmem>>[vector<16xi32>, vector<16xi32>, vector<16xi32>], vector<16xf32>,
    %swap3A_1967 = arith.constant 67 : i32
    %swap3A_1968 = arith.index_cast %swap3A_1967 : i32 to index
    %swap3A_1969 = arith.constant 0 : index
    %swap3A_1970 = tpu.vector_load %arg11[%swap3A_1968, %swap3A_1969] {strides = array<i32>} : memref<128x16xf32, #tpu.memory_space<vmem>>, vector<16xf32>,
    tpu.vector_store %arg11[%swap3A_1968, %swap3A_1969], %gather3A_1966 {strides = array<i32>} : memref<128x16xf32, #tpu.memory_space<vmem>>, vector<16xf32>,
    %add3A_1971 = arith.constant 136 : i32
    %add3A_1972 = vector.broadcast %add3A_1971 : i32 to vector<16xi32>
    %add3A_1973 = arith.addi %add3A_1972, %shift_right_logical3A_246 : vector<16xi32>
    %shift_right_logical3A_1974 = vector.broadcast %squeeze3A_10 : i32 to vector<16xi32>
    %shift_right_logical3A_1975 = arith.shrui %add3A_1973, %shift_right_logical3A_1974 : vector<16xi32>
    %and3A_1976 = arith.constant 127 : i32
    %and3A_1977 = vector.broadcast %and3A_1976 : i32 to vector<16xi32>
    %and3A_1978 = arith.andi %add3A_1973, %and3A_1977 : vector<16xi32>
    %gather3A_1979 = tpu.vector_load_idx %arg8[%shift_right_logical3A_1975, %and3A_1978] : memref<2x128xi32, #tpu.memory_space<vmem>>[vector<16xi32>, vector<16xi32>], vector<16xi32>,
    %and3A_1980 = arith.constant 15 : i32
    %and3A_1981 = vector.broadcast %and3A_1980 : i32 to vector<16xi32>
    %and3A_1982 = arith.andi %gather3A_1979, %and3A_1981 : vector<16xi32>
    %shift_left3A_1983 = vector.broadcast %squeeze3A_6 : i32 to vector<16xi32>
    %shift_left3A_1984 = arith.shli %and3A_1982, %shift_left3A_1983 : vector<16xi32>
    %shift_right_logical3A_1985 = vector.broadcast %squeeze3A_10 : i32 to vector<16xi32>
    %shift_right_logical3A_1986 = arith.shrui %add3A_1973, %shift_right_logical3A_1985 : vector<16xi32>
    %and3A_1987 = arith.constant 127 : i32
    %and3A_1988 = vector.broadcast %and3A_1987 : i32 to vector<16xi32>
    %and3A_1989 = arith.andi %add3A_1973, %and3A_1988 : vector<16xi32>
    %add3A_1990 = arith.addi %shift_left3A_1984, %and3A_249 : vector<16xi32>
    %gather3A_1991 = tpu.vector_load_idx %arg10[%shift_right_logical3A_1986, %and3A_1989, %add3A_1990] : memref<2x128x128xf32, #tpu.memory_space<vmem>>[vector<16xi32>, vector<16xi32>, vector<16xi32>], vector<16xf32>,
    %swap3A_1992 = arith.constant 68 : i32
    %swap3A_1993 = arith.index_cast %swap3A_1992 : i32 to index
    %swap3A_1994 = arith.constant 0 : index
    %swap3A_1995 = tpu.vector_load %arg11[%swap3A_1993, %swap3A_1994] {strides = array<i32>} : memref<128x16xf32, #tpu.memory_space<vmem>>, vector<16xf32>,
    tpu.vector_store %arg11[%swap3A_1993, %swap3A_1994], %gather3A_1991 {strides = array<i32>} : memref<128x16xf32, #tpu.memory_space<vmem>>, vector<16xf32>,
    %add3A_1996 = arith.constant 138 : i32
    %add3A_1997 = vector.broadcast %add3A_1996 : i32 to vector<16xi32>
    %add3A_1998 = arith.addi %add3A_1997, %shift_right_logical3A_246 : vector<16xi32>
    %shift_right_logical3A_1999 = vector.broadcast %squeeze3A_10 : i32 to vector<16xi32>
    %shift_right_logical3A_2000 = arith.shrui %add3A_1998, %shift_right_logical3A_1999 : vector<16xi32>
    %and3A_2001 = arith.constant 127 : i32
    %and3A_2002 = vector.broadcast %and3A_2001 : i32 to vector<16xi32>
    %and3A_2003 = arith.andi %add3A_1998, %and3A_2002 : vector<16xi32>
    %gather3A_2004 = tpu.vector_load_idx %arg8[%shift_right_logical3A_2000, %and3A_2003] : memref<2x128xi32, #tpu.memory_space<vmem>>[vector<16xi32>, vector<16xi32>], vector<16xi32>,
    %and3A_2005 = arith.constant 15 : i32
    %and3A_2006 = vector.broadcast %and3A_2005 : i32 to vector<16xi32>
    %and3A_2007 = arith.andi %gather3A_2004, %and3A_2006 : vector<16xi32>
    %shift_left3A_2008 = vector.broadcast %squeeze3A_6 : i32 to vector<16xi32>
    %shift_left3A_2009 = arith.shli %and3A_2007, %shift_left3A_2008 : vector<16xi32>
    %shift_right_logical3A_2010 = vector.broadcast %squeeze3A_10 : i32 to vector<16xi32>
    %shift_right_logical3A_2011 = arith.shrui %add3A_1998, %shift_right_logical3A_2010 : vector<16xi32>
    %and3A_2012 = arith.constant 127 : i32
    %and3A_2013 = vector.broadcast %and3A_2012 : i32 to vector<16xi32>
    %and3A_2014 = arith.andi %add3A_1998, %and3A_2013 : vector<16xi32>
    %add3A_2015 = arith.addi %shift_left3A_2009, %and3A_249 : vector<16xi32>
    %gather3A_2016 = tpu.vector_load_idx %arg10[%shift_right_logical3A_2011, %and3A_2014, %add3A_2015] : memref<2x128x128xf32, #tpu.memory_space<vmem>>[vector<16xi32>, vector<16xi32>, vector<16xi32>], vector<16xf32>,
    %swap3A_2017 = arith.constant 69 : i32
    %swap3A_2018 = arith.index_cast %swap3A_2017 : i32 to index
    %swap3A_2019 = arith.constant 0 : index
    %swap3A_2020 = tpu.vector_load %arg11[%swap3A_2018, %swap3A_2019] {strides = array<i32>} : memref<128x16xf32, #tpu.memory_space<vmem>>, vector<16xf32>,
    tpu.vector_store %arg11[%swap3A_2018, %swap3A_2019], %gather3A_2016 {strides = array<i32>} : memref<128x16xf32, #tpu.memory_space<vmem>>, vector<16xf32>,
    %add3A_2021 = arith.constant 140 : i32
    %add3A_2022 = vector.broadcast %add3A_2021 : i32 to vector<16xi32>
    %add3A_2023 = arith.addi %add3A_2022, %shift_right_logical3A_246 : vector<16xi32>
    %shift_right_logical3A_2024 = vector.broadcast %squeeze3A_10 : i32 to vector<16xi32>
    %shift_right_logical3A_2025 = arith.shrui %add3A_2023, %shift_right_logical3A_2024 : vector<16xi32>
    %and3A_2026 = arith.constant 127 : i32
    %and3A_2027 = vector.broadcast %and3A_2026 : i32 to vector<16xi32>
    %and3A_2028 = arith.andi %add3A_2023, %and3A_2027 : vector<16xi32>
    %gather3A_2029 = tpu.vector_load_idx %arg8[%shift_right_logical3A_2025, %and3A_2028] : memref<2x128xi32, #tpu.memory_space<vmem>>[vector<16xi32>, vector<16xi32>], vector<16xi32>,
    %and3A_2030 = arith.constant 15 : i32
    %and3A_2031 = vector.broadcast %and3A_2030 : i32 to vector<16xi32>
    %and3A_2032 = arith.andi %gather3A_2029, %and3A_2031 : vector<16xi32>
    %shift_left3A_2033 = vector.broadcast %squeeze3A_6 : i32 to vector<16xi32>
    %shift_left3A_2034 = arith.shli %and3A_2032, %shift_left3A_2033 : vector<16xi32>
    %shift_right_logical3A_2035 = vector.broadcast %squeeze3A_10 : i32 to vector<16xi32>
    %shift_right_logical3A_2036 = arith.shrui %add3A_2023, %shift_right_logical3A_2035 : vector<16xi32>
    %and3A_2037 = arith.constant 127 : i32
    %and3A_2038 = vector.broadcast %and3A_2037 : i32 to vector<16xi32>
    %and3A_2039 = arith.andi %add3A_2023, %and3A_2038 : vector<16xi32>
    %add3A_2040 = arith.addi %shift_left3A_2034, %and3A_249 : vector<16xi32>
    %gather3A_2041 = tpu.vector_load_idx %arg10[%shift_right_logical3A_2036, %and3A_2039, %add3A_2040] : memref<2x128x128xf32, #tpu.memory_space<vmem>>[vector<16xi32>, vector<16xi32>, vector<16xi32>], vector<16xf32>,
    %swap3A_2042 = arith.constant 70 : i32
    %swap3A_2043 = arith.index_cast %swap3A_2042 : i32 to index
    %swap3A_2044 = arith.constant 0 : index
    %swap3A_2045 = tpu.vector_load %arg11[%swap3A_2043, %swap3A_2044] {strides = array<i32>} : memref<128x16xf32, #tpu.memory_space<vmem>>, vector<16xf32>,
    tpu.vector_store %arg11[%swap3A_2043, %swap3A_2044], %gather3A_2041 {strides = array<i32>} : memref<128x16xf32, #tpu.memory_space<vmem>>, vector<16xf32>,
    %add3A_2046 = arith.constant 142 : i32
    %add3A_2047 = vector.broadcast %add3A_2046 : i32 to vector<16xi32>
    %add3A_2048 = arith.addi %add3A_2047, %shift_right_logical3A_246 : vector<16xi32>
    %shift_right_logical3A_2049 = vector.broadcast %squeeze3A_10 : i32 to vector<16xi32>
    %shift_right_logical3A_2050 = arith.shrui %add3A_2048, %shift_right_logical3A_2049 : vector<16xi32>
    %and3A_2051 = arith.constant 127 : i32
    %and3A_2052 = vector.broadcast %and3A_2051 : i32 to vector<16xi32>
    %and3A_2053 = arith.andi %add3A_2048, %and3A_2052 : vector<16xi32>
    %gather3A_2054 = tpu.vector_load_idx %arg8[%shift_right_logical3A_2050, %and3A_2053] : memref<2x128xi32, #tpu.memory_space<vmem>>[vector<16xi32>, vector<16xi32>], vector<16xi32>,
    %and3A_2055 = arith.constant 15 : i32
    %and3A_2056 = vector.broadcast %and3A_2055 : i32 to vector<16xi32>
    %and3A_2057 = arith.andi %gather3A_2054, %and3A_2056 : vector<16xi32>
    %shift_left3A_2058 = vector.broadcast %squeeze3A_6 : i32 to vector<16xi32>
    %shift_left3A_2059 = arith.shli %and3A_2057, %shift_left3A_2058 : vector<16xi32>
    %shift_right_logical3A_2060 = vector.broadcast %squeeze3A_10 : i32 to vector<16xi32>
    %shift_right_logical3A_2061 = arith.shrui %add3A_2048, %shift_right_logical3A_2060 : vector<16xi32>
    %and3A_2062 = arith.constant 127 : i32
    %and3A_2063 = vector.broadcast %and3A_2062 : i32 to vector<16xi32>
    %and3A_2064 = arith.andi %add3A_2048, %and3A_2063 : vector<16xi32>
    %add3A_2065 = arith.addi %shift_left3A_2059, %and3A_249 : vector<16xi32>
    %gather3A_2066 = tpu.vector_load_idx %arg10[%shift_right_logical3A_2061, %and3A_2064, %add3A_2065] : memref<2x128x128xf32, #tpu.memory_space<vmem>>[vector<16xi32>, vector<16xi32>, vector<16xi32>], vector<16xf32>,
    %swap3A_2067 = arith.constant 71 : i32
    %swap3A_2068 = arith.index_cast %swap3A_2067 : i32 to index
    %swap3A_2069 = arith.constant 0 : index
    %swap3A_2070 = tpu.vector_load %arg11[%swap3A_2068, %swap3A_2069] {strides = array<i32>} : memref<128x16xf32, #tpu.memory_space<vmem>>, vector<16xf32>,
    tpu.vector_store %arg11[%swap3A_2068, %swap3A_2069], %gather3A_2066 {strides = array<i32>} : memref<128x16xf32, #tpu.memory_space<vmem>>, vector<16xf32>,
    %add3A_2071 = arith.constant 144 : i32
    %add3A_2072 = vector.broadcast %add3A_2071 : i32 to vector<16xi32>
    %add3A_2073 = arith.addi %add3A_2072, %shift_right_logical3A_246 : vector<16xi32>
    %shift_right_logical3A_2074 = vector.broadcast %squeeze3A_10 : i32 to vector<16xi32>
    %shift_right_logical3A_2075 = arith.shrui %add3A_2073, %shift_right_logical3A_2074 : vector<16xi32>
    %and3A_2076 = arith.constant 127 : i32
    %and3A_2077 = vector.broadcast %and3A_2076 : i32 to vector<16xi32>
    %and3A_2078 = arith.andi %add3A_2073, %and3A_2077 : vector<16xi32>
    %gather3A_2079 = tpu.vector_load_idx %arg8[%shift_right_logical3A_2075, %and3A_2078] : memref<2x128xi32, #tpu.memory_space<vmem>>[vector<16xi32>, vector<16xi32>], vector<16xi32>,
    %and3A_2080 = arith.constant 15 : i32
    %and3A_2081 = vector.broadcast %and3A_2080 : i32 to vector<16xi32>
    %and3A_2082 = arith.andi %gather3A_2079, %and3A_2081 : vector<16xi32>
    %shift_left3A_2083 = vector.broadcast %squeeze3A_6 : i32 to vector<16xi32>
    %shift_left3A_2084 = arith.shli %and3A_2082, %shift_left3A_2083 : vector<16xi32>
    %shift_right_logical3A_2085 = vector.broadcast %squeeze3A_10 : i32 to vector<16xi32>
    %shift_right_logical3A_2086 = arith.shrui %add3A_2073, %shift_right_logical3A_2085 : vector<16xi32>
    %and3A_2087 = arith.constant 127 : i32
    %and3A_2088 = vector.broadcast %and3A_2087 : i32 to vector<16xi32>
    %and3A_2089 = arith.andi %add3A_2073, %and3A_2088 : vector<16xi32>
    %add3A_2090 = arith.addi %shift_left3A_2084, %and3A_249 : vector<16xi32>
    %gather3A_2091 = tpu.vector_load_idx %arg10[%shift_right_logical3A_2086, %and3A_2089, %add3A_2090] : memref<2x128x128xf32, #tpu.memory_space<vmem>>[vector<16xi32>, vector<16xi32>, vector<16xi32>], vector<16xf32>,
    %swap3A_2092 = arith.constant 72 : i32
    %swap3A_2093 = arith.index_cast %swap3A_2092 : i32 to index
    %swap3A_2094 = arith.constant 0 : index
    %swap3A_2095 = tpu.vector_load %arg11[%swap3A_2093, %swap3A_2094] {strides = array<i32>} : memref<128x16xf32, #tpu.memory_space<vmem>>, vector<16xf32>,
    tpu.vector_store %arg11[%swap3A_2093, %swap3A_2094], %gather3A_2091 {strides = array<i32>} : memref<128x16xf32, #tpu.memory_space<vmem>>, vector<16xf32>,
    %add3A_2096 = arith.constant 146 : i32
    %add3A_2097 = vector.broadcast %add3A_2096 : i32 to vector<16xi32>
    %add3A_2098 = arith.addi %add3A_2097, %shift_right_logical3A_246 : vector<16xi32>
    %shift_right_logical3A_2099 = vector.broadcast %squeeze3A_10 : i32 to vector<16xi32>
    %shift_right_logical3A_2100 = arith.shrui %add3A_2098, %shift_right_logical3A_2099 : vector<16xi32>
    %and3A_2101 = arith.constant 127 : i32
    %and3A_2102 = vector.broadcast %and3A_2101 : i32 to vector<16xi32>
    %and3A_2103 = arith.andi %add3A_2098, %and3A_2102 : vector<16xi32>
    %gather3A_2104 = tpu.vector_load_idx %arg8[%shift_right_logical3A_2100, %and3A_2103] : memref<2x128xi32, #tpu.memory_space<vmem>>[vector<16xi32>, vector<16xi32>], vector<16xi32>,
    %and3A_2105 = arith.constant 15 : i32
    %and3A_2106 = vector.broadcast %and3A_2105 : i32 to vector<16xi32>
    %and3A_2107 = arith.andi %gather3A_2104, %and3A_2106 : vector<16xi32>
    %shift_left3A_2108 = vector.broadcast %squeeze3A_6 : i32 to vector<16xi32>
    %shift_left3A_2109 = arith.shli %and3A_2107, %shift_left3A_2108 : vector<16xi32>
    %shift_right_logical3A_2110 = vector.broadcast %squeeze3A_10 : i32 to vector<16xi32>
    %shift_right_logical3A_2111 = arith.shrui %add3A_2098, %shift_right_logical3A_2110 : vector<16xi32>
    %and3A_2112 = arith.constant 127 : i32
    %and3A_2113 = vector.broadcast %and3A_2112 : i32 to vector<16xi32>
    %and3A_2114 = arith.andi %add3A_2098, %and3A_2113 : vector<16xi32>
    %add3A_2115 = arith.addi %shift_left3A_2109, %and3A_249 : vector<16xi32>
    %gather3A_2116 = tpu.vector_load_idx %arg10[%shift_right_logical3A_2111, %and3A_2114, %add3A_2115] : memref<2x128x128xf32, #tpu.memory_space<vmem>>[vector<16xi32>, vector<16xi32>, vector<16xi32>], vector<16xf32>,
    %swap3A_2117 = arith.constant 73 : i32
    %swap3A_2118 = arith.index_cast %swap3A_2117 : i32 to index
    %swap3A_2119 = arith.constant 0 : index
    %swap3A_2120 = tpu.vector_load %arg11[%swap3A_2118, %swap3A_2119] {strides = array<i32>} : memref<128x16xf32, #tpu.memory_space<vmem>>, vector<16xf32>,
    tpu.vector_store %arg11[%swap3A_2118, %swap3A_2119], %gather3A_2116 {strides = array<i32>} : memref<128x16xf32, #tpu.memory_space<vmem>>, vector<16xf32>,
    %add3A_2121 = arith.constant 148 : i32
    %add3A_2122 = vector.broadcast %add3A_2121 : i32 to vector<16xi32>
    %add3A_2123 = arith.addi %add3A_2122, %shift_right_logical3A_246 : vector<16xi32>
    %shift_right_logical3A_2124 = vector.broadcast %squeeze3A_10 : i32 to vector<16xi32>
    %shift_right_logical3A_2125 = arith.shrui %add3A_2123, %shift_right_logical3A_2124 : vector<16xi32>
    %and3A_2126 = arith.constant 127 : i32
    %and3A_2127 = vector.broadcast %and3A_2126 : i32 to vector<16xi32>
    %and3A_2128 = arith.andi %add3A_2123, %and3A_2127 : vector<16xi32>
    %gather3A_2129 = tpu.vector_load_idx %arg8[%shift_right_logical3A_2125, %and3A_2128] : memref<2x128xi32, #tpu.memory_space<vmem>>[vector<16xi32>, vector<16xi32>], vector<16xi32>,
    %and3A_2130 = arith.constant 15 : i32
    %and3A_2131 = vector.broadcast %and3A_2130 : i32 to vector<16xi32>
    %and3A_2132 = arith.andi %gather3A_2129, %and3A_2131 : vector<16xi32>
    %shift_left3A_2133 = vector.broadcast %squeeze3A_6 : i32 to vector<16xi32>
    %shift_left3A_2134 = arith.shli %and3A_2132, %shift_left3A_2133 : vector<16xi32>
    %shift_right_logical3A_2135 = vector.broadcast %squeeze3A_10 : i32 to vector<16xi32>
    %shift_right_logical3A_2136 = arith.shrui %add3A_2123, %shift_right_logical3A_2135 : vector<16xi32>
    %and3A_2137 = arith.constant 127 : i32
    %and3A_2138 = vector.broadcast %and3A_2137 : i32 to vector<16xi32>
    %and3A_2139 = arith.andi %add3A_2123, %and3A_2138 : vector<16xi32>
    %add3A_2140 = arith.addi %shift_left3A_2134, %and3A_249 : vector<16xi32>
    %gather3A_2141 = tpu.vector_load_idx %arg10[%shift_right_logical3A_2136, %and3A_2139, %add3A_2140] : memref<2x128x128xf32, #tpu.memory_space<vmem>>[vector<16xi32>, vector<16xi32>, vector<16xi32>], vector<16xf32>,
    %swap3A_2142 = arith.constant 74 : i32
    %swap3A_2143 = arith.index_cast %swap3A_2142 : i32 to index
    %swap3A_2144 = arith.constant 0 : index
    %swap3A_2145 = tpu.vector_load %arg11[%swap3A_2143, %swap3A_2144] {strides = array<i32>} : memref<128x16xf32, #tpu.memory_space<vmem>>, vector<16xf32>,
    tpu.vector_store %arg11[%swap3A_2143, %swap3A_2144], %gather3A_2141 {strides = array<i32>} : memref<128x16xf32, #tpu.memory_space<vmem>>, vector<16xf32>,
    %add3A_2146 = arith.constant 150 : i32
    %add3A_2147 = vector.broadcast %add3A_2146 : i32 to vector<16xi32>
    %add3A_2148 = arith.addi %add3A_2147, %shift_right_logical3A_246 : vector<16xi32>
    %shift_right_logical3A_2149 = vector.broadcast %squeeze3A_10 : i32 to vector<16xi32>
    %shift_right_logical3A_2150 = arith.shrui %add3A_2148, %shift_right_logical3A_2149 : vector<16xi32>
    %and3A_2151 = arith.constant 127 : i32
    %and3A_2152 = vector.broadcast %and3A_2151 : i32 to vector<16xi32>
    %and3A_2153 = arith.andi %add3A_2148, %and3A_2152 : vector<16xi32>
    %gather3A_2154 = tpu.vector_load_idx %arg8[%shift_right_logical3A_2150, %and3A_2153] : memref<2x128xi32, #tpu.memory_space<vmem>>[vector<16xi32>, vector<16xi32>], vector<16xi32>,
    %and3A_2155 = arith.constant 15 : i32
    %and3A_2156 = vector.broadcast %and3A_2155 : i32 to vector<16xi32>
    %and3A_2157 = arith.andi %gather3A_2154, %and3A_2156 : vector<16xi32>
    %shift_left3A_2158 = vector.broadcast %squeeze3A_6 : i32 to vector<16xi32>
    %shift_left3A_2159 = arith.shli %and3A_2157, %shift_left3A_2158 : vector<16xi32>
    %shift_right_logical3A_2160 = vector.broadcast %squeeze3A_10 : i32 to vector<16xi32>
    %shift_right_logical3A_2161 = arith.shrui %add3A_2148, %shift_right_logical3A_2160 : vector<16xi32>
    %and3A_2162 = arith.constant 127 : i32
    %and3A_2163 = vector.broadcast %and3A_2162 : i32 to vector<16xi32>
    %and3A_2164 = arith.andi %add3A_2148, %and3A_2163 : vector<16xi32>
    %add3A_2165 = arith.addi %shift_left3A_2159, %and3A_249 : vector<16xi32>
    %gather3A_2166 = tpu.vector_load_idx %arg10[%shift_right_logical3A_2161, %and3A_2164, %add3A_2165] : memref<2x128x128xf32, #tpu.memory_space<vmem>>[vector<16xi32>, vector<16xi32>, vector<16xi32>], vector<16xf32>,
    %swap3A_2167 = arith.constant 75 : i32
    %swap3A_2168 = arith.index_cast %swap3A_2167 : i32 to index
    %swap3A_2169 = arith.constant 0 : index
    %swap3A_2170 = tpu.vector_load %arg11[%swap3A_2168, %swap3A_2169] {strides = array<i32>} : memref<128x16xf32, #tpu.memory_space<vmem>>, vector<16xf32>,
    tpu.vector_store %arg11[%swap3A_2168, %swap3A_2169], %gather3A_2166 {strides = array<i32>} : memref<128x16xf32, #tpu.memory_space<vmem>>, vector<16xf32>,
    %add3A_2171 = arith.constant 152 : i32
    %add3A_2172 = vector.broadcast %add3A_2171 : i32 to vector<16xi32>
    %add3A_2173 = arith.addi %add3A_2172, %shift_right_logical3A_246 : vector<16xi32>
    %shift_right_logical3A_2174 = vector.broadcast %squeeze3A_10 : i32 to vector<16xi32>
    %shift_right_logical3A_2175 = arith.shrui %add3A_2173, %shift_right_logical3A_2174 : vector<16xi32>
    %and3A_2176 = arith.constant 127 : i32
    %and3A_2177 = vector.broadcast %and3A_2176 : i32 to vector<16xi32>
    %and3A_2178 = arith.andi %add3A_2173, %and3A_2177 : vector<16xi32>
    %gather3A_2179 = tpu.vector_load_idx %arg8[%shift_right_logical3A_2175, %and3A_2178] : memref<2x128xi32, #tpu.memory_space<vmem>>[vector<16xi32>, vector<16xi32>], vector<16xi32>,
    %and3A_2180 = arith.constant 15 : i32
    %and3A_2181 = vector.broadcast %and3A_2180 : i32 to vector<16xi32>
    %and3A_2182 = arith.andi %gather3A_2179, %and3A_2181 : vector<16xi32>
    %shift_left3A_2183 = vector.broadcast %squeeze3A_6 : i32 to vector<16xi32>
    %shift_left3A_2184 = arith.shli %and3A_2182, %shift_left3A_2183 : vector<16xi32>
    %shift_right_logical3A_2185 = vector.broadcast %squeeze3A_10 : i32 to vector<16xi32>
    %shift_right_logical3A_2186 = arith.shrui %add3A_2173, %shift_right_logical3A_2185 : vector<16xi32>
    %and3A_2187 = arith.constant 127 : i32
    %and3A_2188 = vector.broadcast %and3A_2187 : i32 to vector<16xi32>
    %and3A_2189 = arith.andi %add3A_2173, %and3A_2188 : vector<16xi32>
    %add3A_2190 = arith.addi %shift_left3A_2184, %and3A_249 : vector<16xi32>
    %gather3A_2191 = tpu.vector_load_idx %arg10[%shift_right_logical3A_2186, %and3A_2189, %add3A_2190] : memref<2x128x128xf32, #tpu.memory_space<vmem>>[vector<16xi32>, vector<16xi32>, vector<16xi32>], vector<16xf32>,
    %swap3A_2192 = arith.constant 76 : i32
    %swap3A_2193 = arith.index_cast %swap3A_2192 : i32 to index
    %swap3A_2194 = arith.constant 0 : index
    %swap3A_2195 = tpu.vector_load %arg11[%swap3A_2193, %swap3A_2194] {strides = array<i32>} : memref<128x16xf32, #tpu.memory_space<vmem>>, vector<16xf32>,
    tpu.vector_store %arg11[%swap3A_2193, %swap3A_2194], %gather3A_2191 {strides = array<i32>} : memref<128x16xf32, #tpu.memory_space<vmem>>, vector<16xf32>,
    %add3A_2196 = arith.constant 154 : i32
    %add3A_2197 = vector.broadcast %add3A_2196 : i32 to vector<16xi32>
    %add3A_2198 = arith.addi %add3A_2197, %shift_right_logical3A_246 : vector<16xi32>
    %shift_right_logical3A_2199 = vector.broadcast %squeeze3A_10 : i32 to vector<16xi32>
    %shift_right_logical3A_2200 = arith.shrui %add3A_2198, %shift_right_logical3A_2199 : vector<16xi32>
    %and3A_2201 = arith.constant 127 : i32
    %and3A_2202 = vector.broadcast %and3A_2201 : i32 to vector<16xi32>
    %and3A_2203 = arith.andi %add3A_2198, %and3A_2202 : vector<16xi32>
    %gather3A_2204 = tpu.vector_load_idx %arg8[%shift_right_logical3A_2200, %and3A_2203] : memref<2x128xi32, #tpu.memory_space<vmem>>[vector<16xi32>, vector<16xi32>], vector<16xi32>,
    %and3A_2205 = arith.constant 15 : i32
    %and3A_2206 = vector.broadcast %and3A_2205 : i32 to vector<16xi32>
    %and3A_2207 = arith.andi %gather3A_2204, %and3A_2206 : vector<16xi32>
    %shift_left3A_2208 = vector.broadcast %squeeze3A_6 : i32 to vector<16xi32>
    %shift_left3A_2209 = arith.shli %and3A_2207, %shift_left3A_2208 : vector<16xi32>
    %shift_right_logical3A_2210 = vector.broadcast %squeeze3A_10 : i32 to vector<16xi32>
    %shift_right_logical3A_2211 = arith.shrui %add3A_2198, %shift_right_logical3A_2210 : vector<16xi32>
    %and3A_2212 = arith.constant 127 : i32
    %and3A_2213 = vector.broadcast %and3A_2212 : i32 to vector<16xi32>
    %and3A_2214 = arith.andi %add3A_2198, %and3A_2213 : vector<16xi32>
    %add3A_2215 = arith.addi %shift_left3A_2209, %and3A_249 : vector<16xi32>
    %gather3A_2216 = tpu.vector_load_idx %arg10[%shift_right_logical3A_2211, %and3A_2214, %add3A_2215] : memref<2x128x128xf32, #tpu.memory_space<vmem>>[vector<16xi32>, vector<16xi32>, vector<16xi32>], vector<16xf32>,
    %swap3A_2217 = arith.constant 77 : i32
    %swap3A_2218 = arith.index_cast %swap3A_2217 : i32 to index
    %swap3A_2219 = arith.constant 0 : index
    %swap3A_2220 = tpu.vector_load %arg11[%swap3A_2218, %swap3A_2219] {strides = array<i32>} : memref<128x16xf32, #tpu.memory_space<vmem>>, vector<16xf32>,
    tpu.vector_store %arg11[%swap3A_2218, %swap3A_2219], %gather3A_2216 {strides = array<i32>} : memref<128x16xf32, #tpu.memory_space<vmem>>, vector<16xf32>,
    %add3A_2221 = arith.constant 156 : i32
    %add3A_2222 = vector.broadcast %add3A_2221 : i32 to vector<16xi32>
    %add3A_2223 = arith.addi %add3A_2222, %shift_right_logical3A_246 : vector<16xi32>
    %shift_right_logical3A_2224 = vector.broadcast %squeeze3A_10 : i32 to vector<16xi32>
    %shift_right_logical3A_2225 = arith.shrui %add3A_2223, %shift_right_logical3A_2224 : vector<16xi32>
    %and3A_2226 = arith.constant 127 : i32
    %and3A_2227 = vector.broadcast %and3A_2226 : i32 to vector<16xi32>
    %and3A_2228 = arith.andi %add3A_2223, %and3A_2227 : vector<16xi32>
    %gather3A_2229 = tpu.vector_load_idx %arg8[%shift_right_logical3A_2225, %and3A_2228] : memref<2x128xi32, #tpu.memory_space<vmem>>[vector<16xi32>, vector<16xi32>], vector<16xi32>,
    %and3A_2230 = arith.constant 15 : i32
    %and3A_2231 = vector.broadcast %and3A_2230 : i32 to vector<16xi32>
    %and3A_2232 = arith.andi %gather3A_2229, %and3A_2231 : vector<16xi32>
    %shift_left3A_2233 = vector.broadcast %squeeze3A_6 : i32 to vector<16xi32>
    %shift_left3A_2234 = arith.shli %and3A_2232, %shift_left3A_2233 : vector<16xi32>
    %shift_right_logical3A_2235 = vector.broadcast %squeeze3A_10 : i32 to vector<16xi32>
    %shift_right_logical3A_2236 = arith.shrui %add3A_2223, %shift_right_logical3A_2235 : vector<16xi32>
    %and3A_2237 = arith.constant 127 : i32
    %and3A_2238 = vector.broadcast %and3A_2237 : i32 to vector<16xi32>
    %and3A_2239 = arith.andi %add3A_2223, %and3A_2238 : vector<16xi32>
    %add3A_2240 = arith.addi %shift_left3A_2234, %and3A_249 : vector<16xi32>
    %gather3A_2241 = tpu.vector_load_idx %arg10[%shift_right_logical3A_2236, %and3A_2239, %add3A_2240] : memref<2x128x128xf32, #tpu.memory_space<vmem>>[vector<16xi32>, vector<16xi32>, vector<16xi32>], vector<16xf32>,
    %swap3A_2242 = arith.constant 78 : i32
    %swap3A_2243 = arith.index_cast %swap3A_2242 : i32 to index
    %swap3A_2244 = arith.constant 0 : index
    %swap3A_2245 = tpu.vector_load %arg11[%swap3A_2243, %swap3A_2244] {strides = array<i32>} : memref<128x16xf32, #tpu.memory_space<vmem>>, vector<16xf32>,
    tpu.vector_store %arg11[%swap3A_2243, %swap3A_2244], %gather3A_2241 {strides = array<i32>} : memref<128x16xf32, #tpu.memory_space<vmem>>, vector<16xf32>,
    %add3A_2246 = arith.constant 158 : i32
    %add3A_2247 = vector.broadcast %add3A_2246 : i32 to vector<16xi32>
    %add3A_2248 = arith.addi %add3A_2247, %shift_right_logical3A_246 : vector<16xi32>
    %shift_right_logical3A_2249 = vector.broadcast %squeeze3A_10 : i32 to vector<16xi32>
    %shift_right_logical3A_2250 = arith.shrui %add3A_2248, %shift_right_logical3A_2249 : vector<16xi32>
    %and3A_2251 = arith.constant 127 : i32
    %and3A_2252 = vector.broadcast %and3A_2251 : i32 to vector<16xi32>
    %and3A_2253 = arith.andi %add3A_2248, %and3A_2252 : vector<16xi32>
    %gather3A_2254 = tpu.vector_load_idx %arg8[%shift_right_logical3A_2250, %and3A_2253] : memref<2x128xi32, #tpu.memory_space<vmem>>[vector<16xi32>, vector<16xi32>], vector<16xi32>,
    %and3A_2255 = arith.constant 15 : i32
    %and3A_2256 = vector.broadcast %and3A_2255 : i32 to vector<16xi32>
    %and3A_2257 = arith.andi %gather3A_2254, %and3A_2256 : vector<16xi32>
    %shift_left3A_2258 = vector.broadcast %squeeze3A_6 : i32 to vector<16xi32>
    %shift_left3A_2259 = arith.shli %and3A_2257, %shift_left3A_2258 : vector<16xi32>
    %shift_right_logical3A_2260 = vector.broadcast %squeeze3A_10 : i32 to vector<16xi32>
    %shift_right_logical3A_2261 = arith.shrui %add3A_2248, %shift_right_logical3A_2260 : vector<16xi32>
    %and3A_2262 = arith.constant 127 : i32
    %and3A_2263 = vector.broadcast %and3A_2262 : i32 to vector<16xi32>
    %and3A_2264 = arith.andi %add3A_2248, %and3A_2263 : vector<16xi32>
    %add3A_2265 = arith.addi %shift_left3A_2259, %and3A_249 : vector<16xi32>
    %gather3A_2266 = tpu.vector_load_idx %arg10[%shift_right_logical3A_2261, %and3A_2264, %add3A_2265] : memref<2x128x128xf32, #tpu.memory_space<vmem>>[vector<16xi32>, vector<16xi32>, vector<16xi32>], vector<16xf32>,
    %swap3A_2267 = arith.constant 79 : i32
    %swap3A_2268 = arith.index_cast %swap3A_2267 : i32 to index
    %swap3A_2269 = arith.constant 0 : index
    %swap3A_2270 = tpu.vector_load %arg11[%swap3A_2268, %swap3A_2269] {strides = array<i32>} : memref<128x16xf32, #tpu.memory_space<vmem>>, vector<16xf32>,
    tpu.vector_store %arg11[%swap3A_2268, %swap3A_2269], %gather3A_2266 {strides = array<i32>} : memref<128x16xf32, #tpu.memory_space<vmem>>, vector<16xf32>,
    %add3A_2271 = arith.constant 160 : i32
    %add3A_2272 = vector.broadcast %add3A_2271 : i32 to vector<16xi32>
    %add3A_2273 = arith.addi %add3A_2272, %shift_right_logical3A_246 : vector<16xi32>
    %shift_right_logical3A_2274 = vector.broadcast %squeeze3A_10 : i32 to vector<16xi32>
    %shift_right_logical3A_2275 = arith.shrui %add3A_2273, %shift_right_logical3A_2274 : vector<16xi32>
    %and3A_2276 = arith.constant 127 : i32
    %and3A_2277 = vector.broadcast %and3A_2276 : i32 to vector<16xi32>
    %and3A_2278 = arith.andi %add3A_2273, %and3A_2277 : vector<16xi32>
    %gather3A_2279 = tpu.vector_load_idx %arg8[%shift_right_logical3A_2275, %and3A_2278] : memref<2x128xi32, #tpu.memory_space<vmem>>[vector<16xi32>, vector<16xi32>], vector<16xi32>,
    %and3A_2280 = arith.constant 15 : i32
    %and3A_2281 = vector.broadcast %and3A_2280 : i32 to vector<16xi32>
    %and3A_2282 = arith.andi %gather3A_2279, %and3A_2281 : vector<16xi32>
    %shift_left3A_2283 = vector.broadcast %squeeze3A_6 : i32 to vector<16xi32>
    %shift_left3A_2284 = arith.shli %and3A_2282, %shift_left3A_2283 : vector<16xi32>
    %shift_right_logical3A_2285 = vector.broadcast %squeeze3A_10 : i32 to vector<16xi32>
    %shift_right_logical3A_2286 = arith.shrui %add3A_2273, %shift_right_logical3A_2285 : vector<16xi32>
    %and3A_2287 = arith.constant 127 : i32
    %and3A_2288 = vector.broadcast %and3A_2287 : i32 to vector<16xi32>
    %and3A_2289 = arith.andi %add3A_2273, %and3A_2288 : vector<16xi32>
    %add3A_2290 = arith.addi %shift_left3A_2284, %and3A_249 : vector<16xi32>
    %gather3A_2291 = tpu.vector_load_idx %arg10[%shift_right_logical3A_2286, %and3A_2289, %add3A_2290] : memref<2x128x128xf32, #tpu.memory_space<vmem>>[vector<16xi32>, vector<16xi32>, vector<16xi32>], vector<16xf32>,
    %swap3A_2292 = arith.constant 80 : i32
    %swap3A_2293 = arith.index_cast %swap3A_2292 : i32 to index
    %swap3A_2294 = arith.constant 0 : index
    %swap3A_2295 = tpu.vector_load %arg11[%swap3A_2293, %swap3A_2294] {strides = array<i32>} : memref<128x16xf32, #tpu.memory_space<vmem>>, vector<16xf32>,
    tpu.vector_store %arg11[%swap3A_2293, %swap3A_2294], %gather3A_2291 {strides = array<i32>} : memref<128x16xf32, #tpu.memory_space<vmem>>, vector<16xf32>,
    %add3A_2296 = arith.constant 162 : i32
    %add3A_2297 = vector.broadcast %add3A_2296 : i32 to vector<16xi32>
    %add3A_2298 = arith.addi %add3A_2297, %shift_right_logical3A_246 : vector<16xi32>
    %shift_right_logical3A_2299 = vector.broadcast %squeeze3A_10 : i32 to vector<16xi32>
    %shift_right_logical3A_2300 = arith.shrui %add3A_2298, %shift_right_logical3A_2299 : vector<16xi32>
    %and3A_2301 = arith.constant 127 : i32
    %and3A_2302 = vector.broadcast %and3A_2301 : i32 to vector<16xi32>
    %and3A_2303 = arith.andi %add3A_2298, %and3A_2302 : vector<16xi32>
    %gather3A_2304 = tpu.vector_load_idx %arg8[%shift_right_logical3A_2300, %and3A_2303] : memref<2x128xi32, #tpu.memory_space<vmem>>[vector<16xi32>, vector<16xi32>], vector<16xi32>,
    %and3A_2305 = arith.constant 15 : i32
    %and3A_2306 = vector.broadcast %and3A_2305 : i32 to vector<16xi32>
    %and3A_2307 = arith.andi %gather3A_2304, %and3A_2306 : vector<16xi32>
    %shift_left3A_2308 = vector.broadcast %squeeze3A_6 : i32 to vector<16xi32>
    %shift_left3A_2309 = arith.shli %and3A_2307, %shift_left3A_2308 : vector<16xi32>
    %shift_right_logical3A_2310 = vector.broadcast %squeeze3A_10 : i32 to vector<16xi32>
    %shift_right_logical3A_2311 = arith.shrui %add3A_2298, %shift_right_logical3A_2310 : vector<16xi32>
    %and3A_2312 = arith.constant 127 : i32
    %and3A_2313 = vector.broadcast %and3A_2312 : i32 to vector<16xi32>
    %and3A_2314 = arith.andi %add3A_2298, %and3A_2313 : vector<16xi32>
    %add3A_2315 = arith.addi %shift_left3A_2309, %and3A_249 : vector<16xi32>
    %gather3A_2316 = tpu.vector_load_idx %arg10[%shift_right_logical3A_2311, %and3A_2314, %add3A_2315] : memref<2x128x128xf32, #tpu.memory_space<vmem>>[vector<16xi32>, vector<16xi32>, vector<16xi32>], vector<16xf32>,
    %swap3A_2317 = arith.constant 81 : i32
    %swap3A_2318 = arith.index_cast %swap3A_2317 : i32 to index
    %swap3A_2319 = arith.constant 0 : index
    %swap3A_2320 = tpu.vector_load %arg11[%swap3A_2318, %swap3A_2319] {strides = array<i32>} : memref<128x16xf32, #tpu.memory_space<vmem>>, vector<16xf32>,
    tpu.vector_store %arg11[%swap3A_2318, %swap3A_2319], %gather3A_2316 {strides = array<i32>} : memref<128x16xf32, #tpu.memory_space<vmem>>, vector<16xf32>,
    %add3A_2321 = arith.constant 164 : i32
    %add3A_2322 = vector.broadcast %add3A_2321 : i32 to vector<16xi32>
    %add3A_2323 = arith.addi %add3A_2322, %shift_right_logical3A_246 : vector<16xi32>
    %shift_right_logical3A_2324 = vector.broadcast %squeeze3A_10 : i32 to vector<16xi32>
    %shift_right_logical3A_2325 = arith.shrui %add3A_2323, %shift_right_logical3A_2324 : vector<16xi32>
    %and3A_2326 = arith.constant 127 : i32
    %and3A_2327 = vector.broadcast %and3A_2326 : i32 to vector<16xi32>
    %and3A_2328 = arith.andi %add3A_2323, %and3A_2327 : vector<16xi32>
    %gather3A_2329 = tpu.vector_load_idx %arg8[%shift_right_logical3A_2325, %and3A_2328] : memref<2x128xi32, #tpu.memory_space<vmem>>[vector<16xi32>, vector<16xi32>], vector<16xi32>,
    %and3A_2330 = arith.constant 15 : i32
    %and3A_2331 = vector.broadcast %and3A_2330 : i32 to vector<16xi32>
    %and3A_2332 = arith.andi %gather3A_2329, %and3A_2331 : vector<16xi32>
    %shift_left3A_2333 = vector.broadcast %squeeze3A_6 : i32 to vector<16xi32>
    %shift_left3A_2334 = arith.shli %and3A_2332, %shift_left3A_2333 : vector<16xi32>
    %shift_right_logical3A_2335 = vector.broadcast %squeeze3A_10 : i32 to vector<16xi32>
    %shift_right_logical3A_2336 = arith.shrui %add3A_2323, %shift_right_logical3A_2335 : vector<16xi32>
    %and3A_2337 = arith.constant 127 : i32
    %and3A_2338 = vector.broadcast %and3A_2337 : i32 to vector<16xi32>
    %and3A_2339 = arith.andi %add3A_2323, %and3A_2338 : vector<16xi32>
    %add3A_2340 = arith.addi %shift_left3A_2334, %and3A_249 : vector<16xi32>
    %gather3A_2341 = tpu.vector_load_idx %arg10[%shift_right_logical3A_2336, %and3A_2339, %add3A_2340] : memref<2x128x128xf32, #tpu.memory_space<vmem>>[vector<16xi32>, vector<16xi32>, vector<16xi32>], vector<16xf32>,
    %swap3A_2342 = arith.constant 82 : i32
    %swap3A_2343 = arith.index_cast %swap3A_2342 : i32 to index
    %swap3A_2344 = arith.constant 0 : index
    %swap3A_2345 = tpu.vector_load %arg11[%swap3A_2343, %swap3A_2344] {strides = array<i32>} : memref<128x16xf32, #tpu.memory_space<vmem>>, vector<16xf32>,
    tpu.vector_store %arg11[%swap3A_2343, %swap3A_2344], %gather3A_2341 {strides = array<i32>} : memref<128x16xf32, #tpu.memory_space<vmem>>, vector<16xf32>,
    %add3A_2346 = arith.constant 166 : i32
    %add3A_2347 = vector.broadcast %add3A_2346 : i32 to vector<16xi32>
    %add3A_2348 = arith.addi %add3A_2347, %shift_right_logical3A_246 : vector<16xi32>
    %shift_right_logical3A_2349 = vector.broadcast %squeeze3A_10 : i32 to vector<16xi32>
    %shift_right_logical3A_2350 = arith.shrui %add3A_2348, %shift_right_logical3A_2349 : vector<16xi32>
    %and3A_2351 = arith.constant 127 : i32
    %and3A_2352 = vector.broadcast %and3A_2351 : i32 to vector<16xi32>
    %and3A_2353 = arith.andi %add3A_2348, %and3A_2352 : vector<16xi32>
    %gather3A_2354 = tpu.vector_load_idx %arg8[%shift_right_logical3A_2350, %and3A_2353] : memref<2x128xi32, #tpu.memory_space<vmem>>[vector<16xi32>, vector<16xi32>], vector<16xi32>,
    %and3A_2355 = arith.constant 15 : i32
    %and3A_2356 = vector.broadcast %and3A_2355 : i32 to vector<16xi32>
    %and3A_2357 = arith.andi %gather3A_2354, %and3A_2356 : vector<16xi32>
    %shift_left3A_2358 = vector.broadcast %squeeze3A_6 : i32 to vector<16xi32>
    %shift_left3A_2359 = arith.shli %and3A_2357, %shift_left3A_2358 : vector<16xi32>
    %shift_right_logical3A_2360 = vector.broadcast %squeeze3A_10 : i32 to vector<16xi32>
    %shift_right_logical3A_2361 = arith.shrui %add3A_2348, %shift_right_logical3A_2360 : vector<16xi32>
    %and3A_2362 = arith.constant 127 : i32
    %and3A_2363 = vector.broadcast %and3A_2362 : i32 to vector<16xi32>
    %and3A_2364 = arith.andi %add3A_2348, %and3A_2363 : vector<16xi32>
    %add3A_2365 = arith.addi %shift_left3A_2359, %and3A_249 : vector<16xi32>
    %gather3A_2366 = tpu.vector_load_idx %arg10[%shift_right_logical3A_2361, %and3A_2364, %add3A_2365] : memref<2x128x128xf32, #tpu.memory_space<vmem>>[vector<16xi32>, vector<16xi32>, vector<16xi32>], vector<16xf32>,
    %swap3A_2367 = arith.constant 83 : i32
    %swap3A_2368 = arith.index_cast %swap3A_2367 : i32 to index
    %swap3A_2369 = arith.constant 0 : index
    %swap3A_2370 = tpu.vector_load %arg11[%swap3A_2368, %swap3A_2369] {strides = array<i32>} : memref<128x16xf32, #tpu.memory_space<vmem>>, vector<16xf32>,
    tpu.vector_store %arg11[%swap3A_2368, %swap3A_2369], %gather3A_2366 {strides = array<i32>} : memref<128x16xf32, #tpu.memory_space<vmem>>, vector<16xf32>,
    %add3A_2371 = arith.constant 168 : i32
    %add3A_2372 = vector.broadcast %add3A_2371 : i32 to vector<16xi32>
    %add3A_2373 = arith.addi %add3A_2372, %shift_right_logical3A_246 : vector<16xi32>
    %shift_right_logical3A_2374 = vector.broadcast %squeeze3A_10 : i32 to vector<16xi32>
    %shift_right_logical3A_2375 = arith.shrui %add3A_2373, %shift_right_logical3A_2374 : vector<16xi32>
    %and3A_2376 = arith.constant 127 : i32
    %and3A_2377 = vector.broadcast %and3A_2376 : i32 to vector<16xi32>
    %and3A_2378 = arith.andi %add3A_2373, %and3A_2377 : vector<16xi32>
    %gather3A_2379 = tpu.vector_load_idx %arg8[%shift_right_logical3A_2375, %and3A_2378] : memref<2x128xi32, #tpu.memory_space<vmem>>[vector<16xi32>, vector<16xi32>], vector<16xi32>,
    %and3A_2380 = arith.constant 15 : i32
    %and3A_2381 = vector.broadcast %and3A_2380 : i32 to vector<16xi32>
    %and3A_2382 = arith.andi %gather3A_2379, %and3A_2381 : vector<16xi32>
    %shift_left3A_2383 = vector.broadcast %squeeze3A_6 : i32 to vector<16xi32>
    %shift_left3A_2384 = arith.shli %and3A_2382, %shift_left3A_2383 : vector<16xi32>
    %shift_right_logical3A_2385 = vector.broadcast %squeeze3A_10 : i32 to vector<16xi32>
    %shift_right_logical3A_2386 = arith.shrui %add3A_2373, %shift_right_logical3A_2385 : vector<16xi32>
    %and3A_2387 = arith.constant 127 : i32
    %and3A_2388 = vector.broadcast %and3A_2387 : i32 to vector<16xi32>
    %and3A_2389 = arith.andi %add3A_2373, %and3A_2388 : vector<16xi32>
    %add3A_2390 = arith.addi %shift_left3A_2384, %and3A_249 : vector<16xi32>
    %gather3A_2391 = tpu.vector_load_idx %arg10[%shift_right_logical3A_2386, %and3A_2389, %add3A_2390] : memref<2x128x128xf32, #tpu.memory_space<vmem>>[vector<16xi32>, vector<16xi32>, vector<16xi32>], vector<16xf32>,
    %swap3A_2392 = arith.constant 84 : i32
    %swap3A_2393 = arith.index_cast %swap3A_2392 : i32 to index
    %swap3A_2394 = arith.constant 0 : index
    %swap3A_2395 = tpu.vector_load %arg11[%swap3A_2393, %swap3A_2394] {strides = array<i32>} : memref<128x16xf32, #tpu.memory_space<vmem>>, vector<16xf32>,
    tpu.vector_store %arg11[%swap3A_2393, %swap3A_2394], %gather3A_2391 {strides = array<i32>} : memref<128x16xf32, #tpu.memory_space<vmem>>, vector<16xf32>,
    %add3A_2396 = arith.constant 170 : i32
    %add3A_2397 = vector.broadcast %add3A_2396 : i32 to vector<16xi32>
    %add3A_2398 = arith.addi %add3A_2397, %shift_right_logical3A_246 : vector<16xi32>
    %shift_right_logical3A_2399 = vector.broadcast %squeeze3A_10 : i32 to vector<16xi32>
    %shift_right_logical3A_2400 = arith.shrui %add3A_2398, %shift_right_logical3A_2399 : vector<16xi32>
    %and3A_2401 = arith.constant 127 : i32
    %and3A_2402 = vector.broadcast %and3A_2401 : i32 to vector<16xi32>
    %and3A_2403 = arith.andi %add3A_2398, %and3A_2402 : vector<16xi32>
    %gather3A_2404 = tpu.vector_load_idx %arg8[%shift_right_logical3A_2400, %and3A_2403] : memref<2x128xi32, #tpu.memory_space<vmem>>[vector<16xi32>, vector<16xi32>], vector<16xi32>,
    %and3A_2405 = arith.constant 15 : i32
    %and3A_2406 = vector.broadcast %and3A_2405 : i32 to vector<16xi32>
    %and3A_2407 = arith.andi %gather3A_2404, %and3A_2406 : vector<16xi32>
    %shift_left3A_2408 = vector.broadcast %squeeze3A_6 : i32 to vector<16xi32>
    %shift_left3A_2409 = arith.shli %and3A_2407, %shift_left3A_2408 : vector<16xi32>
    %shift_right_logical3A_2410 = vector.broadcast %squeeze3A_10 : i32 to vector<16xi32>
    %shift_right_logical3A_2411 = arith.shrui %add3A_2398, %shift_right_logical3A_2410 : vector<16xi32>
    %and3A_2412 = arith.constant 127 : i32
    %and3A_2413 = vector.broadcast %and3A_2412 : i32 to vector<16xi32>
    %and3A_2414 = arith.andi %add3A_2398, %and3A_2413 : vector<16xi32>
    %add3A_2415 = arith.addi %shift_left3A_2409, %and3A_249 : vector<16xi32>
    %gather3A_2416 = tpu.vector_load_idx %arg10[%shift_right_logical3A_2411, %and3A_2414, %add3A_2415] : memref<2x128x128xf32, #tpu.memory_space<vmem>>[vector<16xi32>, vector<16xi32>, vector<16xi32>], vector<16xf32>,
    %swap3A_2417 = arith.constant 85 : i32
    %swap3A_2418 = arith.index_cast %swap3A_2417 : i32 to index
    %swap3A_2419 = arith.constant 0 : index
    %swap3A_2420 = tpu.vector_load %arg11[%swap3A_2418, %swap3A_2419] {strides = array<i32>} : memref<128x16xf32, #tpu.memory_space<vmem>>, vector<16xf32>,
    tpu.vector_store %arg11[%swap3A_2418, %swap3A_2419], %gather3A_2416 {strides = array<i32>} : memref<128x16xf32, #tpu.memory_space<vmem>>, vector<16xf32>,
    %add3A_2421 = arith.constant 172 : i32
    %add3A_2422 = vector.broadcast %add3A_2421 : i32 to vector<16xi32>
    %add3A_2423 = arith.addi %add3A_2422, %shift_right_logical3A_246 : vector<16xi32>
    %shift_right_logical3A_2424 = vector.broadcast %squeeze3A_10 : i32 to vector<16xi32>
    %shift_right_logical3A_2425 = arith.shrui %add3A_2423, %shift_right_logical3A_2424 : vector<16xi32>
    %and3A_2426 = arith.constant 127 : i32
    %and3A_2427 = vector.broadcast %and3A_2426 : i32 to vector<16xi32>
    %and3A_2428 = arith.andi %add3A_2423, %and3A_2427 : vector<16xi32>
    %gather3A_2429 = tpu.vector_load_idx %arg8[%shift_right_logical3A_2425, %and3A_2428] : memref<2x128xi32, #tpu.memory_space<vmem>>[vector<16xi32>, vector<16xi32>], vector<16xi32>,
    %and3A_2430 = arith.constant 15 : i32
    %and3A_2431 = vector.broadcast %and3A_2430 : i32 to vector<16xi32>
    %and3A_2432 = arith.andi %gather3A_2429, %and3A_2431 : vector<16xi32>
    %shift_left3A_2433 = vector.broadcast %squeeze3A_6 : i32 to vector<16xi32>
    %shift_left3A_2434 = arith.shli %and3A_2432, %shift_left3A_2433 : vector<16xi32>
    %shift_right_logical3A_2435 = vector.broadcast %squeeze3A_10 : i32 to vector<16xi32>
    %shift_right_logical3A_2436 = arith.shrui %add3A_2423, %shift_right_logical3A_2435 : vector<16xi32>
    %and3A_2437 = arith.constant 127 : i32
    %and3A_2438 = vector.broadcast %and3A_2437 : i32 to vector<16xi32>
    %and3A_2439 = arith.andi %add3A_2423, %and3A_2438 : vector<16xi32>
    %add3A_2440 = arith.addi %shift_left3A_2434, %and3A_249 : vector<16xi32>
    %gather3A_2441 = tpu.vector_load_idx %arg10[%shift_right_logical3A_2436, %and3A_2439, %add3A_2440] : memref<2x128x128xf32, #tpu.memory_space<vmem>>[vector<16xi32>, vector<16xi32>, vector<16xi32>], vector<16xf32>,
    %swap3A_2442 = arith.constant 86 : i32
    %swap3A_2443 = arith.index_cast %swap3A_2442 : i32 to index
    %swap3A_2444 = arith.constant 0 : index
    %swap3A_2445 = tpu.vector_load %arg11[%swap3A_2443, %swap3A_2444] {strides = array<i32>} : memref<128x16xf32, #tpu.memory_space<vmem>>, vector<16xf32>,
    tpu.vector_store %arg11[%swap3A_2443, %swap3A_2444], %gather3A_2441 {strides = array<i32>} : memref<128x16xf32, #tpu.memory_space<vmem>>, vector<16xf32>,
    %add3A_2446 = arith.constant 174 : i32
    %add3A_2447 = vector.broadcast %add3A_2446 : i32 to vector<16xi32>
    %add3A_2448 = arith.addi %add3A_2447, %shift_right_logical3A_246 : vector<16xi32>
    %shift_right_logical3A_2449 = vector.broadcast %squeeze3A_10 : i32 to vector<16xi32>
    %shift_right_logical3A_2450 = arith.shrui %add3A_2448, %shift_right_logical3A_2449 : vector<16xi32>
    %and3A_2451 = arith.constant 127 : i32
    %and3A_2452 = vector.broadcast %and3A_2451 : i32 to vector<16xi32>
    %and3A_2453 = arith.andi %add3A_2448, %and3A_2452 : vector<16xi32>
    %gather3A_2454 = tpu.vector_load_idx %arg8[%shift_right_logical3A_2450, %and3A_2453] : memref<2x128xi32, #tpu.memory_space<vmem>>[vector<16xi32>, vector<16xi32>], vector<16xi32>,
    %and3A_2455 = arith.constant 15 : i32
    %and3A_2456 = vector.broadcast %and3A_2455 : i32 to vector<16xi32>
    %and3A_2457 = arith.andi %gather3A_2454, %and3A_2456 : vector<16xi32>
    %shift_left3A_2458 = vector.broadcast %squeeze3A_6 : i32 to vector<16xi32>
    %shift_left3A_2459 = arith.shli %and3A_2457, %shift_left3A_2458 : vector<16xi32>
    %shift_right_logical3A_2460 = vector.broadcast %squeeze3A_10 : i32 to vector<16xi32>
    %shift_right_logical3A_2461 = arith.shrui %add3A_2448, %shift_right_logical3A_2460 : vector<16xi32>
    %and3A_2462 = arith.constant 127 : i32
    %and3A_2463 = vector.broadcast %and3A_2462 : i32 to vector<16xi32>
    %and3A_2464 = arith.andi %add3A_2448, %and3A_2463 : vector<16xi32>
    %add3A_2465 = arith.addi %shift_left3A_2459, %and3A_249 : vector<16xi32>
    %gather3A_2466 = tpu.vector_load_idx %arg10[%shift_right_logical3A_2461, %and3A_2464, %add3A_2465] : memref<2x128x128xf32, #tpu.memory_space<vmem>>[vector<16xi32>, vector<16xi32>, vector<16xi32>], vector<16xf32>,
    %swap3A_2467 = arith.constant 87 : i32
    %swap3A_2468 = arith.index_cast %swap3A_2467 : i32 to index
    %swap3A_2469 = arith.constant 0 : index
    %swap3A_2470 = tpu.vector_load %arg11[%swap3A_2468, %swap3A_2469] {strides = array<i32>} : memref<128x16xf32, #tpu.memory_space<vmem>>, vector<16xf32>,
    tpu.vector_store %arg11[%swap3A_2468, %swap3A_2469], %gather3A_2466 {strides = array<i32>} : memref<128x16xf32, #tpu.memory_space<vmem>>, vector<16xf32>,
    %add3A_2471 = arith.constant 176 : i32
    %add3A_2472 = vector.broadcast %add3A_2471 : i32 to vector<16xi32>
    %add3A_2473 = arith.addi %add3A_2472, %shift_right_logical3A_246 : vector<16xi32>
    %shift_right_logical3A_2474 = vector.broadcast %squeeze3A_10 : i32 to vector<16xi32>
    %shift_right_logical3A_2475 = arith.shrui %add3A_2473, %shift_right_logical3A_2474 : vector<16xi32>
    %and3A_2476 = arith.constant 127 : i32
    %and3A_2477 = vector.broadcast %and3A_2476 : i32 to vector<16xi32>
    %and3A_2478 = arith.andi %add3A_2473, %and3A_2477 : vector<16xi32>
    %gather3A_2479 = tpu.vector_load_idx %arg8[%shift_right_logical3A_2475, %and3A_2478] : memref<2x128xi32, #tpu.memory_space<vmem>>[vector<16xi32>, vector<16xi32>], vector<16xi32>,
    %and3A_2480 = arith.constant 15 : i32
    %and3A_2481 = vector.broadcast %and3A_2480 : i32 to vector<16xi32>
    %and3A_2482 = arith.andi %gather3A_2479, %and3A_2481 : vector<16xi32>
    %shift_left3A_2483 = vector.broadcast %squeeze3A_6 : i32 to vector<16xi32>
    %shift_left3A_2484 = arith.shli %and3A_2482, %shift_left3A_2483 : vector<16xi32>
    %shift_right_logical3A_2485 = vector.broadcast %squeeze3A_10 : i32 to vector<16xi32>
    %shift_right_logical3A_2486 = arith.shrui %add3A_2473, %shift_right_logical3A_2485 : vector<16xi32>
    %and3A_2487 = arith.constant 127 : i32
    %and3A_2488 = vector.broadcast %and3A_2487 : i32 to vector<16xi32>
    %and3A_2489 = arith.andi %add3A_2473, %and3A_2488 : vector<16xi32>
    %add3A_2490 = arith.addi %shift_left3A_2484, %and3A_249 : vector<16xi32>
    %gather3A_2491 = tpu.vector_load_idx %arg10[%shift_right_logical3A_2486, %and3A_2489, %add3A_2490] : memref<2x128x128xf32, #tpu.memory_space<vmem>>[vector<16xi32>, vector<16xi32>, vector<16xi32>], vector<16xf32>,
    %swap3A_2492 = arith.constant 88 : i32
    %swap3A_2493 = arith.index_cast %swap3A_2492 : i32 to index
    %swap3A_2494 = arith.constant 0 : index
    %swap3A_2495 = tpu.vector_load %arg11[%swap3A_2493, %swap3A_2494] {strides = array<i32>} : memref<128x16xf32, #tpu.memory_space<vmem>>, vector<16xf32>,
    tpu.vector_store %arg11[%swap3A_2493, %swap3A_2494], %gather3A_2491 {strides = array<i32>} : memref<128x16xf32, #tpu.memory_space<vmem>>, vector<16xf32>,
    %add3A_2496 = arith.constant 178 : i32
    %add3A_2497 = vector.broadcast %add3A_2496 : i32 to vector<16xi32>
    %add3A_2498 = arith.addi %add3A_2497, %shift_right_logical3A_246 : vector<16xi32>
    %shift_right_logical3A_2499 = vector.broadcast %squeeze3A_10 : i32 to vector<16xi32>
    %shift_right_logical3A_2500 = arith.shrui %add3A_2498, %shift_right_logical3A_2499 : vector<16xi32>
    %and3A_2501 = arith.constant 127 : i32
    %and3A_2502 = vector.broadcast %and3A_2501 : i32 to vector<16xi32>
    %and3A_2503 = arith.andi %add3A_2498, %and3A_2502 : vector<16xi32>
    %gather3A_2504 = tpu.vector_load_idx %arg8[%shift_right_logical3A_2500, %and3A_2503] : memref<2x128xi32, #tpu.memory_space<vmem>>[vector<16xi32>, vector<16xi32>], vector<16xi32>,
    %and3A_2505 = arith.constant 15 : i32
    %and3A_2506 = vector.broadcast %and3A_2505 : i32 to vector<16xi32>
    %and3A_2507 = arith.andi %gather3A_2504, %and3A_2506 : vector<16xi32>
    %shift_left3A_2508 = vector.broadcast %squeeze3A_6 : i32 to vector<16xi32>
    %shift_left3A_2509 = arith.shli %and3A_2507, %shift_left3A_2508 : vector<16xi32>
    %shift_right_logical3A_2510 = vector.broadcast %squeeze3A_10 : i32 to vector<16xi32>
    %shift_right_logical3A_2511 = arith.shrui %add3A_2498, %shift_right_logical3A_2510 : vector<16xi32>
    %and3A_2512 = arith.constant 127 : i32
    %and3A_2513 = vector.broadcast %and3A_2512 : i32 to vector<16xi32>
    %and3A_2514 = arith.andi %add3A_2498, %and3A_2513 : vector<16xi32>
    %add3A_2515 = arith.addi %shift_left3A_2509, %and3A_249 : vector<16xi32>
    %gather3A_2516 = tpu.vector_load_idx %arg10[%shift_right_logical3A_2511, %and3A_2514, %add3A_2515] : memref<2x128x128xf32, #tpu.memory_space<vmem>>[vector<16xi32>, vector<16xi32>, vector<16xi32>], vector<16xf32>,
    %swap3A_2517 = arith.constant 89 : i32
    %swap3A_2518 = arith.index_cast %swap3A_2517 : i32 to index
    %swap3A_2519 = arith.constant 0 : index
    %swap3A_2520 = tpu.vector_load %arg11[%swap3A_2518, %swap3A_2519] {strides = array<i32>} : memref<128x16xf32, #tpu.memory_space<vmem>>, vector<16xf32>,
    tpu.vector_store %arg11[%swap3A_2518, %swap3A_2519], %gather3A_2516 {strides = array<i32>} : memref<128x16xf32, #tpu.memory_space<vmem>>, vector<16xf32>,
    %add3A_2521 = arith.constant 180 : i32
    %add3A_2522 = vector.broadcast %add3A_2521 : i32 to vector<16xi32>
    %add3A_2523 = arith.addi %add3A_2522, %shift_right_logical3A_246 : vector<16xi32>
    %shift_right_logical3A_2524 = vector.broadcast %squeeze3A_10 : i32 to vector<16xi32>
    %shift_right_logical3A_2525 = arith.shrui %add3A_2523, %shift_right_logical3A_2524 : vector<16xi32>
    %and3A_2526 = arith.constant 127 : i32
    %and3A_2527 = vector.broadcast %and3A_2526 : i32 to vector<16xi32>
    %and3A_2528 = arith.andi %add3A_2523, %and3A_2527 : vector<16xi32>
    %gather3A_2529 = tpu.vector_load_idx %arg8[%shift_right_logical3A_2525, %and3A_2528] : memref<2x128xi32, #tpu.memory_space<vmem>>[vector<16xi32>, vector<16xi32>], vector<16xi32>,
    %and3A_2530 = arith.constant 15 : i32
    %and3A_2531 = vector.broadcast %and3A_2530 : i32 to vector<16xi32>
    %and3A_2532 = arith.andi %gather3A_2529, %and3A_2531 : vector<16xi32>
    %shift_left3A_2533 = vector.broadcast %squeeze3A_6 : i32 to vector<16xi32>
    %shift_left3A_2534 = arith.shli %and3A_2532, %shift_left3A_2533 : vector<16xi32>
    %shift_right_logical3A_2535 = vector.broadcast %squeeze3A_10 : i32 to vector<16xi32>
    %shift_right_logical3A_2536 = arith.shrui %add3A_2523, %shift_right_logical3A_2535 : vector<16xi32>
    %and3A_2537 = arith.constant 127 : i32
    %and3A_2538 = vector.broadcast %and3A_2537 : i32 to vector<16xi32>
    %and3A_2539 = arith.andi %add3A_2523, %and3A_2538 : vector<16xi32>
    %add3A_2540 = arith.addi %shift_left3A_2534, %and3A_249 : vector<16xi32>
    %gather3A_2541 = tpu.vector_load_idx %arg10[%shift_right_logical3A_2536, %and3A_2539, %add3A_2540] : memref<2x128x128xf32, #tpu.memory_space<vmem>>[vector<16xi32>, vector<16xi32>, vector<16xi32>], vector<16xf32>,
    %swap3A_2542 = arith.constant 90 : i32
    %swap3A_2543 = arith.index_cast %swap3A_2542 : i32 to index
    %swap3A_2544 = arith.constant 0 : index
    %swap3A_2545 = tpu.vector_load %arg11[%swap3A_2543, %swap3A_2544] {strides = array<i32>} : memref<128x16xf32, #tpu.memory_space<vmem>>, vector<16xf32>,
    tpu.vector_store %arg11[%swap3A_2543, %swap3A_2544], %gather3A_2541 {strides = array<i32>} : memref<128x16xf32, #tpu.memory_space<vmem>>, vector<16xf32>,
    %add3A_2546 = arith.constant 182 : i32
    %add3A_2547 = vector.broadcast %add3A_2546 : i32 to vector<16xi32>
    %add3A_2548 = arith.addi %add3A_2547, %shift_right_logical3A_246 : vector<16xi32>
    %shift_right_logical3A_2549 = vector.broadcast %squeeze3A_10 : i32 to vector<16xi32>
    %shift_right_logical3A_2550 = arith.shrui %add3A_2548, %shift_right_logical3A_2549 : vector<16xi32>
    %and3A_2551 = arith.constant 127 : i32
    %and3A_2552 = vector.broadcast %and3A_2551 : i32 to vector<16xi32>
    %and3A_2553 = arith.andi %add3A_2548, %and3A_2552 : vector<16xi32>
    %gather3A_2554 = tpu.vector_load_idx %arg8[%shift_right_logical3A_2550, %and3A_2553] : memref<2x128xi32, #tpu.memory_space<vmem>>[vector<16xi32>, vector<16xi32>], vector<16xi32>,
    %and3A_2555 = arith.constant 15 : i32
    %and3A_2556 = vector.broadcast %and3A_2555 : i32 to vector<16xi32>
    %and3A_2557 = arith.andi %gather3A_2554, %and3A_2556 : vector<16xi32>
    %shift_left3A_2558 = vector.broadcast %squeeze3A_6 : i32 to vector<16xi32>
    %shift_left3A_2559 = arith.shli %and3A_2557, %shift_left3A_2558 : vector<16xi32>
    %shift_right_logical3A_2560 = vector.broadcast %squeeze3A_10 : i32 to vector<16xi32>
    %shift_right_logical3A_2561 = arith.shrui %add3A_2548, %shift_right_logical3A_2560 : vector<16xi32>
    %and3A_2562 = arith.constant 127 : i32
    %and3A_2563 = vector.broadcast %and3A_2562 : i32 to vector<16xi32>
    %and3A_2564 = arith.andi %add3A_2548, %and3A_2563 : vector<16xi32>
    %add3A_2565 = arith.addi %shift_left3A_2559, %and3A_249 : vector<16xi32>
    %gather3A_2566 = tpu.vector_load_idx %arg10[%shift_right_logical3A_2561, %and3A_2564, %add3A_2565] : memref<2x128x128xf32, #tpu.memory_space<vmem>>[vector<16xi32>, vector<16xi32>, vector<16xi32>], vector<16xf32>,
    %swap3A_2567 = arith.constant 91 : i32
    %swap3A_2568 = arith.index_cast %swap3A_2567 : i32 to index
    %swap3A_2569 = arith.constant 0 : index
    %swap3A_2570 = tpu.vector_load %arg11[%swap3A_2568, %swap3A_2569] {strides = array<i32>} : memref<128x16xf32, #tpu.memory_space<vmem>>, vector<16xf32>,
    tpu.vector_store %arg11[%swap3A_2568, %swap3A_2569], %gather3A_2566 {strides = array<i32>} : memref<128x16xf32, #tpu.memory_space<vmem>>, vector<16xf32>,
    %add3A_2571 = arith.constant 184 : i32
    %add3A_2572 = vector.broadcast %add3A_2571 : i32 to vector<16xi32>
    %add3A_2573 = arith.addi %add3A_2572, %shift_right_logical3A_246 : vector<16xi32>
    %shift_right_logical3A_2574 = vector.broadcast %squeeze3A_10 : i32 to vector<16xi32>
    %shift_right_logical3A_2575 = arith.shrui %add3A_2573, %shift_right_logical3A_2574 : vector<16xi32>
    %and3A_2576 = arith.constant 127 : i32
    %and3A_2577 = vector.broadcast %and3A_2576 : i32 to vector<16xi32>
    %and3A_2578 = arith.andi %add3A_2573, %and3A_2577 : vector<16xi32>
    %gather3A_2579 = tpu.vector_load_idx %arg8[%shift_right_logical3A_2575, %and3A_2578] : memref<2x128xi32, #tpu.memory_space<vmem>>[vector<16xi32>, vector<16xi32>], vector<16xi32>,
    %and3A_2580 = arith.constant 15 : i32
    %and3A_2581 = vector.broadcast %and3A_2580 : i32 to vector<16xi32>
    %and3A_2582 = arith.andi %gather3A_2579, %and3A_2581 : vector<16xi32>
    %shift_left3A_2583 = vector.broadcast %squeeze3A_6 : i32 to vector<16xi32>
    %shift_left3A_2584 = arith.shli %and3A_2582, %shift_left3A_2583 : vector<16xi32>
    %shift_right_logical3A_2585 = vector.broadcast %squeeze3A_10 : i32 to vector<16xi32>
    %shift_right_logical3A_2586 = arith.shrui %add3A_2573, %shift_right_logical3A_2585 : vector<16xi32>
    %and3A_2587 = arith.constant 127 : i32
    %and3A_2588 = vector.broadcast %and3A_2587 : i32 to vector<16xi32>
    %and3A_2589 = arith.andi %add3A_2573, %and3A_2588 : vector<16xi32>
    %add3A_2590 = arith.addi %shift_left3A_2584, %and3A_249 : vector<16xi32>
    %gather3A_2591 = tpu.vector_load_idx %arg10[%shift_right_logical3A_2586, %and3A_2589, %add3A_2590] : memref<2x128x128xf32, #tpu.memory_space<vmem>>[vector<16xi32>, vector<16xi32>, vector<16xi32>], vector<16xf32>,
    %swap3A_2592 = arith.constant 92 : i32
    %swap3A_2593 = arith.index_cast %swap3A_2592 : i32 to index
    %swap3A_2594 = arith.constant 0 : index
    %swap3A_2595 = tpu.vector_load %arg11[%swap3A_2593, %swap3A_2594] {strides = array<i32>} : memref<128x16xf32, #tpu.memory_space<vmem>>, vector<16xf32>,
    tpu.vector_store %arg11[%swap3A_2593, %swap3A_2594], %gather3A_2591 {strides = array<i32>} : memref<128x16xf32, #tpu.memory_space<vmem>>, vector<16xf32>,
    %add3A_2596 = arith.constant 186 : i32
    %add3A_2597 = vector.broadcast %add3A_2596 : i32 to vector<16xi32>
    %add3A_2598 = arith.addi %add3A_2597, %shift_right_logical3A_246 : vector<16xi32>
    %shift_right_logical3A_2599 = vector.broadcast %squeeze3A_10 : i32 to vector<16xi32>
    %shift_right_logical3A_2600 = arith.shrui %add3A_2598, %shift_right_logical3A_2599 : vector<16xi32>
    %and3A_2601 = arith.constant 127 : i32
    %and3A_2602 = vector.broadcast %and3A_2601 : i32 to vector<16xi32>
    %and3A_2603 = arith.andi %add3A_2598, %and3A_2602 : vector<16xi32>
    %gather3A_2604 = tpu.vector_load_idx %arg8[%shift_right_logical3A_2600, %and3A_2603] : memref<2x128xi32, #tpu.memory_space<vmem>>[vector<16xi32>, vector<16xi32>], vector<16xi32>,
    %and3A_2605 = arith.constant 15 : i32
    %and3A_2606 = vector.broadcast %and3A_2605 : i32 to vector<16xi32>
    %and3A_2607 = arith.andi %gather3A_2604, %and3A_2606 : vector<16xi32>
    %shift_left3A_2608 = vector.broadcast %squeeze3A_6 : i32 to vector<16xi32>
    %shift_left3A_2609 = arith.shli %and3A_2607, %shift_left3A_2608 : vector<16xi32>
    %shift_right_logical3A_2610 = vector.broadcast %squeeze3A_10 : i32 to vector<16xi32>
    %shift_right_logical3A_2611 = arith.shrui %add3A_2598, %shift_right_logical3A_2610 : vector<16xi32>
    %and3A_2612 = arith.constant 127 : i32
    %and3A_2613 = vector.broadcast %and3A_2612 : i32 to vector<16xi32>
    %and3A_2614 = arith.andi %add3A_2598, %and3A_2613 : vector<16xi32>
    %add3A_2615 = arith.addi %shift_left3A_2609, %and3A_249 : vector<16xi32>
    %gather3A_2616 = tpu.vector_load_idx %arg10[%shift_right_logical3A_2611, %and3A_2614, %add3A_2615] : memref<2x128x128xf32, #tpu.memory_space<vmem>>[vector<16xi32>, vector<16xi32>, vector<16xi32>], vector<16xf32>,
    %swap3A_2617 = arith.constant 93 : i32
    %swap3A_2618 = arith.index_cast %swap3A_2617 : i32 to index
    %swap3A_2619 = arith.constant 0 : index
    %swap3A_2620 = tpu.vector_load %arg11[%swap3A_2618, %swap3A_2619] {strides = array<i32>} : memref<128x16xf32, #tpu.memory_space<vmem>>, vector<16xf32>,
    tpu.vector_store %arg11[%swap3A_2618, %swap3A_2619], %gather3A_2616 {strides = array<i32>} : memref<128x16xf32, #tpu.memory_space<vmem>>, vector<16xf32>,
    %add3A_2621 = arith.constant 188 : i32
    %add3A_2622 = vector.broadcast %add3A_2621 : i32 to vector<16xi32>
    %add3A_2623 = arith.addi %add3A_2622, %shift_right_logical3A_246 : vector<16xi32>
    %shift_right_logical3A_2624 = vector.broadcast %squeeze3A_10 : i32 to vector<16xi32>
    %shift_right_logical3A_2625 = arith.shrui %add3A_2623, %shift_right_logical3A_2624 : vector<16xi32>
    %and3A_2626 = arith.constant 127 : i32
    %and3A_2627 = vector.broadcast %and3A_2626 : i32 to vector<16xi32>
    %and3A_2628 = arith.andi %add3A_2623, %and3A_2627 : vector<16xi32>
    %gather3A_2629 = tpu.vector_load_idx %arg8[%shift_right_logical3A_2625, %and3A_2628] : memref<2x128xi32, #tpu.memory_space<vmem>>[vector<16xi32>, vector<16xi32>], vector<16xi32>,
    %and3A_2630 = arith.constant 15 : i32
    %and3A_2631 = vector.broadcast %and3A_2630 : i32 to vector<16xi32>
    %and3A_2632 = arith.andi %gather3A_2629, %and3A_2631 : vector<16xi32>
    %shift_left3A_2633 = vector.broadcast %squeeze3A_6 : i32 to vector<16xi32>
    %shift_left3A_2634 = arith.shli %and3A_2632, %shift_left3A_2633 : vector<16xi32>
    %shift_right_logical3A_2635 = vector.broadcast %squeeze3A_10 : i32 to vector<16xi32>
    %shift_right_logical3A_2636 = arith.shrui %add3A_2623, %shift_right_logical3A_2635 : vector<16xi32>
    %and3A_2637 = arith.constant 127 : i32
    %and3A_2638 = vector.broadcast %and3A_2637 : i32 to vector<16xi32>
    %and3A_2639 = arith.andi %add3A_2623, %and3A_2638 : vector<16xi32>
    %add3A_2640 = arith.addi %shift_left3A_2634, %and3A_249 : vector<16xi32>
    %gather3A_2641 = tpu.vector_load_idx %arg10[%shift_right_logical3A_2636, %and3A_2639, %add3A_2640] : memref<2x128x128xf32, #tpu.memory_space<vmem>>[vector<16xi32>, vector<16xi32>, vector<16xi32>], vector<16xf32>,
    %swap3A_2642 = arith.constant 94 : i32
    %swap3A_2643 = arith.index_cast %swap3A_2642 : i32 to index
    %swap3A_2644 = arith.constant 0 : index
    %swap3A_2645 = tpu.vector_load %arg11[%swap3A_2643, %swap3A_2644] {strides = array<i32>} : memref<128x16xf32, #tpu.memory_space<vmem>>, vector<16xf32>,
    tpu.vector_store %arg11[%swap3A_2643, %swap3A_2644], %gather3A_2641 {strides = array<i32>} : memref<128x16xf32, #tpu.memory_space<vmem>>, vector<16xf32>,
    %add3A_2646 = arith.constant 190 : i32
    %add3A_2647 = vector.broadcast %add3A_2646 : i32 to vector<16xi32>
    %add3A_2648 = arith.addi %add3A_2647, %shift_right_logical3A_246 : vector<16xi32>
    %shift_right_logical3A_2649 = vector.broadcast %squeeze3A_10 : i32 to vector<16xi32>
    %shift_right_logical3A_2650 = arith.shrui %add3A_2648, %shift_right_logical3A_2649 : vector<16xi32>
    %and3A_2651 = arith.constant 127 : i32
    %and3A_2652 = vector.broadcast %and3A_2651 : i32 to vector<16xi32>
    %and3A_2653 = arith.andi %add3A_2648, %and3A_2652 : vector<16xi32>
    %gather3A_2654 = tpu.vector_load_idx %arg8[%shift_right_logical3A_2650, %and3A_2653] : memref<2x128xi32, #tpu.memory_space<vmem>>[vector<16xi32>, vector<16xi32>], vector<16xi32>,
    %and3A_2655 = arith.constant 15 : i32
    %and3A_2656 = vector.broadcast %and3A_2655 : i32 to vector<16xi32>
    %and3A_2657 = arith.andi %gather3A_2654, %and3A_2656 : vector<16xi32>
    %shift_left3A_2658 = vector.broadcast %squeeze3A_6 : i32 to vector<16xi32>
    %shift_left3A_2659 = arith.shli %and3A_2657, %shift_left3A_2658 : vector<16xi32>
    %shift_right_logical3A_2660 = vector.broadcast %squeeze3A_10 : i32 to vector<16xi32>
    %shift_right_logical3A_2661 = arith.shrui %add3A_2648, %shift_right_logical3A_2660 : vector<16xi32>
    %and3A_2662 = arith.constant 127 : i32
    %and3A_2663 = vector.broadcast %and3A_2662 : i32 to vector<16xi32>
    %and3A_2664 = arith.andi %add3A_2648, %and3A_2663 : vector<16xi32>
    %add3A_2665 = arith.addi %shift_left3A_2659, %and3A_249 : vector<16xi32>
    %gather3A_2666 = tpu.vector_load_idx %arg10[%shift_right_logical3A_2661, %and3A_2664, %add3A_2665] : memref<2x128x128xf32, #tpu.memory_space<vmem>>[vector<16xi32>, vector<16xi32>, vector<16xi32>], vector<16xf32>,
    %swap3A_2667 = arith.constant 95 : i32
    %swap3A_2668 = arith.index_cast %swap3A_2667 : i32 to index
    %swap3A_2669 = arith.constant 0 : index
    %swap3A_2670 = tpu.vector_load %arg11[%swap3A_2668, %swap3A_2669] {strides = array<i32>} : memref<128x16xf32, #tpu.memory_space<vmem>>, vector<16xf32>,
    tpu.vector_store %arg11[%swap3A_2668, %swap3A_2669], %gather3A_2666 {strides = array<i32>} : memref<128x16xf32, #tpu.memory_space<vmem>>, vector<16xf32>,
    %add3A_2671 = arith.constant 192 : i32
    %add3A_2672 = vector.broadcast %add3A_2671 : i32 to vector<16xi32>
    %add3A_2673 = arith.addi %add3A_2672, %shift_right_logical3A_246 : vector<16xi32>
    %shift_right_logical3A_2674 = vector.broadcast %squeeze3A_10 : i32 to vector<16xi32>
    %shift_right_logical3A_2675 = arith.shrui %add3A_2673, %shift_right_logical3A_2674 : vector<16xi32>
    %and3A_2676 = arith.constant 127 : i32
    %and3A_2677 = vector.broadcast %and3A_2676 : i32 to vector<16xi32>
    %and3A_2678 = arith.andi %add3A_2673, %and3A_2677 : vector<16xi32>
    %gather3A_2679 = tpu.vector_load_idx %arg8[%shift_right_logical3A_2675, %and3A_2678] : memref<2x128xi32, #tpu.memory_space<vmem>>[vector<16xi32>, vector<16xi32>], vector<16xi32>,
    %and3A_2680 = arith.constant 15 : i32
    %and3A_2681 = vector.broadcast %and3A_2680 : i32 to vector<16xi32>
    %and3A_2682 = arith.andi %gather3A_2679, %and3A_2681 : vector<16xi32>
    %shift_left3A_2683 = vector.broadcast %squeeze3A_6 : i32 to vector<16xi32>
    %shift_left3A_2684 = arith.shli %and3A_2682, %shift_left3A_2683 : vector<16xi32>
    %shift_right_logical3A_2685 = vector.broadcast %squeeze3A_10 : i32 to vector<16xi32>
    %shift_right_logical3A_2686 = arith.shrui %add3A_2673, %shift_right_logical3A_2685 : vector<16xi32>
    %and3A_2687 = arith.constant 127 : i32
    %and3A_2688 = vector.broadcast %and3A_2687 : i32 to vector<16xi32>
    %and3A_2689 = arith.andi %add3A_2673, %and3A_2688 : vector<16xi32>
    %add3A_2690 = arith.addi %shift_left3A_2684, %and3A_249 : vector<16xi32>
    %gather3A_2691 = tpu.vector_load_idx %arg10[%shift_right_logical3A_2686, %and3A_2689, %add3A_2690] : memref<2x128x128xf32, #tpu.memory_space<vmem>>[vector<16xi32>, vector<16xi32>, vector<16xi32>], vector<16xf32>,
    %swap3A_2692 = arith.constant 96 : i32
    %swap3A_2693 = arith.index_cast %swap3A_2692 : i32 to index
    %swap3A_2694 = arith.constant 0 : index
    %swap3A_2695 = tpu.vector_load %arg11[%swap3A_2693, %swap3A_2694] {strides = array<i32>} : memref<128x16xf32, #tpu.memory_space<vmem>>, vector<16xf32>,
    tpu.vector_store %arg11[%swap3A_2693, %swap3A_2694], %gather3A_2691 {strides = array<i32>} : memref<128x16xf32, #tpu.memory_space<vmem>>, vector<16xf32>,
    %add3A_2696 = arith.constant 194 : i32
    %add3A_2697 = vector.broadcast %add3A_2696 : i32 to vector<16xi32>
    %add3A_2698 = arith.addi %add3A_2697, %shift_right_logical3A_246 : vector<16xi32>
    %shift_right_logical3A_2699 = vector.broadcast %squeeze3A_10 : i32 to vector<16xi32>
    %shift_right_logical3A_2700 = arith.shrui %add3A_2698, %shift_right_logical3A_2699 : vector<16xi32>
    %and3A_2701 = arith.constant 127 : i32
    %and3A_2702 = vector.broadcast %and3A_2701 : i32 to vector<16xi32>
    %and3A_2703 = arith.andi %add3A_2698, %and3A_2702 : vector<16xi32>
    %gather3A_2704 = tpu.vector_load_idx %arg8[%shift_right_logical3A_2700, %and3A_2703] : memref<2x128xi32, #tpu.memory_space<vmem>>[vector<16xi32>, vector<16xi32>], vector<16xi32>,
    %and3A_2705 = arith.constant 15 : i32
    %and3A_2706 = vector.broadcast %and3A_2705 : i32 to vector<16xi32>
    %and3A_2707 = arith.andi %gather3A_2704, %and3A_2706 : vector<16xi32>
    %shift_left3A_2708 = vector.broadcast %squeeze3A_6 : i32 to vector<16xi32>
    %shift_left3A_2709 = arith.shli %and3A_2707, %shift_left3A_2708 : vector<16xi32>
    %shift_right_logical3A_2710 = vector.broadcast %squeeze3A_10 : i32 to vector<16xi32>
    %shift_right_logical3A_2711 = arith.shrui %add3A_2698, %shift_right_logical3A_2710 : vector<16xi32>
    %and3A_2712 = arith.constant 127 : i32
    %and3A_2713 = vector.broadcast %and3A_2712 : i32 to vector<16xi32>
    %and3A_2714 = arith.andi %add3A_2698, %and3A_2713 : vector<16xi32>
    %add3A_2715 = arith.addi %shift_left3A_2709, %and3A_249 : vector<16xi32>
    %gather3A_2716 = tpu.vector_load_idx %arg10[%shift_right_logical3A_2711, %and3A_2714, %add3A_2715] : memref<2x128x128xf32, #tpu.memory_space<vmem>>[vector<16xi32>, vector<16xi32>, vector<16xi32>], vector<16xf32>,
    %swap3A_2717 = arith.constant 97 : i32
    %swap3A_2718 = arith.index_cast %swap3A_2717 : i32 to index
    %swap3A_2719 = arith.constant 0 : index
    %swap3A_2720 = tpu.vector_load %arg11[%swap3A_2718, %swap3A_2719] {strides = array<i32>} : memref<128x16xf32, #tpu.memory_space<vmem>>, vector<16xf32>,
    tpu.vector_store %arg11[%swap3A_2718, %swap3A_2719], %gather3A_2716 {strides = array<i32>} : memref<128x16xf32, #tpu.memory_space<vmem>>, vector<16xf32>,
    %add3A_2721 = arith.constant 196 : i32
    %add3A_2722 = vector.broadcast %add3A_2721 : i32 to vector<16xi32>
    %add3A_2723 = arith.addi %add3A_2722, %shift_right_logical3A_246 : vector<16xi32>
    %shift_right_logical3A_2724 = vector.broadcast %squeeze3A_10 : i32 to vector<16xi32>
    %shift_right_logical3A_2725 = arith.shrui %add3A_2723, %shift_right_logical3A_2724 : vector<16xi32>
    %and3A_2726 = arith.constant 127 : i32
    %and3A_2727 = vector.broadcast %and3A_2726 : i32 to vector<16xi32>
    %and3A_2728 = arith.andi %add3A_2723, %and3A_2727 : vector<16xi32>
    %gather3A_2729 = tpu.vector_load_idx %arg8[%shift_right_logical3A_2725, %and3A_2728] : memref<2x128xi32, #tpu.memory_space<vmem>>[vector<16xi32>, vector<16xi32>], vector<16xi32>,
    %and3A_2730 = arith.constant 15 : i32
    %and3A_2731 = vector.broadcast %and3A_2730 : i32 to vector<16xi32>
    %and3A_2732 = arith.andi %gather3A_2729, %and3A_2731 : vector<16xi32>
    %shift_left3A_2733 = vector.broadcast %squeeze3A_6 : i32 to vector<16xi32>
    %shift_left3A_2734 = arith.shli %and3A_2732, %shift_left3A_2733 : vector<16xi32>
    %shift_right_logical3A_2735 = vector.broadcast %squeeze3A_10 : i32 to vector<16xi32>
    %shift_right_logical3A_2736 = arith.shrui %add3A_2723, %shift_right_logical3A_2735 : vector<16xi32>
    %and3A_2737 = arith.constant 127 : i32
    %and3A_2738 = vector.broadcast %and3A_2737 : i32 to vector<16xi32>
    %and3A_2739 = arith.andi %add3A_2723, %and3A_2738 : vector<16xi32>
    %add3A_2740 = arith.addi %shift_left3A_2734, %and3A_249 : vector<16xi32>
    %gather3A_2741 = tpu.vector_load_idx %arg10[%shift_right_logical3A_2736, %and3A_2739, %add3A_2740] : memref<2x128x128xf32, #tpu.memory_space<vmem>>[vector<16xi32>, vector<16xi32>, vector<16xi32>], vector<16xf32>,
    %swap3A_2742 = arith.constant 98 : i32
    %swap3A_2743 = arith.index_cast %swap3A_2742 : i32 to index
    %swap3A_2744 = arith.constant 0 : index
    %swap3A_2745 = tpu.vector_load %arg11[%swap3A_2743, %swap3A_2744] {strides = array<i32>} : memref<128x16xf32, #tpu.memory_space<vmem>>, vector<16xf32>,
    tpu.vector_store %arg11[%swap3A_2743, %swap3A_2744], %gather3A_2741 {strides = array<i32>} : memref<128x16xf32, #tpu.memory_space<vmem>>, vector<16xf32>,
    %add3A_2746 = arith.constant 198 : i32
    %add3A_2747 = vector.broadcast %add3A_2746 : i32 to vector<16xi32>
    %add3A_2748 = arith.addi %add3A_2747, %shift_right_logical3A_246 : vector<16xi32>
    %shift_right_logical3A_2749 = vector.broadcast %squeeze3A_10 : i32 to vector<16xi32>
    %shift_right_logical3A_2750 = arith.shrui %add3A_2748, %shift_right_logical3A_2749 : vector<16xi32>
    %and3A_2751 = arith.constant 127 : i32
    %and3A_2752 = vector.broadcast %and3A_2751 : i32 to vector<16xi32>
    %and3A_2753 = arith.andi %add3A_2748, %and3A_2752 : vector<16xi32>
    %gather3A_2754 = tpu.vector_load_idx %arg8[%shift_right_logical3A_2750, %and3A_2753] : memref<2x128xi32, #tpu.memory_space<vmem>>[vector<16xi32>, vector<16xi32>], vector<16xi32>,
    %and3A_2755 = arith.constant 15 : i32
    %and3A_2756 = vector.broadcast %and3A_2755 : i32 to vector<16xi32>
    %and3A_2757 = arith.andi %gather3A_2754, %and3A_2756 : vector<16xi32>
    %shift_left3A_2758 = vector.broadcast %squeeze3A_6 : i32 to vector<16xi32>
    %shift_left3A_2759 = arith.shli %and3A_2757, %shift_left3A_2758 : vector<16xi32>
    %shift_right_logical3A_2760 = vector.broadcast %squeeze3A_10 : i32 to vector<16xi32>
    %shift_right_logical3A_2761 = arith.shrui %add3A_2748, %shift_right_logical3A_2760 : vector<16xi32>
    %and3A_2762 = arith.constant 127 : i32
    %and3A_2763 = vector.broadcast %and3A_2762 : i32 to vector<16xi32>
    %and3A_2764 = arith.andi %add3A_2748, %and3A_2763 : vector<16xi32>
    %add3A_2765 = arith.addi %shift_left3A_2759, %and3A_249 : vector<16xi32>
    %gather3A_2766 = tpu.vector_load_idx %arg10[%shift_right_logical3A_2761, %and3A_2764, %add3A_2765] : memref<2x128x128xf32, #tpu.memory_space<vmem>>[vector<16xi32>, vector<16xi32>, vector<16xi32>], vector<16xf32>,
    %swap3A_2767 = arith.constant 99 : i32
    %swap3A_2768 = arith.index_cast %swap3A_2767 : i32 to index
    %swap3A_2769 = arith.constant 0 : index
    %swap3A_2770 = tpu.vector_load %arg11[%swap3A_2768, %swap3A_2769] {strides = array<i32>} : memref<128x16xf32, #tpu.memory_space<vmem>>, vector<16xf32>,
    tpu.vector_store %arg11[%swap3A_2768, %swap3A_2769], %gather3A_2766 {strides = array<i32>} : memref<128x16xf32, #tpu.memory_space<vmem>>, vector<16xf32>,
    %add3A_2771 = arith.constant 200 : i32
    %add3A_2772 = vector.broadcast %add3A_2771 : i32 to vector<16xi32>
    %add3A_2773 = arith.addi %add3A_2772, %shift_right_logical3A_246 : vector<16xi32>
    %shift_right_logical3A_2774 = vector.broadcast %squeeze3A_10 : i32 to vector<16xi32>
    %shift_right_logical3A_2775 = arith.shrui %add3A_2773, %shift_right_logical3A_2774 : vector<16xi32>
    %and3A_2776 = arith.constant 127 : i32
    %and3A_2777 = vector.broadcast %and3A_2776 : i32 to vector<16xi32>
    %and3A_2778 = arith.andi %add3A_2773, %and3A_2777 : vector<16xi32>
    %gather3A_2779 = tpu.vector_load_idx %arg8[%shift_right_logical3A_2775, %and3A_2778] : memref<2x128xi32, #tpu.memory_space<vmem>>[vector<16xi32>, vector<16xi32>], vector<16xi32>,
    %and3A_2780 = arith.constant 15 : i32
    %and3A_2781 = vector.broadcast %and3A_2780 : i32 to vector<16xi32>
    %and3A_2782 = arith.andi %gather3A_2779, %and3A_2781 : vector<16xi32>
    %shift_left3A_2783 = vector.broadcast %squeeze3A_6 : i32 to vector<16xi32>
    %shift_left3A_2784 = arith.shli %and3A_2782, %shift_left3A_2783 : vector<16xi32>
    %shift_right_logical3A_2785 = vector.broadcast %squeeze3A_10 : i32 to vector<16xi32>
    %shift_right_logical3A_2786 = arith.shrui %add3A_2773, %shift_right_logical3A_2785 : vector<16xi32>
    %and3A_2787 = arith.constant 127 : i32
    %and3A_2788 = vector.broadcast %and3A_2787 : i32 to vector<16xi32>
    %and3A_2789 = arith.andi %add3A_2773, %and3A_2788 : vector<16xi32>
    %add3A_2790 = arith.addi %shift_left3A_2784, %and3A_249 : vector<16xi32>
    %gather3A_2791 = tpu.vector_load_idx %arg10[%shift_right_logical3A_2786, %and3A_2789, %add3A_2790] : memref<2x128x128xf32, #tpu.memory_space<vmem>>[vector<16xi32>, vector<16xi32>, vector<16xi32>], vector<16xf32>,
    %swap3A_2792 = arith.constant 100 : i32
    %swap3A_2793 = arith.index_cast %swap3A_2792 : i32 to index
    %swap3A_2794 = arith.constant 0 : index
    %swap3A_2795 = tpu.vector_load %arg11[%swap3A_2793, %swap3A_2794] {strides = array<i32>} : memref<128x16xf32, #tpu.memory_space<vmem>>, vector<16xf32>,
    tpu.vector_store %arg11[%swap3A_2793, %swap3A_2794], %gather3A_2791 {strides = array<i32>} : memref<128x16xf32, #tpu.memory_space<vmem>>, vector<16xf32>,
    %add3A_2796 = arith.constant 202 : i32
    %add3A_2797 = vector.broadcast %add3A_2796 : i32 to vector<16xi32>
    %add3A_2798 = arith.addi %add3A_2797, %shift_right_logical3A_246 : vector<16xi32>
    %shift_right_logical3A_2799 = vector.broadcast %squeeze3A_10 : i32 to vector<16xi32>
    %shift_right_logical3A_2800 = arith.shrui %add3A_2798, %shift_right_logical3A_2799 : vector<16xi32>
    %and3A_2801 = arith.constant 127 : i32
    %and3A_2802 = vector.broadcast %and3A_2801 : i32 to vector<16xi32>
    %and3A_2803 = arith.andi %add3A_2798, %and3A_2802 : vector<16xi32>
    %gather3A_2804 = tpu.vector_load_idx %arg8[%shift_right_logical3A_2800, %and3A_2803] : memref<2x128xi32, #tpu.memory_space<vmem>>[vector<16xi32>, vector<16xi32>], vector<16xi32>,
    %and3A_2805 = arith.constant 15 : i32
    %and3A_2806 = vector.broadcast %and3A_2805 : i32 to vector<16xi32>
    %and3A_2807 = arith.andi %gather3A_2804, %and3A_2806 : vector<16xi32>
    %shift_left3A_2808 = vector.broadcast %squeeze3A_6 : i32 to vector<16xi32>
    %shift_left3A_2809 = arith.shli %and3A_2807, %shift_left3A_2808 : vector<16xi32>
    %shift_right_logical3A_2810 = vector.broadcast %squeeze3A_10 : i32 to vector<16xi32>
    %shift_right_logical3A_2811 = arith.shrui %add3A_2798, %shift_right_logical3A_2810 : vector<16xi32>
    %and3A_2812 = arith.constant 127 : i32
    %and3A_2813 = vector.broadcast %and3A_2812 : i32 to vector<16xi32>
    %and3A_2814 = arith.andi %add3A_2798, %and3A_2813 : vector<16xi32>
    %add3A_2815 = arith.addi %shift_left3A_2809, %and3A_249 : vector<16xi32>
    %gather3A_2816 = tpu.vector_load_idx %arg10[%shift_right_logical3A_2811, %and3A_2814, %add3A_2815] : memref<2x128x128xf32, #tpu.memory_space<vmem>>[vector<16xi32>, vector<16xi32>, vector<16xi32>], vector<16xf32>,
    %swap3A_2817 = arith.constant 101 : i32
    %swap3A_2818 = arith.index_cast %swap3A_2817 : i32 to index
    %swap3A_2819 = arith.constant 0 : index
    %swap3A_2820 = tpu.vector_load %arg11[%swap3A_2818, %swap3A_2819] {strides = array<i32>} : memref<128x16xf32, #tpu.memory_space<vmem>>, vector<16xf32>,
    tpu.vector_store %arg11[%swap3A_2818, %swap3A_2819], %gather3A_2816 {strides = array<i32>} : memref<128x16xf32, #tpu.memory_space<vmem>>, vector<16xf32>,
    %add3A_2821 = arith.constant 204 : i32
    %add3A_2822 = vector.broadcast %add3A_2821 : i32 to vector<16xi32>
    %add3A_2823 = arith.addi %add3A_2822, %shift_right_logical3A_246 : vector<16xi32>
    %shift_right_logical3A_2824 = vector.broadcast %squeeze3A_10 : i32 to vector<16xi32>
    %shift_right_logical3A_2825 = arith.shrui %add3A_2823, %shift_right_logical3A_2824 : vector<16xi32>
    %and3A_2826 = arith.constant 127 : i32
    %and3A_2827 = vector.broadcast %and3A_2826 : i32 to vector<16xi32>
    %and3A_2828 = arith.andi %add3A_2823, %and3A_2827 : vector<16xi32>
    %gather3A_2829 = tpu.vector_load_idx %arg8[%shift_right_logical3A_2825, %and3A_2828] : memref<2x128xi32, #tpu.memory_space<vmem>>[vector<16xi32>, vector<16xi32>], vector<16xi32>,
    %and3A_2830 = arith.constant 15 : i32
    %and3A_2831 = vector.broadcast %and3A_2830 : i32 to vector<16xi32>
    %and3A_2832 = arith.andi %gather3A_2829, %and3A_2831 : vector<16xi32>
    %shift_left3A_2833 = vector.broadcast %squeeze3A_6 : i32 to vector<16xi32>
    %shift_left3A_2834 = arith.shli %and3A_2832, %shift_left3A_2833 : vector<16xi32>
    %shift_right_logical3A_2835 = vector.broadcast %squeeze3A_10 : i32 to vector<16xi32>
    %shift_right_logical3A_2836 = arith.shrui %add3A_2823, %shift_right_logical3A_2835 : vector<16xi32>
    %and3A_2837 = arith.constant 127 : i32
    %and3A_2838 = vector.broadcast %and3A_2837 : i32 to vector<16xi32>
    %and3A_2839 = arith.andi %add3A_2823, %and3A_2838 : vector<16xi32>
    %add3A_2840 = arith.addi %shift_left3A_2834, %and3A_249 : vector<16xi32>
    %gather3A_2841 = tpu.vector_load_idx %arg10[%shift_right_logical3A_2836, %and3A_2839, %add3A_2840] : memref<2x128x128xf32, #tpu.memory_space<vmem>>[vector<16xi32>, vector<16xi32>, vector<16xi32>], vector<16xf32>,
    %swap3A_2842 = arith.constant 102 : i32
    %swap3A_2843 = arith.index_cast %swap3A_2842 : i32 to index
    %swap3A_2844 = arith.constant 0 : index
    %swap3A_2845 = tpu.vector_load %arg11[%swap3A_2843, %swap3A_2844] {strides = array<i32>} : memref<128x16xf32, #tpu.memory_space<vmem>>, vector<16xf32>,
    tpu.vector_store %arg11[%swap3A_2843, %swap3A_2844], %gather3A_2841 {strides = array<i32>} : memref<128x16xf32, #tpu.memory_space<vmem>>, vector<16xf32>,
    %add3A_2846 = arith.constant 206 : i32
    %add3A_2847 = vector.broadcast %add3A_2846 : i32 to vector<16xi32>
    %add3A_2848 = arith.addi %add3A_2847, %shift_right_logical3A_246 : vector<16xi32>
    %shift_right_logical3A_2849 = vector.broadcast %squeeze3A_10 : i32 to vector<16xi32>
    %shift_right_logical3A_2850 = arith.shrui %add3A_2848, %shift_right_logical3A_2849 : vector<16xi32>
    %and3A_2851 = arith.constant 127 : i32
    %and3A_2852 = vector.broadcast %and3A_2851 : i32 to vector<16xi32>
    %and3A_2853 = arith.andi %add3A_2848, %and3A_2852 : vector<16xi32>
    %gather3A_2854 = tpu.vector_load_idx %arg8[%shift_right_logical3A_2850, %and3A_2853] : memref<2x128xi32, #tpu.memory_space<vmem>>[vector<16xi32>, vector<16xi32>], vector<16xi32>,
    %and3A_2855 = arith.constant 15 : i32
    %and3A_2856 = vector.broadcast %and3A_2855 : i32 to vector<16xi32>
    %and3A_2857 = arith.andi %gather3A_2854, %and3A_2856 : vector<16xi32>
    %shift_left3A_2858 = vector.broadcast %squeeze3A_6 : i32 to vector<16xi32>
    %shift_left3A_2859 = arith.shli %and3A_2857, %shift_left3A_2858 : vector<16xi32>
    %shift_right_logical3A_2860 = vector.broadcast %squeeze3A_10 : i32 to vector<16xi32>
    %shift_right_logical3A_2861 = arith.shrui %add3A_2848, %shift_right_logical3A_2860 : vector<16xi32>
    %and3A_2862 = arith.constant 127 : i32
    %and3A_2863 = vector.broadcast %and3A_2862 : i32 to vector<16xi32>
    %and3A_2864 = arith.andi %add3A_2848, %and3A_2863 : vector<16xi32>
    %add3A_2865 = arith.addi %shift_left3A_2859, %and3A_249 : vector<16xi32>
    %gather3A_2866 = tpu.vector_load_idx %arg10[%shift_right_logical3A_2861, %and3A_2864, %add3A_2865] : memref<2x128x128xf32, #tpu.memory_space<vmem>>[vector<16xi32>, vector<16xi32>, vector<16xi32>], vector<16xf32>,
    %swap3A_2867 = arith.constant 103 : i32
    %swap3A_2868 = arith.index_cast %swap3A_2867 : i32 to index
    %swap3A_2869 = arith.constant 0 : index
    %swap3A_2870 = tpu.vector_load %arg11[%swap3A_2868, %swap3A_2869] {strides = array<i32>} : memref<128x16xf32, #tpu.memory_space<vmem>>, vector<16xf32>,
    tpu.vector_store %arg11[%swap3A_2868, %swap3A_2869], %gather3A_2866 {strides = array<i32>} : memref<128x16xf32, #tpu.memory_space<vmem>>, vector<16xf32>,
    %add3A_2871 = arith.constant 208 : i32
    %add3A_2872 = vector.broadcast %add3A_2871 : i32 to vector<16xi32>
    %add3A_2873 = arith.addi %add3A_2872, %shift_right_logical3A_246 : vector<16xi32>
    %shift_right_logical3A_2874 = vector.broadcast %squeeze3A_10 : i32 to vector<16xi32>
    %shift_right_logical3A_2875 = arith.shrui %add3A_2873, %shift_right_logical3A_2874 : vector<16xi32>
    %and3A_2876 = arith.constant 127 : i32
    %and3A_2877 = vector.broadcast %and3A_2876 : i32 to vector<16xi32>
    %and3A_2878 = arith.andi %add3A_2873, %and3A_2877 : vector<16xi32>
    %gather3A_2879 = tpu.vector_load_idx %arg8[%shift_right_logical3A_2875, %and3A_2878] : memref<2x128xi32, #tpu.memory_space<vmem>>[vector<16xi32>, vector<16xi32>], vector<16xi32>,
    %and3A_2880 = arith.constant 15 : i32
    %and3A_2881 = vector.broadcast %and3A_2880 : i32 to vector<16xi32>
    %and3A_2882 = arith.andi %gather3A_2879, %and3A_2881 : vector<16xi32>
    %shift_left3A_2883 = vector.broadcast %squeeze3A_6 : i32 to vector<16xi32>
    %shift_left3A_2884 = arith.shli %and3A_2882, %shift_left3A_2883 : vector<16xi32>
    %shift_right_logical3A_2885 = vector.broadcast %squeeze3A_10 : i32 to vector<16xi32>
    %shift_right_logical3A_2886 = arith.shrui %add3A_2873, %shift_right_logical3A_2885 : vector<16xi32>
    %and3A_2887 = arith.constant 127 : i32
    %and3A_2888 = vector.broadcast %and3A_2887 : i32 to vector<16xi32>
    %and3A_2889 = arith.andi %add3A_2873, %and3A_2888 : vector<16xi32>
    %add3A_2890 = arith.addi %shift_left3A_2884, %and3A_249 : vector<16xi32>
    %gather3A_2891 = tpu.vector_load_idx %arg10[%shift_right_logical3A_2886, %and3A_2889, %add3A_2890] : memref<2x128x128xf32, #tpu.memory_space<vmem>>[vector<16xi32>, vector<16xi32>, vector<16xi32>], vector<16xf32>,
    %swap3A_2892 = arith.constant 104 : i32
    %swap3A_2893 = arith.index_cast %swap3A_2892 : i32 to index
    %swap3A_2894 = arith.constant 0 : index
    %swap3A_2895 = tpu.vector_load %arg11[%swap3A_2893, %swap3A_2894] {strides = array<i32>} : memref<128x16xf32, #tpu.memory_space<vmem>>, vector<16xf32>,
    tpu.vector_store %arg11[%swap3A_2893, %swap3A_2894], %gather3A_2891 {strides = array<i32>} : memref<128x16xf32, #tpu.memory_space<vmem>>, vector<16xf32>,
    %add3A_2896 = arith.constant 210 : i32
    %add3A_2897 = vector.broadcast %add3A_2896 : i32 to vector<16xi32>
    %add3A_2898 = arith.addi %add3A_2897, %shift_right_logical3A_246 : vector<16xi32>
    %shift_right_logical3A_2899 = vector.broadcast %squeeze3A_10 : i32 to vector<16xi32>
    %shift_right_logical3A_2900 = arith.shrui %add3A_2898, %shift_right_logical3A_2899 : vector<16xi32>
    %and3A_2901 = arith.constant 127 : i32
    %and3A_2902 = vector.broadcast %and3A_2901 : i32 to vector<16xi32>
    %and3A_2903 = arith.andi %add3A_2898, %and3A_2902 : vector<16xi32>
    %gather3A_2904 = tpu.vector_load_idx %arg8[%shift_right_logical3A_2900, %and3A_2903] : memref<2x128xi32, #tpu.memory_space<vmem>>[vector<16xi32>, vector<16xi32>], vector<16xi32>,
    %and3A_2905 = arith.constant 15 : i32
    %and3A_2906 = vector.broadcast %and3A_2905 : i32 to vector<16xi32>
    %and3A_2907 = arith.andi %gather3A_2904, %and3A_2906 : vector<16xi32>
    %shift_left3A_2908 = vector.broadcast %squeeze3A_6 : i32 to vector<16xi32>
    %shift_left3A_2909 = arith.shli %and3A_2907, %shift_left3A_2908 : vector<16xi32>
    %shift_right_logical3A_2910 = vector.broadcast %squeeze3A_10 : i32 to vector<16xi32>
    %shift_right_logical3A_2911 = arith.shrui %add3A_2898, %shift_right_logical3A_2910 : vector<16xi32>
    %and3A_2912 = arith.constant 127 : i32
    %and3A_2913 = vector.broadcast %and3A_2912 : i32 to vector<16xi32>
    %and3A_2914 = arith.andi %add3A_2898, %and3A_2913 : vector<16xi32>
    %add3A_2915 = arith.addi %shift_left3A_2909, %and3A_249 : vector<16xi32>
    %gather3A_2916 = tpu.vector_load_idx %arg10[%shift_right_logical3A_2911, %and3A_2914, %add3A_2915] : memref<2x128x128xf32, #tpu.memory_space<vmem>>[vector<16xi32>, vector<16xi32>, vector<16xi32>], vector<16xf32>,
    %swap3A_2917 = arith.constant 105 : i32
    %swap3A_2918 = arith.index_cast %swap3A_2917 : i32 to index
    %swap3A_2919 = arith.constant 0 : index
    %swap3A_2920 = tpu.vector_load %arg11[%swap3A_2918, %swap3A_2919] {strides = array<i32>} : memref<128x16xf32, #tpu.memory_space<vmem>>, vector<16xf32>,
    tpu.vector_store %arg11[%swap3A_2918, %swap3A_2919], %gather3A_2916 {strides = array<i32>} : memref<128x16xf32, #tpu.memory_space<vmem>>, vector<16xf32>,
    %add3A_2921 = arith.constant 212 : i32
    %add3A_2922 = vector.broadcast %add3A_2921 : i32 to vector<16xi32>
    %add3A_2923 = arith.addi %add3A_2922, %shift_right_logical3A_246 : vector<16xi32>
    %shift_right_logical3A_2924 = vector.broadcast %squeeze3A_10 : i32 to vector<16xi32>
    %shift_right_logical3A_2925 = arith.shrui %add3A_2923, %shift_right_logical3A_2924 : vector<16xi32>
    %and3A_2926 = arith.constant 127 : i32
    %and3A_2927 = vector.broadcast %and3A_2926 : i32 to vector<16xi32>
    %and3A_2928 = arith.andi %add3A_2923, %and3A_2927 : vector<16xi32>
    %gather3A_2929 = tpu.vector_load_idx %arg8[%shift_right_logical3A_2925, %and3A_2928] : memref<2x128xi32, #tpu.memory_space<vmem>>[vector<16xi32>, vector<16xi32>], vector<16xi32>,
    %and3A_2930 = arith.constant 15 : i32
    %and3A_2931 = vector.broadcast %and3A_2930 : i32 to vector<16xi32>
    %and3A_2932 = arith.andi %gather3A_2929, %and3A_2931 : vector<16xi32>
    %shift_left3A_2933 = vector.broadcast %squeeze3A_6 : i32 to vector<16xi32>
    %shift_left3A_2934 = arith.shli %and3A_2932, %shift_left3A_2933 : vector<16xi32>
    %shift_right_logical3A_2935 = vector.broadcast %squeeze3A_10 : i32 to vector<16xi32>
    %shift_right_logical3A_2936 = arith.shrui %add3A_2923, %shift_right_logical3A_2935 : vector<16xi32>
    %and3A_2937 = arith.constant 127 : i32
    %and3A_2938 = vector.broadcast %and3A_2937 : i32 to vector<16xi32>
    %and3A_2939 = arith.andi %add3A_2923, %and3A_2938 : vector<16xi32>
    %add3A_2940 = arith.addi %shift_left3A_2934, %and3A_249 : vector<16xi32>
    %gather3A_2941 = tpu.vector_load_idx %arg10[%shift_right_logical3A_2936, %and3A_2939, %add3A_2940] : memref<2x128x128xf32, #tpu.memory_space<vmem>>[vector<16xi32>, vector<16xi32>, vector<16xi32>], vector<16xf32>,
    %swap3A_2942 = arith.constant 106 : i32
    %swap3A_2943 = arith.index_cast %swap3A_2942 : i32 to index
    %swap3A_2944 = arith.constant 0 : index
    %swap3A_2945 = tpu.vector_load %arg11[%swap3A_2943, %swap3A_2944] {strides = array<i32>} : memref<128x16xf32, #tpu.memory_space<vmem>>, vector<16xf32>,
    tpu.vector_store %arg11[%swap3A_2943, %swap3A_2944], %gather3A_2941 {strides = array<i32>} : memref<128x16xf32, #tpu.memory_space<vmem>>, vector<16xf32>,
    %add3A_2946 = arith.constant 214 : i32
    %add3A_2947 = vector.broadcast %add3A_2946 : i32 to vector<16xi32>
    %add3A_2948 = arith.addi %add3A_2947, %shift_right_logical3A_246 : vector<16xi32>
    %shift_right_logical3A_2949 = vector.broadcast %squeeze3A_10 : i32 to vector<16xi32>
    %shift_right_logical3A_2950 = arith.shrui %add3A_2948, %shift_right_logical3A_2949 : vector<16xi32>
    %and3A_2951 = arith.constant 127 : i32
    %and3A_2952 = vector.broadcast %and3A_2951 : i32 to vector<16xi32>
    %and3A_2953 = arith.andi %add3A_2948, %and3A_2952 : vector<16xi32>
    %gather3A_2954 = tpu.vector_load_idx %arg8[%shift_right_logical3A_2950, %and3A_2953] : memref<2x128xi32, #tpu.memory_space<vmem>>[vector<16xi32>, vector<16xi32>], vector<16xi32>,
    %and3A_2955 = arith.constant 15 : i32
    %and3A_2956 = vector.broadcast %and3A_2955 : i32 to vector<16xi32>
    %and3A_2957 = arith.andi %gather3A_2954, %and3A_2956 : vector<16xi32>
    %shift_left3A_2958 = vector.broadcast %squeeze3A_6 : i32 to vector<16xi32>
    %shift_left3A_2959 = arith.shli %and3A_2957, %shift_left3A_2958 : vector<16xi32>
    %shift_right_logical3A_2960 = vector.broadcast %squeeze3A_10 : i32 to vector<16xi32>
    %shift_right_logical3A_2961 = arith.shrui %add3A_2948, %shift_right_logical3A_2960 : vector<16xi32>
    %and3A_2962 = arith.constant 127 : i32
    %and3A_2963 = vector.broadcast %and3A_2962 : i32 to vector<16xi32>
    %and3A_2964 = arith.andi %add3A_2948, %and3A_2963 : vector<16xi32>
    %add3A_2965 = arith.addi %shift_left3A_2959, %and3A_249 : vector<16xi32>
    %gather3A_2966 = tpu.vector_load_idx %arg10[%shift_right_logical3A_2961, %and3A_2964, %add3A_2965] : memref<2x128x128xf32, #tpu.memory_space<vmem>>[vector<16xi32>, vector<16xi32>, vector<16xi32>], vector<16xf32>,
    %swap3A_2967 = arith.constant 107 : i32
    %swap3A_2968 = arith.index_cast %swap3A_2967 : i32 to index
    %swap3A_2969 = arith.constant 0 : index
    %swap3A_2970 = tpu.vector_load %arg11[%swap3A_2968, %swap3A_2969] {strides = array<i32>} : memref<128x16xf32, #tpu.memory_space<vmem>>, vector<16xf32>,
    tpu.vector_store %arg11[%swap3A_2968, %swap3A_2969], %gather3A_2966 {strides = array<i32>} : memref<128x16xf32, #tpu.memory_space<vmem>>, vector<16xf32>,
    %add3A_2971 = arith.constant 216 : i32
    %add3A_2972 = vector.broadcast %add3A_2971 : i32 to vector<16xi32>
    %add3A_2973 = arith.addi %add3A_2972, %shift_right_logical3A_246 : vector<16xi32>
    %shift_right_logical3A_2974 = vector.broadcast %squeeze3A_10 : i32 to vector<16xi32>
    %shift_right_logical3A_2975 = arith.shrui %add3A_2973, %shift_right_logical3A_2974 : vector<16xi32>
    %and3A_2976 = arith.constant 127 : i32
    %and3A_2977 = vector.broadcast %and3A_2976 : i32 to vector<16xi32>
    %and3A_2978 = arith.andi %add3A_2973, %and3A_2977 : vector<16xi32>
    %gather3A_2979 = tpu.vector_load_idx %arg8[%shift_right_logical3A_2975, %and3A_2978] : memref<2x128xi32, #tpu.memory_space<vmem>>[vector<16xi32>, vector<16xi32>], vector<16xi32>,
    %and3A_2980 = arith.constant 15 : i32
    %and3A_2981 = vector.broadcast %and3A_2980 : i32 to vector<16xi32>
    %and3A_2982 = arith.andi %gather3A_2979, %and3A_2981 : vector<16xi32>
    %shift_left3A_2983 = vector.broadcast %squeeze3A_6 : i32 to vector<16xi32>
    %shift_left3A_2984 = arith.shli %and3A_2982, %shift_left3A_2983 : vector<16xi32>
    %shift_right_logical3A_2985 = vector.broadcast %squeeze3A_10 : i32 to vector<16xi32>
    %shift_right_logical3A_2986 = arith.shrui %add3A_2973, %shift_right_logical3A_2985 : vector<16xi32>
    %and3A_2987 = arith.constant 127 : i32
    %and3A_2988 = vector.broadcast %and3A_2987 : i32 to vector<16xi32>
    %and3A_2989 = arith.andi %add3A_2973, %and3A_2988 : vector<16xi32>
    %add3A_2990 = arith.addi %shift_left3A_2984, %and3A_249 : vector<16xi32>
    %gather3A_2991 = tpu.vector_load_idx %arg10[%shift_right_logical3A_2986, %and3A_2989, %add3A_2990] : memref<2x128x128xf32, #tpu.memory_space<vmem>>[vector<16xi32>, vector<16xi32>, vector<16xi32>], vector<16xf32>,
    %swap3A_2992 = arith.constant 108 : i32
    %swap3A_2993 = arith.index_cast %swap3A_2992 : i32 to index
    %swap3A_2994 = arith.constant 0 : index
    %swap3A_2995 = tpu.vector_load %arg11[%swap3A_2993, %swap3A_2994] {strides = array<i32>} : memref<128x16xf32, #tpu.memory_space<vmem>>, vector<16xf32>,
    tpu.vector_store %arg11[%swap3A_2993, %swap3A_2994], %gather3A_2991 {strides = array<i32>} : memref<128x16xf32, #tpu.memory_space<vmem>>, vector<16xf32>,
    %add3A_2996 = arith.constant 218 : i32
    %add3A_2997 = vector.broadcast %add3A_2996 : i32 to vector<16xi32>
    %add3A_2998 = arith.addi %add3A_2997, %shift_right_logical3A_246 : vector<16xi32>
    %shift_right_logical3A_2999 = vector.broadcast %squeeze3A_10 : i32 to vector<16xi32>
    %shift_right_logical3A_3000 = arith.shrui %add3A_2998, %shift_right_logical3A_2999 : vector<16xi32>
    %and3A_3001 = arith.constant 127 : i32
    %and3A_3002 = vector.broadcast %and3A_3001 : i32 to vector<16xi32>
    %and3A_3003 = arith.andi %add3A_2998, %and3A_3002 : vector<16xi32>
    %gather3A_3004 = tpu.vector_load_idx %arg8[%shift_right_logical3A_3000, %and3A_3003] : memref<2x128xi32, #tpu.memory_space<vmem>>[vector<16xi32>, vector<16xi32>], vector<16xi32>,
    %and3A_3005 = arith.constant 15 : i32
    %and3A_3006 = vector.broadcast %and3A_3005 : i32 to vector<16xi32>
    %and3A_3007 = arith.andi %gather3A_3004, %and3A_3006 : vector<16xi32>
    %shift_left3A_3008 = vector.broadcast %squeeze3A_6 : i32 to vector<16xi32>
    %shift_left3A_3009 = arith.shli %and3A_3007, %shift_left3A_3008 : vector<16xi32>
    %shift_right_logical3A_3010 = vector.broadcast %squeeze3A_10 : i32 to vector<16xi32>
    %shift_right_logical3A_3011 = arith.shrui %add3A_2998, %shift_right_logical3A_3010 : vector<16xi32>
    %and3A_3012 = arith.constant 127 : i32
    %and3A_3013 = vector.broadcast %and3A_3012 : i32 to vector<16xi32>
    %and3A_3014 = arith.andi %add3A_2998, %and3A_3013 : vector<16xi32>
    %add3A_3015 = arith.addi %shift_left3A_3009, %and3A_249 : vector<16xi32>
    %gather3A_3016 = tpu.vector_load_idx %arg10[%shift_right_logical3A_3011, %and3A_3014, %add3A_3015] : memref<2x128x128xf32, #tpu.memory_space<vmem>>[vector<16xi32>, vector<16xi32>, vector<16xi32>], vector<16xf32>,
    %swap3A_3017 = arith.constant 109 : i32
    %swap3A_3018 = arith.index_cast %swap3A_3017 : i32 to index
    %swap3A_3019 = arith.constant 0 : index
    %swap3A_3020 = tpu.vector_load %arg11[%swap3A_3018, %swap3A_3019] {strides = array<i32>} : memref<128x16xf32, #tpu.memory_space<vmem>>, vector<16xf32>,
    tpu.vector_store %arg11[%swap3A_3018, %swap3A_3019], %gather3A_3016 {strides = array<i32>} : memref<128x16xf32, #tpu.memory_space<vmem>>, vector<16xf32>,
    %add3A_3021 = arith.constant 220 : i32
    %add3A_3022 = vector.broadcast %add3A_3021 : i32 to vector<16xi32>
    %add3A_3023 = arith.addi %add3A_3022, %shift_right_logical3A_246 : vector<16xi32>
    %shift_right_logical3A_3024 = vector.broadcast %squeeze3A_10 : i32 to vector<16xi32>
    %shift_right_logical3A_3025 = arith.shrui %add3A_3023, %shift_right_logical3A_3024 : vector<16xi32>
    %and3A_3026 = arith.constant 127 : i32
    %and3A_3027 = vector.broadcast %and3A_3026 : i32 to vector<16xi32>
    %and3A_3028 = arith.andi %add3A_3023, %and3A_3027 : vector<16xi32>
    %gather3A_3029 = tpu.vector_load_idx %arg8[%shift_right_logical3A_3025, %and3A_3028] : memref<2x128xi32, #tpu.memory_space<vmem>>[vector<16xi32>, vector<16xi32>], vector<16xi32>,
    %and3A_3030 = arith.constant 15 : i32
    %and3A_3031 = vector.broadcast %and3A_3030 : i32 to vector<16xi32>
    %and3A_3032 = arith.andi %gather3A_3029, %and3A_3031 : vector<16xi32>
    %shift_left3A_3033 = vector.broadcast %squeeze3A_6 : i32 to vector<16xi32>
    %shift_left3A_3034 = arith.shli %and3A_3032, %shift_left3A_3033 : vector<16xi32>
    %shift_right_logical3A_3035 = vector.broadcast %squeeze3A_10 : i32 to vector<16xi32>
    %shift_right_logical3A_3036 = arith.shrui %add3A_3023, %shift_right_logical3A_3035 : vector<16xi32>
    %and3A_3037 = arith.constant 127 : i32
    %and3A_3038 = vector.broadcast %and3A_3037 : i32 to vector<16xi32>
    %and3A_3039 = arith.andi %add3A_3023, %and3A_3038 : vector<16xi32>
    %add3A_3040 = arith.addi %shift_left3A_3034, %and3A_249 : vector<16xi32>
    %gather3A_3041 = tpu.vector_load_idx %arg10[%shift_right_logical3A_3036, %and3A_3039, %add3A_3040] : memref<2x128x128xf32, #tpu.memory_space<vmem>>[vector<16xi32>, vector<16xi32>, vector<16xi32>], vector<16xf32>,
    %swap3A_3042 = arith.constant 110 : i32
    %swap3A_3043 = arith.index_cast %swap3A_3042 : i32 to index
    %swap3A_3044 = arith.constant 0 : index
    %swap3A_3045 = tpu.vector_load %arg11[%swap3A_3043, %swap3A_3044] {strides = array<i32>} : memref<128x16xf32, #tpu.memory_space<vmem>>, vector<16xf32>,
    tpu.vector_store %arg11[%swap3A_3043, %swap3A_3044], %gather3A_3041 {strides = array<i32>} : memref<128x16xf32, #tpu.memory_space<vmem>>, vector<16xf32>,
    %add3A_3046 = arith.constant 222 : i32
    %add3A_3047 = vector.broadcast %add3A_3046 : i32 to vector<16xi32>
    %add3A_3048 = arith.addi %add3A_3047, %shift_right_logical3A_246 : vector<16xi32>
    %shift_right_logical3A_3049 = vector.broadcast %squeeze3A_10 : i32 to vector<16xi32>
    %shift_right_logical3A_3050 = arith.shrui %add3A_3048, %shift_right_logical3A_3049 : vector<16xi32>
    %and3A_3051 = arith.constant 127 : i32
    %and3A_3052 = vector.broadcast %and3A_3051 : i32 to vector<16xi32>
    %and3A_3053 = arith.andi %add3A_3048, %and3A_3052 : vector<16xi32>
    %gather3A_3054 = tpu.vector_load_idx %arg8[%shift_right_logical3A_3050, %and3A_3053] : memref<2x128xi32, #tpu.memory_space<vmem>>[vector<16xi32>, vector<16xi32>], vector<16xi32>,
    %and3A_3055 = arith.constant 15 : i32
    %and3A_3056 = vector.broadcast %and3A_3055 : i32 to vector<16xi32>
    %and3A_3057 = arith.andi %gather3A_3054, %and3A_3056 : vector<16xi32>
    %shift_left3A_3058 = vector.broadcast %squeeze3A_6 : i32 to vector<16xi32>
    %shift_left3A_3059 = arith.shli %and3A_3057, %shift_left3A_3058 : vector<16xi32>
    %shift_right_logical3A_3060 = vector.broadcast %squeeze3A_10 : i32 to vector<16xi32>
    %shift_right_logical3A_3061 = arith.shrui %add3A_3048, %shift_right_logical3A_3060 : vector<16xi32>
    %and3A_3062 = arith.constant 127 : i32
    %and3A_3063 = vector.broadcast %and3A_3062 : i32 to vector<16xi32>
    %and3A_3064 = arith.andi %add3A_3048, %and3A_3063 : vector<16xi32>
    %add3A_3065 = arith.addi %shift_left3A_3059, %and3A_249 : vector<16xi32>
    %gather3A_3066 = tpu.vector_load_idx %arg10[%shift_right_logical3A_3061, %and3A_3064, %add3A_3065] : memref<2x128x128xf32, #tpu.memory_space<vmem>>[vector<16xi32>, vector<16xi32>, vector<16xi32>], vector<16xf32>,
    %swap3A_3067 = arith.constant 111 : i32
    %swap3A_3068 = arith.index_cast %swap3A_3067 : i32 to index
    %swap3A_3069 = arith.constant 0 : index
    %swap3A_3070 = tpu.vector_load %arg11[%swap3A_3068, %swap3A_3069] {strides = array<i32>} : memref<128x16xf32, #tpu.memory_space<vmem>>, vector<16xf32>,
    tpu.vector_store %arg11[%swap3A_3068, %swap3A_3069], %gather3A_3066 {strides = array<i32>} : memref<128x16xf32, #tpu.memory_space<vmem>>, vector<16xf32>,
    %add3A_3071 = arith.constant 224 : i32
    %add3A_3072 = vector.broadcast %add3A_3071 : i32 to vector<16xi32>
    %add3A_3073 = arith.addi %add3A_3072, %shift_right_logical3A_246 : vector<16xi32>
    %shift_right_logical3A_3074 = vector.broadcast %squeeze3A_10 : i32 to vector<16xi32>
    %shift_right_logical3A_3075 = arith.shrui %add3A_3073, %shift_right_logical3A_3074 : vector<16xi32>
    %and3A_3076 = arith.constant 127 : i32
    %and3A_3077 = vector.broadcast %and3A_3076 : i32 to vector<16xi32>
    %and3A_3078 = arith.andi %add3A_3073, %and3A_3077 : vector<16xi32>
    %gather3A_3079 = tpu.vector_load_idx %arg8[%shift_right_logical3A_3075, %and3A_3078] : memref<2x128xi32, #tpu.memory_space<vmem>>[vector<16xi32>, vector<16xi32>], vector<16xi32>,
    %and3A_3080 = arith.constant 15 : i32
    %and3A_3081 = vector.broadcast %and3A_3080 : i32 to vector<16xi32>
    %and3A_3082 = arith.andi %gather3A_3079, %and3A_3081 : vector<16xi32>
    %shift_left3A_3083 = vector.broadcast %squeeze3A_6 : i32 to vector<16xi32>
    %shift_left3A_3084 = arith.shli %and3A_3082, %shift_left3A_3083 : vector<16xi32>
    %shift_right_logical3A_3085 = vector.broadcast %squeeze3A_10 : i32 to vector<16xi32>
    %shift_right_logical3A_3086 = arith.shrui %add3A_3073, %shift_right_logical3A_3085 : vector<16xi32>
    %and3A_3087 = arith.constant 127 : i32
    %and3A_3088 = vector.broadcast %and3A_3087 : i32 to vector<16xi32>
    %and3A_3089 = arith.andi %add3A_3073, %and3A_3088 : vector<16xi32>
    %add3A_3090 = arith.addi %shift_left3A_3084, %and3A_249 : vector<16xi32>
    %gather3A_3091 = tpu.vector_load_idx %arg10[%shift_right_logical3A_3086, %and3A_3089, %add3A_3090] : memref<2x128x128xf32, #tpu.memory_space<vmem>>[vector<16xi32>, vector<16xi32>, vector<16xi32>], vector<16xf32>,
    %swap3A_3092 = arith.constant 112 : i32
    %swap3A_3093 = arith.index_cast %swap3A_3092 : i32 to index
    %swap3A_3094 = arith.constant 0 : index
    %swap3A_3095 = tpu.vector_load %arg11[%swap3A_3093, %swap3A_3094] {strides = array<i32>} : memref<128x16xf32, #tpu.memory_space<vmem>>, vector<16xf32>,
    tpu.vector_store %arg11[%swap3A_3093, %swap3A_3094], %gather3A_3091 {strides = array<i32>} : memref<128x16xf32, #tpu.memory_space<vmem>>, vector<16xf32>,
    %add3A_3096 = arith.constant 226 : i32
    %add3A_3097 = vector.broadcast %add3A_3096 : i32 to vector<16xi32>
    %add3A_3098 = arith.addi %add3A_3097, %shift_right_logical3A_246 : vector<16xi32>
    %shift_right_logical3A_3099 = vector.broadcast %squeeze3A_10 : i32 to vector<16xi32>
    %shift_right_logical3A_3100 = arith.shrui %add3A_3098, %shift_right_logical3A_3099 : vector<16xi32>
    %and3A_3101 = arith.constant 127 : i32
    %and3A_3102 = vector.broadcast %and3A_3101 : i32 to vector<16xi32>
    %and3A_3103 = arith.andi %add3A_3098, %and3A_3102 : vector<16xi32>
    %gather3A_3104 = tpu.vector_load_idx %arg8[%shift_right_logical3A_3100, %and3A_3103] : memref<2x128xi32, #tpu.memory_space<vmem>>[vector<16xi32>, vector<16xi32>], vector<16xi32>,
    %and3A_3105 = arith.constant 15 : i32
    %and3A_3106 = vector.broadcast %and3A_3105 : i32 to vector<16xi32>
    %and3A_3107 = arith.andi %gather3A_3104, %and3A_3106 : vector<16xi32>
    %shift_left3A_3108 = vector.broadcast %squeeze3A_6 : i32 to vector<16xi32>
    %shift_left3A_3109 = arith.shli %and3A_3107, %shift_left3A_3108 : vector<16xi32>
    %shift_right_logical3A_3110 = vector.broadcast %squeeze3A_10 : i32 to vector<16xi32>
    %shift_right_logical3A_3111 = arith.shrui %add3A_3098, %shift_right_logical3A_3110 : vector<16xi32>
    %and3A_3112 = arith.constant 127 : i32
    %and3A_3113 = vector.broadcast %and3A_3112 : i32 to vector<16xi32>
    %and3A_3114 = arith.andi %add3A_3098, %and3A_3113 : vector<16xi32>
    %add3A_3115 = arith.addi %shift_left3A_3109, %and3A_249 : vector<16xi32>
    %gather3A_3116 = tpu.vector_load_idx %arg10[%shift_right_logical3A_3111, %and3A_3114, %add3A_3115] : memref<2x128x128xf32, #tpu.memory_space<vmem>>[vector<16xi32>, vector<16xi32>, vector<16xi32>], vector<16xf32>,
    %swap3A_3117 = arith.constant 113 : i32
    %swap3A_3118 = arith.index_cast %swap3A_3117 : i32 to index
    %swap3A_3119 = arith.constant 0 : index
    %swap3A_3120 = tpu.vector_load %arg11[%swap3A_3118, %swap3A_3119] {strides = array<i32>} : memref<128x16xf32, #tpu.memory_space<vmem>>, vector<16xf32>,
    tpu.vector_store %arg11[%swap3A_3118, %swap3A_3119], %gather3A_3116 {strides = array<i32>} : memref<128x16xf32, #tpu.memory_space<vmem>>, vector<16xf32>,
    %add3A_3121 = arith.constant 228 : i32
    %add3A_3122 = vector.broadcast %add3A_3121 : i32 to vector<16xi32>
    %add3A_3123 = arith.addi %add3A_3122, %shift_right_logical3A_246 : vector<16xi32>
    %shift_right_logical3A_3124 = vector.broadcast %squeeze3A_10 : i32 to vector<16xi32>
    %shift_right_logical3A_3125 = arith.shrui %add3A_3123, %shift_right_logical3A_3124 : vector<16xi32>
    %and3A_3126 = arith.constant 127 : i32
    %and3A_3127 = vector.broadcast %and3A_3126 : i32 to vector<16xi32>
    %and3A_3128 = arith.andi %add3A_3123, %and3A_3127 : vector<16xi32>
    %gather3A_3129 = tpu.vector_load_idx %arg8[%shift_right_logical3A_3125, %and3A_3128] : memref<2x128xi32, #tpu.memory_space<vmem>>[vector<16xi32>, vector<16xi32>], vector<16xi32>,
    %and3A_3130 = arith.constant 15 : i32
    %and3A_3131 = vector.broadcast %and3A_3130 : i32 to vector<16xi32>
    %and3A_3132 = arith.andi %gather3A_3129, %and3A_3131 : vector<16xi32>
    %shift_left3A_3133 = vector.broadcast %squeeze3A_6 : i32 to vector<16xi32>
    %shift_left3A_3134 = arith.shli %and3A_3132, %shift_left3A_3133 : vector<16xi32>
    %shift_right_logical3A_3135 = vector.broadcast %squeeze3A_10 : i32 to vector<16xi32>
    %shift_right_logical3A_3136 = arith.shrui %add3A_3123, %shift_right_logical3A_3135 : vector<16xi32>
    %and3A_3137 = arith.constant 127 : i32
    %and3A_3138 = vector.broadcast %and3A_3137 : i32 to vector<16xi32>
    %and3A_3139 = arith.andi %add3A_3123, %and3A_3138 : vector<16xi32>
    %add3A_3140 = arith.addi %shift_left3A_3134, %and3A_249 : vector<16xi32>
    %gather3A_3141 = tpu.vector_load_idx %arg10[%shift_right_logical3A_3136, %and3A_3139, %add3A_3140] : memref<2x128x128xf32, #tpu.memory_space<vmem>>[vector<16xi32>, vector<16xi32>, vector<16xi32>], vector<16xf32>,
    %swap3A_3142 = arith.constant 114 : i32
    %swap3A_3143 = arith.index_cast %swap3A_3142 : i32 to index
    %swap3A_3144 = arith.constant 0 : index
    %swap3A_3145 = tpu.vector_load %arg11[%swap3A_3143, %swap3A_3144] {strides = array<i32>} : memref<128x16xf32, #tpu.memory_space<vmem>>, vector<16xf32>,
    tpu.vector_store %arg11[%swap3A_3143, %swap3A_3144], %gather3A_3141 {strides = array<i32>} : memref<128x16xf32, #tpu.memory_space<vmem>>, vector<16xf32>,
    %add3A_3146 = arith.constant 230 : i32
    %add3A_3147 = vector.broadcast %add3A_3146 : i32 to vector<16xi32>
    %add3A_3148 = arith.addi %add3A_3147, %shift_right_logical3A_246 : vector<16xi32>
    %shift_right_logical3A_3149 = vector.broadcast %squeeze3A_10 : i32 to vector<16xi32>
    %shift_right_logical3A_3150 = arith.shrui %add3A_3148, %shift_right_logical3A_3149 : vector<16xi32>
    %and3A_3151 = arith.constant 127 : i32
    %and3A_3152 = vector.broadcast %and3A_3151 : i32 to vector<16xi32>
    %and3A_3153 = arith.andi %add3A_3148, %and3A_3152 : vector<16xi32>
    %gather3A_3154 = tpu.vector_load_idx %arg8[%shift_right_logical3A_3150, %and3A_3153] : memref<2x128xi32, #tpu.memory_space<vmem>>[vector<16xi32>, vector<16xi32>], vector<16xi32>,
    %and3A_3155 = arith.constant 15 : i32
    %and3A_3156 = vector.broadcast %and3A_3155 : i32 to vector<16xi32>
    %and3A_3157 = arith.andi %gather3A_3154, %and3A_3156 : vector<16xi32>
    %shift_left3A_3158 = vector.broadcast %squeeze3A_6 : i32 to vector<16xi32>
    %shift_left3A_3159 = arith.shli %and3A_3157, %shift_left3A_3158 : vector<16xi32>
    %shift_right_logical3A_3160 = vector.broadcast %squeeze3A_10 : i32 to vector<16xi32>
    %shift_right_logical3A_3161 = arith.shrui %add3A_3148, %shift_right_logical3A_3160 : vector<16xi32>
    %and3A_3162 = arith.constant 127 : i32
    %and3A_3163 = vector.broadcast %and3A_3162 : i32 to vector<16xi32>
    %and3A_3164 = arith.andi %add3A_3148, %and3A_3163 : vector<16xi32>
    %add3A_3165 = arith.addi %shift_left3A_3159, %and3A_249 : vector<16xi32>
    %gather3A_3166 = tpu.vector_load_idx %arg10[%shift_right_logical3A_3161, %and3A_3164, %add3A_3165] : memref<2x128x128xf32, #tpu.memory_space<vmem>>[vector<16xi32>, vector<16xi32>, vector<16xi32>], vector<16xf32>,
    %swap3A_3167 = arith.constant 115 : i32
    %swap3A_3168 = arith.index_cast %swap3A_3167 : i32 to index
    %swap3A_3169 = arith.constant 0 : index
    %swap3A_3170 = tpu.vector_load %arg11[%swap3A_3168, %swap3A_3169] {strides = array<i32>} : memref<128x16xf32, #tpu.memory_space<vmem>>, vector<16xf32>,
    tpu.vector_store %arg11[%swap3A_3168, %swap3A_3169], %gather3A_3166 {strides = array<i32>} : memref<128x16xf32, #tpu.memory_space<vmem>>, vector<16xf32>,
    %add3A_3171 = arith.constant 232 : i32
    %add3A_3172 = vector.broadcast %add3A_3171 : i32 to vector<16xi32>
    %add3A_3173 = arith.addi %add3A_3172, %shift_right_logical3A_246 : vector<16xi32>
    %shift_right_logical3A_3174 = vector.broadcast %squeeze3A_10 : i32 to vector<16xi32>
    %shift_right_logical3A_3175 = arith.shrui %add3A_3173, %shift_right_logical3A_3174 : vector<16xi32>
    %and3A_3176 = arith.constant 127 : i32
    %and3A_3177 = vector.broadcast %and3A_3176 : i32 to vector<16xi32>
    %and3A_3178 = arith.andi %add3A_3173, %and3A_3177 : vector<16xi32>
    %gather3A_3179 = tpu.vector_load_idx %arg8[%shift_right_logical3A_3175, %and3A_3178] : memref<2x128xi32, #tpu.memory_space<vmem>>[vector<16xi32>, vector<16xi32>], vector<16xi32>,
    %and3A_3180 = arith.constant 15 : i32
    %and3A_3181 = vector.broadcast %and3A_3180 : i32 to vector<16xi32>
    %and3A_3182 = arith.andi %gather3A_3179, %and3A_3181 : vector<16xi32>
    %shift_left3A_3183 = vector.broadcast %squeeze3A_6 : i32 to vector<16xi32>
    %shift_left3A_3184 = arith.shli %and3A_3182, %shift_left3A_3183 : vector<16xi32>
    %shift_right_logical3A_3185 = vector.broadcast %squeeze3A_10 : i32 to vector<16xi32>
    %shift_right_logical3A_3186 = arith.shrui %add3A_3173, %shift_right_logical3A_3185 : vector<16xi32>
    %and3A_3187 = arith.constant 127 : i32
    %and3A_3188 = vector.broadcast %and3A_3187 : i32 to vector<16xi32>
    %and3A_3189 = arith.andi %add3A_3173, %and3A_3188 : vector<16xi32>
    %add3A_3190 = arith.addi %shift_left3A_3184, %and3A_249 : vector<16xi32>
    %gather3A_3191 = tpu.vector_load_idx %arg10[%shift_right_logical3A_3186, %and3A_3189, %add3A_3190] : memref<2x128x128xf32, #tpu.memory_space<vmem>>[vector<16xi32>, vector<16xi32>, vector<16xi32>], vector<16xf32>,
    %swap3A_3192 = arith.constant 116 : i32
    %swap3A_3193 = arith.index_cast %swap3A_3192 : i32 to index
    %swap3A_3194 = arith.constant 0 : index
    %swap3A_3195 = tpu.vector_load %arg11[%swap3A_3193, %swap3A_3194] {strides = array<i32>} : memref<128x16xf32, #tpu.memory_space<vmem>>, vector<16xf32>,
    tpu.vector_store %arg11[%swap3A_3193, %swap3A_3194], %gather3A_3191 {strides = array<i32>} : memref<128x16xf32, #tpu.memory_space<vmem>>, vector<16xf32>,
    %add3A_3196 = arith.constant 234 : i32
    %add3A_3197 = vector.broadcast %add3A_3196 : i32 to vector<16xi32>
    %add3A_3198 = arith.addi %add3A_3197, %shift_right_logical3A_246 : vector<16xi32>
    %shift_right_logical3A_3199 = vector.broadcast %squeeze3A_10 : i32 to vector<16xi32>
    %shift_right_logical3A_3200 = arith.shrui %add3A_3198, %shift_right_logical3A_3199 : vector<16xi32>
    %and3A_3201 = arith.constant 127 : i32
    %and3A_3202 = vector.broadcast %and3A_3201 : i32 to vector<16xi32>
    %and3A_3203 = arith.andi %add3A_3198, %and3A_3202 : vector<16xi32>
    %gather3A_3204 = tpu.vector_load_idx %arg8[%shift_right_logical3A_3200, %and3A_3203] : memref<2x128xi32, #tpu.memory_space<vmem>>[vector<16xi32>, vector<16xi32>], vector<16xi32>,
    %and3A_3205 = arith.constant 15 : i32
    %and3A_3206 = vector.broadcast %and3A_3205 : i32 to vector<16xi32>
    %and3A_3207 = arith.andi %gather3A_3204, %and3A_3206 : vector<16xi32>
    %shift_left3A_3208 = vector.broadcast %squeeze3A_6 : i32 to vector<16xi32>
    %shift_left3A_3209 = arith.shli %and3A_3207, %shift_left3A_3208 : vector<16xi32>
    %shift_right_logical3A_3210 = vector.broadcast %squeeze3A_10 : i32 to vector<16xi32>
    %shift_right_logical3A_3211 = arith.shrui %add3A_3198, %shift_right_logical3A_3210 : vector<16xi32>
    %and3A_3212 = arith.constant 127 : i32
    %and3A_3213 = vector.broadcast %and3A_3212 : i32 to vector<16xi32>
    %and3A_3214 = arith.andi %add3A_3198, %and3A_3213 : vector<16xi32>
    %add3A_3215 = arith.addi %shift_left3A_3209, %and3A_249 : vector<16xi32>
    %gather3A_3216 = tpu.vector_load_idx %arg10[%shift_right_logical3A_3211, %and3A_3214, %add3A_3215] : memref<2x128x128xf32, #tpu.memory_space<vmem>>[vector<16xi32>, vector<16xi32>, vector<16xi32>], vector<16xf32>,
    %swap3A_3217 = arith.constant 117 : i32
    %swap3A_3218 = arith.index_cast %swap3A_3217 : i32 to index
    %swap3A_3219 = arith.constant 0 : index
    %swap3A_3220 = tpu.vector_load %arg11[%swap3A_3218, %swap3A_3219] {strides = array<i32>} : memref<128x16xf32, #tpu.memory_space<vmem>>, vector<16xf32>,
    tpu.vector_store %arg11[%swap3A_3218, %swap3A_3219], %gather3A_3216 {strides = array<i32>} : memref<128x16xf32, #tpu.memory_space<vmem>>, vector<16xf32>,
    %add3A_3221 = arith.constant 236 : i32
    %add3A_3222 = vector.broadcast %add3A_3221 : i32 to vector<16xi32>
    %add3A_3223 = arith.addi %add3A_3222, %shift_right_logical3A_246 : vector<16xi32>
    %shift_right_logical3A_3224 = vector.broadcast %squeeze3A_10 : i32 to vector<16xi32>
    %shift_right_logical3A_3225 = arith.shrui %add3A_3223, %shift_right_logical3A_3224 : vector<16xi32>
    %and3A_3226 = arith.constant 127 : i32
    %and3A_3227 = vector.broadcast %and3A_3226 : i32 to vector<16xi32>
    %and3A_3228 = arith.andi %add3A_3223, %and3A_3227 : vector<16xi32>
    %gather3A_3229 = tpu.vector_load_idx %arg8[%shift_right_logical3A_3225, %and3A_3228] : memref<2x128xi32, #tpu.memory_space<vmem>>[vector<16xi32>, vector<16xi32>], vector<16xi32>,
    %and3A_3230 = arith.constant 15 : i32
    %and3A_3231 = vector.broadcast %and3A_3230 : i32 to vector<16xi32>
    %and3A_3232 = arith.andi %gather3A_3229, %and3A_3231 : vector<16xi32>
    %shift_left3A_3233 = vector.broadcast %squeeze3A_6 : i32 to vector<16xi32>
    %shift_left3A_3234 = arith.shli %and3A_3232, %shift_left3A_3233 : vector<16xi32>
    %shift_right_logical3A_3235 = vector.broadcast %squeeze3A_10 : i32 to vector<16xi32>
    %shift_right_logical3A_3236 = arith.shrui %add3A_3223, %shift_right_logical3A_3235 : vector<16xi32>
    %and3A_3237 = arith.constant 127 : i32
    %and3A_3238 = vector.broadcast %and3A_3237 : i32 to vector<16xi32>
    %and3A_3239 = arith.andi %add3A_3223, %and3A_3238 : vector<16xi32>
    %add3A_3240 = arith.addi %shift_left3A_3234, %and3A_249 : vector<16xi32>
    %gather3A_3241 = tpu.vector_load_idx %arg10[%shift_right_logical3A_3236, %and3A_3239, %add3A_3240] : memref<2x128x128xf32, #tpu.memory_space<vmem>>[vector<16xi32>, vector<16xi32>, vector<16xi32>], vector<16xf32>,
    %swap3A_3242 = arith.constant 118 : i32
    %swap3A_3243 = arith.index_cast %swap3A_3242 : i32 to index
    %swap3A_3244 = arith.constant 0 : index
    %swap3A_3245 = tpu.vector_load %arg11[%swap3A_3243, %swap3A_3244] {strides = array<i32>} : memref<128x16xf32, #tpu.memory_space<vmem>>, vector<16xf32>,
    tpu.vector_store %arg11[%swap3A_3243, %swap3A_3244], %gather3A_3241 {strides = array<i32>} : memref<128x16xf32, #tpu.memory_space<vmem>>, vector<16xf32>,
    %add3A_3246 = arith.constant 238 : i32
    %add3A_3247 = vector.broadcast %add3A_3246 : i32 to vector<16xi32>
    %add3A_3248 = arith.addi %add3A_3247, %shift_right_logical3A_246 : vector<16xi32>
    %shift_right_logical3A_3249 = vector.broadcast %squeeze3A_10 : i32 to vector<16xi32>
    %shift_right_logical3A_3250 = arith.shrui %add3A_3248, %shift_right_logical3A_3249 : vector<16xi32>
    %and3A_3251 = arith.constant 127 : i32
    %and3A_3252 = vector.broadcast %and3A_3251 : i32 to vector<16xi32>
    %and3A_3253 = arith.andi %add3A_3248, %and3A_3252 : vector<16xi32>
    %gather3A_3254 = tpu.vector_load_idx %arg8[%shift_right_logical3A_3250, %and3A_3253] : memref<2x128xi32, #tpu.memory_space<vmem>>[vector<16xi32>, vector<16xi32>], vector<16xi32>,
    %and3A_3255 = arith.constant 15 : i32
    %and3A_3256 = vector.broadcast %and3A_3255 : i32 to vector<16xi32>
    %and3A_3257 = arith.andi %gather3A_3254, %and3A_3256 : vector<16xi32>
    %shift_left3A_3258 = vector.broadcast %squeeze3A_6 : i32 to vector<16xi32>
    %shift_left3A_3259 = arith.shli %and3A_3257, %shift_left3A_3258 : vector<16xi32>
    %shift_right_logical3A_3260 = vector.broadcast %squeeze3A_10 : i32 to vector<16xi32>
    %shift_right_logical3A_3261 = arith.shrui %add3A_3248, %shift_right_logical3A_3260 : vector<16xi32>
    %and3A_3262 = arith.constant 127 : i32
    %and3A_3263 = vector.broadcast %and3A_3262 : i32 to vector<16xi32>
    %and3A_3264 = arith.andi %add3A_3248, %and3A_3263 : vector<16xi32>
    %add3A_3265 = arith.addi %shift_left3A_3259, %and3A_249 : vector<16xi32>
    %gather3A_3266 = tpu.vector_load_idx %arg10[%shift_right_logical3A_3261, %and3A_3264, %add3A_3265] : memref<2x128x128xf32, #tpu.memory_space<vmem>>[vector<16xi32>, vector<16xi32>, vector<16xi32>], vector<16xf32>,
    %swap3A_3267 = arith.constant 119 : i32
    %swap3A_3268 = arith.index_cast %swap3A_3267 : i32 to index
    %swap3A_3269 = arith.constant 0 : index
    %swap3A_3270 = tpu.vector_load %arg11[%swap3A_3268, %swap3A_3269] {strides = array<i32>} : memref<128x16xf32, #tpu.memory_space<vmem>>, vector<16xf32>,
    tpu.vector_store %arg11[%swap3A_3268, %swap3A_3269], %gather3A_3266 {strides = array<i32>} : memref<128x16xf32, #tpu.memory_space<vmem>>, vector<16xf32>,
    %add3A_3271 = arith.constant 240 : i32
    %add3A_3272 = vector.broadcast %add3A_3271 : i32 to vector<16xi32>
    %add3A_3273 = arith.addi %add3A_3272, %shift_right_logical3A_246 : vector<16xi32>
    %shift_right_logical3A_3274 = vector.broadcast %squeeze3A_10 : i32 to vector<16xi32>
    %shift_right_logical3A_3275 = arith.shrui %add3A_3273, %shift_right_logical3A_3274 : vector<16xi32>
    %and3A_3276 = arith.constant 127 : i32
    %and3A_3277 = vector.broadcast %and3A_3276 : i32 to vector<16xi32>
    %and3A_3278 = arith.andi %add3A_3273, %and3A_3277 : vector<16xi32>
    %gather3A_3279 = tpu.vector_load_idx %arg8[%shift_right_logical3A_3275, %and3A_3278] : memref<2x128xi32, #tpu.memory_space<vmem>>[vector<16xi32>, vector<16xi32>], vector<16xi32>,
    %and3A_3280 = arith.constant 15 : i32
    %and3A_3281 = vector.broadcast %and3A_3280 : i32 to vector<16xi32>
    %and3A_3282 = arith.andi %gather3A_3279, %and3A_3281 : vector<16xi32>
    %shift_left3A_3283 = vector.broadcast %squeeze3A_6 : i32 to vector<16xi32>
    %shift_left3A_3284 = arith.shli %and3A_3282, %shift_left3A_3283 : vector<16xi32>
    %shift_right_logical3A_3285 = vector.broadcast %squeeze3A_10 : i32 to vector<16xi32>
    %shift_right_logical3A_3286 = arith.shrui %add3A_3273, %shift_right_logical3A_3285 : vector<16xi32>
    %and3A_3287 = arith.constant 127 : i32
    %and3A_3288 = vector.broadcast %and3A_3287 : i32 to vector<16xi32>
    %and3A_3289 = arith.andi %add3A_3273, %and3A_3288 : vector<16xi32>
    %add3A_3290 = arith.addi %shift_left3A_3284, %and3A_249 : vector<16xi32>
    %gather3A_3291 = tpu.vector_load_idx %arg10[%shift_right_logical3A_3286, %and3A_3289, %add3A_3290] : memref<2x128x128xf32, #tpu.memory_space<vmem>>[vector<16xi32>, vector<16xi32>, vector<16xi32>], vector<16xf32>,
    %swap3A_3292 = arith.constant 120 : i32
    %swap3A_3293 = arith.index_cast %swap3A_3292 : i32 to index
    %swap3A_3294 = arith.constant 0 : index
    %swap3A_3295 = tpu.vector_load %arg11[%swap3A_3293, %swap3A_3294] {strides = array<i32>} : memref<128x16xf32, #tpu.memory_space<vmem>>, vector<16xf32>,
    tpu.vector_store %arg11[%swap3A_3293, %swap3A_3294], %gather3A_3291 {strides = array<i32>} : memref<128x16xf32, #tpu.memory_space<vmem>>, vector<16xf32>,
    %add3A_3296 = arith.constant 242 : i32
    %add3A_3297 = vector.broadcast %add3A_3296 : i32 to vector<16xi32>
    %add3A_3298 = arith.addi %add3A_3297, %shift_right_logical3A_246 : vector<16xi32>
    %shift_right_logical3A_3299 = vector.broadcast %squeeze3A_10 : i32 to vector<16xi32>
    %shift_right_logical3A_3300 = arith.shrui %add3A_3298, %shift_right_logical3A_3299 : vector<16xi32>
    %and3A_3301 = arith.constant 127 : i32
    %and3A_3302 = vector.broadcast %and3A_3301 : i32 to vector<16xi32>
    %and3A_3303 = arith.andi %add3A_3298, %and3A_3302 : vector<16xi32>
    %gather3A_3304 = tpu.vector_load_idx %arg8[%shift_right_logical3A_3300, %and3A_3303] : memref<2x128xi32, #tpu.memory_space<vmem>>[vector<16xi32>, vector<16xi32>], vector<16xi32>,
    %and3A_3305 = arith.constant 15 : i32
    %and3A_3306 = vector.broadcast %and3A_3305 : i32 to vector<16xi32>
    %and3A_3307 = arith.andi %gather3A_3304, %and3A_3306 : vector<16xi32>
    %shift_left3A_3308 = vector.broadcast %squeeze3A_6 : i32 to vector<16xi32>
    %shift_left3A_3309 = arith.shli %and3A_3307, %shift_left3A_3308 : vector<16xi32>
    %shift_right_logical3A_3310 = vector.broadcast %squeeze3A_10 : i32 to vector<16xi32>
    %shift_right_logical3A_3311 = arith.shrui %add3A_3298, %shift_right_logical3A_3310 : vector<16xi32>
    %and3A_3312 = arith.constant 127 : i32
    %and3A_3313 = vector.broadcast %and3A_3312 : i32 to vector<16xi32>
    %and3A_3314 = arith.andi %add3A_3298, %and3A_3313 : vector<16xi32>
    %add3A_3315 = arith.addi %shift_left3A_3309, %and3A_249 : vector<16xi32>
    %gather3A_3316 = tpu.vector_load_idx %arg10[%shift_right_logical3A_3311, %and3A_3314, %add3A_3315] : memref<2x128x128xf32, #tpu.memory_space<vmem>>[vector<16xi32>, vector<16xi32>, vector<16xi32>], vector<16xf32>,
    %swap3A_3317 = arith.constant 121 : i32
    %swap3A_3318 = arith.index_cast %swap3A_3317 : i32 to index
    %swap3A_3319 = arith.constant 0 : index
    %swap3A_3320 = tpu.vector_load %arg11[%swap3A_3318, %swap3A_3319] {strides = array<i32>} : memref<128x16xf32, #tpu.memory_space<vmem>>, vector<16xf32>,
    tpu.vector_store %arg11[%swap3A_3318, %swap3A_3319], %gather3A_3316 {strides = array<i32>} : memref<128x16xf32, #tpu.memory_space<vmem>>, vector<16xf32>,
    %add3A_3321 = arith.constant 244 : i32
    %add3A_3322 = vector.broadcast %add3A_3321 : i32 to vector<16xi32>
    %add3A_3323 = arith.addi %add3A_3322, %shift_right_logical3A_246 : vector<16xi32>
    %shift_right_logical3A_3324 = vector.broadcast %squeeze3A_10 : i32 to vector<16xi32>
    %shift_right_logical3A_3325 = arith.shrui %add3A_3323, %shift_right_logical3A_3324 : vector<16xi32>
    %and3A_3326 = arith.constant 127 : i32
    %and3A_3327 = vector.broadcast %and3A_3326 : i32 to vector<16xi32>
    %and3A_3328 = arith.andi %add3A_3323, %and3A_3327 : vector<16xi32>
    %gather3A_3329 = tpu.vector_load_idx %arg8[%shift_right_logical3A_3325, %and3A_3328] : memref<2x128xi32, #tpu.memory_space<vmem>>[vector<16xi32>, vector<16xi32>], vector<16xi32>,
    %and3A_3330 = arith.constant 15 : i32
    %and3A_3331 = vector.broadcast %and3A_3330 : i32 to vector<16xi32>
    %and3A_3332 = arith.andi %gather3A_3329, %and3A_3331 : vector<16xi32>
    %shift_left3A_3333 = vector.broadcast %squeeze3A_6 : i32 to vector<16xi32>
    %shift_left3A_3334 = arith.shli %and3A_3332, %shift_left3A_3333 : vector<16xi32>
    %shift_right_logical3A_3335 = vector.broadcast %squeeze3A_10 : i32 to vector<16xi32>
    %shift_right_logical3A_3336 = arith.shrui %add3A_3323, %shift_right_logical3A_3335 : vector<16xi32>
    %and3A_3337 = arith.constant 127 : i32
    %and3A_3338 = vector.broadcast %and3A_3337 : i32 to vector<16xi32>
    %and3A_3339 = arith.andi %add3A_3323, %and3A_3338 : vector<16xi32>
    %add3A_3340 = arith.addi %shift_left3A_3334, %and3A_249 : vector<16xi32>
    %gather3A_3341 = tpu.vector_load_idx %arg10[%shift_right_logical3A_3336, %and3A_3339, %add3A_3340] : memref<2x128x128xf32, #tpu.memory_space<vmem>>[vector<16xi32>, vector<16xi32>, vector<16xi32>], vector<16xf32>,
    %swap3A_3342 = arith.constant 122 : i32
    %swap3A_3343 = arith.index_cast %swap3A_3342 : i32 to index
    %swap3A_3344 = arith.constant 0 : index
    %swap3A_3345 = tpu.vector_load %arg11[%swap3A_3343, %swap3A_3344] {strides = array<i32>} : memref<128x16xf32, #tpu.memory_space<vmem>>, vector<16xf32>,
    tpu.vector_store %arg11[%swap3A_3343, %swap3A_3344], %gather3A_3341 {strides = array<i32>} : memref<128x16xf32, #tpu.memory_space<vmem>>, vector<16xf32>,
    %add3A_3346 = arith.constant 246 : i32
    %add3A_3347 = vector.broadcast %add3A_3346 : i32 to vector<16xi32>
    %add3A_3348 = arith.addi %add3A_3347, %shift_right_logical3A_246 : vector<16xi32>
    %shift_right_logical3A_3349 = vector.broadcast %squeeze3A_10 : i32 to vector<16xi32>
    %shift_right_logical3A_3350 = arith.shrui %add3A_3348, %shift_right_logical3A_3349 : vector<16xi32>
    %and3A_3351 = arith.constant 127 : i32
    %and3A_3352 = vector.broadcast %and3A_3351 : i32 to vector<16xi32>
    %and3A_3353 = arith.andi %add3A_3348, %and3A_3352 : vector<16xi32>
    %gather3A_3354 = tpu.vector_load_idx %arg8[%shift_right_logical3A_3350, %and3A_3353] : memref<2x128xi32, #tpu.memory_space<vmem>>[vector<16xi32>, vector<16xi32>], vector<16xi32>,
    %and3A_3355 = arith.constant 15 : i32
    %and3A_3356 = vector.broadcast %and3A_3355 : i32 to vector<16xi32>
    %and3A_3357 = arith.andi %gather3A_3354, %and3A_3356 : vector<16xi32>
    %shift_left3A_3358 = vector.broadcast %squeeze3A_6 : i32 to vector<16xi32>
    %shift_left3A_3359 = arith.shli %and3A_3357, %shift_left3A_3358 : vector<16xi32>
    %shift_right_logical3A_3360 = vector.broadcast %squeeze3A_10 : i32 to vector<16xi32>
    %shift_right_logical3A_3361 = arith.shrui %add3A_3348, %shift_right_logical3A_3360 : vector<16xi32>
    %and3A_3362 = arith.constant 127 : i32
    %and3A_3363 = vector.broadcast %and3A_3362 : i32 to vector<16xi32>
    %and3A_3364 = arith.andi %add3A_3348, %and3A_3363 : vector<16xi32>
    %add3A_3365 = arith.addi %shift_left3A_3359, %and3A_249 : vector<16xi32>
    %gather3A_3366 = tpu.vector_load_idx %arg10[%shift_right_logical3A_3361, %and3A_3364, %add3A_3365] : memref<2x128x128xf32, #tpu.memory_space<vmem>>[vector<16xi32>, vector<16xi32>, vector<16xi32>], vector<16xf32>,
    %swap3A_3367 = arith.constant 123 : i32
    %swap3A_3368 = arith.index_cast %swap3A_3367 : i32 to index
    %swap3A_3369 = arith.constant 0 : index
    %swap3A_3370 = tpu.vector_load %arg11[%swap3A_3368, %swap3A_3369] {strides = array<i32>} : memref<128x16xf32, #tpu.memory_space<vmem>>, vector<16xf32>,
    tpu.vector_store %arg11[%swap3A_3368, %swap3A_3369], %gather3A_3366 {strides = array<i32>} : memref<128x16xf32, #tpu.memory_space<vmem>>, vector<16xf32>,
    %add3A_3371 = arith.constant 248 : i32
    %add3A_3372 = vector.broadcast %add3A_3371 : i32 to vector<16xi32>
    %add3A_3373 = arith.addi %add3A_3372, %shift_right_logical3A_246 : vector<16xi32>
    %shift_right_logical3A_3374 = vector.broadcast %squeeze3A_10 : i32 to vector<16xi32>
    %shift_right_logical3A_3375 = arith.shrui %add3A_3373, %shift_right_logical3A_3374 : vector<16xi32>
    %and3A_3376 = arith.constant 127 : i32
    %and3A_3377 = vector.broadcast %and3A_3376 : i32 to vector<16xi32>
    %and3A_3378 = arith.andi %add3A_3373, %and3A_3377 : vector<16xi32>
    %gather3A_3379 = tpu.vector_load_idx %arg8[%shift_right_logical3A_3375, %and3A_3378] : memref<2x128xi32, #tpu.memory_space<vmem>>[vector<16xi32>, vector<16xi32>], vector<16xi32>,
    %and3A_3380 = arith.constant 15 : i32
    %and3A_3381 = vector.broadcast %and3A_3380 : i32 to vector<16xi32>
    %and3A_3382 = arith.andi %gather3A_3379, %and3A_3381 : vector<16xi32>
    %shift_left3A_3383 = vector.broadcast %squeeze3A_6 : i32 to vector<16xi32>
    %shift_left3A_3384 = arith.shli %and3A_3382, %shift_left3A_3383 : vector<16xi32>
    %shift_right_logical3A_3385 = vector.broadcast %squeeze3A_10 : i32 to vector<16xi32>
    %shift_right_logical3A_3386 = arith.shrui %add3A_3373, %shift_right_logical3A_3385 : vector<16xi32>
    %and3A_3387 = arith.constant 127 : i32
    %and3A_3388 = vector.broadcast %and3A_3387 : i32 to vector<16xi32>
    %and3A_3389 = arith.andi %add3A_3373, %and3A_3388 : vector<16xi32>
    %add3A_3390 = arith.addi %shift_left3A_3384, %and3A_249 : vector<16xi32>
    %gather3A_3391 = tpu.vector_load_idx %arg10[%shift_right_logical3A_3386, %and3A_3389, %add3A_3390] : memref<2x128x128xf32, #tpu.memory_space<vmem>>[vector<16xi32>, vector<16xi32>, vector<16xi32>], vector<16xf32>,
    %swap3A_3392 = arith.constant 124 : i32
    %swap3A_3393 = arith.index_cast %swap3A_3392 : i32 to index
    %swap3A_3394 = arith.constant 0 : index
    %swap3A_3395 = tpu.vector_load %arg11[%swap3A_3393, %swap3A_3394] {strides = array<i32>} : memref<128x16xf32, #tpu.memory_space<vmem>>, vector<16xf32>,
    tpu.vector_store %arg11[%swap3A_3393, %swap3A_3394], %gather3A_3391 {strides = array<i32>} : memref<128x16xf32, #tpu.memory_space<vmem>>, vector<16xf32>,
    %add3A_3396 = arith.constant 250 : i32
    %add3A_3397 = vector.broadcast %add3A_3396 : i32 to vector<16xi32>
    %add3A_3398 = arith.addi %add3A_3397, %shift_right_logical3A_246 : vector<16xi32>
    %shift_right_logical3A_3399 = vector.broadcast %squeeze3A_10 : i32 to vector<16xi32>
    %shift_right_logical3A_3400 = arith.shrui %add3A_3398, %shift_right_logical3A_3399 : vector<16xi32>
    %and3A_3401 = arith.constant 127 : i32
    %and3A_3402 = vector.broadcast %and3A_3401 : i32 to vector<16xi32>
    %and3A_3403 = arith.andi %add3A_3398, %and3A_3402 : vector<16xi32>
    %gather3A_3404 = tpu.vector_load_idx %arg8[%shift_right_logical3A_3400, %and3A_3403] : memref<2x128xi32, #tpu.memory_space<vmem>>[vector<16xi32>, vector<16xi32>], vector<16xi32>,
    %and3A_3405 = arith.constant 15 : i32
    %and3A_3406 = vector.broadcast %and3A_3405 : i32 to vector<16xi32>
    %and3A_3407 = arith.andi %gather3A_3404, %and3A_3406 : vector<16xi32>
    %shift_left3A_3408 = vector.broadcast %squeeze3A_6 : i32 to vector<16xi32>
    %shift_left3A_3409 = arith.shli %and3A_3407, %shift_left3A_3408 : vector<16xi32>
    %shift_right_logical3A_3410 = vector.broadcast %squeeze3A_10 : i32 to vector<16xi32>
    %shift_right_logical3A_3411 = arith.shrui %add3A_3398, %shift_right_logical3A_3410 : vector<16xi32>
    %and3A_3412 = arith.constant 127 : i32
    %and3A_3413 = vector.broadcast %and3A_3412 : i32 to vector<16xi32>
    %and3A_3414 = arith.andi %add3A_3398, %and3A_3413 : vector<16xi32>
    %add3A_3415 = arith.addi %shift_left3A_3409, %and3A_249 : vector<16xi32>
    %gather3A_3416 = tpu.vector_load_idx %arg10[%shift_right_logical3A_3411, %and3A_3414, %add3A_3415] : memref<2x128x128xf32, #tpu.memory_space<vmem>>[vector<16xi32>, vector<16xi32>, vector<16xi32>], vector<16xf32>,
    %swap3A_3417 = arith.constant 125 : i32
    %swap3A_3418 = arith.index_cast %swap3A_3417 : i32 to index
    %swap3A_3419 = arith.constant 0 : index
    %swap3A_3420 = tpu.vector_load %arg11[%swap3A_3418, %swap3A_3419] {strides = array<i32>} : memref<128x16xf32, #tpu.memory_space<vmem>>, vector<16xf32>,
    tpu.vector_store %arg11[%swap3A_3418, %swap3A_3419], %gather3A_3416 {strides = array<i32>} : memref<128x16xf32, #tpu.memory_space<vmem>>, vector<16xf32>,
    %add3A_3421 = arith.constant 252 : i32
    %add3A_3422 = vector.broadcast %add3A_3421 : i32 to vector<16xi32>
    %add3A_3423 = arith.addi %add3A_3422, %shift_right_logical3A_246 : vector<16xi32>
    %shift_right_logical3A_3424 = vector.broadcast %squeeze3A_10 : i32 to vector<16xi32>
    %shift_right_logical3A_3425 = arith.shrui %add3A_3423, %shift_right_logical3A_3424 : vector<16xi32>
    %and3A_3426 = arith.constant 127 : i32
    %and3A_3427 = vector.broadcast %and3A_3426 : i32 to vector<16xi32>
    %and3A_3428 = arith.andi %add3A_3423, %and3A_3427 : vector<16xi32>
    %gather3A_3429 = tpu.vector_load_idx %arg8[%shift_right_logical3A_3425, %and3A_3428] : memref<2x128xi32, #tpu.memory_space<vmem>>[vector<16xi32>, vector<16xi32>], vector<16xi32>,
    %and3A_3430 = arith.constant 15 : i32
    %and3A_3431 = vector.broadcast %and3A_3430 : i32 to vector<16xi32>
    %and3A_3432 = arith.andi %gather3A_3429, %and3A_3431 : vector<16xi32>
    %shift_left3A_3433 = vector.broadcast %squeeze3A_6 : i32 to vector<16xi32>
    %shift_left3A_3434 = arith.shli %and3A_3432, %shift_left3A_3433 : vector<16xi32>
    %shift_right_logical3A_3435 = vector.broadcast %squeeze3A_10 : i32 to vector<16xi32>
    %shift_right_logical3A_3436 = arith.shrui %add3A_3423, %shift_right_logical3A_3435 : vector<16xi32>
    %and3A_3437 = arith.constant 127 : i32
    %and3A_3438 = vector.broadcast %and3A_3437 : i32 to vector<16xi32>
    %and3A_3439 = arith.andi %add3A_3423, %and3A_3438 : vector<16xi32>
    %add3A_3440 = arith.addi %shift_left3A_3434, %and3A_249 : vector<16xi32>
    %gather3A_3441 = tpu.vector_load_idx %arg10[%shift_right_logical3A_3436, %and3A_3439, %add3A_3440] : memref<2x128x128xf32, #tpu.memory_space<vmem>>[vector<16xi32>, vector<16xi32>, vector<16xi32>], vector<16xf32>,
    %swap3A_3442 = arith.constant 126 : i32
    %swap3A_3443 = arith.index_cast %swap3A_3442 : i32 to index
    %swap3A_3444 = arith.constant 0 : index
    %swap3A_3445 = tpu.vector_load %arg11[%swap3A_3443, %swap3A_3444] {strides = array<i32>} : memref<128x16xf32, #tpu.memory_space<vmem>>, vector<16xf32>,
    tpu.vector_store %arg11[%swap3A_3443, %swap3A_3444], %gather3A_3441 {strides = array<i32>} : memref<128x16xf32, #tpu.memory_space<vmem>>, vector<16xf32>,
    %add3A_3446 = arith.constant 254 : i32
    %add3A_3447 = vector.broadcast %add3A_3446 : i32 to vector<16xi32>
    %add3A_3448 = arith.addi %add3A_3447, %shift_right_logical3A_246 : vector<16xi32>
    %shift_right_logical3A_3449 = vector.broadcast %squeeze3A_10 : i32 to vector<16xi32>
    %shift_right_logical3A_3450 = arith.shrui %add3A_3448, %shift_right_logical3A_3449 : vector<16xi32>
    %and3A_3451 = arith.constant 127 : i32
    %and3A_3452 = vector.broadcast %and3A_3451 : i32 to vector<16xi32>
    %and3A_3453 = arith.andi %add3A_3448, %and3A_3452 : vector<16xi32>
    %gather3A_3454 = tpu.vector_load_idx %arg8[%shift_right_logical3A_3450, %and3A_3453] : memref<2x128xi32, #tpu.memory_space<vmem>>[vector<16xi32>, vector<16xi32>], vector<16xi32>,
    %and3A_3455 = arith.constant 15 : i32
    %and3A_3456 = vector.broadcast %and3A_3455 : i32 to vector<16xi32>
    %and3A_3457 = arith.andi %gather3A_3454, %and3A_3456 : vector<16xi32>
    %shift_left3A_3458 = vector.broadcast %squeeze3A_6 : i32 to vector<16xi32>
    %shift_left3A_3459 = arith.shli %and3A_3457, %shift_left3A_3458 : vector<16xi32>
    %shift_right_logical3A_3460 = vector.broadcast %squeeze3A_10 : i32 to vector<16xi32>
    %shift_right_logical3A_3461 = arith.shrui %add3A_3448, %shift_right_logical3A_3460 : vector<16xi32>
    %and3A_3462 = arith.constant 127 : i32
    %and3A_3463 = vector.broadcast %and3A_3462 : i32 to vector<16xi32>
    %and3A_3464 = arith.andi %add3A_3448, %and3A_3463 : vector<16xi32>
    %add3A_3465 = arith.addi %shift_left3A_3459, %and3A_249 : vector<16xi32>
    %gather3A_3466 = tpu.vector_load_idx %arg10[%shift_right_logical3A_3461, %and3A_3464, %add3A_3465] : memref<2x128x128xf32, #tpu.memory_space<vmem>>[vector<16xi32>, vector<16xi32>, vector<16xi32>], vector<16xf32>,
    %swap3A_3467 = arith.constant 127 : i32
    %swap3A_3468 = arith.index_cast %swap3A_3467 : i32 to index
    %swap3A_3469 = arith.constant 0 : index
    %swap3A_3470 = tpu.vector_load %arg11[%swap3A_3468, %swap3A_3469] {strides = array<i32>} : memref<128x16xf32, #tpu.memory_space<vmem>>, vector<16xf32>,
    tpu.vector_store %arg11[%swap3A_3468, %swap3A_3469], %gather3A_3466 {strides = array<i32>} : memref<128x16xf32, #tpu.memory_space<vmem>>, vector<16xf32>,
    %mul3A_3471 = arith.constant 128 : i32
    %mul3A_3472 = arith.muli %add3A, %mul3A_3471 : i32
    "tpu.region"() ({
      %run_scoped3A = tpu.sem_alloc : memref<!tpu.dma_semaphore, #tpu.memory_space<semaphore_mem>>
      %dma_start3A_3473 = arith.constant 0 : i32
      %dma_start3A_3474 = tpu.memref_slice %arg7[%mul3A_3472, %dma_start3A_3473] : memref<4096x16xf32, #tpu.memory_space<hbm>> -> memref<128x16xf32, #tpu.memory_space<hbm>>
      %dma_start3A_3475 = arith.constant 0 : i32
      %dma_start3A_3476 = tpu.memref_slice %arg7[%mul3A_3472, %dma_start3A_3475] : memref<4096x16xf32, #tpu.memory_space<hbm>> -> memref<128x16xf32, #tpu.memory_space<hbm>>
      tpu.enqueue_dma source(%arg11 : memref<128x16xf32, #tpu.memory_space<vmem>>) target(%dma_start3A_3476 : memref<128x16xf32, #tpu.memory_space<hbm>>) target_semaphore(%run_scoped3A : memref<!tpu.dma_semaphore, #tpu.memory_space<semaphore_mem>>)
      %dma_wait3A_3477 = arith.constant 0 : i32
      %dma_wait3A_3478 = tpu.memref_slice %arg7[%mul3A_3472, %dma_wait3A_3477] : memref<4096x16xf32, #tpu.memory_space<hbm>> -> memref<128x16xf32, #tpu.memory_space<hbm>>
      %dma_wait3A_3479 = arith.constant 0 : i32
      %dma_wait3A_3480 = tpu.memref_slice %arg7[%mul3A_3472, %dma_wait3A_3479] : memref<4096x16xf32, #tpu.memory_space<hbm>> -> memref<128x16xf32, #tpu.memory_space<hbm>>
      tpu.wait_dma2 semaphore(%run_scoped3A : memref<!tpu.dma_semaphore, #tpu.memory_space<semaphore_mem>>) src(%arg11 : memref<128x16xf32, #tpu.memory_space<vmem>>) dst(%dma_wait3A_3480 : memref<128x16xf32, #tpu.memory_space<hbm>>)
      tpu.yield
    }) : () -> ()
    return
  }
}

</mosaic_0001>

<sc_bundles>
// kernel: kernel.3.cloned.1.call-start
scs
__scs_entry_jumppad:
0x0: {  	(pc) =	sbr.rel $0x88, $3  }
0x1: {  	(tag) =	ssettag $0x0;
	lr =	simm.s32 $0x1  }
0x2: {  	[smem:$0x3F9F] =	sst lr;
	_ =	strace $0xD0000000  }
0x3: {  	_ = 	snop  }
0x4: {  	_ = 	snop  }
0x5: {  	_ = 	snop  }
0x6: {  	_ = 	snop  }
0x7: {  	_ = 	snop  }
__scs_overlays_trampoline_lowered:
0x8: {  	[smem:$0x3FAE] =	sst s0  }
0x9: {  	[smem:$0x3FAF] =	sst s1  }
0xa: {  	[smem:$0x3FB0] =	sst s2  }
0xb: {  	[smem:$0x3FB1] =	sst s3  }
0xc: {  	[smem:$0x3FB2] =	sst s4  }
0xd: {  	[smem:$0x3FB3] =	sst s5  }
0xe: {  	[smem:$0x3FB4] =	sst s6  }
0xf: {  	[smem:$0x3FB5] =	sst s7  }
0x10: {  	[smem:$0x3FB6] =	sst s8  }
0x11: {  	[smem:$0x3FB7] =	sst s9;
	s0 =	simm.s32 @!p0 $0x0  }
0x12: {  	s1 =	sld [smem:$0x3F9D];
	s0 =	simm.s32 @p0 $0x1  }
0x13: {  	[smem:$0x3FB8] =	sst s0;
	s0 =	simm.s32 @!p1 $0x0  }
0x14: {  	s2 =	sld [smem:$0x3F9C];
	s0 =	simm.s32 @p1 $0x1  }
0x15: {  	[smem:$0x3FB9] =	sst s0;
	s0 =	simm.s32 @!p2 $0x0  }
0x16: {  	s3 =	sld [smem:$0x3FDB];
	s0 =	simm.s32 @p2 $0x1  }
0x17: {  	s4 =	simm.s32 $0x1BF5;
	[smem:$0x3FBB] =	sst s0  }
0x18: {  	s0 =	sld [smem:$0x3F9E];
	_ =	swait.ge [sflag:s4], $0x0  }
0x19: {  	s7 =	sld [smem:$0x3F9F]  }
0x1a: {  	s8 =	sadd.s32 $0xFFFFE003, lr  }
0x1b: {  	s9 =	sadd.s32 $0xFFFFFEF7, lr;
	s5 =	simm.s32 $0xFFFFFFFF;
	p2 =	slt.u32 s8, $0xFFFFF086  }
0x1c: {  	p1 =	slt.u32 s9, $0xF7A;
	s5 =	simm.s32 @!p2 $0x0  }
0x1d: {  	s5 =	simm.s32 @p1 $0x1;
	p0 =	seq.s32 s7, s2  }
0x1e: {  	s7 =	smul.u32 @!p0 $0xF7A, s2;
	p2 =	seq.s32 @!p0 s5, $0x0  }
0x1f: {  	s9 =	smul.u32 $0xF7A, s1;
	s8 =	simm.s32 @!p0 $0x1BF5;
	p2 =	por !p2, p0  }
0x20: {  	[sflag:s8] =	ssyncset.s32 @!p0 $0xFFFFF086;
	s6 =	sadd.s32 @!p0 s3, s7;
	s7 =	simm.s32 @!p0 $0x108  }
0x21: {  	s3 =	sadd.s32 s3, s9;
	s6 =	sadd.s32 @!p0 $0x88, s6;
	s7 =	simm.s32 @p2 $0x1082  }
0x22: {  	[simem:s7], [sflag:s8] =	dma.local @!p0 [hbm:s6], $0xF7A  }
0x23: {  	s9 =	sor.u32 $0xD0000000, s2;
	s6 =	simm.s32 $0x108;
	_ =	swait.ge @!p0 [sflag:s8], $0x0  }
0x24: {  	s3 =	sadd.s32 $0x88, s3;
	s6 =	simm.s32 @!p1 $0x1082;
	[sflag:s4] =	ssyncset.s32 $0xFFFFF086  }
0x25: {  	[simem:s6], [sflag:s4] =	dma.local [hbm:s3], $0xF7A  }
0x26: {  	[smem:$0x3F9F] =	sst s1;
	(tag) =	ssettag s2;
	_ =	strace s9  }
0x27: {  	s1 =	sld [smem:$0x3FAF]  }
0x28: {  	s2 =	sld [smem:$0x3FB0]  }
0x29: {  	s4 =	sld [smem:$0x3FB2]  }
0x2a: {  	p0 =	seq.s32 s5, $0x0;
	s5 =	sld [smem:$0x3FB3]  }
0x2b: {  	s6 =	sld [smem:$0x3FB4]  }
0x2c: {  	s7 =	sld [smem:$0x3FB5]  }
0x2d: {  	s3 =	simm.s32 $0x108;
	s8 =	sld [smem:$0x3FB6]  }
0x2e: {  	s3 =	simm.s32 @!p0 $0x1082;
	s9 =	sld [smem:$0x3FB7]  }
0x2f: {  	lr =	sadd.s32 s0, s3;
	s0 =	sld [smem:$0x3FAE]  }
0x30: {  	s3 =	sld [smem:$0x3FB1]  }
0x31: {  	[smem:$0x3FBA] =	sst s10  }
0x32: {  	s10 =	sld [smem:$0x3FB8];
	_ =	sdelay $0x3  }
0x33: {  	p0 =	seq.s32 s10, $0x1;
	s10 =	sld [smem:$0x3FBA];
	_ =	sdelay $0x3  }
0x34: {  	[smem:$0x3FBA] =	sst s10  }
0x35: {  	s10 =	sld [smem:$0x3FB9];
	_ =	sdelay $0x3  }
0x36: {  	p1 =	seq.s32 s10, $0x1;
	s10 =	sld [smem:$0x3FBA];
	_ =	sdelay $0x3  }
0x37: {  	[smem:$0x3FBA] =	sst s10  }
0x38: {  	s10 =	sld [smem:$0x3FBB]  }
0x39: {  	_ = 	snop;
	(pc) =	sbr.ind lr, $3  }
0x3a: {  	_ = 	snop  }
0x3b: {  	_ = 	snop  }
0x3c: {  	p2 =	seq.s32 s10, $0x1;
	s10 =	sld [smem:$0x3FBA]  }
0x3d: {  	_ =	shalt  }
0x3e: {  	_ =	shalt  }
0x3f: {  	_ =	shalt  }
0x40: {  	_ =	shalt  }
0x41: {  	_ =	shalt  }
0x42: {  	_ =	shalt  }
0x43: {  	_ =	shalt  }
0x44: {  	_ =	shalt  }
0x45: {  	_ =	shalt  }
0x46: {  	_ =	shalt  }
0x47: {  	_ =	shalt  }
0x48: {  	_ =	shalt  }
0x49: {  	_ =	shalt  }
0x4a: {  	_ =	shalt  }
0x4b: {  	_ =	shalt  }
0x4c: {  	_ =	shalt  }
0x4d: {  	_ =	shalt  }
0x4e: {  	_ =	shalt  }
0x4f: {  	_ =	shalt  }
0x50: {  	_ =	shalt  }
0x51: {  	_ =	shalt  }
0x52: {  	_ =	shalt  }
0x53: {  	_ =	shalt  }
0x54: {  	_ =	shalt  }
0x55: {  	_ =	shalt  }
0x56: {  	_ =	shalt  }
0x57: {  	_ =	shalt  }
0x58: {  	_ =	shalt  }
0x59: {  	_ =	shalt  }
0x5a: {  	_ =	shalt  }
0x5b: {  	_ =	shalt  }
0x5c: {  	_ =	shalt  }
0x5d: {  	_ =	shalt  }
0x5e: {  	_ =	shalt  }
0x5f: {  	_ =	shalt  }
0x60: {  	_ =	shalt  }
0x61: {  	_ =	shalt  }
0x62: {  	_ =	shalt  }
0x63: {  	_ =	shalt  }
0x64: {  	_ =	shalt  }
0x65: {  	_ =	shalt  }
0x66: {  	_ =	shalt  }
0x67: {  	_ =	shalt  }
0x68: {  	_ =	shalt  }
0x69: {  	_ =	shalt  }
0x6a: {  	_ =	shalt  }
0x6b: {  	_ =	shalt  }
0x6c: {  	_ =	shalt  }
0x6d: {  	_ =	shalt  }
0x6e: {  	_ =	shalt  }
0x6f: {  	_ =	shalt  }
0x70: {  	_ =	shalt  }
0x71: {  	_ =	shalt  }
0x72: {  	_ =	shalt  }
0x73: {  	_ =	shalt  }
0x74: {  	_ =	shalt  }
0x75: {  	_ =	shalt  }
0x76: {  	_ =	shalt  }
0x77: {  	_ =	shalt  }
0x78: {  	_ =	shalt  }
0x79: {  	_ =	shalt  }
0x7a: {  	_ =	shalt  }
0x7b: {  	_ =	shalt  }
0x7c: {  	_ =	shalt  }
0x7d: {  	_ =	shalt  }
0x7e: {  	_ =	shalt  }
0x7f: {  	_ =	shalt  }
0x80: {  	_ =	shalt  }
0x81: {  	_ =	shalt  }
0x82: {  	_ =	shalt  }
0x83: {  	_ =	shalt  }
0x84: {  	_ =	shalt  }
0x85: {  	_ =	shalt  }
0x86: {  	_ =	shalt  }
0x87: {  	_ =	shalt  }
.Lfunc_end0:
.L_simem_size_0:
called_computation_lowered:
.L_overlay_start_0:
0x88: {  	s2 =	sld [smem:$0x3FD9]  }
0x89: {  	s3 =	sld [smem:$0x3FFE];
	_ =	sdelay $0x1  }
0x8a: {  	s1 =	srdreg.scid  }
0x8b: {  	s0 =	sand.u32 $0x1, s1  }
0x8c: {  	s17 =	sshll.u32 s0, $0xA;
	s2 =	sadd.s32 s3, s2  }
0x8d: {  	s2 =	sadd.s32 s2, s17  }
0x8e: {  	[smem:$0x3FC6] =	sst s2  }
0x8f: {  	_ = 	snop  }
0x90: {  	s2 =	sld [smem:$0x3FD0];
	(tm) =	ssettm $0x1  }
0x91: {  	s18 =	sld [smem:$0x3FFB];
	_ =	sdelay $0x3  }
0x92: {  	_ =	strace s18  }
0x93: {  	s3 =	sld [smem:$0x3FFC];
	_ =	sdelay $0x3  }
0x94: {  	_ =	strace s3  }
0x95: {  	s3 =	sld [smem:$0x3FFD];
	_ =	sdelay $0x3  }
0x96: {  	_ =	strace s3  }
0x97: {  	_ =	strace $0x8FFFFFFF  }
0x98: {  	s19 =	sld [smem:$0x3FDB];
	_ =	sdelay $0x1  }
0x99: {  	s4 =	simm.s32 $_scs_section_size  }
0x9a: {  	s5 =	simm.s32 $_size__tile_overlayer_lowered;
	s6 =	simm.s32 $_tile_overlayer_lowered  }
0x9b: {  	s22 =	simm.s32 $0x1BFF;
	s21 =	sshll.u32 s6, $0x1;
	s3 =	sadd.s32 s4, s19  }
0x9c: {  	s7 =	simm.s32 $0x0;
	s20 =	sshll.u32 s5, $0x1;
	s5 =	sadd.s32 s21, s3  }
0x9d: {  	[timem:s7], [sflag:s22] =	dma.local [hbm:s5], s20  }
0x9e: {  	_ =	swait.ge [sflag:s22], s20  }
0x9f: {  	s4 =	ssub.s32 $0x0, s20;
	[sflag:s22] =	ssyncset.done $0x0  }
0xa0: {  	[sflag:s22] =	ssyncadd.s32 s4;
	_ =	sdelay $0x1  }
0xa1: {  	s23 =	simm.s32 $0x1B8B  }
0xa2: {  	_ =	swait.ge [sflag:s23], $0x1  }
0xa3: {  	[sflag:s23] =	ssyncset.done $0x0  }
0xa4: {  	s25 =	simm.s32 $0x1B8E;
	s24 =	sld [smem:$0x3FFE];
	[sflag:s23] =	ssyncadd.s32 $0xFFFFFFFF  }
0xa5: {  	s26 =	simm.s32 $execute0_lowered;
	[smem:$0x3FD2] =	sst s25  }
0xa6: {  	s5 =	sshll.u32 s26, $0x1;
	_ =	strace $0x80000046;
	[dreg:$0x1] =	wrdreg $0xFFFFFFFF  }
0xa7: {  	s28 =	simm.s32 $_size_execute0_lowered;
	s3 =	sadd.s32 s3, s5;
	[dreg:$0x0] =	wrdreg $0x0  }
0xa8: {  	s5 =	sshll.u32 s28, $0x1;
	[dreg:$0x2] =	wrdreg s3  }
0xa9: {  	[dreg:$0x3] =	wrdreg s5  }
0xaa: {  	[dreg:$0x4] =	wrdreg $0xC0  }
0xab: {  	_ =	task [dreg:s7], $0x5FFFF  }
0xac: {  	[dreg:$0x1] =	wrdreg $0xFFFFFFFF  }
0xad: {  	[dreg:$0x0] =	wrdreg $0x60  }
0xae: {  	[dreg:$0x2] =	wrdreg s24  }
0xaf: {  	[dreg:$0x3] =	wrdreg s2  }
0xb0: {  	[dreg:$0x4] =	wrdreg $0x9  }
0xb1: {  	_ =	task.clear_ibuf [dreg:s7], $0x5FFFF;
	_ =	strace $0x90000046  }
0xb2: {  	s29 =	simm.s32 $0x9;
	_ =	strace $0x80000048  }
0xb3: {  	_ =	swait.ge [sflag:s29], $0x1  }
0xb4: {  	[sflag:s29] =	ssyncadd.s32 $0xFFFFFFFF  }
0xb5: {  	_ =	strace $0x90000048  }
0xb6: {  	_ =	sfence  }
0xb7: {  	s30 =	sld [smem:$0x0];
	_ =	sdelay $0x2  }
0xb8: {  	s31 =	sshll.u32 s1, $0xD;
	s1 =	sshrl.u32 s1, $0x2  }
0xb9: {  	s3 =	sand.u32 $0x4000, s31;
	s1 =	sadd.s32 s1, s30  }
0xba: {  	s0 =	sor.u32 s3, s0;
	s1 =	sshll.u32 s1, $0x11  }
0xbb: {  	s0 =	sor.u32 s1, s0  }
0xbc: {  	s0 =	sadd.s32 $0x8F2B, s0  }
0xbd: {  	[sflag:s0] =	ssyncadd.remote.s32 $0x1  }
0xbe: {  	_ =	sfence.sel $0xFFFF  }
0xbf: {  	[dreg:$0x0] =	wrdreg $0xFFFFFFFF;
	(pc) =	sbr.abs _section_cstart, $3  }
0xc0: {  	[dreg:$0x1] =	wrdreg $0xFFFFFFFF  }
0xc1: {  	_ =	task.clear_ibuf [dreg:s7], $0x2FFFF;
	_ =	strace $0x9FFFFFFF  }
0xc2: {  	(tm) =	ssettm $0x7FFFFFFF  }
0xc3: {  	_ =	shalt  }
tec
execute0_lowered:
.L_overlay_start_1:
0x0: {  	(tag) =	ssettag $0x1  }
0x1: {  	s7 =	rddreg [dreg:$0x0]  }
0x2: {  	s8 =	rddreg [dreg:$0x1]  }
0x3: {  	s0 =	rddreg [dreg:$0x2];
	s2 =	simm.s32 $0x0  }
0x4: {  	s3 =	srdreg.scid;
	s1 =	stileid.u32;
	s12 =	simm.s32 $0x1  }
0x5: {  	s14 =	simm.s32 $0x2;
	s15 =	simm.s32 $0x80;
	s16 =	simm.s32 $0x100  }
0x6: {  	s17 =	simm.s32 $0x200;
	s19 =	simm.s32 $0x4200;
	s20 =	simm.s32 $0x8200  }
0x7: {  	[smem:$0x7FF] =	sst s2;
	s9 =	sand.u32 $0x1, s3;
	s5 =	sshll.u32 s1, $0x1  }
0x8: {  	s3 =	sadd.s32 $0x4000600, s7;
	s4 =	sadd.s32 $0xA00, s7;
	s6 =	sadd.s32 $0x600, s7  }
0x9: {  	_ =	strace $0x80000047;
	s10 =	sor.u32 s9, s5;
	s5 =	sadd.s32 $0x800, s7  }
0xa: {  	p1 =	seq.s32 s9, $0x1;
	s9 =	ssub.s32 $0x2, s9;
	p0 =	seq.s32 s10, $0x0  }
0xb: {  	s11 =	sshll.u32 s10, $0xB;
	s29 =	sshrl.u32 s9, $0x1;
	p0 =	por !p0, !p1  }
0xc: {  	s30 =	sshll.u32 s10, $0x5;
	s11 =	sadd.s32 s11, s7;
	p0 =	por !p0, !p0  }
0xd: {  	s13 =	ssub.s32 s9, s29;
	s7 =	sadd.s32 s8, s30;
	s12 =	simm.s32 @!p0 $0x0  }
0xe: {  	s8 =	simm.s32 $0x1;
	s9 =	sadd.s32 $0xC00, s11;
	s31 =	ssub.s32 s1, s12  }
0xf: {  	v0 =	vlaneseq.u32;
	s10 =	smax.u32 s13, $0x1;
	s11 =	simm.s32 $0xC200;
	s18 =	sshll.u32 s31, $0xE  }
0x10: {  	v2 =	vand.u32 $0x7, v0;
	s13 =	simm.s32 $0xC300;
	s12 =	simm.s32 $0xC280;
	v1 =	vmov s18;
	s18 =	simm.s32 $0x180  }
.LBB2_1:
0x11: {  	[tilespmem:s11], [sflag:$0x2] =	stream.linear.gather [hbm4b:s4+s2], $0x1, $0x38;
	[tilespmem:$0xC380] =	vst v63  }
0x12: {  	_ = 	snop  }
0x13: {  	[tilespmem:s12], [sflag:$0x2] =	stream.linear.gather [hbm4b:s5+s2], $0x1, $0x38;
	[tilespmem:$0xC380] =	vst v63  }
0x14: {  	_ = 	snop  }
0x15: {  	[tilespmem:s13], [sflag:$0x2] =	stream.linear.gather [hbm4b:s6+s2], $0x1, $0x38;
	[tilespmem:$0xC380] =	vst v63  }
0x16: {  	_ =	swait.ge [sflag:s14], $0x1  }
0x17: {  	[sflag:s14] =	ssyncset.done $0x0  }
0x18: {  	[sflag:s14] =	ssyncadd.s32 $0xFFFFFFFF  }
0x19: {  	_ =	swait.ge [sflag:s14], $0x1  }
0x1a: {  	[sflag:s14] =	ssyncset.done $0x0  }
0x1b: {  	[sflag:s14] =	ssyncadd.s32 $0xFFFFFFFF  }
0x1c: {  	_ =	swait.ge [sflag:s14], $0x1  }
0x1d: {  	[sflag:s14] =	ssyncset.done $0x0  }
0x1e: {  	[sflag:s14] =	ssyncadd.s32 $0xFFFFFFFF  }
0x1f: {  	v5 =	vld.msk [tilespmem:$0xC200 ss:$0x0], $0xffff  }
0x20: {  	v3 =	vld.msk [tilespmem:$0xC280 ss:$0x0], $0xffff  }
0x21: {  	v4 =	vld.msk [tilespmem:$0xC300 ss:$0x0], $0xffff;
	[tilespmem:s2], [sflag:$0x2] =	stream.linear.gather [hbm4b:s7+s2], $0x100, $0x38  }
0x22: {  	_ =	swait.ge [sflag:s14], $0x100  }
0x23: {  	[sflag:s14] =	ssyncset.done $0x0  }
0x24: {  	[sflag:s14] =	ssyncadd.s32 $0xFFFFFF00  }
0x25: {  	v6 =	vld [tilespmem:$0x0]  }
0x26: {  	v7 =	vld [tilespmem:$0x10]  }
0x27: {  	v8 =	vld [tilespmem:$0x20]  }
0x28: {  	v9 =	vld [tilespmem:$0x30]  }
0x29: {  	v10 =	vld [tilespmem:$0x40]  }
0x2a: {  	v11 =	vld [tilespmem:$0x50];
	v6 =	vshrl.u32 v6, v5  }
0x2b: {  	v12 =	vld [tilespmem:$0x60];
	v7 =	vshrl.u32 v7, v5;
	v6 =	vadd.s32 v1, v6  }
0x2c: {  	v38 =	vld [tilespmem:$0x70];
	v37 =	vshrl.u32 v8, v5;
	v36 =	vadd.s32 v1, v7;
	[tilespmem:$0x100] =	vst v6  }
0x2d: {  	v41 =	vld [tilespmem:$0x80];
	v40 =	vshrl.u32 v9, v5;
	v39 =	vadd.s32 v1, v37;
	[tilespmem:$0x110] =	vst v36  }
0x2e: {  	v44 =	vld [tilespmem:$0x90];
	v43 =	vshrl.u32 v10, v5;
	v42 =	vadd.s32 v1, v40;
	[tilespmem:$0x120] =	vst v39  }
0x2f: {  	v47 =	vld [tilespmem:$0xA0];
	v46 =	vshrl.u32 v11, v5;
	v45 =	vadd.s32 v1, v43;
	[tilespmem:$0x130] =	vst v42  }
0x30: {  	v50 =	vld [tilespmem:$0xB0];
	v49 =	vshrl.u32 v12, v5;
	v48 =	vadd.s32 v1, v46;
	[tilespmem:$0x140] =	vst v45  }
0x31: {  	v53 =	vld [tilespmem:$0xC0];
	v52 =	vshrl.u32 v38, v5;
	v51 =	vadd.s32 v1, v49;
	[tilespmem:$0x150] =	vst v48  }
0x32: {  	v56 =	vld [tilespmem:$0xD0];
	v55 =	vshrl.u32 v41, v5;
	v54 =	vadd.s32 v1, v52;
	[tilespmem:$0x160] =	vst v51  }
0x33: {  	v59 =	vld [tilespmem:$0xE0];
	v58 =	vshrl.u32 v44, v5;
	v57 =	vadd.s32 v1, v55;
	[tilespmem:$0x170] =	vst v54  }
0x34: {  	v62 =	vld [tilespmem:$0xF0];
	v61 =	vshrl.u32 v47, v5;
	v60 =	vadd.s32 v1, v58;
	[tilespmem:$0x180] =	vst v57  }
0x35: {  	v13 =	vshrl.u32 v50, v5;
	v63 =	vadd.s32 v1, v61;
	[tilespmem:$0x190] =	vst v60  }
0x36: {  	v15 =	vshrl.u32 v53, v5;
	v14 =	vadd.s32 v1, v13;
	[tilespmem:$0x1A0] =	vst v63  }
0x37: {  	v17 =	vshrl.u32 v56, v5;
	v16 =	vadd.s32 v1, v15;
	[tilespmem:$0x1B0] =	vst v14  }
0x38: {  	v19 =	vshrl.u32 v59, v5;
	v18 =	vadd.s32 v1, v17;
	[tilespmem:$0x1C0] =	vst v16  }
0x39: {  	v5 =	vshrl.u32 v62, v5;
	v20 =	vadd.s32 v1, v19;
	[tilespmem:$0x1D0] =	vst v18  }
0x3a: {  	v21 =	vadd.s32 v1, v5;
	v5 =	vshrl.u32 v0, v3;
	[tilespmem:$0x1E0] =	vst v20  }
0x3b: {  	[tilespmem:$0x1F0] =	vst v21;
	v22 =	vshrl.u32 v5, v4  }
0x3c: {  	[tilespmem:s17], [sflag:$0x1] =	stream.indirect.gather [hbm4b:s3+s15], $0x80, s16, s15, $0xb8;
	v23 =	vshll.u32 v22, $0x7;
	[tilespmem:$0xC380] =	vst v63  }
0x3d: {  	v7 =	vor.u32 v5, v23  }
0x3e: {  	[tilespmem:s19], [sflag:$0x1] =	stream.indirect.gather [hbm4b:s3+s15], $0x80, s18, s15, $0xb8;
	[tilespmem:$0xC380] =	vst v63  }
0x3f: {  	_ =	swait.ge [sflag:s8], $0x4000  }
0x40: {  	[sflag:s8] =	ssyncset.done $0x0  }
0x41: {  	[sflag:s8] =	ssyncadd.s32 $0xFFFFC000  }
0x42: {  	v7 =	vld.idx.msk [tilespmem:v7+s2+$0x0], $0xffff;
	_ =	sdelay $0x4  }
0x43: {  	v7 =	vand.u32 $0xF, v7  }
0x44: {  	v7 =	vshll.u32 v7, v3  }
0x45: {  	v6 =	vshll.u32 v5, $0x7;
	v24 =	vshll.u32 v22, $0xE;
	v7 =	vadd.s32 v2, v7  }
0x46: {  	v8 =	vor.u32 v6, v24;
	v25 =	vand.u32 $0xFFFFFF80, v7  }
0x47: {  	v7 =	vand.u32 $0x7F, v7;
	v8 =	vadd.s32 v25, v8  }
0x48: {  	v7 =	vor.u32 v7, v8;
	_ =	sdelay $0x2  }
0x49: {  	v26 =	vadd.s32 $0x2, v5  }
0x4a: {  	v27 =	vshrl.u32 v26, v4  }
0x4b: {  	v28 =	vshll.u32 v27, $0x7;
	v7 =	vld.idx.msk [tilespmem:v7+s17+$0x0], $0xffff  }
0x4c: {  	v10 =	vor.u32 v26, v28;
	_ =	sdelay $0x3  }
0x4d: {  	[tilespmem:$0x8200] =	vst v7  }
0x4e: {  	v7 =	vld.idx.msk [tilespmem:v10+s2+$0x0], $0xffff;
	_ =	sdelay $0x4  }
0x4f: {  	v7 =	vand.u32 $0xF, v7  }
0x50: {  	v7 =	vshll.u32 v7, v3  }
0x51: {  	v9 =	vshll.u32 v27, $0xE;
	v8 =	vshll.u32 v26, $0x7;
	v7 =	vadd.s32 v2, v7  }
0x52: {  	v8 =	vor.u32 v8, v9;
	v29 =	vand.u32 $0xFFFFFF80, v7  }
0x53: {  	v7 =	vand.u32 $0x7F, v7;
	v8 =	vadd.s32 v29, v8  }
0x54: {  	v7 =	vor.u32 v7, v8;
	_ =	sdelay $0x2  }
0x55: {  	v30 =	vadd.s32 $0x4, v5  }
0x56: {  	v31 =	vshrl.u32 v30, v4  }
0x57: {  	v32 =	vshll.u32 v31, $0x7;
	v7 =	vld.idx.msk [tilespmem:v7+s17+$0x0], $0xffff  }
0x58: {  	v10 =	vor.u32 v30, v32;
	_ =	sdelay $0x3  }
0x59: {  	[tilespmem:$0x8280] =	vst v7  }
0x5a: {  	v7 =	vld.idx.msk [tilespmem:v10+s2+$0x0], $0xffff;
	_ =	sdelay $0x4  }
0x5b: {  	v7 =	vand.u32 $0xF, v7  }
0x5c: {  	v7 =	vshll.u32 v7, v3  }
0x5d: {  	v9 =	vshll.u32 v31, $0xE;
	v8 =	vshll.u32 v30, $0x7;
	v7 =	vadd.s32 v2, v7  }
0x5e: {  	v8 =	vor.u32 v8, v9;
	v33 =	vand.u32 $0xFFFFFF80, v7  }
0x5f: {  	v7 =	vand.u32 $0x7F, v7;
	v8 =	vadd.s32 v33, v8  }
0x60: {  	v7 =	vor.u32 v7, v8;
	_ =	sdelay $0x2  }
0x61: {  	v34 =	vadd.s32 $0x6, v5  }
0x62: {  	v35 =	vshrl.u32 v34, v4  }
0x63: {  	v36 =	vshll.u32 v35, $0x7;
	v7 =	vld.idx.msk [tilespmem:v7+s17+$0x0], $0xffff  }
0x64: {  	v10 =	vor.u32 v34, v36;
	_ =	sdelay $0x3  }
0x65: {  	[tilespmem:$0x8300] =	vst v7  }
0x66: {  	v7 =	vld.idx.msk [tilespmem:v10+s2+$0x0], $0xffff;
	_ =	sdelay $0x4  }
0x67: {  	v7 =	vand.u32 $0xF, v7  }
0x68: {  	v7 =	vshll.u32 v7, v3  }
0x69: {  	v9 =	vshll.u32 v35, $0xE;
	v8 =	vshll.u32 v34, $0x7;
	v7 =	vadd.s32 v2, v7  }
0x6a: {  	v8 =	vor.u32 v8, v9;
	v37 =	vand.u32 $0xFFFFFF80, v7  }
0x6b: {  	v7 =	vand.u32 $0x7F, v7;
	v8 =	vadd.s32 v37, v8  }
0x6c: {  	v7 =	vor.u32 v7, v8;
	_ =	sdelay $0x2  }
0x6d: {  	v38 =	vadd.s32 $0x8, v5  }
0x6e: {  	v39 =	vshrl.u32 v38, v4  }
0x6f: {  	v40 =	vshll.u32 v39, $0x7;
	v7 =	vld.idx.msk [tilespmem:v7+s17+$0x0], $0xffff  }
0x70: {  	v10 =	vor.u32 v38, v40;
	_ =	sdelay $0x3  }
0x71: {  	[tilespmem:$0x8380] =	vst v7  }
0x72: {  	v7 =	vld.idx.msk [tilespmem:v10+s2+$0x0], $0xffff;
	_ =	sdelay $0x4  }
0x73: {  	v7 =	vand.u32 $0xF, v7  }
0x74: {  	v7 =	vshll.u32 v7, v3  }
0x75: {  	v9 =	vshll.u32 v39, $0xE;
	v8 =	vshll.u32 v38, $0x7;
	v7 =	vadd.s32 v2, v7  }
0x76: {  	v8 =	vor.u32 v8, v9;
	v41 =	vand.u32 $0xFFFFFF80, v7  }
0x77: {  	v7 =	vand.u32 $0x7F, v7;
	v8 =	vadd.s32 v41, v8  }
0x78: {  	v7 =	vor.u32 v7, v8;
	_ =	sdelay $0x2  }
0x79: {  	v42 =	vadd.s32 $0xA, v5  }
0x7a: {  	v43 =	vshrl.u32 v42, v4  }
0x7b: {  	v44 =	vshll.u32 v43, $0x7;
	v7 =	vld.idx.msk [tilespmem:v7+s17+$0x0], $0xffff  }
0x7c: {  	v10 =	vor.u32 v42, v44;
	_ =	sdelay $0x3  }
0x7d: {  	[tilespmem:$0x8400] =	vst v7  }
0x7e: {  	v7 =	vld.idx.msk [tilespmem:v10+s2+$0x0], $0xffff;
	_ =	sdelay $0x4  }
0x7f: {  	v7 =	vand.u32 $0xF, v7  }
0x80: {  	v7 =	vshll.u32 v7, v3  }
0x81: {  	v9 =	vshll.u32 v43, $0xE;
	v8 =	vshll.u32 v42, $0x7;
	v7 =	vadd.s32 v2, v7  }
0x82: {  	v8 =	vor.u32 v8, v9;
	v45 =	vand.u32 $0xFFFFFF80, v7  }
0x83: {  	v7 =	vand.u32 $0x7F, v7;
	v8 =	vadd.s32 v45, v8  }
0x84: {  	v7 =	vor.u32 v7, v8;
	_ =	sdelay $0x2  }
0x85: {  	v46 =	vadd.s32 $0xC, v5  }
0x86: {  	v47 =	vshrl.u32 v46, v4  }
0x87: {  	v48 =	vshll.u32 v47, $0x7;
	v7 =	vld.idx.msk [tilespmem:v7+s17+$0x0], $0xffff  }
0x88: {  	v10 =	vor.u32 v46, v48;
	_ =	sdelay $0x3  }
0x89: {  	[tilespmem:$0x8480] =	vst v7  }
0x8a: {  	v7 =	vld.idx.msk [tilespmem:v10+s2+$0x0], $0xffff;
	_ =	sdelay $0x4  }
0x8b: {  	v7 =	vand.u32 $0xF, v7  }
0x8c: {  	v7 =	vshll.u32 v7, v3  }
0x8d: {  	v9 =	vshll.u32 v47, $0xE;
	v8 =	vshll.u32 v46, $0x7;
	v7 =	vadd.s32 v2, v7  }
0x8e: {  	v8 =	vor.u32 v8, v9;
	v49 =	vand.u32 $0xFFFFFF80, v7  }
0x8f: {  	v7 =	vand.u32 $0x7F, v7;
	v8 =	vadd.s32 v49, v8  }
0x90: {  	v7 =	vor.u32 v7, v8;
	_ =	sdelay $0x2  }
0x91: {  	v50 =	vadd.s32 $0xE, v5  }
0x92: {  	v51 =	vshrl.u32 v50, v4  }
0x93: {  	v52 =	vshll.u32 v51, $0x7;
	v7 =	vld.idx.msk [tilespmem:v7+s17+$0x0], $0xffff  }
0x94: {  	v10 =	vor.u32 v50, v52;
	_ =	sdelay $0x3  }
0x95: {  	[tilespmem:$0x8500] =	vst v7  }
0x96: {  	v7 =	vld.idx.msk [tilespmem:v10+s2+$0x0], $0xffff;
	_ =	sdelay $0x4  }
0x97: {  	v7 =	vand.u32 $0xF, v7  }
0x98: {  	v7 =	vshll.u32 v7, v3  }
0x99: {  	v9 =	vshll.u32 v51, $0xE;
	v8 =	vshll.u32 v50, $0x7;
	v7 =	vadd.s32 v2, v7  }
0x9a: {  	v8 =	vor.u32 v8, v9;
	v53 =	vand.u32 $0xFFFFFF80, v7  }
0x9b: {  	v7 =	vand.u32 $0x7F, v7;
	v8 =	vadd.s32 v53, v8  }
0x9c: {  	v7 =	vor.u32 v7, v8;
	_ =	sdelay $0x2  }
0x9d: {  	v54 =	vor.u32 $0x10, v5  }
0x9e: {  	v55 =	vshrl.u32 v54, v4  }
0x9f: {  	v56 =	vshll.u32 v55, $0x7;
	v7 =	vld.idx.msk [tilespmem:v7+s17+$0x0], $0xffff  }
0xa0: {  	v10 =	vor.u32 v54, v56;
	_ =	sdelay $0x3  }
0xa1: {  	[tilespmem:$0x8580] =	vst v7  }
0xa2: {  	v7 =	vld.idx.msk [tilespmem:v10+s2+$0x0], $0xffff;
	_ =	sdelay $0x4  }
0xa3: {  	v7 =	vand.u32 $0xF, v7  }
0xa4: {  	v7 =	vshll.u32 v7, v3  }
0xa5: {  	v9 =	vshll.u32 v55, $0xE;
	v8 =	vshll.u32 v54, $0x7;
	v7 =	vadd.s32 v2, v7  }
0xa6: {  	v8 =	vor.u32 v8, v9;
	v57 =	vand.u32 $0xFFFFFF80, v7  }
0xa7: {  	v7 =	vand.u32 $0x7F, v7;
	v8 =	vadd.s32 v57, v8  }
0xa8: {  	v7 =	vor.u32 v7, v8;
	_ =	sdelay $0x2  }
0xa9: {  	v58 =	vadd.s32 $0x12, v5  }
0xaa: {  	v59 =	vshrl.u32 v58, v4  }
0xab: {  	v60 =	vshll.u32 v59, $0x7;
	v7 =	vld.idx.msk [tilespmem:v7+s17+$0x0], $0xffff  }
0xac: {  	v10 =	vor.u32 v58, v60;
	_ =	sdelay $0x3  }
0xad: {  	[tilespmem:$0x8600] =	vst v7  }
0xae: {  	v7 =	vld.idx.msk [tilespmem:v10+s2+$0x0], $0xffff;
	_ =	sdelay $0x4  }
0xaf: {  	v7 =	vand.u32 $0xF, v7  }
0xb0: {  	v7 =	vshll.u32 v7, v3  }
0xb1: {  	v9 =	vshll.u32 v59, $0xE;
	v8 =	vshll.u32 v58, $0x7;
	v7 =	vadd.s32 v2, v7  }
0xb2: {  	v8 =	vor.u32 v8, v9;
	v61 =	vand.u32 $0xFFFFFF80, v7  }
0xb3: {  	v7 =	vand.u32 $0x7F, v7;
	v8 =	vadd.s32 v61, v8  }
0xb4: {  	v7 =	vor.u32 v7, v8;
	_ =	sdelay $0x2  }
0xb5: {  	v62 =	vadd.s32 $0x14, v5  }
0xb6: {  	v63 =	vshrl.u32 v62, v4  }
0xb7: {  	v12 =	vshll.u32 v63, $0x7;
	v7 =	vld.idx.msk [tilespmem:v7+s17+$0x0], $0xffff  }
0xb8: {  	v10 =	vor.u32 v62, v12;
	_ =	sdelay $0x3  }
0xb9: {  	[tilespmem:$0x8680] =	vst v7  }
0xba: {  	v7 =	vld.idx.msk [tilespmem:v10+s2+$0x0], $0xffff;
	_ =	sdelay $0x4  }
0xbb: {  	v7 =	vand.u32 $0xF, v7  }
0xbc: {  	v7 =	vshll.u32 v7, v3  }
0xbd: {  	v9 =	vshll.u32 v63, $0xE;
	v8 =	vshll.u32 v62, $0x7;
	v7 =	vadd.s32 v2, v7  }
0xbe: {  	v8 =	vor.u32 v8, v9;
	v13 =	vand.u32 $0xFFFFFF80, v7  }
0xbf: {  	v7 =	vand.u32 $0x7F, v7;
	v8 =	vadd.s32 v13, v8  }
0xc0: {  	v7 =	vor.u32 v7, v8;
	_ =	sdelay $0x2  }
0xc1: {  	v14 =	vadd.s32 $0x16, v5  }
0xc2: {  	v15 =	vshrl.u32 v14, v4  }
0xc3: {  	v16 =	vshll.u32 v15, $0x7;
	v7 =	vld.idx.msk [tilespmem:v7+s17+$0x0], $0xffff  }
0xc4: {  	v10 =	vor.u32 v14, v16;
	_ =	sdelay $0x3  }
0xc5: {  	[tilespmem:$0x8700] =	vst v7  }
0xc6: {  	v7 =	vld.idx.msk [tilespmem:v10+s2+$0x0], $0xffff;
	_ =	sdelay $0x4  }
0xc7: {  	v7 =	vand.u32 $0xF, v7  }
0xc8: {  	v7 =	vshll.u32 v7, v3  }
0xc9: {  	v9 =	vshll.u32 v15, $0xE;
	v8 =	vshll.u32 v14, $0x7;
	v7 =	vadd.s32 v2, v7  }
0xca: {  	v8 =	vor.u32 v8, v9;
	v17 =	vand.u32 $0xFFFFFF80, v7  }
0xcb: {  	v7 =	vand.u32 $0x7F, v7;
	v8 =	vadd.s32 v17, v8  }
0xcc: {  	v7 =	vor.u32 v7, v8;
	_ =	sdelay $0x2  }
0xcd: {  	v18 =	vadd.s32 $0x18, v5  }
0xce: {  	v19 =	vshrl.u32 v18, v4  }
0xcf: {  	v20 =	vshll.u32 v19, $0x7;
	v7 =	vld.idx.msk [tilespmem:v7+s17+$0x0], $0xffff  }
0xd0: {  	v10 =	vor.u32 v18, v20;
	_ =	sdelay $0x3  }
0xd1: {  	[tilespmem:$0x8780] =	vst v7  }
0xd2: {  	v7 =	vld.idx.msk [tilespmem:v10+s2+$0x0], $0xffff;
	_ =	sdelay $0x4  }
0xd3: {  	v7 =	vand.u32 $0xF, v7  }
0xd4: {  	v7 =	vshll.u32 v7, v3  }
0xd5: {  	v9 =	vshll.u32 v19, $0xE;
	v8 =	vshll.u32 v18, $0x7;
	v7 =	vadd.s32 v2, v7  }
0xd6: {  	v8 =	vor.u32 v8, v9;
	v21 =	vand.u32 $0xFFFFFF80, v7  }
0xd7: {  	v7 =	vand.u32 $0x7F, v7;
	v8 =	vadd.s32 v21, v8  }
0xd8: {  	v7 =	vor.u32 v7, v8;
	_ =	sdelay $0x2  }
0xd9: {  	v22 =	vadd.s32 $0x1A, v5  }
0xda: {  	v23 =	vshrl.u32 v22, v4  }
0xdb: {  	v24 =	vshll.u32 v23, $0x7;
	v7 =	vld.idx.msk [tilespmem:v7+s17+$0x0], $0xffff  }
0xdc: {  	v10 =	vor.u32 v22, v24;
	_ =	sdelay $0x3  }
0xdd: {  	[tilespmem:$0x8800] =	vst v7  }
0xde: {  	v7 =	vld.idx.msk [tilespmem:v10+s2+$0x0], $0xffff;
	_ =	sdelay $0x4  }
0xdf: {  	v7 =	vand.u32 $0xF, v7  }
0xe0: {  	v7 =	vshll.u32 v7, v3  }
0xe1: {  	v9 =	vshll.u32 v23, $0xE;
	v8 =	vshll.u32 v22, $0x7;
	v7 =	vadd.s32 v2, v7  }
0xe2: {  	v8 =	vor.u32 v8, v9;
	v25 =	vand.u32 $0xFFFFFF80, v7  }
0xe3: {  	v7 =	vand.u32 $0x7F, v7;
	v8 =	vadd.s32 v25, v8  }
0xe4: {  	v7 =	vor.u32 v7, v8;
	_ =	sdelay $0x2  }
0xe5: {  	v26 =	vadd.s32 $0x1C, v5  }
0xe6: {  	v27 =	vshrl.u32 v26, v4  }
0xe7: {  	v28 =	vshll.u32 v27, $0x7;
	v7 =	vld.idx.msk [tilespmem:v7+s17+$0x0], $0xffff  }
0xe8: {  	v10 =	vor.u32 v26, v28;
	_ =	sdelay $0x3  }
0xe9: {  	[tilespmem:$0x8880] =	vst v7  }
0xea: {  	v7 =	vld.idx.msk [tilespmem:v10+s2+$0x0], $0xffff;
	_ =	sdelay $0x4  }
0xeb: {  	v7 =	vand.u32 $0xF, v7  }
0xec: {  	v7 =	vshll.u32 v7, v3  }
0xed: {  	v9 =	vshll.u32 v27, $0xE;
	v8 =	vshll.u32 v26, $0x7;
	v7 =	vadd.s32 v2, v7  }
0xee: {  	v8 =	vor.u32 v8, v9;
	v29 =	vand.u32 $0xFFFFFF80, v7  }
0xef: {  	v7 =	vand.u32 $0x7F, v7;
	v8 =	vadd.s32 v29, v8  }
0xf0: {  	v7 =	vor.u32 v7, v8;
	_ =	sdelay $0x2  }
0xf1: {  	v30 =	vadd.s32 $0x1E, v5  }
0xf2: {  	v31 =	vshrl.u32 v30, v4  }
0xf3: {  	v32 =	vshll.u32 v31, $0x7;
	v7 =	vld.idx.msk [tilespmem:v7+s17+$0x0], $0xffff  }
0xf4: {  	v10 =	vor.u32 v30, v32;
	_ =	sdelay $0x3  }
0xf5: {  	[tilespmem:$0x8900] =	vst v7  }
0xf6: {  	v7 =	vld.idx.msk [tilespmem:v10+s2+$0x0], $0xffff;
	_ =	sdelay $0x4  }
0xf7: {  	v7 =	vand.u32 $0xF, v7  }
0xf8: {  	v7 =	vshll.u32 v7, v3  }
0xf9: {  	v9 =	vshll.u32 v31, $0xE;
	v8 =	vshll.u32 v30, $0x7;
	v7 =	vadd.s32 v2, v7  }
0xfa: {  	v8 =	vor.u32 v8, v9;
	v33 =	vand.u32 $0xFFFFFF80, v7  }
0xfb: {  	v7 =	vand.u32 $0x7F, v7;
	v8 =	vadd.s32 v33, v8  }
0xfc: {  	v7 =	vor.u32 v7, v8;
	_ =	sdelay $0x2  }
0xfd: {  	v34 =	vor.u32 $0x20, v5  }
0xfe: {  	v35 =	vshrl.u32 v34, v4  }
0xff: {  	v36 =	vshll.u32 v35, $0x7;
	v7 =	vld.idx.msk [tilespmem:v7+s17+$0x0], $0xffff  }
0x100: {  	v10 =	vor.u32 v34, v36;
	_ =	sdelay $0x3  }
0x101: {  	[tilespmem:$0x8980] =	vst v7  }
0x102: {  	v7 =	vld.idx.msk [tilespmem:v10+s2+$0x0], $0xffff;
	_ =	sdelay $0x4  }
0x103: {  	v7 =	vand.u32 $0xF, v7  }
0x104: {  	v7 =	vshll.u32 v7, v3  }
0x105: {  	v9 =	vshll.u32 v35, $0xE;
	v8 =	vshll.u32 v34, $0x7;
	v7 =	vadd.s32 v2, v7  }
0x106: {  	v8 =	vor.u32 v8, v9;
	v37 =	vand.u32 $0xFFFFFF80, v7  }
0x107: {  	v7 =	vand.u32 $0x7F, v7;
	v8 =	vadd.s32 v37, v8  }
0x108: {  	v7 =	vor.u32 v7, v8;
	_ =	sdelay $0x2  }
0x109: {  	v38 =	vadd.s32 $0x22, v5  }
0x10a: {  	v39 =	vshrl.u32 v38, v4  }
0x10b: {  	v40 =	vshll.u32 v39, $0x7;
	v7 =	vld.idx.msk [tilespmem:v7+s17+$0x0], $0xffff  }
0x10c: {  	v10 =	vor.u32 v38, v40;
	_ =	sdelay $0x3  }
0x10d: {  	[tilespmem:$0x8A00] =	vst v7  }
0x10e: {  	v7 =	vld.idx.msk [tilespmem:v10+s2+$0x0], $0xffff;
	_ =	sdelay $0x4  }
0x10f: {  	v7 =	vand.u32 $0xF, v7  }
0x110: {  	v7 =	vshll.u32 v7, v3  }
0x111: {  	v9 =	vshll.u32 v39, $0xE;
	v8 =	vshll.u32 v38, $0x7;
	v7 =	vadd.s32 v2, v7  }
0x112: {  	v8 =	vor.u32 v8, v9;
	v41 =	vand.u32 $0xFFFFFF80, v7  }
0x113: {  	v7 =	vand.u32 $0x7F, v7;
	v8 =	vadd.s32 v41, v8  }
0x114: {  	v7 =	vor.u32 v7, v8;
	_ =	sdelay $0x2  }
0x115: {  	v42 =	vadd.s32 $0x24, v5  }
0x116: {  	v43 =	vshrl.u32 v42, v4  }
0x117: {  	v44 =	vshll.u32 v43, $0x7;
	v7 =	vld.idx.msk [tilespmem:v7+s17+$0x0], $0xffff  }
0x118: {  	v10 =	vor.u32 v42, v44;
	_ =	sdelay $0x3  }
0x119: {  	[tilespmem:$0x8A80] =	vst v7  }
0x11a: {  	v7 =	vld.idx.msk [tilespmem:v10+s2+$0x0], $0xffff;
	_ =	sdelay $0x4  }
0x11b: {  	v7 =	vand.u32 $0xF, v7  }
0x11c: {  	v7 =	vshll.u32 v7, v3  }
0x11d: {  	v9 =	vshll.u32 v43, $0xE;
	v8 =	vshll.u32 v42, $0x7;
	v7 =	vadd.s32 v2, v7  }
0x11e: {  	v8 =	vor.u32 v8, v9;
	v45 =	vand.u32 $0xFFFFFF80, v7  }
0x11f: {  	v7 =	vand.u32 $0x7F, v7;
	v8 =	vadd.s32 v45, v8  }
0x120: {  	v7 =	vor.u32 v7, v8;
	_ =	sdelay $0x2  }
0x121: {  	v46 =	vadd.s32 $0x26, v5  }
0x122: {  	v47 =	vshrl.u32 v46, v4  }
0x123: {  	v48 =	vshll.u32 v47, $0x7;
	v7 =	vld.idx.msk [tilespmem:v7+s17+$0x0], $0xffff  }
0x124: {  	v10 =	vor.u32 v46, v48;
	_ =	sdelay $0x3  }
0x125: {  	[tilespmem:$0x8B00] =	vst v7  }
0x126: {  	v7 =	vld.idx.msk [tilespmem:v10+s2+$0x0], $0xffff;
	_ =	sdelay $0x4  }
0x127: {  	v7 =	vand.u32 $0xF, v7  }
0x128: {  	v7 =	vshll.u32 v7, v3  }
0x129: {  	v9 =	vshll.u32 v47, $0xE;
	v8 =	vshll.u32 v46, $0x7;
	v7 =	vadd.s32 v2, v7  }
0x12a: {  	v8 =	vor.u32 v8, v9;
	v49 =	vand.u32 $0xFFFFFF80, v7  }
0x12b: {  	v7 =	vand.u32 $0x7F, v7;
	v8 =	vadd.s32 v49, v8  }
0x12c: {  	v7 =	vor.u32 v7, v8;
	_ =	sdelay $0x2  }
0x12d: {  	v50 =	vadd.s32 $0x28, v5  }
0x12e: {  	v51 =	vshrl.u32 v50, v4  }
0x12f: {  	v52 =	vshll.u32 v51, $0x7;
	v7 =	vld.idx.msk [tilespmem:v7+s17+$0x0], $0xffff  }
0x130: {  	v10 =	vor.u32 v50, v52;
	_ =	sdelay $0x3  }
0x131: {  	[tilespmem:$0x8B80] =	vst v7  }
0x132: {  	v7 =	vld.idx.msk [tilespmem:v10+s2+$0x0], $0xffff;
	_ =	sdelay $0x4  }
0x133: {  	v7 =	vand.u32 $0xF, v7  }
0x134: {  	v7 =	vshll.u32 v7, v3  }
0x135: {  	v9 =	vshll.u32 v51, $0xE;
	v8 =	vshll.u32 v50, $0x7;
	v7 =	vadd.s32 v2, v7  }
0x136: {  	v8 =	vor.u32 v8, v9;
	v53 =	vand.u32 $0xFFFFFF80, v7  }
0x137: {  	v7 =	vand.u32 $0x7F, v7;
	v8 =	vadd.s32 v53, v8  }
0x138: {  	v7 =	vor.u32 v7, v8;
	_ =	sdelay $0x2  }
0x139: {  	v54 =	vadd.s32 $0x2A, v5  }
0x13a: {  	v55 =	vshrl.u32 v54, v4  }
0x13b: {  	v56 =	vshll.u32 v55, $0x7;
	v7 =	vld.idx.msk [tilespmem:v7+s17+$0x0], $0xffff  }
0x13c: {  	v10 =	vor.u32 v54, v56;
	_ =	sdelay $0x3  }
0x13d: {  	[tilespmem:$0x8C00] =	vst v7  }
0x13e: {  	v7 =	vld.idx.msk [tilespmem:v10+s2+$0x0], $0xffff;
	_ =	sdelay $0x4  }
0x13f: {  	v7 =	vand.u32 $0xF, v7  }
0x140: {  	v7 =	vshll.u32 v7, v3  }
0x141: {  	v9 =	vshll.u32 v55, $0xE;
	v8 =	vshll.u32 v54, $0x7;
	v7 =	vadd.s32 v2, v7  }
0x142: {  	v8 =	vor.u32 v8, v9;
	v57 =	vand.u32 $0xFFFFFF80, v7  }
0x143: {  	v7 =	vand.u32 $0x7F, v7;
	v8 =	vadd.s32 v57, v8  }
0x144: {  	v7 =	vor.u32 v7, v8;
	_ =	sdelay $0x2  }
0x145: {  	v58 =	vadd.s32 $0x2C, v5  }
0x146: {  	v59 =	vshrl.u32 v58, v4  }
0x147: {  	v60 =	vshll.u32 v59, $0x7;
	v7 =	vld.idx.msk [tilespmem:v7+s17+$0x0], $0xffff  }
0x148: {  	v10 =	vor.u32 v58, v60;
	_ =	sdelay $0x3  }
0x149: {  	[tilespmem:$0x8C80] =	vst v7  }
0x14a: {  	v7 =	vld.idx.msk [tilespmem:v10+s2+$0x0], $0xffff;
	_ =	sdelay $0x4  }
0x14b: {  	v7 =	vand.u32 $0xF, v7  }
0x14c: {  	v7 =	vshll.u32 v7, v3  }
0x14d: {  	v9 =	vshll.u32 v59, $0xE;
	v8 =	vshll.u32 v58, $0x7;
	v7 =	vadd.s32 v2, v7  }
0x14e: {  	v8 =	vor.u32 v8, v9;
	v61 =	vand.u32 $0xFFFFFF80, v7  }
0x14f: {  	v7 =	vand.u32 $0x7F, v7;
	v8 =	vadd.s32 v61, v8  }
0x150: {  	v7 =	vor.u32 v7, v8;
	_ =	sdelay $0x2  }
0x151: {  	v62 =	vadd.s32 $0x2E, v5  }
0x152: {  	v63 =	vshrl.u32 v62, v4  }
0x153: {  	v12 =	vshll.u32 v63, $0x7;
	v7 =	vld.idx.msk [tilespmem:v7+s17+$0x0], $0xffff  }
0x154: {  	v10 =	vor.u32 v62, v12;
	_ =	sdelay $0x3  }
0x155: {  	[tilespmem:$0x8D00] =	vst v7  }
0x156: {  	v7 =	vld.idx.msk [tilespmem:v10+s2+$0x0], $0xffff;
	_ =	sdelay $0x4  }
0x157: {  	v7 =	vand.u32 $0xF, v7  }
0x158: {  	v7 =	vshll.u32 v7, v3  }
0x159: {  	v9 =	vshll.u32 v63, $0xE;
	v8 =	vshll.u32 v62, $0x7;
	v7 =	vadd.s32 v2, v7  }
0x15a: {  	v8 =	vor.u32 v8, v9;
	v13 =	vand.u32 $0xFFFFFF80, v7  }
0x15b: {  	v7 =	vand.u32 $0x7F, v7;
	v8 =	vadd.s32 v13, v8  }
0x15c: {  	v7 =	vor.u32 v7, v8;
	_ =	sdelay $0x2  }
0x15d: {  	v14 =	vor.u32 $0x30, v5  }
0x15e: {  	v15 =	vshrl.u32 v14, v4  }
0x15f: {  	v16 =	vshll.u32 v15, $0x7;
	v7 =	vld.idx.msk [tilespmem:v7+s17+$0x0], $0xffff  }
0x160: {  	v10 =	vor.u32 v14, v16;
	_ =	sdelay $0x3  }
0x161: {  	[tilespmem:$0x8D80] =	vst v7  }
0x162: {  	v7 =	vld.idx.msk [tilespmem:v10+s2+$0x0], $0xffff;
	_ =	sdelay $0x4  }
0x163: {  	v7 =	vand.u32 $0xF, v7  }
0x164: {  	v7 =	vshll.u32 v7, v3  }
0x165: {  	v9 =	vshll.u32 v15, $0xE;
	v8 =	vshll.u32 v14, $0x7;
	v7 =	vadd.s32 v2, v7  }
0x166: {  	v8 =	vor.u32 v8, v9;
	v17 =	vand.u32 $0xFFFFFF80, v7  }
0x167: {  	v7 =	vand.u32 $0x7F, v7;
	v8 =	vadd.s32 v17, v8  }
0x168: {  	v7 =	vor.u32 v7, v8;
	_ =	sdelay $0x2  }
0x169: {  	v18 =	vadd.s32 $0x32, v5  }
0x16a: {  	v19 =	vshrl.u32 v18, v4  }
0x16b: {  	v20 =	vshll.u32 v19, $0x7;
	v7 =	vld.idx.msk [tilespmem:v7+s17+$0x0], $0xffff  }
0x16c: {  	v10 =	vor.u32 v18, v20;
	_ =	sdelay $0x3  }
0x16d: {  	[tilespmem:$0x8E00] =	vst v7  }
0x16e: {  	v7 =	vld.idx.msk [tilespmem:v10+s2+$0x0], $0xffff;
	_ =	sdelay $0x4  }
0x16f: {  	v7 =	vand.u32 $0xF, v7  }
0x170: {  	v7 =	vshll.u32 v7, v3  }
0x171: {  	v9 =	vshll.u32 v19, $0xE;
	v8 =	vshll.u32 v18, $0x7;
	v7 =	vadd.s32 v2, v7  }
0x172: {  	v8 =	vor.u32 v8, v9;
	v21 =	vand.u32 $0xFFFFFF80, v7  }
0x173: {  	v7 =	vand.u32 $0x7F, v7;
	v8 =	vadd.s32 v21, v8  }
0x174: {  	v7 =	vor.u32 v7, v8;
	_ =	sdelay $0x2  }
0x175: {  	v22 =	vadd.s32 $0x34, v5  }
0x176: {  	v23 =	vshrl.u32 v22, v4  }
0x177: {  	v24 =	vshll.u32 v23, $0x7;
	v7 =	vld.idx.msk [tilespmem:v7+s17+$0x0], $0xffff  }
0x178: {  	v10 =	vor.u32 v22, v24;
	_ =	sdelay $0x3  }
0x179: {  	[tilespmem:$0x8E80] =	vst v7  }
0x17a: {  	v7 =	vld.idx.msk [tilespmem:v10+s2+$0x0], $0xffff;
	_ =	sdelay $0x4  }
0x17b: {  	v7 =	vand.u32 $0xF, v7  }
0x17c: {  	v7 =	vshll.u32 v7, v3  }
0x17d: {  	v9 =	vshll.u32 v23, $0xE;
	v8 =	vshll.u32 v22, $0x7;
	v7 =	vadd.s32 v2, v7  }
0x17e: {  	v8 =	vor.u32 v8, v9;
	v25 =	vand.u32 $0xFFFFFF80, v7  }
0x17f: {  	v7 =	vand.u32 $0x7F, v7;
	v8 =	vadd.s32 v25, v8  }
0x180: {  	v7 =	vor.u32 v7, v8;
	_ =	sdelay $0x2  }
0x181: {  	v26 =	vadd.s32 $0x36, v5  }
0x182: {  	v27 =	vshrl.u32 v26, v4  }
0x183: {  	v28 =	vshll.u32 v27, $0x7;
	v7 =	vld.idx.msk [tilespmem:v7+s17+$0x0], $0xffff  }
0x184: {  	v10 =	vor.u32 v26, v28;
	_ =	sdelay $0x3  }
0x185: {  	[tilespmem:$0x8F00] =	vst v7  }
0x186: {  	v7 =	vld.idx.msk [tilespmem:v10+s2+$0x0], $0xffff;
	_ =	sdelay $0x4  }
0x187: {  	v7 =	vand.u32 $0xF, v7  }
0x188: {  	v7 =	vshll.u32 v7, v3  }
0x189: {  	v9 =	vshll.u32 v27, $0xE;
	v8 =	vshll.u32 v26, $0x7;
	v7 =	vadd.s32 v2, v7  }
0x18a: {  	v8 =	vor.u32 v8, v9;
	v29 =	vand.u32 $0xFFFFFF80, v7  }
0x18b: {  	v7 =	vand.u32 $0x7F, v7;
	v8 =	vadd.s32 v29, v8  }
0x18c: {  	v7 =	vor.u32 v7, v8;
	_ =	sdelay $0x2  }
0x18d: {  	v30 =	vadd.s32 $0x38, v5  }
0x18e: {  	v31 =	vshrl.u32 v30, v4  }
0x18f: {  	v32 =	vshll.u32 v31, $0x7;
	v7 =	vld.idx.msk [tilespmem:v7+s17+$0x0], $0xffff  }
0x190: {  	v10 =	vor.u32 v30, v32;
	_ =	sdelay $0x3  }
0x191: {  	[tilespmem:$0x8F80] =	vst v7  }
0x192: {  	v7 =	vld.idx.msk [tilespmem:v10+s2+$0x0], $0xffff;
	_ =	sdelay $0x4  }
0x193: {  	v7 =	vand.u32 $0xF, v7  }
0x194: {  	v7 =	vshll.u32 v7, v3  }
0x195: {  	v9 =	vshll.u32 v31, $0xE;
	v8 =	vshll.u32 v30, $0x7;
	v7 =	vadd.s32 v2, v7  }
0x196: {  	v8 =	vor.u32 v8, v9;
	v33 =	vand.u32 $0xFFFFFF80, v7  }
0x197: {  	v7 =	vand.u32 $0x7F, v7;
	v8 =	vadd.s32 v33, v8  }
0x198: {  	v7 =	vor.u32 v7, v8;
	_ =	sdelay $0x2  }
0x199: {  	v34 =	vadd.s32 $0x3A, v5  }
0x19a: {  	v35 =	vshrl.u32 v34, v4  }
0x19b: {  	v36 =	vshll.u32 v35, $0x7;
	v7 =	vld.idx.msk [tilespmem:v7+s17+$0x0], $0xffff  }
0x19c: {  	v10 =	vor.u32 v34, v36;
	_ =	sdelay $0x3  }
0x19d: {  	[tilespmem:$0x9000] =	vst v7  }
0x19e: {  	v7 =	vld.idx.msk [tilespmem:v10+s2+$0x0], $0xffff;
	_ =	sdelay $0x4  }
0x19f: {  	v7 =	vand.u32 $0xF, v7  }
0x1a0: {  	v7 =	vshll.u32 v7, v3  }
0x1a1: {  	v9 =	vshll.u32 v35, $0xE;
	v8 =	vshll.u32 v34, $0x7;
	v7 =	vadd.s32 v2, v7  }
0x1a2: {  	v8 =	vor.u32 v8, v9;
	v37 =	vand.u32 $0xFFFFFF80, v7  }
0x1a3: {  	v7 =	vand.u32 $0x7F, v7;
	v8 =	vadd.s32 v37, v8  }
0x1a4: {  	v7 =	vor.u32 v7, v8;
	_ =	sdelay $0x2  }
0x1a5: {  	v38 =	vadd.s32 $0x3C, v5  }
0x1a6: {  	v39 =	vshrl.u32 v38, v4  }
0x1a7: {  	v40 =	vshll.u32 v39, $0x7;
	v7 =	vld.idx.msk [tilespmem:v7+s17+$0x0], $0xffff  }
0x1a8: {  	v10 =	vor.u32 v38, v40;
	_ =	sdelay $0x3  }
0x1a9: {  	[tilespmem:$0x9080] =	vst v7  }
0x1aa: {  	v7 =	vld.idx.msk [tilespmem:v10+s2+$0x0], $0xffff;
	_ =	sdelay $0x4  }
0x1ab: {  	v7 =	vand.u32 $0xF, v7  }
0x1ac: {  	v7 =	vshll.u32 v7, v3  }
0x1ad: {  	v9 =	vshll.u32 v39, $0xE;
	v8 =	vshll.u32 v38, $0x7;
	v7 =	vadd.s32 v2, v7  }
0x1ae: {  	v8 =	vor.u32 v8, v9;
	v41 =	vand.u32 $0xFFFFFF80, v7  }
0x1af: {  	v7 =	vand.u32 $0x7F, v7;
	v8 =	vadd.s32 v41, v8  }
0x1b0: {  	v7 =	vor.u32 v7, v8;
	_ =	sdelay $0x2  }
0x1b1: {  	v42 =	vadd.s32 $0x3E, v5  }
0x1b2: {  	v43 =	vshrl.u32 v42, v4  }
0x1b3: {  	v44 =	vshll.u32 v43, $0x7;
	v7 =	vld.idx.msk [tilespmem:v7+s17+$0x0], $0xffff  }
0x1b4: {  	v10 =	vor.u32 v42, v44;
	_ =	sdelay $0x3  }
0x1b5: {  	[tilespmem:$0x9100] =	vst v7  }
0x1b6: {  	v7 =	vld.idx.msk [tilespmem:v10+s2+$0x0], $0xffff;
	_ =	sdelay $0x4  }
0x1b7: {  	v7 =	vand.u32 $0xF, v7  }
0x1b8: {  	v7 =	vshll.u32 v7, v3  }
0x1b9: {  	v9 =	vshll.u32 v43, $0xE;
	v8 =	vshll.u32 v42, $0x7;
	v7 =	vadd.s32 v2, v7  }
0x1ba: {  	v8 =	vor.u32 v8, v9;
	v45 =	vand.u32 $0xFFFFFF80, v7  }
0x1bb: {  	v7 =	vand.u32 $0x7F, v7;
	v8 =	vadd.s32 v45, v8  }
0x1bc: {  	v7 =	vor.u32 v7, v8;
	_ =	sdelay $0x2  }
0x1bd: {  	v46 =	vor.u32 $0x40, v5  }
0x1be: {  	v47 =	vshrl.u32 v46, v4  }
0x1bf: {  	v48 =	vshll.u32 v47, $0x7;
	v7 =	vld.idx.msk [tilespmem:v7+s17+$0x0], $0xffff  }
0x1c0: {  	v10 =	vor.u32 v46, v48;
	_ =	sdelay $0x3  }
0x1c1: {  	[tilespmem:$0x9180] =	vst v7  }
0x1c2: {  	v7 =	vld.idx.msk [tilespmem:v10+s2+$0x0], $0xffff;
	_ =	sdelay $0x4  }
0x1c3: {  	v7 =	vand.u32 $0xF, v7  }
0x1c4: {  	v7 =	vshll.u32 v7, v3  }
0x1c5: {  	v9 =	vshll.u32 v47, $0xE;
	v8 =	vshll.u32 v46, $0x7;
	v7 =	vadd.s32 v2, v7  }
0x1c6: {  	v8 =	vor.u32 v8, v9;
	v49 =	vand.u32 $0xFFFFFF80, v7  }
0x1c7: {  	v7 =	vand.u32 $0x7F, v7;
	v8 =	vadd.s32 v49, v8  }
0x1c8: {  	v7 =	vor.u32 v7, v8;
	_ =	sdelay $0x2  }
0x1c9: {  	v50 =	vadd.s32 $0x42, v5  }
0x1ca: {  	v51 =	vshrl.u32 v50, v4  }
0x1cb: {  	v52 =	vshll.u32 v51, $0x7;
	v7 =	vld.idx.msk [tilespmem:v7+s17+$0x0], $0xffff  }
0x1cc: {  	v10 =	vor.u32 v50, v52;
	_ =	sdelay $0x3  }
0x1cd: {  	[tilespmem:$0x9200] =	vst v7  }
0x1ce: {  	v7 =	vld.idx.msk [tilespmem:v10+s2+$0x0], $0xffff;
	_ =	sdelay $0x4  }
0x1cf: {  	v7 =	vand.u32 $0xF, v7  }
0x1d0: {  	v7 =	vshll.u32 v7, v3  }
0x1d1: {  	v9 =	vshll.u32 v51, $0xE;
	v8 =	vshll.u32 v50, $0x7;
	v7 =	vadd.s32 v2, v7  }
0x1d2: {  	v8 =	vor.u32 v8, v9;
	v53 =	vand.u32 $0xFFFFFF80, v7  }
0x1d3: {  	v7 =	vand.u32 $0x7F, v7;
	v8 =	vadd.s32 v53, v8  }
0x1d4: {  	v7 =	vor.u32 v7, v8;
	_ =	sdelay $0x2  }
0x1d5: {  	v54 =	vadd.s32 $0x44, v5  }
0x1d6: {  	v55 =	vshrl.u32 v54, v4  }
0x1d7: {  	v56 =	vshll.u32 v55, $0x7;
	v7 =	vld.idx.msk [tilespmem:v7+s17+$0x0], $0xffff  }
0x1d8: {  	v10 =	vor.u32 v54, v56;
	_ =	sdelay $0x3  }
0x1d9: {  	[tilespmem:$0x9280] =	vst v7  }
0x1da: {  	v7 =	vld.idx.msk [tilespmem:v10+s2+$0x0], $0xffff;
	_ =	sdelay $0x4  }
0x1db: {  	v7 =	vand.u32 $0xF, v7  }
0x1dc: {  	v7 =	vshll.u32 v7, v3  }
0x1dd: {  	v9 =	vshll.u32 v55, $0xE;
	v8 =	vshll.u32 v54, $0x7;
	v7 =	vadd.s32 v2, v7  }
0x1de: {  	v8 =	vor.u32 v8, v9;
	v57 =	vand.u32 $0xFFFFFF80, v7  }
0x1df: {  	v7 =	vand.u32 $0x7F, v7;
	v8 =	vadd.s32 v57, v8  }
0x1e0: {  	v7 =	vor.u32 v7, v8;
	_ =	sdelay $0x2  }
0x1e1: {  	v58 =	vadd.s32 $0x46, v5  }
0x1e2: {  	v59 =	vshrl.u32 v58, v4  }
0x1e3: {  	v60 =	vshll.u32 v59, $0x7;
	v7 =	vld.idx.msk [tilespmem:v7+s17+$0x0], $0xffff  }
0x1e4: {  	v10 =	vor.u32 v58, v60;
	_ =	sdelay $0x3  }
0x1e5: {  	[tilespmem:$0x9300] =	vst v7  }
0x1e6: {  	v7 =	vld.idx.msk [tilespmem:v10+s2+$0x0], $0xffff;
	_ =	sdelay $0x4  }
0x1e7: {  	v7 =	vand.u32 $0xF, v7  }
0x1e8: {  	v7 =	vshll.u32 v7, v3  }
0x1e9: {  	v9 =	vshll.u32 v59, $0xE;
	v8 =	vshll.u32 v58, $0x7;
	v7 =	vadd.s32 v2, v7  }
0x1ea: {  	v8 =	vor.u32 v8, v9;
	v61 =	vand.u32 $0xFFFFFF80, v7  }
0x1eb: {  	v7 =	vand.u32 $0x7F, v7;
	v8 =	vadd.s32 v61, v8  }
0x1ec: {  	v7 =	vor.u32 v7, v8;
	_ =	sdelay $0x2  }
0x1ed: {  	v62 =	vadd.s32 $0x48, v5  }
0x1ee: {  	v63 =	vshrl.u32 v62, v4  }
0x1ef: {  	v12 =	vshll.u32 v63, $0x7;
	v7 =	vld.idx.msk [tilespmem:v7+s17+$0x0], $0xffff  }
0x1f0: {  	v10 =	vor.u32 v62, v12;
	_ =	sdelay $0x3  }
0x1f1: {  	[tilespmem:$0x9380] =	vst v7  }
0x1f2: {  	v7 =	vld.idx.msk [tilespmem:v10+s2+$0x0], $0xffff;
	_ =	sdelay $0x4  }
0x1f3: {  	v7 =	vand.u32 $0xF, v7  }
0x1f4: {  	v7 =	vshll.u32 v7, v3  }
0x1f5: {  	v9 =	vshll.u32 v63, $0xE;
	v8 =	vshll.u32 v62, $0x7;
	v7 =	vadd.s32 v2, v7  }
0x1f6: {  	v8 =	vor.u32 v8, v9;
	v13 =	vand.u32 $0xFFFFFF80, v7  }
0x1f7: {  	v7 =	vand.u32 $0x7F, v7;
	v8 =	vadd.s32 v13, v8  }
0x1f8: {  	v7 =	vor.u32 v7, v8;
	_ =	sdelay $0x2  }
0x1f9: {  	v14 =	vadd.s32 $0x4A, v5  }
0x1fa: {  	v15 =	vshrl.u32 v14, v4  }
0x1fb: {  	v16 =	vshll.u32 v15, $0x7;
	v7 =	vld.idx.msk [tilespmem:v7+s17+$0x0], $0xffff  }
0x1fc: {  	v10 =	vor.u32 v14, v16;
	_ =	sdelay $0x3  }
0x1fd: {  	[tilespmem:$0x9400] =	vst v7  }
0x1fe: {  	v7 =	vld.idx.msk [tilespmem:v10+s2+$0x0], $0xffff;
	_ =	sdelay $0x4  }
0x1ff: {  	v7 =	vand.u32 $0xF, v7  }
0x200: {  	v7 =	vshll.u32 v7, v3  }
0x201: {  	v9 =	vshll.u32 v15, $0xE;
	v8 =	vshll.u32 v14, $0x7;
	v7 =	vadd.s32 v2, v7  }
0x202: {  	v8 =	vor.u32 v8, v9;
	v17 =	vand.u32 $0xFFFFFF80, v7  }
0x203: {  	v7 =	vand.u32 $0x7F, v7;
	v8 =	vadd.s32 v17, v8  }
0x204: {  	v7 =	vor.u32 v7, v8;
	_ =	sdelay $0x2  }
0x205: {  	v18 =	vadd.s32 $0x4C, v5  }
0x206: {  	v19 =	vshrl.u32 v18, v4  }
0x207: {  	v20 =	vshll.u32 v19, $0x7;
	v7 =	vld.idx.msk [tilespmem:v7+s17+$0x0], $0xffff  }
0x208: {  	v10 =	vor.u32 v18, v20;
	_ =	sdelay $0x3  }
0x209: {  	[tilespmem:$0x9480] =	vst v7  }
0x20a: {  	v7 =	vld.idx.msk [tilespmem:v10+s2+$0x0], $0xffff;
	_ =	sdelay $0x4  }
0x20b: {  	v7 =	vand.u32 $0xF, v7  }
0x20c: {  	v7 =	vshll.u32 v7, v3  }
0x20d: {  	v9 =	vshll.u32 v19, $0xE;
	v8 =	vshll.u32 v18, $0x7;
	v7 =	vadd.s32 v2, v7  }
0x20e: {  	v8 =	vor.u32 v8, v9;
	v21 =	vand.u32 $0xFFFFFF80, v7  }
0x20f: {  	v7 =	vand.u32 $0x7F, v7;
	v8 =	vadd.s32 v21, v8  }
0x210: {  	v7 =	vor.u32 v7, v8;
	_ =	sdelay $0x2  }
0x211: {  	v22 =	vadd.s32 $0x4E, v5  }
0x212: {  	v23 =	vshrl.u32 v22, v4  }
0x213: {  	v24 =	vshll.u32 v23, $0x7;
	v7 =	vld.idx.msk [tilespmem:v7+s17+$0x0], $0xffff  }
0x214: {  	v10 =	vor.u32 v22, v24;
	_ =	sdelay $0x3  }
0x215: {  	[tilespmem:$0x9500] =	vst v7  }
0x216: {  	v7 =	vld.idx.msk [tilespmem:v10+s2+$0x0], $0xffff;
	_ =	sdelay $0x4  }
0x217: {  	v7 =	vand.u32 $0xF, v7  }
0x218: {  	v7 =	vshll.u32 v7, v3  }
0x219: {  	v9 =	vshll.u32 v23, $0xE;
	v8 =	vshll.u32 v22, $0x7;
	v7 =	vadd.s32 v2, v7  }
0x21a: {  	v8 =	vor.u32 v8, v9;
	v25 =	vand.u32 $0xFFFFFF80, v7  }
0x21b: {  	v7 =	vand.u32 $0x7F, v7;
	v8 =	vadd.s32 v25, v8  }
0x21c: {  	v7 =	vor.u32 v7, v8;
	_ =	sdelay $0x2  }
0x21d: {  	v26 =	vor.u32 $0x50, v5  }
0x21e: {  	v27 =	vshrl.u32 v26, v4  }
0x21f: {  	v28 =	vshll.u32 v27, $0x7;
	v7 =	vld.idx.msk [tilespmem:v7+s17+$0x0], $0xffff  }
0x220: {  	v10 =	vor.u32 v26, v28;
	_ =	sdelay $0x3  }
0x221: {  	[tilespmem:$0x9580] =	vst v7  }
0x222: {  	v7 =	vld.idx.msk [tilespmem:v10+s2+$0x0], $0xffff;
	_ =	sdelay $0x4  }
0x223: {  	v7 =	vand.u32 $0xF, v7  }
0x224: {  	v7 =	vshll.u32 v7, v3  }
0x225: {  	v9 =	vshll.u32 v27, $0xE;
	v8 =	vshll.u32 v26, $0x7;
	v7 =	vadd.s32 v2, v7  }
0x226: {  	v8 =	vor.u32 v8, v9;
	v29 =	vand.u32 $0xFFFFFF80, v7  }
0x227: {  	v7 =	vand.u32 $0x7F, v7;
	v8 =	vadd.s32 v29, v8  }
0x228: {  	v7 =	vor.u32 v7, v8;
	_ =	sdelay $0x2  }
0x229: {  	v30 =	vadd.s32 $0x52, v5  }
0x22a: {  	v31 =	vshrl.u32 v30, v4  }
0x22b: {  	v32 =	vshll.u32 v31, $0x7;
	v7 =	vld.idx.msk [tilespmem:v7+s17+$0x0], $0xffff  }
0x22c: {  	v10 =	vor.u32 v30, v32;
	_ =	sdelay $0x3  }
0x22d: {  	[tilespmem:$0x9600] =	vst v7  }
0x22e: {  	v7 =	vld.idx.msk [tilespmem:v10+s2+$0x0], $0xffff;
	_ =	sdelay $0x4  }
0x22f: {  	v7 =	vand.u32 $0xF, v7  }
0x230: {  	v7 =	vshll.u32 v7, v3  }
0x231: {  	v9 =	vshll.u32 v31, $0xE;
	v8 =	vshll.u32 v30, $0x7;
	v7 =	vadd.s32 v2, v7  }
0x232: {  	v8 =	vor.u32 v8, v9;
	v33 =	vand.u32 $0xFFFFFF80, v7  }
0x233: {  	v7 =	vand.u32 $0x7F, v7;
	v8 =	vadd.s32 v33, v8  }
0x234: {  	v7 =	vor.u32 v7, v8;
	_ =	sdelay $0x2  }
0x235: {  	v34 =	vadd.s32 $0x54, v5  }
0x236: {  	v35 =	vshrl.u32 v34, v4  }
0x237: {  	v36 =	vshll.u32 v35, $0x7;
	v7 =	vld.idx.msk [tilespmem:v7+s17+$0x0], $0xffff  }
0x238: {  	v10 =	vor.u32 v34, v36;
	_ =	sdelay $0x3  }
0x239: {  	[tilespmem:$0x9680] =	vst v7  }
0x23a: {  	v7 =	vld.idx.msk [tilespmem:v10+s2+$0x0], $0xffff;
	_ =	sdelay $0x4  }
0x23b: {  	v7 =	vand.u32 $0xF, v7  }
0x23c: {  	v7 =	vshll.u32 v7, v3  }
0x23d: {  	v9 =	vshll.u32 v35, $0xE;
	v8 =	vshll.u32 v34, $0x7;
	v7 =	vadd.s32 v2, v7  }
0x23e: {  	v8 =	vor.u32 v8, v9;
	v37 =	vand.u32 $0xFFFFFF80, v7  }
0x23f: {  	v7 =	vand.u32 $0x7F, v7;
	v8 =	vadd.s32 v37, v8  }
0x240: {  	v7 =	vor.u32 v7, v8;
	_ =	sdelay $0x2  }
0x241: {  	v38 =	vadd.s32 $0x56, v5  }
0x242: {  	v39 =	vshrl.u32 v38, v4  }
0x243: {  	v40 =	vshll.u32 v39, $0x7;
	v7 =	vld.idx.msk [tilespmem:v7+s17+$0x0], $0xffff  }
0x244: {  	v10 =	vor.u32 v38, v40;
	_ =	sdelay $0x3  }
0x245: {  	[tilespmem:$0x9700] =	vst v7  }
0x246: {  	v7 =	vld.idx.msk [tilespmem:v10+s2+$0x0], $0xffff;
	_ =	sdelay $0x4  }
0x247: {  	v7 =	vand.u32 $0xF, v7  }
0x248: {  	v7 =	vshll.u32 v7, v3  }
0x249: {  	v9 =	vshll.u32 v39, $0xE;
	v8 =	vshll.u32 v38, $0x7;
	v7 =	vadd.s32 v2, v7  }
0x24a: {  	v8 =	vor.u32 v8, v9;
	v41 =	vand.u32 $0xFFFFFF80, v7  }
0x24b: {  	v7 =	vand.u32 $0x7F, v7;
	v8 =	vadd.s32 v41, v8  }
0x24c: {  	v7 =	vor.u32 v7, v8;
	_ =	sdelay $0x2  }
0x24d: {  	v42 =	vadd.s32 $0x58, v5  }
0x24e: {  	v43 =	vshrl.u32 v42, v4  }
0x24f: {  	v44 =	vshll.u32 v43, $0x7;
	v7 =	vld.idx.msk [tilespmem:v7+s17+$0x0], $0xffff  }
0x250: {  	v10 =	vor.u32 v42, v44;
	_ =	sdelay $0x3  }
0x251: {  	[tilespmem:$0x9780] =	vst v7  }
0x252: {  	v7 =	vld.idx.msk [tilespmem:v10+s2+$0x0], $0xffff;
	_ =	sdelay $0x4  }
0x253: {  	v7 =	vand.u32 $0xF, v7  }
0x254: {  	v7 =	vshll.u32 v7, v3  }
0x255: {  	v9 =	vshll.u32 v43, $0xE;
	v8 =	vshll.u32 v42, $0x7;
	v7 =	vadd.s32 v2, v7  }
0x256: {  	v8 =	vor.u32 v8, v9;
	v45 =	vand.u32 $0xFFFFFF80, v7  }
0x257: {  	v7 =	vand.u32 $0x7F, v7;
	v8 =	vadd.s32 v45, v8  }
0x258: {  	v7 =	vor.u32 v7, v8;
	_ =	sdelay $0x2  }
0x259: {  	v46 =	vadd.s32 $0x5A, v5  }
0x25a: {  	v47 =	vshrl.u32 v46, v4  }
0x25b: {  	v48 =	vshll.u32 v47, $0x7;
	v7 =	vld.idx.msk [tilespmem:v7+s17+$0x0], $0xffff  }
0x25c: {  	v10 =	vor.u32 v46, v48;
	_ =	sdelay $0x3  }
0x25d: {  	[tilespmem:$0x9800] =	vst v7  }
0x25e: {  	v7 =	vld.idx.msk [tilespmem:v10+s2+$0x0], $0xffff;
	_ =	sdelay $0x4  }
0x25f: {  	v7 =	vand.u32 $0xF, v7  }
0x260: {  	v7 =	vshll.u32 v7, v3  }
0x261: {  	v9 =	vshll.u32 v47, $0xE;
	v8 =	vshll.u32 v46, $0x7;
	v7 =	vadd.s32 v2, v7  }
0x262: {  	v8 =	vor.u32 v8, v9;
	v49 =	vand.u32 $0xFFFFFF80, v7  }
0x263: {  	v7 =	vand.u32 $0x7F, v7;
	v8 =	vadd.s32 v49, v8  }
0x264: {  	v7 =	vor.u32 v7, v8;
	_ =	sdelay $0x2  }
0x265: {  	v50 =	vadd.s32 $0x5C, v5  }
0x266: {  	v51 =	vshrl.u32 v50, v4  }
0x267: {  	v52 =	vshll.u32 v51, $0x7;
	v7 =	vld.idx.msk [tilespmem:v7+s17+$0x0], $0xffff  }
0x268: {  	v10 =	vor.u32 v50, v52;
	_ =	sdelay $0x3  }
0x269: {  	[tilespmem:$0x9880] =	vst v7  }
0x26a: {  	v7 =	vld.idx.msk [tilespmem:v10+s2+$0x0], $0xffff;
	_ =	sdelay $0x4  }
0x26b: {  	v7 =	vand.u32 $0xF, v7  }
0x26c: {  	v7 =	vshll.u32 v7, v3  }
0x26d: {  	v9 =	vshll.u32 v51, $0xE;
	v8 =	vshll.u32 v50, $0x7;
	v7 =	vadd.s32 v2, v7  }
0x26e: {  	v8 =	vor.u32 v8, v9;
	v53 =	vand.u32 $0xFFFFFF80, v7  }
0x26f: {  	v7 =	vand.u32 $0x7F, v7;
	v8 =	vadd.s32 v53, v8  }
0x270: {  	v7 =	vor.u32 v7, v8;
	_ =	sdelay $0x2  }
0x271: {  	v54 =	vadd.s32 $0x5E, v5  }
0x272: {  	v55 =	vshrl.u32 v54, v4  }
0x273: {  	v56 =	vshll.u32 v55, $0x7;
	v7 =	vld.idx.msk [tilespmem:v7+s17+$0x0], $0xffff  }
0x274: {  	v10 =	vor.u32 v54, v56;
	_ =	sdelay $0x3  }
0x275: {  	[tilespmem:$0x9900] =	vst v7  }
0x276: {  	v7 =	vld.idx.msk [tilespmem:v10+s2+$0x0], $0xffff;
	_ =	sdelay $0x4  }
0x277: {  	v7 =	vand.u32 $0xF, v7  }
0x278: {  	v7 =	vshll.u32 v7, v3  }
0x279: {  	v9 =	vshll.u32 v55, $0xE;
	v8 =	vshll.u32 v54, $0x7;
	v7 =	vadd.s32 v2, v7  }
0x27a: {  	v8 =	vor.u32 v8, v9;
	v57 =	vand.u32 $0xFFFFFF80, v7  }
0x27b: {  	v7 =	vand.u32 $0x7F, v7;
	v8 =	vadd.s32 v57, v8  }
0x27c: {  	v7 =	vor.u32 v7, v8;
	_ =	sdelay $0x2  }
0x27d: {  	v58 =	vor.u32 $0x60, v5  }
0x27e: {  	v59 =	vshrl.u32 v58, v4  }
0x27f: {  	v60 =	vshll.u32 v59, $0x7;
	v7 =	vld.idx.msk [tilespmem:v7+s17+$0x0], $0xffff  }
0x280: {  	v10 =	vor.u32 v58, v60;
	_ =	sdelay $0x3  }
0x281: {  	[tilespmem:$0x9980] =	vst v7  }
0x282: {  	v7 =	vld.idx.msk [tilespmem:v10+s2+$0x0], $0xffff;
	_ =	sdelay $0x4  }
0x283: {  	v7 =	vand.u32 $0xF, v7  }
0x284: {  	v7 =	vshll.u32 v7, v3  }
0x285: {  	v9 =	vshll.u32 v59, $0xE;
	v8 =	vshll.u32 v58, $0x7;
	v7 =	vadd.s32 v2, v7  }
0x286: {  	v8 =	vor.u32 v8, v9;
	v61 =	vand.u32 $0xFFFFFF80, v7  }
0x287: {  	v7 =	vand.u32 $0x7F, v7;
	v8 =	vadd.s32 v61, v8  }
0x288: {  	v7 =	vor.u32 v7, v8;
	_ =	sdelay $0x2  }
0x289: {  	v62 =	vadd.s32 $0x62, v5  }
0x28a: {  	v63 =	vshrl.u32 v62, v4  }
0x28b: {  	v12 =	vshll.u32 v63, $0x7;
	v7 =	vld.idx.msk [tilespmem:v7+s17+$0x0], $0xffff  }
0x28c: {  	v10 =	vor.u32 v62, v12;
	_ =	sdelay $0x3  }
0x28d: {  	[tilespmem:$0x9A00] =	vst v7  }
0x28e: {  	v7 =	vld.idx.msk [tilespmem:v10+s2+$0x0], $0xffff;
	_ =	sdelay $0x4  }
0x28f: {  	v7 =	vand.u32 $0xF, v7  }
0x290: {  	v7 =	vshll.u32 v7, v3  }
0x291: {  	v9 =	vshll.u32 v63, $0xE;
	v8 =	vshll.u32 v62, $0x7;
	v7 =	vadd.s32 v2, v7  }
0x292: {  	v8 =	vor.u32 v8, v9;
	v13 =	vand.u32 $0xFFFFFF80, v7  }
0x293: {  	v7 =	vand.u32 $0x7F, v7;
	v8 =	vadd.s32 v13, v8  }
0x294: {  	v7 =	vor.u32 v7, v8;
	_ =	sdelay $0x2  }
0x295: {  	v14 =	vadd.s32 $0x64, v5  }
0x296: {  	v15 =	vshrl.u32 v14, v4  }
0x297: {  	v16 =	vshll.u32 v15, $0x7;
	v7 =	vld.idx.msk [tilespmem:v7+s17+$0x0], $0xffff  }
0x298: {  	v10 =	vor.u32 v14, v16;
	_ =	sdelay $0x3  }
0x299: {  	[tilespmem:$0x9A80] =	vst v7  }
0x29a: {  	v7 =	vld.idx.msk [tilespmem:v10+s2+$0x0], $0xffff;
	_ =	sdelay $0x4  }
0x29b: {  	v7 =	vand.u32 $0xF, v7  }
0x29c: {  	v7 =	vshll.u32 v7, v3  }
0x29d: {  	v9 =	vshll.u32 v15, $0xE;
	v8 =	vshll.u32 v14, $0x7;
	v7 =	vadd.s32 v2, v7  }
0x29e: {  	v8 =	vor.u32 v8, v9;
	v17 =	vand.u32 $0xFFFFFF80, v7  }
0x29f: {  	v7 =	vand.u32 $0x7F, v7;
	v8 =	vadd.s32 v17, v8  }
0x2a0: {  	v7 =	vor.u32 v7, v8;
	_ =	sdelay $0x2  }
0x2a1: {  	v18 =	vadd.s32 $0x66, v5  }
0x2a2: {  	v19 =	vshrl.u32 v18, v4  }
0x2a3: {  	v20 =	vshll.u32 v19, $0x7;
	v7 =	vld.idx.msk [tilespmem:v7+s17+$0x0], $0xffff  }
0x2a4: {  	v10 =	vor.u32 v18, v20;
	_ =	sdelay $0x3  }
0x2a5: {  	[tilespmem:$0x9B00] =	vst v7  }
0x2a6: {  	v7 =	vld.idx.msk [tilespmem:v10+s2+$0x0], $0xffff;
	_ =	sdelay $0x4  }
0x2a7: {  	v7 =	vand.u32 $0xF, v7  }
0x2a8: {  	v7 =	vshll.u32 v7, v3  }
0x2a9: {  	v9 =	vshll.u32 v19, $0xE;
	v8 =	vshll.u32 v18, $0x7;
	v7 =	vadd.s32 v2, v7  }
0x2aa: {  	v8 =	vor.u32 v8, v9;
	v21 =	vand.u32 $0xFFFFFF80, v7  }
0x2ab: {  	v7 =	vand.u32 $0x7F, v7;
	v8 =	vadd.s32 v21, v8  }
0x2ac: {  	v7 =	vor.u32 v7, v8;
	_ =	sdelay $0x2  }
0x2ad: {  	v22 =	vadd.s32 $0x68, v5  }
0x2ae: {  	v23 =	vshrl.u32 v22, v4  }
0x2af: {  	v24 =	vshll.u32 v23, $0x7;
	v7 =	vld.idx.msk [tilespmem:v7+s17+$0x0], $0xffff  }
0x2b0: {  	v10 =	vor.u32 v22, v24;
	_ =	sdelay $0x3  }
0x2b1: {  	[tilespmem:$0x9B80] =	vst v7  }
0x2b2: {  	v7 =	vld.idx.msk [tilespmem:v10+s2+$0x0], $0xffff;
	_ =	sdelay $0x4  }
0x2b3: {  	v7 =	vand.u32 $0xF, v7  }
0x2b4: {  	v7 =	vshll.u32 v7, v3  }
0x2b5: {  	v9 =	vshll.u32 v23, $0xE;
	v8 =	vshll.u32 v22, $0x7;
	v7 =	vadd.s32 v2, v7  }
0x2b6: {  	v8 =	vor.u32 v8, v9;
	v25 =	vand.u32 $0xFFFFFF80, v7  }
0x2b7: {  	v7 =	vand.u32 $0x7F, v7;
	v8 =	vadd.s32 v25, v8  }
0x2b8: {  	v7 =	vor.u32 v7, v8;
	_ =	sdelay $0x2  }
0x2b9: {  	v26 =	vadd.s32 $0x6A, v5  }
0x2ba: {  	v27 =	vshrl.u32 v26, v4  }
0x2bb: {  	v28 =	vshll.u32 v27, $0x7;
	v7 =	vld.idx.msk [tilespmem:v7+s17+$0x0], $0xffff  }
0x2bc: {  	v10 =	vor.u32 v26, v28;
	_ =	sdelay $0x3  }
0x2bd: {  	[tilespmem:$0x9C00] =	vst v7  }
0x2be: {  	v7 =	vld.idx.msk [tilespmem:v10+s2+$0x0], $0xffff;
	_ =	sdelay $0x4  }
0x2bf: {  	v7 =	vand.u32 $0xF, v7  }
0x2c0: {  	v7 =	vshll.u32 v7, v3  }
0x2c1: {  	v9 =	vshll.u32 v27, $0xE;
	v8 =	vshll.u32 v26, $0x7;
	v7 =	vadd.s32 v2, v7  }
0x2c2: {  	v8 =	vor.u32 v8, v9;
	v29 =	vand.u32 $0xFFFFFF80, v7  }
0x2c3: {  	v7 =	vand.u32 $0x7F, v7;
	v8 =	vadd.s32 v29, v8  }
0x2c4: {  	v7 =	vor.u32 v7, v8;
	_ =	sdelay $0x2  }
0x2c5: {  	v30 =	vadd.s32 $0x6C, v5  }
0x2c6: {  	v31 =	vshrl.u32 v30, v4  }
0x2c7: {  	v32 =	vshll.u32 v31, $0x7;
	v7 =	vld.idx.msk [tilespmem:v7+s17+$0x0], $0xffff  }
0x2c8: {  	v10 =	vor.u32 v30, v32;
	_ =	sdelay $0x3  }
0x2c9: {  	[tilespmem:$0x9C80] =	vst v7  }
0x2ca: {  	v7 =	vld.idx.msk [tilespmem:v10+s2+$0x0], $0xffff;
	_ =	sdelay $0x4  }
0x2cb: {  	v7 =	vand.u32 $0xF, v7  }
0x2cc: {  	v7 =	vshll.u32 v7, v3  }
0x2cd: {  	v9 =	vshll.u32 v31, $0xE;
	v8 =	vshll.u32 v30, $0x7;
	v7 =	vadd.s32 v2, v7  }
0x2ce: {  	v8 =	vor.u32 v8, v9;
	v33 =	vand.u32 $0xFFFFFF80, v7  }
0x2cf: {  	v7 =	vand.u32 $0x7F, v7;
	v8 =	vadd.s32 v33, v8  }
0x2d0: {  	v7 =	vor.u32 v7, v8;
	_ =	sdelay $0x2  }
0x2d1: {  	v34 =	vadd.s32 $0x6E, v5  }
0x2d2: {  	v35 =	vshrl.u32 v34, v4  }
0x2d3: {  	v36 =	vshll.u32 v35, $0x7;
	v7 =	vld.idx.msk [tilespmem:v7+s17+$0x0], $0xffff  }
0x2d4: {  	v10 =	vor.u32 v34, v36;
	_ =	sdelay $0x3  }
0x2d5: {  	[tilespmem:$0x9D00] =	vst v7  }
0x2d6: {  	v7 =	vld.idx.msk [tilespmem:v10+s2+$0x0], $0xffff;
	_ =	sdelay $0x4  }
0x2d7: {  	v7 =	vand.u32 $0xF, v7  }
0x2d8: {  	v7 =	vshll.u32 v7, v3  }
0x2d9: {  	v9 =	vshll.u32 v35, $0xE;
	v8 =	vshll.u32 v34, $0x7;
	v7 =	vadd.s32 v2, v7  }
0x2da: {  	v8 =	vor.u32 v8, v9;
	v37 =	vand.u32 $0xFFFFFF80, v7  }
0x2db: {  	v7 =	vand.u32 $0x7F, v7;
	v8 =	vadd.s32 v37, v8  }
0x2dc: {  	v7 =	vor.u32 v7, v8;
	_ =	sdelay $0x2  }
0x2dd: {  	v38 =	vor.u32 $0x70, v5  }
0x2de: {  	v39 =	vshrl.u32 v38, v4  }
0x2df: {  	v40 =	vshll.u32 v39, $0x7;
	v7 =	vld.idx.msk [tilespmem:v7+s17+$0x0], $0xffff  }
0x2e0: {  	v10 =	vor.u32 v38, v40;
	_ =	sdelay $0x3  }
0x2e1: {  	[tilespmem:$0x9D80] =	vst v7  }
0x2e2: {  	v7 =	vld.idx.msk [tilespmem:v10+s2+$0x0], $0xffff;
	_ =	sdelay $0x4  }
0x2e3: {  	v7 =	vand.u32 $0xF, v7  }
0x2e4: {  	v7 =	vshll.u32 v7, v3  }
0x2e5: {  	v9 =	vshll.u32 v39, $0xE;
	v8 =	vshll.u32 v38, $0x7;
	v7 =	vadd.s32 v2, v7  }
0x2e6: {  	v8 =	vor.u32 v8, v9;
	v41 =	vand.u32 $0xFFFFFF80, v7  }
0x2e7: {  	v7 =	vand.u32 $0x7F, v7;
	v8 =	vadd.s32 v41, v8  }
0x2e8: {  	v7 =	vor.u32 v7, v8;
	_ =	sdelay $0x2  }
0x2e9: {  	v42 =	vadd.s32 $0x72, v5  }
0x2ea: {  	v43 =	vshrl.u32 v42, v4  }
0x2eb: {  	v44 =	vshll.u32 v43, $0x7;
	v8 =	vand.u32 $0x7F, v42;
	v7 =	vld.idx.msk [tilespmem:v7+s17+$0x0], $0xffff  }
0x2ec: {  	v10 =	vor.u32 v8, v44;
	_ =	sdelay $0x3  }
0x2ed: {  	[tilespmem:$0x9E00] =	vst v7  }
0x2ee: {  	v7 =	vld.idx.msk [tilespmem:v10+s2+$0x0], $0xffff;
	_ =	sdelay $0x4  }
0x2ef: {  	v7 =	vand.u32 $0xF, v7  }
0x2f0: {  	v7 =	vshll.u32 v7, v3  }
0x2f1: {  	v9 =	vshll.u32 v43, $0xE;
	v8 =	vshll.u32 v8, $0x7;
	v7 =	vadd.s32 v2, v7  }
0x2f2: {  	v8 =	vor.u32 v8, v9;
	v45 =	vand.u32 $0xFFFFFF80, v7  }
0x2f3: {  	v7 =	vand.u32 $0x7F, v7;
	v8 =	vadd.s32 v45, v8  }
0x2f4: {  	v7 =	vor.u32 v7, v8;
	_ =	sdelay $0x2  }
0x2f5: {  	v46 =	vadd.s32 $0x74, v5  }
0x2f6: {  	v47 =	vshrl.u32 v46, v4  }
0x2f7: {  	v48 =	vshll.u32 v47, $0x7;
	v8 =	vand.u32 $0x7F, v46;
	v7 =	vld.idx.msk [tilespmem:v7+s17+$0x0], $0xffff  }
0x2f8: {  	v10 =	vor.u32 v8, v48;
	_ =	sdelay $0x3  }
0x2f9: {  	[tilespmem:$0x9E80] =	vst v7  }
0x2fa: {  	v7 =	vld.idx.msk [tilespmem:v10+s2+$0x0], $0xffff;
	_ =	sdelay $0x4  }
0x2fb: {  	v7 =	vand.u32 $0xF, v7  }
0x2fc: {  	v7 =	vshll.u32 v7, v3  }
0x2fd: {  	v9 =	vshll.u32 v47, $0xE;
	v8 =	vshll.u32 v8, $0x7;
	v7 =	vadd.s32 v2, v7  }
0x2fe: {  	v8 =	vor.u32 v8, v9;
	v49 =	vand.u32 $0xFFFFFF80, v7  }
0x2ff: {  	v7 =	vand.u32 $0x7F, v7;
	v8 =	vadd.s32 v49, v8  }
0x300: {  	v7 =	vor.u32 v7, v8;
	_ =	sdelay $0x2  }
0x301: {  	v50 =	vadd.s32 $0x76, v5  }
0x302: {  	v51 =	vshrl.u32 v50, v4  }
0x303: {  	v52 =	vshll.u32 v51, $0x7;
	v8 =	vand.u32 $0x7F, v50;
	v7 =	vld.idx.msk [tilespmem:v7+s17+$0x0], $0xffff  }
0x304: {  	v10 =	vor.u32 v8, v52;
	_ =	sdelay $0x3  }
0x305: {  	[tilespmem:$0x9F00] =	vst v7  }
0x306: {  	v7 =	vld.idx.msk [tilespmem:v10+s2+$0x0], $0xffff;
	_ =	sdelay $0x4  }
0x307: {  	v7 =	vand.u32 $0xF, v7  }
0x308: {  	v7 =	vshll.u32 v7, v3  }
0x309: {  	v9 =	vshll.u32 v51, $0xE;
	v8 =	vshll.u32 v8, $0x7;
	v7 =	vadd.s32 v2, v7  }
0x30a: {  	v8 =	vor.u32 v8, v9;
	v53 =	vand.u32 $0xFFFFFF80, v7  }
0x30b: {  	v7 =	vand.u32 $0x7F, v7;
	v8 =	vadd.s32 v53, v8  }
0x30c: {  	v7 =	vor.u32 v7, v8;
	_ =	sdelay $0x2  }
0x30d: {  	v54 =	vadd.s32 $0x78, v5  }
0x30e: {  	v55 =	vshrl.u32 v54, v4  }
0x30f: {  	v56 =	vshll.u32 v55, $0x7;
	v8 =	vand.u32 $0x7F, v54;
	v7 =	vld.idx.msk [tilespmem:v7+s17+$0x0], $0xffff  }
0x310: {  	v10 =	vor.u32 v8, v56;
	_ =	sdelay $0x3  }
0x311: {  	[tilespmem:$0x9F80] =	vst v7  }
0x312: {  	v7 =	vld.idx.msk [tilespmem:v10+s2+$0x0], $0xffff;
	_ =	sdelay $0x4  }
0x313: {  	v7 =	vand.u32 $0xF, v7  }
0x314: {  	v7 =	vshll.u32 v7, v3  }
0x315: {  	v9 =	vshll.u32 v55, $0xE;
	v8 =	vshll.u32 v8, $0x7;
	v7 =	vadd.s32 v2, v7  }
0x316: {  	v8 =	vor.u32 v8, v9;
	v57 =	vand.u32 $0xFFFFFF80, v7  }
0x317: {  	v7 =	vand.u32 $0x7F, v7;
	v8 =	vadd.s32 v57, v8  }
0x318: {  	v7 =	vor.u32 v7, v8;
	_ =	sdelay $0x2  }
0x319: {  	v58 =	vadd.s32 $0x7A, v5  }
0x31a: {  	v59 =	vshrl.u32 v58, v4  }
0x31b: {  	v60 =	vshll.u32 v59, $0x7;
	v8 =	vand.u32 $0x7F, v58;
	v7 =	vld.idx.msk [tilespmem:v7+s17+$0x0], $0xffff  }
0x31c: {  	v10 =	vor.u32 v8, v60;
	_ =	sdelay $0x3  }
0x31d: {  	[tilespmem:$0xA000] =	vst v7  }
0x31e: {  	v7 =	vld.idx.msk [tilespmem:v10+s2+$0x0], $0xffff;
	_ =	sdelay $0x4  }
0x31f: {  	v7 =	vand.u32 $0xF, v7  }
0x320: {  	v7 =	vshll.u32 v7, v3  }
0x321: {  	v9 =	vshll.u32 v59, $0xE;
	v8 =	vshll.u32 v8, $0x7;
	v7 =	vadd.s32 v2, v7  }
0x322: {  	v8 =	vor.u32 v8, v9;
	v61 =	vand.u32 $0xFFFFFF80, v7  }
0x323: {  	v7 =	vand.u32 $0x7F, v7;
	v8 =	vadd.s32 v61, v8  }
0x324: {  	v7 =	vor.u32 v7, v8;
	_ =	sdelay $0x2  }
0x325: {  	v62 =	vadd.s32 $0x7C, v5  }
0x326: {  	v63 =	vshrl.u32 v62, v4  }
0x327: {  	v12 =	vshll.u32 v63, $0x7;
	v8 =	vand.u32 $0x7F, v62;
	v7 =	vld.idx.msk [tilespmem:v7+s17+$0x0], $0xffff  }
0x328: {  	v10 =	vor.u32 v8, v12;
	_ =	sdelay $0x3  }
0x329: {  	[tilespmem:$0xA080] =	vst v7  }
0x32a: {  	v7 =	vld.idx.msk [tilespmem:v10+s2+$0x0], $0xffff;
	_ =	sdelay $0x4  }
0x32b: {  	v7 =	vand.u32 $0xF, v7  }
0x32c: {  	v7 =	vshll.u32 v7, v3  }
0x32d: {  	v9 =	vshll.u32 v63, $0xE;
	v8 =	vshll.u32 v8, $0x7;
	v7 =	vadd.s32 v2, v7  }
0x32e: {  	v8 =	vor.u32 v8, v9;
	v13 =	vand.u32 $0xFFFFFF80, v7  }
0x32f: {  	v7 =	vand.u32 $0x7F, v7;
	v8 =	vadd.s32 v13, v8  }
0x330: {  	v7 =	vor.u32 v7, v8;
	_ =	sdelay $0x2  }
0x331: {  	v14 =	vadd.s32 $0x7E, v5  }
0x332: {  	v15 =	vshrl.u32 v14, v4  }
0x333: {  	v16 =	vshll.u32 v15, $0x7;
	v8 =	vand.u32 $0x7F, v14;
	v7 =	vld.idx.msk [tilespmem:v7+s17+$0x0], $0xffff  }
0x334: {  	v10 =	vor.u32 v8, v16;
	_ =	sdelay $0x3  }
0x335: {  	[tilespmem:$0xA100] =	vst v7  }
0x336: {  	v7 =	vld.idx.msk [tilespmem:v10+s2+$0x0], $0xffff;
	_ =	sdelay $0x4  }
0x337: {  	v7 =	vand.u32 $0xF, v7  }
0x338: {  	v7 =	vshll.u32 v7, v3  }
0x339: {  	v9 =	vshll.u32 v15, $0xE;
	v8 =	vshll.u32 v8, $0x7;
	v7 =	vadd.s32 v2, v7  }
0x33a: {  	v8 =	vor.u32 v8, v9;
	v17 =	vand.u32 $0xFFFFFF80, v7  }
0x33b: {  	v7 =	vand.u32 $0x7F, v7;
	v8 =	vadd.s32 v17, v8  }
0x33c: {  	v7 =	vor.u32 v7, v8;
	_ =	sdelay $0x4  }
0x33d: {  	v7 =	vld.idx.msk [tilespmem:v7+s17+$0x0], $0xffff  }
0x33e: {  	v18 =	vor.u32 $0x80, v5  }
0x33f: {  	v8 =	vshrl.u32 v18, v4  }
0x340: {  	v19 =	vshll.u32 v8, $0x7  }
0x341: {  	v9 =	vor.u32 v5, v19  }
0x342: {  	[tilespmem:$0xA180] =	vst v7  }
0x343: {  	_ =	swait.ge [sflag:s8], $0x4000  }
0x344: {  	[sflag:s8] =	ssyncset.done $0x0  }
0x345: {  	[sflag:s8] =	ssyncadd.s32 $0xFFFFC000  }
0x346: {  	v20 =	vld.idx.msk [tilespmem:v9+s2+$0x0], $0xffff;
	_ =	sdelay $0x4  }
0x347: {  	v7 =	vand.u32 $0xF, v20  }
0x348: {  	v7 =	vshll.u32 v7, v3  }
0x349: {  	v8 =	vshll.u32 v8, $0xE;
	v7 =	vadd.s32 v2, v7  }
0x34a: {  	v6 =	vor.u32 v6, v8;
	v21 =	vand.u32 $0xFFFFFF80, v7  }
0x34b: {  	v7 =	vand.u32 $0x7F, v7;
	v6 =	vadd.s32 v21, v6  }
0x34c: {  	v6 =	vor.u32 v7, v6;
	_ =	sdelay $0x2  }
0x34d: {  	v22 =	vadd.s32 $0x82, v5  }
0x34e: {  	v23 =	vshrl.u32 v22, v4  }
0x34f: {  	v24 =	vshll.u32 v23, $0x7;
	v7 =	vand.u32 $0x1F, v22;
	v6 =	vld.idx.msk [tilespmem:v6+s17+$0x0], $0xffff  }
0x350: {  	v9 =	vor.u32 v7, v24;
	_ =	sdelay $0x3  }
0x351: {  	[tilespmem:$0xA200] =	vst v6  }
0x352: {  	v6 =	vld.idx.msk [tilespmem:v9+s2+$0x0], $0xffff;
	_ =	sdelay $0x4  }
0x353: {  	v6 =	vand.u32 $0xF, v6  }
0x354: {  	v6 =	vshll.u32 v6, v3  }
0x355: {  	v8 =	vshll.u32 v23, $0xE;
	v7 =	vshll.u32 v7, $0x7;
	v6 =	vadd.s32 v2, v6  }
0x356: {  	v7 =	vor.u32 v7, v8;
	v25 =	vand.u32 $0xFFFFFF80, v6  }
0x357: {  	v6 =	vand.u32 $0x7F, v6;
	v7 =	vadd.s32 v25, v7  }
0x358: {  	v6 =	vor.u32 v6, v7;
	_ =	sdelay $0x2  }
0x359: {  	v26 =	vadd.s32 $0x84, v5  }
0x35a: {  	v27 =	vshrl.u32 v26, v4  }
0x35b: {  	v28 =	vshll.u32 v27, $0x7;
	v7 =	vand.u32 $0x1F, v26;
	v6 =	vld.idx.msk [tilespmem:v6+s17+$0x0], $0xffff  }
0x35c: {  	v9 =	vor.u32 v7, v28;
	_ =	sdelay $0x3  }
0x35d: {  	[tilespmem:$0xA280] =	vst v6  }
0x35e: {  	v6 =	vld.idx.msk [tilespmem:v9+s2+$0x0], $0xffff;
	_ =	sdelay $0x4  }
0x35f: {  	v6 =	vand.u32 $0xF, v6  }
0x360: {  	v6 =	vshll.u32 v6, v3  }
0x361: {  	v8 =	vshll.u32 v27, $0xE;
	v7 =	vshll.u32 v7, $0x7;
	v6 =	vadd.s32 v2, v6  }
0x362: {  	v7 =	vor.u32 v7, v8;
	v29 =	vand.u32 $0xFFFFFF80, v6  }
0x363: {  	v6 =	vand.u32 $0x7F, v6;
	v7 =	vadd.s32 v29, v7  }
0x364: {  	v6 =	vor.u32 v6, v7;
	_ =	sdelay $0x2  }
0x365: {  	v30 =	vadd.s32 $0x86, v5  }
0x366: {  	v31 =	vshrl.u32 v30, v4  }
0x367: {  	v32 =	vshll.u32 v31, $0x7;
	v7 =	vand.u32 $0x1F, v30;
	v6 =	vld.idx.msk [tilespmem:v6+s17+$0x0], $0xffff  }
0x368: {  	v9 =	vor.u32 v7, v32;
	_ =	sdelay $0x3  }
0x369: {  	[tilespmem:$0xA300] =	vst v6  }
0x36a: {  	v6 =	vld.idx.msk [tilespmem:v9+s2+$0x0], $0xffff;
	_ =	sdelay $0x4  }
0x36b: {  	v6 =	vand.u32 $0xF, v6  }
0x36c: {  	v6 =	vshll.u32 v6, v3  }
0x36d: {  	v8 =	vshll.u32 v31, $0xE;
	v7 =	vshll.u32 v7, $0x7;
	v6 =	vadd.s32 v2, v6  }
0x36e: {  	v7 =	vor.u32 v7, v8;
	v33 =	vand.u32 $0xFFFFFF80, v6  }
0x36f: {  	v6 =	vand.u32 $0x7F, v6;
	v7 =	vadd.s32 v33, v7  }
0x370: {  	v6 =	vor.u32 v6, v7;
	_ =	sdelay $0x2  }
0x371: {  	v34 =	vadd.s32 $0x88, v5  }
0x372: {  	v35 =	vshrl.u32 v34, v4  }
0x373: {  	v36 =	vshll.u32 v35, $0x7;
	v7 =	vand.u32 $0x1F, v34;
	v6 =	vld.idx.msk [tilespmem:v6+s17+$0x0], $0xffff  }
0x374: {  	v9 =	vor.u32 v7, v36;
	_ =	sdelay $0x3  }
0x375: {  	[tilespmem:$0xA380] =	vst v6  }
0x376: {  	v6 =	vld.idx.msk [tilespmem:v9+s2+$0x0], $0xffff;
	_ =	sdelay $0x4  }
0x377: {  	v6 =	vand.u32 $0xF, v6  }
0x378: {  	v6 =	vshll.u32 v6, v3  }
0x379: {  	v8 =	vshll.u32 v35, $0xE;
	v7 =	vshll.u32 v7, $0x7;
	v6 =	vadd.s32 v2, v6  }
0x37a: {  	v7 =	vor.u32 v7, v8;
	v37 =	vand.u32 $0xFFFFFF80, v6  }
0x37b: {  	v6 =	vand.u32 $0x7F, v6;
	v7 =	vadd.s32 v37, v7  }
0x37c: {  	v6 =	vor.u32 v6, v7;
	_ =	sdelay $0x2  }
0x37d: {  	v38 =	vadd.s32 $0x8A, v5  }
0x37e: {  	v39 =	vshrl.u32 v38, v4  }
0x37f: {  	v40 =	vshll.u32 v39, $0x7;
	v7 =	vand.u32 $0x1F, v38;
	v6 =	vld.idx.msk [tilespmem:v6+s17+$0x0], $0xffff  }
0x380: {  	v9 =	vor.u32 v7, v40;
	_ =	sdelay $0x3  }
0x381: {  	[tilespmem:$0xA400] =	vst v6  }
0x382: {  	v6 =	vld.idx.msk [tilespmem:v9+s2+$0x0], $0xffff;
	_ =	sdelay $0x4  }
0x383: {  	v6 =	vand.u32 $0xF, v6  }
0x384: {  	v6 =	vshll.u32 v6, v3  }
0x385: {  	v8 =	vshll.u32 v39, $0xE;
	v7 =	vshll.u32 v7, $0x7;
	v6 =	vadd.s32 v2, v6  }
0x386: {  	v7 =	vor.u32 v7, v8;
	v41 =	vand.u32 $0xFFFFFF80, v6  }
0x387: {  	v6 =	vand.u32 $0x7F, v6;
	v7 =	vadd.s32 v41, v7  }
0x388: {  	v6 =	vor.u32 v6, v7;
	_ =	sdelay $0x2  }
0x389: {  	v42 =	vadd.s32 $0x8C, v5  }
0x38a: {  	v43 =	vshrl.u32 v42, v4  }
0x38b: {  	v44 =	vshll.u32 v43, $0x7;
	v7 =	vand.u32 $0x1F, v42;
	v6 =	vld.idx.msk [tilespmem:v6+s17+$0x0], $0xffff  }
0x38c: {  	v9 =	vor.u32 v7, v44;
	_ =	sdelay $0x3  }
0x38d: {  	[tilespmem:$0xA480] =	vst v6  }
0x38e: {  	v6 =	vld.idx.msk [tilespmem:v9+s2+$0x0], $0xffff;
	_ =	sdelay $0x4  }
0x38f: {  	v6 =	vand.u32 $0xF, v6  }
0x390: {  	v6 =	vshll.u32 v6, v3  }
0x391: {  	v8 =	vshll.u32 v43, $0xE;
	v7 =	vshll.u32 v7, $0x7;
	v6 =	vadd.s32 v2, v6  }
0x392: {  	v7 =	vor.u32 v7, v8;
	v45 =	vand.u32 $0xFFFFFF80, v6  }
0x393: {  	v6 =	vand.u32 $0x7F, v6;
	v7 =	vadd.s32 v45, v7  }
0x394: {  	v6 =	vor.u32 v6, v7;
	_ =	sdelay $0x2  }
0x395: {  	v46 =	vadd.s32 $0x8E, v5  }
0x396: {  	v47 =	vshrl.u32 v46, v4  }
0x397: {  	v48 =	vshll.u32 v47, $0x7;
	v7 =	vand.u32 $0x1F, v46;
	v6 =	vld.idx.msk [tilespmem:v6+s17+$0x0], $0xffff  }
0x398: {  	v9 =	vor.u32 v7, v48;
	_ =	sdelay $0x3  }
0x399: {  	[tilespmem:$0xA500] =	vst v6  }
0x39a: {  	v6 =	vld.idx.msk [tilespmem:v9+s2+$0x0], $0xffff;
	_ =	sdelay $0x4  }
0x39b: {  	v6 =	vand.u32 $0xF, v6  }
0x39c: {  	v6 =	vshll.u32 v6, v3  }
0x39d: {  	v8 =	vshll.u32 v47, $0xE;
	v7 =	vshll.u32 v7, $0x7;
	v6 =	vadd.s32 v2, v6  }
0x39e: {  	v7 =	vor.u32 v7, v8;
	v49 =	vand.u32 $0xFFFFFF80, v6  }
0x39f: {  	v6 =	vand.u32 $0x7F, v6;
	v7 =	vadd.s32 v49, v7  }
0x3a0: {  	v6 =	vor.u32 v6, v7;
	_ =	sdelay $0x2  }
0x3a1: {  	v50 =	vor.u32 $0x90, v5  }
0x3a2: {  	v51 =	vshrl.u32 v50, v4  }
0x3a3: {  	v52 =	vshll.u32 v51, $0x7;
	v7 =	vand.u32 $0x1F, v50;
	v6 =	vld.idx.msk [tilespmem:v6+s17+$0x0], $0xffff  }
0x3a4: {  	v9 =	vor.u32 v7, v52;
	_ =	sdelay $0x3  }
0x3a5: {  	[tilespmem:$0xA580] =	vst v6  }
0x3a6: {  	v6 =	vld.idx.msk [tilespmem:v9+s2+$0x0], $0xffff;
	_ =	sdelay $0x4  }
0x3a7: {  	v6 =	vand.u32 $0xF, v6  }
0x3a8: {  	v6 =	vshll.u32 v6, v3  }
0x3a9: {  	v8 =	vshll.u32 v51, $0xE;
	v7 =	vshll.u32 v7, $0x7;
	v6 =	vadd.s32 v2, v6  }
0x3aa: {  	v7 =	vor.u32 v7, v8;
	v53 =	vand.u32 $0xFFFFFF80, v6  }
0x3ab: {  	v6 =	vand.u32 $0x7F, v6;
	v7 =	vadd.s32 v53, v7  }
0x3ac: {  	v6 =	vor.u32 v6, v7;
	_ =	sdelay $0x2  }
0x3ad: {  	v54 =	vadd.s32 $0x92, v5  }
0x3ae: {  	v55 =	vshrl.u32 v54, v4  }
0x3af: {  	v56 =	vshll.u32 v55, $0x7;
	v7 =	vand.u32 $0x3F, v54;
	v6 =	vld.idx.msk [tilespmem:v6+s17+$0x0], $0xffff  }
0x3b0: {  	v9 =	vor.u32 v7, v56;
	_ =	sdelay $0x3  }
0x3b1: {  	[tilespmem:$0xA600] =	vst v6  }
0x3b2: {  	v6 =	vld.idx.msk [tilespmem:v9+s2+$0x0], $0xffff;
	_ =	sdelay $0x4  }
0x3b3: {  	v6 =	vand.u32 $0xF, v6  }
0x3b4: {  	v6 =	vshll.u32 v6, v3  }
0x3b5: {  	v8 =	vshll.u32 v55, $0xE;
	v7 =	vshll.u32 v7, $0x7;
	v6 =	vadd.s32 v2, v6  }
0x3b6: {  	v7 =	vor.u32 v7, v8;
	v57 =	vand.u32 $0xFFFFFF80, v6  }
0x3b7: {  	v6 =	vand.u32 $0x7F, v6;
	v7 =	vadd.s32 v57, v7  }
0x3b8: {  	v6 =	vor.u32 v6, v7;
	_ =	sdelay $0x2  }
0x3b9: {  	v58 =	vadd.s32 $0x94, v5  }
0x3ba: {  	v59 =	vshrl.u32 v58, v4  }
0x3bb: {  	v60 =	vshll.u32 v59, $0x7;
	v7 =	vand.u32 $0x3F, v58;
	v6 =	vld.idx.msk [tilespmem:v6+s17+$0x0], $0xffff  }
0x3bc: {  	v9 =	vor.u32 v7, v60;
	_ =	sdelay $0x3  }
0x3bd: {  	[tilespmem:$0xA680] =	vst v6  }
0x3be: {  	v6 =	vld.idx.msk [tilespmem:v9+s2+$0x0], $0xffff;
	_ =	sdelay $0x4  }
0x3bf: {  	v6 =	vand.u32 $0xF, v6  }
0x3c0: {  	v6 =	vshll.u32 v6, v3  }
0x3c1: {  	v8 =	vshll.u32 v59, $0xE;
	v7 =	vshll.u32 v7, $0x7;
	v6 =	vadd.s32 v2, v6  }
0x3c2: {  	v7 =	vor.u32 v7, v8;
	v61 =	vand.u32 $0xFFFFFF80, v6  }
0x3c3: {  	v6 =	vand.u32 $0x7F, v6;
	v7 =	vadd.s32 v61, v7  }
0x3c4: {  	v6 =	vor.u32 v6, v7;
	_ =	sdelay $0x2  }
0x3c5: {  	v62 =	vadd.s32 $0x96, v5  }
0x3c6: {  	v63 =	vshrl.u32 v62, v4  }
0x3c7: {  	v12 =	vshll.u32 v63, $0x7;
	v7 =	vand.u32 $0x3F, v62;
	v6 =	vld.idx.msk [tilespmem:v6+s17+$0x0], $0xffff  }
0x3c8: {  	v9 =	vor.u32 v7, v12;
	_ =	sdelay $0x3  }
0x3c9: {  	[tilespmem:$0xA700] =	vst v6  }
0x3ca: {  	v6 =	vld.idx.msk [tilespmem:v9+s2+$0x0], $0xffff;
	_ =	sdelay $0x4  }
0x3cb: {  	v6 =	vand.u32 $0xF, v6  }
0x3cc: {  	v6 =	vshll.u32 v6, v3  }
0x3cd: {  	v8 =	vshll.u32 v63, $0xE;
	v7 =	vshll.u32 v7, $0x7;
	v6 =	vadd.s32 v2, v6  }
0x3ce: {  	v7 =	vor.u32 v7, v8;
	v13 =	vand.u32 $0xFFFFFF80, v6  }
0x3cf: {  	v6 =	vand.u32 $0x7F, v6;
	v7 =	vadd.s32 v13, v7  }
0x3d0: {  	v6 =	vor.u32 v6, v7;
	_ =	sdelay $0x2  }
0x3d1: {  	v14 =	vadd.s32 $0x98, v5  }
0x3d2: {  	v15 =	vshrl.u32 v14, v4  }
0x3d3: {  	v16 =	vshll.u32 v15, $0x7;
	v7 =	vand.u32 $0x3F, v14;
	v6 =	vld.idx.msk [tilespmem:v6+s17+$0x0], $0xffff  }
0x3d4: {  	v9 =	vor.u32 v7, v16;
	_ =	sdelay $0x3  }
0x3d5: {  	[tilespmem:$0xA780] =	vst v6  }
0x3d6: {  	v6 =	vld.idx.msk [tilespmem:v9+s2+$0x0], $0xffff;
	_ =	sdelay $0x4  }
0x3d7: {  	v6 =	vand.u32 $0xF, v6  }
0x3d8: {  	v6 =	vshll.u32 v6, v3  }
0x3d9: {  	v8 =	vshll.u32 v15, $0xE;
	v7 =	vshll.u32 v7, $0x7;
	v6 =	vadd.s32 v2, v6  }
0x3da: {  	v7 =	vor.u32 v7, v8;
	v17 =	vand.u32 $0xFFFFFF80, v6  }
0x3db: {  	v6 =	vand.u32 $0x7F, v6;
	v7 =	vadd.s32 v17, v7  }
0x3dc: {  	v6 =	vor.u32 v6, v7;
	_ =	sdelay $0x2  }
0x3dd: {  	v18 =	vadd.s32 $0x9A, v5  }
0x3de: {  	v19 =	vshrl.u32 v18, v4  }
0x3df: {  	v20 =	vshll.u32 v19, $0x7;
	v7 =	vand.u32 $0x3F, v18;
	v6 =	vld.idx.msk [tilespmem:v6+s17+$0x0], $0xffff  }
0x3e0: {  	v9 =	vor.u32 v7, v20;
	_ =	sdelay $0x3  }
0x3e1: {  	[tilespmem:$0xA800] =	vst v6  }
0x3e2: {  	v6 =	vld.idx.msk [tilespmem:v9+s2+$0x0], $0xffff;
	_ =	sdelay $0x4  }
0x3e3: {  	v6 =	vand.u32 $0xF, v6  }
0x3e4: {  	v6 =	vshll.u32 v6, v3  }
0x3e5: {  	v8 =	vshll.u32 v19, $0xE;
	v7 =	vshll.u32 v7, $0x7;
	v6 =	vadd.s32 v2, v6  }
0x3e6: {  	v7 =	vor.u32 v7, v8;
	v21 =	vand.u32 $0xFFFFFF80, v6  }
0x3e7: {  	v6 =	vand.u32 $0x7F, v6;
	v7 =	vadd.s32 v21, v7  }
0x3e8: {  	v6 =	vor.u32 v6, v7;
	_ =	sdelay $0x2  }
0x3e9: {  	v22 =	vadd.s32 $0x9C, v5  }
0x3ea: {  	v23 =	vshrl.u32 v22, v4  }
0x3eb: {  	v24 =	vshll.u32 v23, $0x7;
	v7 =	vand.u32 $0x3F, v22;
	v6 =	vld.idx.msk [tilespmem:v6+s17+$0x0], $0xffff  }
0x3ec: {  	v9 =	vor.u32 v7, v24;
	_ =	sdelay $0x3  }
0x3ed: {  	[tilespmem:$0xA880] =	vst v6  }
0x3ee: {  	v6 =	vld.idx.msk [tilespmem:v9+s2+$0x0], $0xffff;
	_ =	sdelay $0x4  }
0x3ef: {  	v6 =	vand.u32 $0xF, v6  }
0x3f0: {  	v6 =	vshll.u32 v6, v3  }
0x3f1: {  	v8 =	vshll.u32 v23, $0xE;
	v7 =	vshll.u32 v7, $0x7;
	v6 =	vadd.s32 v2, v6  }
0x3f2: {  	v7 =	vor.u32 v7, v8;
	v25 =	vand.u32 $0xFFFFFF80, v6  }
0x3f3: {  	v6 =	vand.u32 $0x7F, v6;
	v7 =	vadd.s32 v25, v7  }
0x3f4: {  	v6 =	vor.u32 v6, v7;
	_ =	sdelay $0x2  }
0x3f5: {  	v26 =	vadd.s32 $0x9E, v5  }
0x3f6: {  	v27 =	vshrl.u32 v26, v4  }
0x3f7: {  	v28 =	vshll.u32 v27, $0x7;
	v7 =	vand.u32 $0x3F, v26;
	v6 =	vld.idx.msk [tilespmem:v6+s17+$0x0], $0xffff  }
0x3f8: {  	v9 =	vor.u32 v7, v28;
	_ =	sdelay $0x3  }
0x3f9: {  	[tilespmem:$0xA900] =	vst v6  }
0x3fa: {  	v6 =	vld.idx.msk [tilespmem:v9+s2+$0x0], $0xffff;
	_ =	sdelay $0x4  }
0x3fb: {  	v6 =	vand.u32 $0xF, v6  }
0x3fc: {  	v6 =	vshll.u32 v6, v3  }
0x3fd: {  	v8 =	vshll.u32 v27, $0xE;
	v7 =	vshll.u32 v7, $0x7;
	v6 =	vadd.s32 v2, v6  }
0x3fe: {  	v7 =	vor.u32 v7, v8;
	v29 =	vand.u32 $0xFFFFFF80, v6  }
0x3ff: {  	v6 =	vand.u32 $0x7F, v6;
	v7 =	vadd.s32 v29, v7  }
0x400: {  	v6 =	vor.u32 v6, v7;
	_ =	sdelay $0x2  }
0x401: {  	v30 =	vor.u32 $0xA0, v5  }
0x402: {  	v31 =	vshrl.u32 v30, v4  }
0x403: {  	v32 =	vshll.u32 v31, $0x7;
	v7 =	vand.u32 $0x2F, v30;
	v6 =	vld.idx.msk [tilespmem:v6+s17+$0x0], $0xffff  }
0x404: {  	v9 =	vor.u32 v7, v32;
	_ =	sdelay $0x3  }
0x405: {  	[tilespmem:$0xA980] =	vst v6  }
0x406: {  	v6 =	vld.idx.msk [tilespmem:v9+s2+$0x0], $0xffff;
	_ =	sdelay $0x4  }
0x407: {  	v6 =	vand.u32 $0xF, v6  }
0x408: {  	v6 =	vshll.u32 v6, v3  }
0x409: {  	v8 =	vshll.u32 v31, $0xE;
	v7 =	vshll.u32 v7, $0x7;
	v6 =	vadd.s32 v2, v6  }
0x40a: {  	v7 =	vor.u32 v7, v8;
	v33 =	vand.u32 $0xFFFFFF80, v6  }
0x40b: {  	v6 =	vand.u32 $0x7F, v6;
	v7 =	vadd.s32 v33, v7  }
0x40c: {  	v6 =	vor.u32 v6, v7;
	_ =	sdelay $0x2  }
0x40d: {  	v34 =	vadd.s32 $0xA2, v5  }
0x40e: {  	v35 =	vshrl.u32 v34, v4  }
0x40f: {  	v36 =	vshll.u32 v35, $0x7;
	v7 =	vand.u32 $0x3F, v34;
	v6 =	vld.idx.msk [tilespmem:v6+s17+$0x0], $0xffff  }
0x410: {  	v9 =	vor.u32 v7, v36;
	_ =	sdelay $0x3  }
0x411: {  	[tilespmem:$0xAA00] =	vst v6  }
0x412: {  	v6 =	vld.idx.msk [tilespmem:v9+s2+$0x0], $0xffff;
	_ =	sdelay $0x4  }
0x413: {  	v6 =	vand.u32 $0xF, v6  }
0x414: {  	v6 =	vshll.u32 v6, v3  }
0x415: {  	v8 =	vshll.u32 v35, $0xE;
	v7 =	vshll.u32 v7, $0x7;
	v6 =	vadd.s32 v2, v6  }
0x416: {  	v7 =	vor.u32 v7, v8;
	v37 =	vand.u32 $0xFFFFFF80, v6  }
0x417: {  	v6 =	vand.u32 $0x7F, v6;
	v7 =	vadd.s32 v37, v7  }
0x418: {  	v6 =	vor.u32 v6, v7;
	_ =	sdelay $0x2  }
0x419: {  	v38 =	vadd.s32 $0xA4, v5  }
0x41a: {  	v39 =	vshrl.u32 v38, v4  }
0x41b: {  	v40 =	vshll.u32 v39, $0x7;
	v7 =	vand.u32 $0x3F, v38;
	v6 =	vld.idx.msk [tilespmem:v6+s17+$0x0], $0xffff  }
0x41c: {  	v9 =	vor.u32 v7, v40;
	_ =	sdelay $0x3  }
0x41d: {  	[tilespmem:$0xAA80] =	vst v6  }
0x41e: {  	v6 =	vld.idx.msk [tilespmem:v9+s2+$0x0], $0xffff;
	_ =	sdelay $0x4  }
0x41f: {  	v6 =	vand.u32 $0xF, v6  }
0x420: {  	v6 =	vshll.u32 v6, v3  }
0x421: {  	v8 =	vshll.u32 v39, $0xE;
	v7 =	vshll.u32 v7, $0x7;
	v6 =	vadd.s32 v2, v6  }
0x422: {  	v7 =	vor.u32 v7, v8;
	v41 =	vand.u32 $0xFFFFFF80, v6  }
0x423: {  	v6 =	vand.u32 $0x7F, v6;
	v7 =	vadd.s32 v41, v7  }
0x424: {  	v6 =	vor.u32 v6, v7;
	_ =	sdelay $0x2  }
0x425: {  	v42 =	vadd.s32 $0xA6, v5  }
0x426: {  	v43 =	vshrl.u32 v42, v4  }
0x427: {  	v44 =	vshll.u32 v43, $0x7;
	v7 =	vand.u32 $0x3F, v42;
	v6 =	vld.idx.msk [tilespmem:v6+s17+$0x0], $0xffff  }
0x428: {  	v9 =	vor.u32 v7, v44;
	_ =	sdelay $0x3  }
0x429: {  	[tilespmem:$0xAB00] =	vst v6  }
0x42a: {  	v6 =	vld.idx.msk [tilespmem:v9+s2+$0x0], $0xffff;
	_ =	sdelay $0x4  }
0x42b: {  	v6 =	vand.u32 $0xF, v6  }
0x42c: {  	v6 =	vshll.u32 v6, v3  }
0x42d: {  	v8 =	vshll.u32 v43, $0xE;
	v7 =	vshll.u32 v7, $0x7;
	v6 =	vadd.s32 v2, v6  }
0x42e: {  	v7 =	vor.u32 v7, v8;
	v45 =	vand.u32 $0xFFFFFF80, v6  }
0x42f: {  	v6 =	vand.u32 $0x7F, v6;
	v7 =	vadd.s32 v45, v7  }
0x430: {  	v6 =	vor.u32 v6, v7;
	_ =	sdelay $0x2  }
0x431: {  	v46 =	vadd.s32 $0xA8, v5  }
0x432: {  	v47 =	vshrl.u32 v46, v4  }
0x433: {  	v48 =	vshll.u32 v47, $0x7;
	v7 =	vand.u32 $0x3F, v46;
	v6 =	vld.idx.msk [tilespmem:v6+s17+$0x0], $0xffff  }
0x434: {  	v9 =	vor.u32 v7, v48;
	_ =	sdelay $0x3  }
0x435: {  	[tilespmem:$0xAB80] =	vst v6  }
0x436: {  	v6 =	vld.idx.msk [tilespmem:v9+s2+$0x0], $0xffff;
	_ =	sdelay $0x4  }
0x437: {  	v6 =	vand.u32 $0xF, v6  }
0x438: {  	v6 =	vshll.u32 v6, v3  }
0x439: {  	v8 =	vshll.u32 v47, $0xE;
	v7 =	vshll.u32 v7, $0x7;
	v6 =	vadd.s32 v2, v6  }
0x43a: {  	v7 =	vor.u32 v7, v8;
	v49 =	vand.u32 $0xFFFFFF80, v6  }
0x43b: {  	v6 =	vand.u32 $0x7F, v6;
	v7 =	vadd.s32 v49, v7  }
0x43c: {  	v6 =	vor.u32 v6, v7;
	_ =	sdelay $0x2  }
0x43d: {  	v50 =	vadd.s32 $0xAA, v5  }
0x43e: {  	v51 =	vshrl.u32 v50, v4  }
0x43f: {  	v52 =	vshll.u32 v51, $0x7;
	v7 =	vand.u32 $0x3F, v50;
	v6 =	vld.idx.msk [tilespmem:v6+s17+$0x0], $0xffff  }
0x440: {  	v9 =	vor.u32 v7, v52;
	_ =	sdelay $0x3  }
0x441: {  	[tilespmem:$0xAC00] =	vst v6  }
0x442: {  	v6 =	vld.idx.msk [tilespmem:v9+s2+$0x0], $0xffff;
	_ =	sdelay $0x4  }
0x443: {  	v6 =	vand.u32 $0xF, v6  }
0x444: {  	v6 =	vshll.u32 v6, v3  }
0x445: {  	v8 =	vshll.u32 v51, $0xE;
	v7 =	vshll.u32 v7, $0x7;
	v6 =	vadd.s32 v2, v6  }
0x446: {  	v7 =	vor.u32 v7, v8;
	v53 =	vand.u32 $0xFFFFFF80, v6  }
0x447: {  	v6 =	vand.u32 $0x7F, v6;
	v7 =	vadd.s32 v53, v7  }
0x448: {  	v6 =	vor.u32 v6, v7;
	_ =	sdelay $0x2  }
0x449: {  	v54 =	vadd.s32 $0xAC, v5  }
0x44a: {  	v55 =	vshrl.u32 v54, v4  }
0x44b: {  	v56 =	vshll.u32 v55, $0x7;
	v7 =	vand.u32 $0x3F, v54;
	v6 =	vld.idx.msk [tilespmem:v6+s17+$0x0], $0xffff  }
0x44c: {  	v9 =	vor.u32 v7, v56;
	_ =	sdelay $0x3  }
0x44d: {  	[tilespmem:$0xAC80] =	vst v6  }
0x44e: {  	v6 =	vld.idx.msk [tilespmem:v9+s2+$0x0], $0xffff;
	_ =	sdelay $0x4  }
0x44f: {  	v6 =	vand.u32 $0xF, v6  }
0x450: {  	v6 =	vshll.u32 v6, v3  }
0x451: {  	v8 =	vshll.u32 v55, $0xE;
	v7 =	vshll.u32 v7, $0x7;
	v6 =	vadd.s32 v2, v6  }
0x452: {  	v7 =	vor.u32 v7, v8;
	v57 =	vand.u32 $0xFFFFFF80, v6  }
0x453: {  	v6 =	vand.u32 $0x7F, v6;
	v7 =	vadd.s32 v57, v7  }
0x454: {  	v6 =	vor.u32 v6, v7;
	_ =	sdelay $0x2  }
0x455: {  	v58 =	vadd.s32 $0xAE, v5  }
0x456: {  	v59 =	vshrl.u32 v58, v4  }
0x457: {  	v60 =	vshll.u32 v59, $0x7;
	v7 =	vand.u32 $0x3F, v58;
	v6 =	vld.idx.msk [tilespmem:v6+s17+$0x0], $0xffff  }
0x458: {  	v9 =	vor.u32 v7, v60;
	_ =	sdelay $0x3  }
0x459: {  	[tilespmem:$0xAD00] =	vst v6  }
0x45a: {  	v6 =	vld.idx.msk [tilespmem:v9+s2+$0x0], $0xffff;
	_ =	sdelay $0x4  }
0x45b: {  	v6 =	vand.u32 $0xF, v6  }
0x45c: {  	v6 =	vshll.u32 v6, v3  }
0x45d: {  	v8 =	vshll.u32 v59, $0xE;
	v7 =	vshll.u32 v7, $0x7;
	v6 =	vadd.s32 v2, v6  }
0x45e: {  	v7 =	vor.u32 v7, v8;
	v61 =	vand.u32 $0xFFFFFF80, v6  }
0x45f: {  	v6 =	vand.u32 $0x7F, v6;
	v7 =	vadd.s32 v61, v7  }
0x460: {  	v6 =	vor.u32 v6, v7;
	_ =	sdelay $0x2  }
0x461: {  	v62 =	vor.u32 $0xB0, v5  }
0x462: {  	v63 =	vshrl.u32 v62, v4  }
0x463: {  	v12 =	vshll.u32 v63, $0x7;
	v7 =	vand.u32 $0x3F, v62;
	v6 =	vld.idx.msk [tilespmem:v6+s17+$0x0], $0xffff  }
0x464: {  	v9 =	vor.u32 v7, v12;
	_ =	sdelay $0x3  }
0x465: {  	[tilespmem:$0xAD80] =	vst v6  }
0x466: {  	v6 =	vld.idx.msk [tilespmem:v9+s2+$0x0], $0xffff;
	_ =	sdelay $0x4  }
0x467: {  	v6 =	vand.u32 $0xF, v6  }
0x468: {  	v6 =	vshll.u32 v6, v3  }
0x469: {  	v8 =	vshll.u32 v63, $0xE;
	v7 =	vshll.u32 v7, $0x7;
	v6 =	vadd.s32 v2, v6  }
0x46a: {  	v7 =	vor.u32 v7, v8;
	v13 =	vand.u32 $0xFFFFFF80, v6  }
0x46b: {  	v6 =	vand.u32 $0x7F, v6;
	v7 =	vadd.s32 v13, v7  }
0x46c: {  	v6 =	vor.u32 v6, v7;
	_ =	sdelay $0x2  }
0x46d: {  	v14 =	vadd.s32 $0xB2, v5  }
0x46e: {  	v15 =	vshrl.u32 v14, v4  }
0x46f: {  	v16 =	vshll.u32 v15, $0x7;
	v7 =	vand.u32 $0x7F, v14;
	v6 =	vld.idx.msk [tilespmem:v6+s17+$0x0], $0xffff  }
0x470: {  	v9 =	vor.u32 v7, v16;
	_ =	sdelay $0x3  }
0x471: {  	[tilespmem:$0xAE00] =	vst v6  }
0x472: {  	v6 =	vld.idx.msk [tilespmem:v9+s2+$0x0], $0xffff;
	_ =	sdelay $0x4  }
0x473: {  	v6 =	vand.u32 $0xF, v6  }
0x474: {  	v6 =	vshll.u32 v6, v3  }
0x475: {  	v8 =	vshll.u32 v15, $0xE;
	v7 =	vshll.u32 v7, $0x7;
	v6 =	vadd.s32 v2, v6  }
0x476: {  	v7 =	vor.u32 v7, v8;
	v17 =	vand.u32 $0xFFFFFF80, v6  }
0x477: {  	v6 =	vand.u32 $0x7F, v6;
	v7 =	vadd.s32 v17, v7  }
0x478: {  	v6 =	vor.u32 v6, v7;
	_ =	sdelay $0x2  }
0x479: {  	v18 =	vadd.s32 $0xB4, v5  }
0x47a: {  	v19 =	vshrl.u32 v18, v4  }
0x47b: {  	v20 =	vshll.u32 v19, $0x7;
	v7 =	vand.u32 $0x7F, v18;
	v6 =	vld.idx.msk [tilespmem:v6+s17+$0x0], $0xffff  }
0x47c: {  	v9 =	vor.u32 v7, v20;
	_ =	sdelay $0x3  }
0x47d: {  	[tilespmem:$0xAE80] =	vst v6  }
0x47e: {  	v6 =	vld.idx.msk [tilespmem:v9+s2+$0x0], $0xffff;
	_ =	sdelay $0x4  }
0x47f: {  	v6 =	vand.u32 $0xF, v6  }
0x480: {  	v6 =	vshll.u32 v6, v3  }
0x481: {  	v8 =	vshll.u32 v19, $0xE;
	v7 =	vshll.u32 v7, $0x7;
	v6 =	vadd.s32 v2, v6  }
0x482: {  	v7 =	vor.u32 v7, v8;
	v21 =	vand.u32 $0xFFFFFF80, v6  }
0x483: {  	v6 =	vand.u32 $0x7F, v6;
	v7 =	vadd.s32 v21, v7  }
0x484: {  	v6 =	vor.u32 v6, v7;
	_ =	sdelay $0x2  }
0x485: {  	v22 =	vadd.s32 $0xB6, v5  }
0x486: {  	v23 =	vshrl.u32 v22, v4  }
0x487: {  	v24 =	vshll.u32 v23, $0x7;
	v7 =	vand.u32 $0x7F, v22;
	v6 =	vld.idx.msk [tilespmem:v6+s17+$0x0], $0xffff  }
0x488: {  	v9 =	vor.u32 v7, v24;
	_ =	sdelay $0x3  }
0x489: {  	[tilespmem:$0xAF00] =	vst v6  }
0x48a: {  	v6 =	vld.idx.msk [tilespmem:v9+s2+$0x0], $0xffff;
	_ =	sdelay $0x4  }
0x48b: {  	v6 =	vand.u32 $0xF, v6  }
0x48c: {  	v6 =	vshll.u32 v6, v3  }
0x48d: {  	v8 =	vshll.u32 v23, $0xE;
	v7 =	vshll.u32 v7, $0x7;
	v6 =	vadd.s32 v2, v6  }
0x48e: {  	v7 =	vor.u32 v7, v8;
	v25 =	vand.u32 $0xFFFFFF80, v6  }
0x48f: {  	v6 =	vand.u32 $0x7F, v6;
	v7 =	vadd.s32 v25, v7  }
0x490: {  	v6 =	vor.u32 v6, v7;
	_ =	sdelay $0x2  }
0x491: {  	v26 =	vadd.s32 $0xB8, v5  }
0x492: {  	v27 =	vshrl.u32 v26, v4  }
0x493: {  	v28 =	vshll.u32 v27, $0x7;
	v7 =	vand.u32 $0x7F, v26;
	v6 =	vld.idx.msk [tilespmem:v6+s17+$0x0], $0xffff  }
0x494: {  	v9 =	vor.u32 v7, v28;
	_ =	sdelay $0x3  }
0x495: {  	[tilespmem:$0xAF80] =	vst v6  }
0x496: {  	v6 =	vld.idx.msk [tilespmem:v9+s2+$0x0], $0xffff;
	_ =	sdelay $0x4  }
0x497: {  	v6 =	vand.u32 $0xF, v6  }
0x498: {  	v6 =	vshll.u32 v6, v3  }
0x499: {  	v8 =	vshll.u32 v27, $0xE;
	v7 =	vshll.u32 v7, $0x7;
	v6 =	vadd.s32 v2, v6  }
0x49a: {  	v7 =	vor.u32 v7, v8;
	v29 =	vand.u32 $0xFFFFFF80, v6  }
0x49b: {  	v6 =	vand.u32 $0x7F, v6;
	v7 =	vadd.s32 v29, v7  }
0x49c: {  	v6 =	vor.u32 v6, v7;
	_ =	sdelay $0x2  }
0x49d: {  	v30 =	vadd.s32 $0xBA, v5  }
0x49e: {  	v31 =	vshrl.u32 v30, v4  }
0x49f: {  	v32 =	vshll.u32 v31, $0x7;
	v7 =	vand.u32 $0x7F, v30;
	v6 =	vld.idx.msk [tilespmem:v6+s17+$0x0], $0xffff  }
0x4a0: {  	v9 =	vor.u32 v7, v32;
	_ =	sdelay $0x3  }
0x4a1: {  	[tilespmem:$0xB000] =	vst v6  }
0x4a2: {  	v6 =	vld.idx.msk [tilespmem:v9+s2+$0x0], $0xffff;
	_ =	sdelay $0x4  }
0x4a3: {  	v6 =	vand.u32 $0xF, v6  }
0x4a4: {  	v6 =	vshll.u32 v6, v3  }
0x4a5: {  	v8 =	vshll.u32 v31, $0xE;
	v7 =	vshll.u32 v7, $0x7;
	v6 =	vadd.s32 v2, v6  }
0x4a6: {  	v7 =	vor.u32 v7, v8;
	v33 =	vand.u32 $0xFFFFFF80, v6  }
0x4a7: {  	v6 =	vand.u32 $0x7F, v6;
	v7 =	vadd.s32 v33, v7  }
0x4a8: {  	v6 =	vor.u32 v6, v7;
	_ =	sdelay $0x2  }
0x4a9: {  	v34 =	vadd.s32 $0xBC, v5  }
0x4aa: {  	v35 =	vshrl.u32 v34, v4  }
0x4ab: {  	v36 =	vshll.u32 v35, $0x7;
	v7 =	vand.u32 $0x7F, v34;
	v6 =	vld.idx.msk [tilespmem:v6+s17+$0x0], $0xffff  }
0x4ac: {  	v9 =	vor.u32 v7, v36;
	_ =	sdelay $0x3  }
0x4ad: {  	[tilespmem:$0xB080] =	vst v6  }
0x4ae: {  	v6 =	vld.idx.msk [tilespmem:v9+s2+$0x0], $0xffff;
	_ =	sdelay $0x4  }
0x4af: {  	v6 =	vand.u32 $0xF, v6  }
0x4b0: {  	v6 =	vshll.u32 v6, v3  }
0x4b1: {  	v8 =	vshll.u32 v35, $0xE;
	v7 =	vshll.u32 v7, $0x7;
	v6 =	vadd.s32 v2, v6  }
0x4b2: {  	v7 =	vor.u32 v7, v8;
	v37 =	vand.u32 $0xFFFFFF80, v6  }
0x4b3: {  	v6 =	vand.u32 $0x7F, v6;
	v7 =	vadd.s32 v37, v7  }
0x4b4: {  	v6 =	vor.u32 v6, v7;
	_ =	sdelay $0x2  }
0x4b5: {  	v38 =	vadd.s32 $0xBE, v5  }
0x4b6: {  	v39 =	vshrl.u32 v38, v4  }
0x4b7: {  	v40 =	vshll.u32 v39, $0x7;
	v7 =	vand.u32 $0x7F, v38;
	v6 =	vld.idx.msk [tilespmem:v6+s17+$0x0], $0xffff  }
0x4b8: {  	v9 =	vor.u32 v7, v40;
	_ =	sdelay $0x3  }
0x4b9: {  	[tilespmem:$0xB100] =	vst v6  }
0x4ba: {  	v6 =	vld.idx.msk [tilespmem:v9+s2+$0x0], $0xffff;
	_ =	sdelay $0x4  }
0x4bb: {  	v6 =	vand.u32 $0xF, v6  }
0x4bc: {  	v6 =	vshll.u32 v6, v3  }
0x4bd: {  	v8 =	vshll.u32 v39, $0xE;
	v7 =	vshll.u32 v7, $0x7;
	v6 =	vadd.s32 v2, v6  }
0x4be: {  	v7 =	vor.u32 v7, v8;
	v41 =	vand.u32 $0xFFFFFF80, v6  }
0x4bf: {  	v6 =	vand.u32 $0x7F, v6;
	v7 =	vadd.s32 v41, v7  }
0x4c0: {  	v6 =	vor.u32 v6, v7;
	_ =	sdelay $0x2  }
0x4c1: {  	v42 =	vor.u32 $0xC0, v5  }
0x4c2: {  	v43 =	vshrl.u32 v42, v4  }
0x4c3: {  	v44 =	vshll.u32 v43, $0x7;
	v7 =	vand.u32 $0x4F, v42;
	v6 =	vld.idx.msk [tilespmem:v6+s17+$0x0], $0xffff  }
0x4c4: {  	v9 =	vor.u32 v7, v44;
	_ =	sdelay $0x3  }
0x4c5: {  	[tilespmem:$0xB180] =	vst v6  }
0x4c6: {  	v6 =	vld.idx.msk [tilespmem:v9+s2+$0x0], $0xffff;
	_ =	sdelay $0x4  }
0x4c7: {  	v6 =	vand.u32 $0xF, v6  }
0x4c8: {  	v6 =	vshll.u32 v6, v3  }
0x4c9: {  	v8 =	vshll.u32 v43, $0xE;
	v7 =	vshll.u32 v7, $0x7;
	v6 =	vadd.s32 v2, v6  }
0x4ca: {  	v7 =	vor.u32 v7, v8;
	v45 =	vand.u32 $0xFFFFFF80, v6  }
0x4cb: {  	v6 =	vand.u32 $0x7F, v6;
	v7 =	vadd.s32 v45, v7  }
0x4cc: {  	v6 =	vor.u32 v6, v7;
	_ =	sdelay $0x2  }
0x4cd: {  	v46 =	vadd.s32 $0xC2, v5  }
0x4ce: {  	v47 =	vshrl.u32 v46, v4  }
0x4cf: {  	v48 =	vshll.u32 v47, $0x7;
	v7 =	vand.u32 $0x5F, v46;
	v6 =	vld.idx.msk [tilespmem:v6+s17+$0x0], $0xffff  }
0x4d0: {  	v9 =	vor.u32 v7, v48;
	_ =	sdelay $0x3  }
0x4d1: {  	[tilespmem:$0xB200] =	vst v6  }
0x4d2: {  	v6 =	vld.idx.msk [tilespmem:v9+s2+$0x0], $0xffff;
	_ =	sdelay $0x4  }
0x4d3: {  	v6 =	vand.u32 $0xF, v6  }
0x4d4: {  	v6 =	vshll.u32 v6, v3  }
0x4d5: {  	v8 =	vshll.u32 v47, $0xE;
	v7 =	vshll.u32 v7, $0x7;
	v6 =	vadd.s32 v2, v6  }
0x4d6: {  	v7 =	vor.u32 v7, v8;
	v49 =	vand.u32 $0xFFFFFF80, v6  }
0x4d7: {  	v6 =	vand.u32 $0x7F, v6;
	v7 =	vadd.s32 v49, v7  }
0x4d8: {  	v6 =	vor.u32 v6, v7;
	_ =	sdelay $0x2  }
0x4d9: {  	v50 =	vadd.s32 $0xC4, v5  }
0x4da: {  	v51 =	vshrl.u32 v50, v4  }
0x4db: {  	v52 =	vshll.u32 v51, $0x7;
	v7 =	vand.u32 $0x5F, v50;
	v6 =	vld.idx.msk [tilespmem:v6+s17+$0x0], $0xffff  }
0x4dc: {  	v9 =	vor.u32 v7, v52;
	_ =	sdelay $0x3  }
0x4dd: {  	[tilespmem:$0xB280] =	vst v6  }
0x4de: {  	v6 =	vld.idx.msk [tilespmem:v9+s2+$0x0], $0xffff;
	_ =	sdelay $0x4  }
0x4df: {  	v6 =	vand.u32 $0xF, v6  }
0x4e0: {  	v6 =	vshll.u32 v6, v3  }
0x4e1: {  	v8 =	vshll.u32 v51, $0xE;
	v7 =	vshll.u32 v7, $0x7;
	v6 =	vadd.s32 v2, v6  }
0x4e2: {  	v7 =	vor.u32 v7, v8;
	v53 =	vand.u32 $0xFFFFFF80, v6  }
0x4e3: {  	v6 =	vand.u32 $0x7F, v6;
	v7 =	vadd.s32 v53, v7  }
0x4e4: {  	v6 =	vor.u32 v6, v7;
	_ =	sdelay $0x2  }
0x4e5: {  	v54 =	vadd.s32 $0xC6, v5  }
0x4e6: {  	v55 =	vshrl.u32 v54, v4  }
0x4e7: {  	v56 =	vshll.u32 v55, $0x7;
	v7 =	vand.u32 $0x5F, v54;
	v6 =	vld.idx.msk [tilespmem:v6+s17+$0x0], $0xffff  }
0x4e8: {  	v9 =	vor.u32 v7, v56;
	_ =	sdelay $0x3  }
0x4e9: {  	[tilespmem:$0xB300] =	vst v6  }
0x4ea: {  	v6 =	vld.idx.msk [tilespmem:v9+s2+$0x0], $0xffff;
	_ =	sdelay $0x4  }
0x4eb: {  	v6 =	vand.u32 $0xF, v6  }
0x4ec: {  	v6 =	vshll.u32 v6, v3  }
0x4ed: {  	v8 =	vshll.u32 v55, $0xE;
	v7 =	vshll.u32 v7, $0x7;
	v6 =	vadd.s32 v2, v6  }
0x4ee: {  	v7 =	vor.u32 v7, v8;
	v57 =	vand.u32 $0xFFFFFF80, v6  }
0x4ef: {  	v6 =	vand.u32 $0x7F, v6;
	v7 =	vadd.s32 v57, v7  }
0x4f0: {  	v6 =	vor.u32 v6, v7;
	_ =	sdelay $0x2  }
0x4f1: {  	v58 =	vadd.s32 $0xC8, v5  }
0x4f2: {  	v59 =	vshrl.u32 v58, v4  }
0x4f3: {  	v60 =	vshll.u32 v59, $0x7;
	v7 =	vand.u32 $0x5F, v58;
	v6 =	vld.idx.msk [tilespmem:v6+s17+$0x0], $0xffff  }
0x4f4: {  	v9 =	vor.u32 v7, v60;
	_ =	sdelay $0x3  }
0x4f5: {  	[tilespmem:$0xB380] =	vst v6  }
0x4f6: {  	v6 =	vld.idx.msk [tilespmem:v9+s2+$0x0], $0xffff;
	_ =	sdelay $0x4  }
0x4f7: {  	v6 =	vand.u32 $0xF, v6  }
0x4f8: {  	v6 =	vshll.u32 v6, v3  }
0x4f9: {  	v8 =	vshll.u32 v59, $0xE;
	v7 =	vshll.u32 v7, $0x7;
	v6 =	vadd.s32 v2, v6  }
0x4fa: {  	v7 =	vor.u32 v7, v8;
	v61 =	vand.u32 $0xFFFFFF80, v6  }
0x4fb: {  	v6 =	vand.u32 $0x7F, v6;
	v7 =	vadd.s32 v61, v7  }
0x4fc: {  	v6 =	vor.u32 v6, v7;
	_ =	sdelay $0x2  }
0x4fd: {  	v62 =	vadd.s32 $0xCA, v5  }
0x4fe: {  	v63 =	vshrl.u32 v62, v4  }
0x4ff: {  	v12 =	vshll.u32 v63, $0x7;
	v7 =	vand.u32 $0x5F, v62;
	v6 =	vld.idx.msk [tilespmem:v6+s17+$0x0], $0xffff  }
0x500: {  	v9 =	vor.u32 v7, v12;
	_ =	sdelay $0x3  }
0x501: {  	[tilespmem:$0xB400] =	vst v6  }
0x502: {  	v6 =	vld.idx.msk [tilespmem:v9+s2+$0x0], $0xffff;
	_ =	sdelay $0x4  }
0x503: {  	v6 =	vand.u32 $0xF, v6  }
0x504: {  	v6 =	vshll.u32 v6, v3  }
0x505: {  	v8 =	vshll.u32 v63, $0xE;
	v7 =	vshll.u32 v7, $0x7;
	v6 =	vadd.s32 v2, v6  }
0x506: {  	v7 =	vor.u32 v7, v8;
	v13 =	vand.u32 $0xFFFFFF80, v6  }
0x507: {  	v6 =	vand.u32 $0x7F, v6;
	v7 =	vadd.s32 v13, v7  }
0x508: {  	v6 =	vor.u32 v6, v7;
	_ =	sdelay $0x2  }
0x509: {  	v14 =	vadd.s32 $0xCC, v5  }
0x50a: {  	v15 =	vshrl.u32 v14, v4  }
0x50b: {  	v16 =	vshll.u32 v15, $0x7;
	v7 =	vand.u32 $0x5F, v14;
	v6 =	vld.idx.msk [tilespmem:v6+s17+$0x0], $0xffff  }
0x50c: {  	v9 =	vor.u32 v7, v16;
	_ =	sdelay $0x3  }
0x50d: {  	[tilespmem:$0xB480] =	vst v6  }
0x50e: {  	v6 =	vld.idx.msk [tilespmem:v9+s2+$0x0], $0xffff;
	_ =	sdelay $0x4  }
0x50f: {  	v6 =	vand.u32 $0xF, v6  }
0x510: {  	v6 =	vshll.u32 v6, v3  }
0x511: {  	v8 =	vshll.u32 v15, $0xE;
	v7 =	vshll.u32 v7, $0x7;
	v6 =	vadd.s32 v2, v6  }
0x512: {  	v7 =	vor.u32 v7, v8;
	v17 =	vand.u32 $0xFFFFFF80, v6  }
0x513: {  	v6 =	vand.u32 $0x7F, v6;
	v7 =	vadd.s32 v17, v7  }
0x514: {  	v6 =	vor.u32 v6, v7;
	_ =	sdelay $0x2  }
0x515: {  	v18 =	vadd.s32 $0xCE, v5  }
0x516: {  	v19 =	vshrl.u32 v18, v4  }
0x517: {  	v20 =	vshll.u32 v19, $0x7;
	v7 =	vand.u32 $0x5F, v18;
	v6 =	vld.idx.msk [tilespmem:v6+s17+$0x0], $0xffff  }
0x518: {  	v9 =	vor.u32 v7, v20;
	_ =	sdelay $0x3  }
0x519: {  	[tilespmem:$0xB500] =	vst v6  }
0x51a: {  	v6 =	vld.idx.msk [tilespmem:v9+s2+$0x0], $0xffff;
	_ =	sdelay $0x4  }
0x51b: {  	v6 =	vand.u32 $0xF, v6  }
0x51c: {  	v6 =	vshll.u32 v6, v3  }
0x51d: {  	v8 =	vshll.u32 v19, $0xE;
	v7 =	vshll.u32 v7, $0x7;
	v6 =	vadd.s32 v2, v6  }
0x51e: {  	v7 =	vor.u32 v7, v8;
	v21 =	vand.u32 $0xFFFFFF80, v6  }
0x51f: {  	v6 =	vand.u32 $0x7F, v6;
	v7 =	vadd.s32 v21, v7  }
0x520: {  	v6 =	vor.u32 v6, v7;
	_ =	sdelay $0x2  }
0x521: {  	v22 =	vor.u32 $0xD0, v5  }
0x522: {  	v23 =	vshrl.u32 v22, v4  }
0x523: {  	v24 =	vshll.u32 v23, $0x7;
	v7 =	vand.u32 $0x5F, v22;
	v6 =	vld.idx.msk [tilespmem:v6+s17+$0x0], $0xffff  }
0x524: {  	v9 =	vor.u32 v7, v24;
	_ =	sdelay $0x3  }
0x525: {  	[tilespmem:$0xB580] =	vst v6  }
0x526: {  	v6 =	vld.idx.msk [tilespmem:v9+s2+$0x0], $0xffff;
	_ =	sdelay $0x4  }
0x527: {  	v6 =	vand.u32 $0xF, v6  }
0x528: {  	v6 =	vshll.u32 v6, v3  }
0x529: {  	v8 =	vshll.u32 v23, $0xE;
	v7 =	vshll.u32 v7, $0x7;
	v6 =	vadd.s32 v2, v6  }
0x52a: {  	v7 =	vor.u32 v7, v8;
	v25 =	vand.u32 $0xFFFFFF80, v6  }
0x52b: {  	v6 =	vand.u32 $0x7F, v6;
	v7 =	vadd.s32 v25, v7  }
0x52c: {  	v6 =	vor.u32 v6, v7;
	_ =	sdelay $0x2  }
0x52d: {  	v26 =	vadd.s32 $0xD2, v5  }
0x52e: {  	v27 =	vshrl.u32 v26, v4  }
0x52f: {  	v28 =	vshll.u32 v27, $0x7;
	v7 =	vand.u32 $0x7F, v26;
	v6 =	vld.idx.msk [tilespmem:v6+s17+$0x0], $0xffff  }
0x530: {  	v9 =	vor.u32 v7, v28;
	_ =	sdelay $0x3  }
0x531: {  	[tilespmem:$0xB600] =	vst v6  }
0x532: {  	v6 =	vld.idx.msk [tilespmem:v9+s2+$0x0], $0xffff;
	_ =	sdelay $0x4  }
0x533: {  	v6 =	vand.u32 $0xF, v6  }
0x534: {  	v6 =	vshll.u32 v6, v3  }
0x535: {  	v8 =	vshll.u32 v27, $0xE;
	v7 =	vshll.u32 v7, $0x7;
	v6 =	vadd.s32 v2, v6  }
0x536: {  	v7 =	vor.u32 v7, v8;
	v29 =	vand.u32 $0xFFFFFF80, v6  }
0x537: {  	v6 =	vand.u32 $0x7F, v6;
	v7 =	vadd.s32 v29, v7  }
0x538: {  	v6 =	vor.u32 v6, v7;
	_ =	sdelay $0x2  }
0x539: {  	v30 =	vadd.s32 $0xD4, v5  }
0x53a: {  	v31 =	vshrl.u32 v30, v4  }
0x53b: {  	v32 =	vshll.u32 v31, $0x7;
	v7 =	vand.u32 $0x7F, v30;
	v6 =	vld.idx.msk [tilespmem:v6+s17+$0x0], $0xffff  }
0x53c: {  	v9 =	vor.u32 v7, v32;
	_ =	sdelay $0x3  }
0x53d: {  	[tilespmem:$0xB680] =	vst v6  }
0x53e: {  	v6 =	vld.idx.msk [tilespmem:v9+s2+$0x0], $0xffff;
	_ =	sdelay $0x4  }
0x53f: {  	v6 =	vand.u32 $0xF, v6  }
0x540: {  	v6 =	vshll.u32 v6, v3  }
0x541: {  	v8 =	vshll.u32 v31, $0xE;
	v7 =	vshll.u32 v7, $0x7;
	v6 =	vadd.s32 v2, v6  }
0x542: {  	v7 =	vor.u32 v7, v8;
	v33 =	vand.u32 $0xFFFFFF80, v6  }
0x543: {  	v6 =	vand.u32 $0x7F, v6;
	v7 =	vadd.s32 v33, v7  }
0x544: {  	v6 =	vor.u32 v6, v7;
	_ =	sdelay $0x2  }
0x545: {  	v34 =	vadd.s32 $0xD6, v5  }
0x546: {  	v35 =	vshrl.u32 v34, v4  }
0x547: {  	v36 =	vshll.u32 v35, $0x7;
	v7 =	vand.u32 $0x7F, v34;
	v6 =	vld.idx.msk [tilespmem:v6+s17+$0x0], $0xffff  }
0x548: {  	v9 =	vor.u32 v7, v36;
	_ =	sdelay $0x3  }
0x549: {  	[tilespmem:$0xB700] =	vst v6  }
0x54a: {  	v6 =	vld.idx.msk [tilespmem:v9+s2+$0x0], $0xffff;
	_ =	sdelay $0x4  }
0x54b: {  	v6 =	vand.u32 $0xF, v6  }
0x54c: {  	v6 =	vshll.u32 v6, v3  }
0x54d: {  	v8 =	vshll.u32 v35, $0xE;
	v7 =	vshll.u32 v7, $0x7;
	v6 =	vadd.s32 v2, v6  }
0x54e: {  	v7 =	vor.u32 v7, v8;
	v37 =	vand.u32 $0xFFFFFF80, v6  }
0x54f: {  	v6 =	vand.u32 $0x7F, v6;
	v7 =	vadd.s32 v37, v7  }
0x550: {  	v6 =	vor.u32 v6, v7;
	_ =	sdelay $0x2  }
0x551: {  	v38 =	vadd.s32 $0xD8, v5  }
0x552: {  	v39 =	vshrl.u32 v38, v4  }
0x553: {  	v40 =	vshll.u32 v39, $0x7;
	v7 =	vand.u32 $0x7F, v38;
	v6 =	vld.idx.msk [tilespmem:v6+s17+$0x0], $0xffff  }
0x554: {  	v9 =	vor.u32 v7, v40;
	_ =	sdelay $0x3  }
0x555: {  	[tilespmem:$0xB780] =	vst v6  }
0x556: {  	v6 =	vld.idx.msk [tilespmem:v9+s2+$0x0], $0xffff;
	_ =	sdelay $0x4  }
0x557: {  	v6 =	vand.u32 $0xF, v6  }
0x558: {  	v6 =	vshll.u32 v6, v3  }
0x559: {  	v8 =	vshll.u32 v39, $0xE;
	v7 =	vshll.u32 v7, $0x7;
	v6 =	vadd.s32 v2, v6  }
0x55a: {  	v7 =	vor.u32 v7, v8;
	v41 =	vand.u32 $0xFFFFFF80, v6  }
0x55b: {  	v6 =	vand.u32 $0x7F, v6;
	v7 =	vadd.s32 v41, v7  }
0x55c: {  	v6 =	vor.u32 v6, v7;
	_ =	sdelay $0x2  }
0x55d: {  	v42 =	vadd.s32 $0xDA, v5  }
0x55e: {  	v43 =	vshrl.u32 v42, v4  }
0x55f: {  	v44 =	vshll.u32 v43, $0x7;
	v7 =	vand.u32 $0x7F, v42;
	v6 =	vld.idx.msk [tilespmem:v6+s17+$0x0], $0xffff  }
0x560: {  	v9 =	vor.u32 v7, v44;
	_ =	sdelay $0x3  }
0x561: {  	[tilespmem:$0xB800] =	vst v6  }
0x562: {  	v6 =	vld.idx.msk [tilespmem:v9+s2+$0x0], $0xffff;
	_ =	sdelay $0x4  }
0x563: {  	v6 =	vand.u32 $0xF, v6  }
0x564: {  	v6 =	vshll.u32 v6, v3  }
0x565: {  	v8 =	vshll.u32 v43, $0xE;
	v7 =	vshll.u32 v7, $0x7;
	v6 =	vadd.s32 v2, v6  }
0x566: {  	v7 =	vor.u32 v7, v8;
	v45 =	vand.u32 $0xFFFFFF80, v6  }
0x567: {  	v6 =	vand.u32 $0x7F, v6;
	v7 =	vadd.s32 v45, v7  }
0x568: {  	v6 =	vor.u32 v6, v7;
	_ =	sdelay $0x2  }
0x569: {  	v46 =	vadd.s32 $0xDC, v5  }
0x56a: {  	v47 =	vshrl.u32 v46, v4  }
0x56b: {  	v48 =	vshll.u32 v47, $0x7;
	v7 =	vand.u32 $0x7F, v46;
	v6 =	vld.idx.msk [tilespmem:v6+s17+$0x0], $0xffff  }
0x56c: {  	v9 =	vor.u32 v7, v48;
	_ =	sdelay $0x3  }
0x56d: {  	[tilespmem:$0xB880] =	vst v6  }
0x56e: {  	v6 =	vld.idx.msk [tilespmem:v9+s2+$0x0], $0xffff;
	_ =	sdelay $0x4  }
0x56f: {  	v6 =	vand.u32 $0xF, v6  }
0x570: {  	v6 =	vshll.u32 v6, v3  }
0x571: {  	v8 =	vshll.u32 v47, $0xE;
	v7 =	vshll.u32 v7, $0x7;
	v6 =	vadd.s32 v2, v6  }
0x572: {  	v7 =	vor.u32 v7, v8;
	v49 =	vand.u32 $0xFFFFFF80, v6  }
0x573: {  	v6 =	vand.u32 $0x7F, v6;
	v7 =	vadd.s32 v49, v7  }
0x574: {  	v6 =	vor.u32 v6, v7;
	_ =	sdelay $0x2  }
0x575: {  	v50 =	vadd.s32 $0xDE, v5  }
0x576: {  	v51 =	vshrl.u32 v50, v4  }
0x577: {  	v52 =	vshll.u32 v51, $0x7;
	v7 =	vand.u32 $0x7F, v50;
	v6 =	vld.idx.msk [tilespmem:v6+s17+$0x0], $0xffff  }
0x578: {  	v9 =	vor.u32 v7, v52;
	_ =	sdelay $0x3  }
0x579: {  	[tilespmem:$0xB900] =	vst v6  }
0x57a: {  	v6 =	vld.idx.msk [tilespmem:v9+s2+$0x0], $0xffff;
	_ =	sdelay $0x4  }
0x57b: {  	v6 =	vand.u32 $0xF, v6  }
0x57c: {  	v6 =	vshll.u32 v6, v3  }
0x57d: {  	v8 =	vshll.u32 v51, $0xE;
	v7 =	vshll.u32 v7, $0x7;
	v6 =	vadd.s32 v2, v6  }
0x57e: {  	v7 =	vor.u32 v7, v8;
	v53 =	vand.u32 $0xFFFFFF80, v6  }
0x57f: {  	v6 =	vand.u32 $0x7F, v6;
	v7 =	vadd.s32 v53, v7  }
0x580: {  	v6 =	vor.u32 v6, v7;
	_ =	sdelay $0x2  }
0x581: {  	v54 =	vor.u32 $0xE0, v5  }
0x582: {  	v55 =	vshrl.u32 v54, v4  }
0x583: {  	v56 =	vshll.u32 v55, $0x7;
	v7 =	vand.u32 $0x6F, v54;
	v6 =	vld.idx.msk [tilespmem:v6+s17+$0x0], $0xffff  }
0x584: {  	v9 =	vor.u32 v7, v56;
	_ =	sdelay $0x3  }
0x585: {  	[tilespmem:$0xB980] =	vst v6  }
0x586: {  	v6 =	vld.idx.msk [tilespmem:v9+s2+$0x0], $0xffff;
	_ =	sdelay $0x4  }
0x587: {  	v6 =	vand.u32 $0xF, v6  }
0x588: {  	v6 =	vshll.u32 v6, v3  }
0x589: {  	v8 =	vshll.u32 v55, $0xE;
	v7 =	vshll.u32 v7, $0x7;
	v6 =	vadd.s32 v2, v6  }
0x58a: {  	v7 =	vor.u32 v7, v8;
	v57 =	vand.u32 $0xFFFFFF80, v6  }
0x58b: {  	v6 =	vand.u32 $0x7F, v6;
	v7 =	vadd.s32 v57, v7  }
0x58c: {  	v6 =	vor.u32 v6, v7;
	_ =	sdelay $0x2  }
0x58d: {  	v58 =	vadd.s32 $0xE2, v5  }
0x58e: {  	v59 =	vshrl.u32 v58, v4  }
0x58f: {  	v60 =	vshll.u32 v59, $0x7;
	v7 =	vand.u32 $0x7F, v58;
	v6 =	vld.idx.msk [tilespmem:v6+s17+$0x0], $0xffff  }
0x590: {  	v9 =	vor.u32 v7, v60;
	_ =	sdelay $0x3  }
0x591: {  	[tilespmem:$0xBA00] =	vst v6  }
0x592: {  	v6 =	vld.idx.msk [tilespmem:v9+s2+$0x0], $0xffff;
	_ =	sdelay $0x4  }
0x593: {  	v6 =	vand.u32 $0xF, v6  }
0x594: {  	v6 =	vshll.u32 v6, v3  }
0x595: {  	v8 =	vshll.u32 v59, $0xE;
	v7 =	vshll.u32 v7, $0x7;
	v6 =	vadd.s32 v2, v6  }
0x596: {  	v7 =	vor.u32 v7, v8;
	v61 =	vand.u32 $0xFFFFFF80, v6  }
0x597: {  	v6 =	vand.u32 $0x7F, v6;
	v7 =	vadd.s32 v61, v7  }
0x598: {  	v6 =	vor.u32 v6, v7;
	_ =	sdelay $0x2  }
0x599: {  	v62 =	vadd.s32 $0xE4, v5  }
0x59a: {  	v63 =	vshrl.u32 v62, v4  }
0x59b: {  	v12 =	vshll.u32 v63, $0x7;
	v7 =	vand.u32 $0x7F, v62;
	v6 =	vld.idx.msk [tilespmem:v6+s17+$0x0], $0xffff  }
0x59c: {  	v9 =	vor.u32 v7, v12;
	_ =	sdelay $0x3  }
0x59d: {  	[tilespmem:$0xBA80] =	vst v6  }
0x59e: {  	v6 =	vld.idx.msk [tilespmem:v9+s2+$0x0], $0xffff;
	_ =	sdelay $0x4  }
0x59f: {  	v6 =	vand.u32 $0xF, v6  }
0x5a0: {  	v6 =	vshll.u32 v6, v3  }
0x5a1: {  	v8 =	vshll.u32 v63, $0xE;
	v7 =	vshll.u32 v7, $0x7;
	v6 =	vadd.s32 v2, v6  }
0x5a2: {  	v7 =	vor.u32 v7, v8;
	v13 =	vand.u32 $0xFFFFFF80, v6  }
0x5a3: {  	v6 =	vand.u32 $0x7F, v6;
	v7 =	vadd.s32 v13, v7  }
0x5a4: {  	v6 =	vor.u32 v6, v7;
	_ =	sdelay $0x2  }
0x5a5: {  	v14 =	vadd.s32 $0xE6, v5  }
0x5a6: {  	v15 =	vshrl.u32 v14, v4  }
0x5a7: {  	v16 =	vshll.u32 v15, $0x7;
	v7 =	vand.u32 $0x7F, v14;
	v6 =	vld.idx.msk [tilespmem:v6+s17+$0x0], $0xffff  }
0x5a8: {  	v9 =	vor.u32 v7, v16;
	_ =	sdelay $0x3  }
0x5a9: {  	[tilespmem:$0xBB00] =	vst v6  }
0x5aa: {  	v6 =	vld.idx.msk [tilespmem:v9+s2+$0x0], $0xffff;
	_ =	sdelay $0x4  }
0x5ab: {  	v6 =	vand.u32 $0xF, v6  }
0x5ac: {  	v6 =	vshll.u32 v6, v3  }
0x5ad: {  	v8 =	vshll.u32 v15, $0xE;
	v7 =	vshll.u32 v7, $0x7;
	v6 =	vadd.s32 v2, v6  }
0x5ae: {  	v7 =	vor.u32 v7, v8;
	v17 =	vand.u32 $0xFFFFFF80, v6  }
0x5af: {  	v6 =	vand.u32 $0x7F, v6;
	v7 =	vadd.s32 v17, v7  }
0x5b0: {  	v6 =	vor.u32 v6, v7;
	_ =	sdelay $0x2  }
0x5b1: {  	v18 =	vadd.s32 $0xE8, v5  }
0x5b2: {  	v19 =	vshrl.u32 v18, v4  }
0x5b3: {  	v20 =	vshll.u32 v19, $0x7;
	v7 =	vand.u32 $0x7F, v18;
	v6 =	vld.idx.msk [tilespmem:v6+s17+$0x0], $0xffff  }
0x5b4: {  	v9 =	vor.u32 v7, v20;
	_ =	sdelay $0x3  }
0x5b5: {  	[tilespmem:$0xBB80] =	vst v6  }
0x5b6: {  	v6 =	vld.idx.msk [tilespmem:v9+s2+$0x0], $0xffff;
	_ =	sdelay $0x4  }
0x5b7: {  	v6 =	vand.u32 $0xF, v6  }
0x5b8: {  	v6 =	vshll.u32 v6, v3  }
0x5b9: {  	v8 =	vshll.u32 v19, $0xE;
	v7 =	vshll.u32 v7, $0x7;
	v6 =	vadd.s32 v2, v6  }
0x5ba: {  	v7 =	vor.u32 v7, v8;
	v21 =	vand.u32 $0xFFFFFF80, v6  }
0x5bb: {  	v6 =	vand.u32 $0x7F, v6;
	v7 =	vadd.s32 v21, v7  }
0x5bc: {  	v6 =	vor.u32 v6, v7;
	_ =	sdelay $0x2  }
0x5bd: {  	v22 =	vadd.s32 $0xEA, v5  }
0x5be: {  	v23 =	vshrl.u32 v22, v4  }
0x5bf: {  	v24 =	vshll.u32 v23, $0x7;
	v7 =	vand.u32 $0x7F, v22;
	v6 =	vld.idx.msk [tilespmem:v6+s17+$0x0], $0xffff  }
0x5c0: {  	v9 =	vor.u32 v7, v24;
	_ =	sdelay $0x3  }
0x5c1: {  	[tilespmem:$0xBC00] =	vst v6  }
0x5c2: {  	v6 =	vld.idx.msk [tilespmem:v9+s2+$0x0], $0xffff;
	_ =	sdelay $0x4  }
0x5c3: {  	v6 =	vand.u32 $0xF, v6  }
0x5c4: {  	v6 =	vshll.u32 v6, v3  }
0x5c5: {  	v8 =	vshll.u32 v23, $0xE;
	v7 =	vshll.u32 v7, $0x7;
	v6 =	vadd.s32 v2, v6  }
0x5c6: {  	v7 =	vor.u32 v7, v8;
	v25 =	vand.u32 $0xFFFFFF80, v6  }
0x5c7: {  	v6 =	vand.u32 $0x7F, v6;
	v7 =	vadd.s32 v25, v7  }
0x5c8: {  	v6 =	vor.u32 v6, v7;
	_ =	sdelay $0x2  }
0x5c9: {  	v26 =	vadd.s32 $0xEC, v5  }
0x5ca: {  	v27 =	vshrl.u32 v26, v4  }
0x5cb: {  	v28 =	vshll.u32 v27, $0x7;
	v7 =	vand.u32 $0x7F, v26;
	v6 =	vld.idx.msk [tilespmem:v6+s17+$0x0], $0xffff  }
0x5cc: {  	v9 =	vor.u32 v7, v28;
	_ =	sdelay $0x3  }
0x5cd: {  	[tilespmem:$0xBC80] =	vst v6  }
0x5ce: {  	v6 =	vld.idx.msk [tilespmem:v9+s2+$0x0], $0xffff;
	_ =	sdelay $0x4  }
0x5cf: {  	v6 =	vand.u32 $0xF, v6  }
0x5d0: {  	v6 =	vshll.u32 v6, v3  }
0x5d1: {  	v8 =	vshll.u32 v27, $0xE;
	v7 =	vshll.u32 v7, $0x7;
	v6 =	vadd.s32 v2, v6  }
0x5d2: {  	v7 =	vor.u32 v7, v8;
	v29 =	vand.u32 $0xFFFFFF80, v6  }
0x5d3: {  	v6 =	vand.u32 $0x7F, v6;
	v7 =	vadd.s32 v29, v7  }
0x5d4: {  	v6 =	vor.u32 v6, v7;
	_ =	sdelay $0x2  }
0x5d5: {  	v30 =	vadd.s32 $0xEE, v5  }
0x5d6: {  	v31 =	vshrl.u32 v30, v4  }
0x5d7: {  	v32 =	vshll.u32 v31, $0x7;
	v7 =	vand.u32 $0x7F, v30;
	v6 =	vld.idx.msk [tilespmem:v6+s17+$0x0], $0xffff  }
0x5d8: {  	v9 =	vor.u32 v7, v32;
	_ =	sdelay $0x3  }
0x5d9: {  	[tilespmem:$0xBD00] =	vst v6  }
0x5da: {  	v6 =	vld.idx.msk [tilespmem:v9+s2+$0x0], $0xffff;
	_ =	sdelay $0x4  }
0x5db: {  	v6 =	vand.u32 $0xF, v6  }
0x5dc: {  	v6 =	vshll.u32 v6, v3  }
0x5dd: {  	v8 =	vshll.u32 v31, $0xE;
	v7 =	vshll.u32 v7, $0x7;
	v6 =	vadd.s32 v2, v6  }
0x5de: {  	v7 =	vor.u32 v7, v8;
	v33 =	vand.u32 $0xFFFFFF80, v6  }
0x5df: {  	v6 =	vand.u32 $0x7F, v6;
	v7 =	vadd.s32 v33, v7  }
0x5e0: {  	v6 =	vor.u32 v6, v7;
	_ =	sdelay $0x2  }
0x5e1: {  	v34 =	vor.u32 $0xF0, v5  }
0x5e2: {  	v35 =	vshrl.u32 v34, v4  }
0x5e3: {  	v36 =	vshll.u32 v35, $0x7;
	v7 =	vand.u32 $0x7F, v34;
	v6 =	vld.idx.msk [tilespmem:v6+s17+$0x0], $0xffff  }
0x5e4: {  	v9 =	vor.u32 v7, v36;
	_ =	sdelay $0x3  }
0x5e5: {  	[tilespmem:$0xBD80] =	vst v6  }
0x5e6: {  	v6 =	vld.idx.msk [tilespmem:v9+s2+$0x0], $0xffff;
	_ =	sdelay $0x4  }
0x5e7: {  	v6 =	vand.u32 $0xF, v6  }
0x5e8: {  	v6 =	vshll.u32 v6, v3  }
0x5e9: {  	v8 =	vshll.u32 v35, $0xE;
	v7 =	vshll.u32 v7, $0x7;
	v6 =	vadd.s32 v2, v6  }
0x5ea: {  	v7 =	vor.u32 v7, v8;
	v37 =	vand.u32 $0xFFFFFF80, v6  }
0x5eb: {  	v6 =	vand.u32 $0x7F, v6;
	v7 =	vadd.s32 v37, v7  }
0x5ec: {  	v6 =	vor.u32 v6, v7;
	_ =	sdelay $0x2  }
0x5ed: {  	v38 =	vadd.s32 $0xF2, v5  }
0x5ee: {  	v39 =	vshrl.u32 v38, v4  }
0x5ef: {  	v40 =	vshll.u32 v39, $0x7;
	v7 =	vand.u32 $0x7F, v38;
	v6 =	vld.idx.msk [tilespmem:v6+s17+$0x0], $0xffff  }
0x5f0: {  	v9 =	vor.u32 v7, v40;
	_ =	sdelay $0x3  }
0x5f1: {  	[tilespmem:$0xBE00] =	vst v6  }
0x5f2: {  	v6 =	vld.idx.msk [tilespmem:v9+s2+$0x0], $0xffff;
	_ =	sdelay $0x4  }
0x5f3: {  	v6 =	vand.u32 $0xF, v6  }
0x5f4: {  	v6 =	vshll.u32 v6, v3  }
0x5f5: {  	v8 =	vshll.u32 v39, $0xE;
	v7 =	vshll.u32 v7, $0x7;
	v6 =	vadd.s32 v2, v6  }
0x5f6: {  	v7 =	vor.u32 v7, v8;
	v41 =	vand.u32 $0xFFFFFF80, v6  }
0x5f7: {  	v6 =	vand.u32 $0x7F, v6;
	v7 =	vadd.s32 v41, v7  }
0x5f8: {  	v6 =	vor.u32 v6, v7;
	_ =	sdelay $0x2  }
0x5f9: {  	v42 =	vadd.s32 $0xF4, v5  }
0x5fa: {  	v43 =	vshrl.u32 v42, v4  }
0x5fb: {  	v44 =	vshll.u32 v43, $0x7;
	v7 =	vand.u32 $0x7F, v42;
	v6 =	vld.idx.msk [tilespmem:v6+s17+$0x0], $0xffff  }
0x5fc: {  	v9 =	vor.u32 v7, v44;
	_ =	sdelay $0x3  }
0x5fd: {  	[tilespmem:$0xBE80] =	vst v6  }
0x5fe: {  	v6 =	vld.idx.msk [tilespmem:v9+s2+$0x0], $0xffff;
	_ =	sdelay $0x4  }
0x5ff: {  	v6 =	vand.u32 $0xF, v6  }
0x600: {  	v6 =	vshll.u32 v6, v3  }
0x601: {  	v8 =	vshll.u32 v43, $0xE;
	v7 =	vshll.u32 v7, $0x7;
	v6 =	vadd.s32 v2, v6  }
0x602: {  	v7 =	vor.u32 v7, v8;
	v45 =	vand.u32 $0xFFFFFF80, v6  }
0x603: {  	v6 =	vand.u32 $0x7F, v6;
	v7 =	vadd.s32 v45, v7  }
0x604: {  	v6 =	vor.u32 v6, v7;
	_ =	sdelay $0x2  }
0x605: {  	v46 =	vadd.s32 $0xF6, v5  }
0x606: {  	v47 =	vshrl.u32 v46, v4  }
0x607: {  	v48 =	vshll.u32 v47, $0x7;
	v7 =	vand.u32 $0x7F, v46;
	v6 =	vld.idx.msk [tilespmem:v6+s17+$0x0], $0xffff  }
0x608: {  	v9 =	vor.u32 v7, v48;
	_ =	sdelay $0x3  }
0x609: {  	[tilespmem:$0xBF00] =	vst v6  }
0x60a: {  	v6 =	vld.idx.msk [tilespmem:v9+s2+$0x0], $0xffff;
	_ =	sdelay $0x4  }
0x60b: {  	v6 =	vand.u32 $0xF, v6  }
0x60c: {  	v6 =	vshll.u32 v6, v3  }
0x60d: {  	v8 =	vshll.u32 v47, $0xE;
	v7 =	vshll.u32 v7, $0x7;
	v6 =	vadd.s32 v2, v6  }
0x60e: {  	v7 =	vor.u32 v7, v8;
	v49 =	vand.u32 $0xFFFFFF80, v6  }
0x60f: {  	v6 =	vand.u32 $0x7F, v6;
	v7 =	vadd.s32 v49, v7  }
0x610: {  	v6 =	vor.u32 v6, v7;
	_ =	sdelay $0x2  }
0x611: {  	v50 =	vadd.s32 $0xF8, v5  }
0x612: {  	v51 =	vshrl.u32 v50, v4  }
0x613: {  	v52 =	vshll.u32 v51, $0x7;
	v7 =	vand.u32 $0x7F, v50;
	v6 =	vld.idx.msk [tilespmem:v6+s17+$0x0], $0xffff  }
0x614: {  	v9 =	vor.u32 v7, v52;
	_ =	sdelay $0x3  }
0x615: {  	[tilespmem:$0xBF80] =	vst v6  }
0x616: {  	v6 =	vld.idx.msk [tilespmem:v9+s2+$0x0], $0xffff;
	_ =	sdelay $0x4  }
0x617: {  	v6 =	vand.u32 $0xF, v6  }
0x618: {  	v6 =	vshll.u32 v6, v3  }
0x619: {  	v8 =	vshll.u32 v51, $0xE;
	v7 =	vshll.u32 v7, $0x7;
	v6 =	vadd.s32 v2, v6  }
0x61a: {  	v7 =	vor.u32 v7, v8;
	v53 =	vand.u32 $0xFFFFFF80, v6  }
0x61b: {  	v6 =	vand.u32 $0x7F, v6;
	v7 =	vadd.s32 v53, v7  }
0x61c: {  	v6 =	vor.u32 v6, v7;
	_ =	sdelay $0x2  }
0x61d: {  	v54 =	vadd.s32 $0xFA, v5  }
0x61e: {  	v55 =	vshrl.u32 v54, v4  }
0x61f: {  	v56 =	vshll.u32 v55, $0x7;
	v7 =	vand.u32 $0x7F, v54;
	v6 =	vld.idx.msk [tilespmem:v6+s17+$0x0], $0xffff  }
0x620: {  	v9 =	vor.u32 v7, v56;
	_ =	sdelay $0x3  }
0x621: {  	[tilespmem:$0xC000] =	vst v6  }
0x622: {  	v6 =	vld.idx.msk [tilespmem:v9+s2+$0x0], $0xffff;
	_ =	sdelay $0x4  }
0x623: {  	v6 =	vand.u32 $0xF, v6  }
0x624: {  	v6 =	vshll.u32 v6, v3  }
0x625: {  	v8 =	vshll.u32 v55, $0xE;
	v7 =	vshll.u32 v7, $0x7;
	v6 =	vadd.s32 v2, v6  }
0x626: {  	v7 =	vor.u32 v7, v8;
	v57 =	vand.u32 $0xFFFFFF80, v6  }
0x627: {  	v6 =	vand.u32 $0x7F, v6;
	v7 =	vadd.s32 v57, v7  }
0x628: {  	v6 =	vor.u32 v6, v7;
	_ =	sdelay $0x2  }
0x629: {  	v58 =	vadd.s32 $0xFC, v5  }
0x62a: {  	v59 =	vshrl.u32 v58, v4  }
0x62b: {  	v60 =	vshll.u32 v59, $0x7;
	v7 =	vand.u32 $0x7F, v58;
	v6 =	vld.idx.msk [tilespmem:v6+s17+$0x0], $0xffff  }
0x62c: {  	v9 =	vor.u32 v7, v60;
	_ =	sdelay $0x3  }
0x62d: {  	[tilespmem:$0xC080] =	vst v6  }
0x62e: {  	v6 =	vld.idx.msk [tilespmem:v9+s2+$0x0], $0xffff;
	_ =	sdelay $0x4  }
0x62f: {  	v6 =	vand.u32 $0xF, v6  }
0x630: {  	v6 =	vshll.u32 v6, v3  }
0x631: {  	v8 =	vshll.u32 v59, $0xE;
	v7 =	vshll.u32 v7, $0x7;
	v6 =	vadd.s32 v2, v6  }
0x632: {  	v7 =	vor.u32 v7, v8;
	v61 =	vand.u32 $0xFFFFFF80, v6  }
0x633: {  	v6 =	vand.u32 $0x7F, v6;
	v7 =	vadd.s32 v61, v7  }
0x634: {  	v6 =	vor.u32 v6, v7;
	_ =	sdelay $0x2  }
0x635: {  	v5 =	vadd.s32 $0xFE, v5  }
0x636: {  	v4 =	vshrl.u32 v5, v4  }
0x637: {  	v5 =	vand.u32 $0x7F, v5;
	v62 =	vshll.u32 v4, $0x7;
	v6 =	vld.idx.msk [tilespmem:v6+s17+$0x0], $0xffff  }
0x638: {  	v7 =	vor.u32 v5, v62;
	_ =	sdelay $0x3  }
0x639: {  	[tilespmem:$0xC100] =	vst v6  }
0x63a: {  	v6 =	vld.idx.msk [tilespmem:v7+s2+$0x0], $0xffff;
	_ =	sdelay $0x4  }
0x63b: {  	v6 =	vand.u32 $0xF, v6  }
0x63c: {  	v3 =	vshll.u32 v6, v3  }
0x63d: {  	v4 =	vshll.u32 v4, $0xE;
	v5 =	vshll.u32 v5, $0x7;
	v3 =	vadd.s32 v2, v3  }
0x63e: {  	v4 =	vor.u32 v5, v4;
	v63 =	vand.u32 $0xFFFFFF80, v3  }
0x63f: {  	v3 =	vand.u32 $0x7F, v3;
	v4 =	vadd.s32 v63, v4  }
0x640: {  	v3 =	vor.u32 v3, v4;
	_ =	sdelay $0x4  }
0x641: {  	v3 =	vld.idx.msk [tilespmem:v3+s17+$0x0], $0xffff;
	_ =	sdelay $0x3  }
0x642: {  	p0 =	sne.s32 s10, $0x1  }
.Ltmp0:
0x643: {  	[tilespmem:$0xC180] =	vst v3;
	(pc) =	sbr.rel @p0 .LBB2_1-.Ltmp0, $4  }
0x644: {  	[hbm4b:s9+s2] =	stream.linear.scatter [tilespmem:s20], [sflag:$0x2], $0x4000, $0x38;
	[tilespmem:$0xC380] =	vst v63  }
0x645: {  	_ =	swait.ge [sflag:s14], $0x4000  }
0x646: {  	[sflag:s14] =	ssyncset.done $0x0  }
0x647: {  	s10 =	sadd.s32 $0xFFFFFFFF, s10;
	[sflag:s14] =	ssyncadd.s32 $0xFFFFC000  }
0x648: {  	_ =	sfence.sel $0x180000  }
0x649: {  	[bflag:$0x0] =	sbarrier.arrive $0xFFFF  }
0x64a: {  	p0 =	sne.s32 s1, $0x0;
	_ =	strace $0x90000047  }
0x64b: {  	s0 =	sadd.s32 @!p0 $0x100000, s0;
	[bflag:$0x2] =	sbarrier.arrive $0xFFFF  }
0x64c: {  	[sflag:s0] =	ssyncadd.tile.s32 @!p0 $0x1;
	_ =	shalt  }
.Lfunc_end2:
_tile_overlayer_lowered:
.L_overlay_start_2:
0x64d: {  	(tag) =	ssettag $0x2  }
0x64e: {  	s0 =	rddreg [dreg:$0x0];
	s2 =	stileid.u32  }
0x64f: {  	s1 =	rddreg [dreg:$0x1];
	p0 =	sne.s32 s2, $0x0  }
0x650: {  	s3 =	rddreg [dreg:$0x2];
	[bflag:$0x3] =	sbarrier.arrive $0xFFFF;
	s2 =	simm.s32 @!p0 $0x1C02  }
0x651: {  	[timem:s3], [sflag:s2] =	dma.local @!p0 [hbm:s0], s1  }
0x652: {  	s0 =	simm.s32 @!p0 $0x2  }
0x653: {  	_ =	swait.ge @!p0 [sflag:s0], s1  }
0x654: {  	s1 =	ssub.s32 @!p0 $0x0, s1;
	[sflag:s0] =	ssyncset.done @!p0 $0x0  }
0x655: {  	[sflag:s0] =	ssyncadd.s32 @!p0 s1  }
0x656: {  	[bflag:$0x3] =	sbarrier.arrive $0xFFFF  }
0x657: {  	_ =	shalt  }

</sc_bundles>
